<compile_context>
chip_gen: v7x
topology: tpu7x:2x2x1
jax: 0.10.2.dev20260603
libtpu: 0.0.44.dev20260713+nightly
codegen_flags: <defaults>
</compile_context>

<pallas_src>
import functools

import jax
import jax.numpy as jnp
from jax import lax
from jax.experimental import pallas as pl
from jax.experimental.pallas import tpu as pltpu
from jax.experimental.pallas import tpu_sc as plsc

_NC = 2
_NS = 16
_L = 16
_NW = _NC * _NS

_CHUNK = 80
_K = 5
_DEG_W = 16


def _sc_aggregate(xh_split, src, dst, n_pad):
    e_total = src.shape[0]
    w = xh_split.shape[2]
    assert e_total % (_NS * _CHUNK * _K) == 0
    e_per_t = e_total // _NS
    n_groups = e_per_t // (_CHUNK * _K)
    rows_per_tile = n_pad // _NS

    mesh = plsc.VectorSubcoreMesh(
        core_axis_name="c", subcore_axis_name="s",
        num_cores=_NC, num_subcores=_NS)

    @functools.partial(
        pl.kernel,
        out_type=(
            jax.ShapeDtypeStruct((_NC, n_pad, w), jnp.float32),
            jax.ShapeDtypeStruct((_NC, n_pad // _L, _L), jnp.float32),
        ),
        mesh=mesh,
        scratch_types=[
            pltpu.VMEM((2, _K, _CHUNK), jnp.int32),
            pltpu.VMEM((2, _K, _CHUNK), jnp.int32),
            pltpu.VMEM((2, _K, _CHUNK, w), jnp.float32),
            pltpu.VMEM((_L, w), jnp.float32),
            pltpu.VMEM((n_pad // _L, _L), jnp.float32),
            pltpu.VMEM((n_pad // _L,), jnp.int32),
            pltpu.VMEM_SHARED((n_pad, w), jnp.float32),
            pltpu.VMEM_SHARED((n_pad // _L, _L), jnp.float32),
            pltpu.SemaphoreType.DMA,
            pltpu.SemaphoreType.DMA,
            pltpu.SemaphoreType.DMA,
            pltpu.SemaphoreType.DMA,
            pltpu.SemaphoreType.DMA,
            pltpu.SemaphoreType.DMA,
            pltpu.SemaphoreType.DMA,
            pltpu.SemaphoreType.DMA,
        ],
        compiler_params=pltpu.CompilerParams(
            use_tc_tiling_on_sc=False, needs_layout_passes=False),
    )
    def agg_kernel(xh_hbm, src_hbm, dst_hbm, acc_out, deg_out,
                   srcv, dstv, rows, zrow, ldeg, idv, acc_sh, deg_sh,
                   sem_is0, sem_is1, sem_id0, sem_id1,
                   sem_g0, sem_g1, sem_s0, sem_s1):
        cid = lax.axis_index("c")
        sid = lax.axis_index("s")
        sem_is = (sem_is0, sem_is1)
        sem_id = (sem_id0, sem_id1)
        sem_g = (sem_g0, sem_g1)
        sem_s = (sem_s0, sem_s1)

        for i in range(_L):
            for k in range(w // _L):
                zrow[i, pl.ds(k * _L, _L)] = jnp.zeros((_L,), jnp.float32)
        deg_rows = n_pad // _L

        @pl.loop(0, deg_rows)
        def _(r):
            ldeg[r, pl.ds(0, _L)] = jnp.zeros((_L,), jnp.float32)

        @pl.loop(0, deg_rows, step=_L)
        def _(r):
            idv[pl.ds(r, _L)] = lax.iota(jnp.int32, _L) + r

        zbase = sid * rows_per_tile

        @pl.loop(0, rows_per_tile, step=_L)
        def _(r):
            pltpu.async_copy(zrow, acc_sh.at[pl.ds(zbase + r, _L)],
                             sem_g0)
        dpt = deg_rows // _NS
        pltpu.sync_copy(ldeg.at[pl.ds(0, dpt)],
                        deg_sh.at[pl.ds(sid * dpt, dpt)])
        for _z in range(rows_per_tile // _L):
            pltpu.make_async_copy(zrow, acc_sh.at[pl.ds(zbase, _L)],
                                  sem_g0).wait()

        plsc.subcore_barrier()

        ebase = sid * e_per_t

        def issue_src_idx(g, p):
            for b in range(_K):
                off = pl.multiple_of(ebase + (g * _K + b) * _CHUNK, 8)
                pltpu.async_copy(src_hbm.at[pl.ds(off, _CHUNK)],
                                 srcv.at[p, b], sem_is[p])

        def issue_dst_idx(g, p):
            for b in range(_K):
                off = pl.multiple_of(ebase + (g * _K + b) * _CHUNK, 8)
                pltpu.async_copy(dst_hbm.at[pl.ds(off, _CHUNK)],
                                 dstv.at[p, b], sem_id[p])

        def drain_src_idx(p):
            for b in range(_K):
                pltpu.make_async_copy(src_hbm.at[pl.ds(ebase, _CHUNK)],
                                      srcv.at[p, b], sem_is[p]).wait()

        def drain_dst_idx(p):
            for b in range(_K):
                pltpu.make_async_copy(dst_hbm.at[pl.ds(ebase, _CHUNK)],
                                      dstv.at[p, b], sem_id[p]).wait()

        def drain_scatters(p):
            for b in range(_K):
                pltpu.make_async_copy(rows.at[p, b],
                                      acc_sh.at[dstv.at[p, b]],
                                      sem_s[p]).wait()

        issue_src_idx(0, 0)
        issue_src_idx(1, 1)

        @pl.loop(0, n_groups, step=2)
        def _(g):
            for p in range(2):
                @pl.when(g >= 2)
                def _():
                    drain_scatters(p)
                issue_dst_idx(g + p, p)
                drain_src_idx(p)
                gathers = [
                    pltpu.async_copy(xh_hbm.at[cid].at[srcv.at[p, b]],
                                     rows.at[p, b], sem_g[p])
                    for b in range(_K)
                ]

                for d in gathers:
                    d.wait()

                @pl.when(g + p + 2 < n_groups)
                def _():
                    issue_src_idx(g + p + 2, p)
                drain_dst_idx(p)
                for b in range(_K):
                    pltpu.async_copy(rows.at[p, b],
                                     acc_sh.at[dstv.at[p, b]],
                                     sem_s[p], add=True)
                vone = jnp.ones((_L,), jnp.float32)
                for b in range(_K):
                    for k in range(_CHUNK // _L):
                        v = dstv[p, b, pl.ds(k * _L, _L)]
                        plsc.addupdate_scatter(
                            ldeg,
                            [lax.shift_right_logical(v, 4),
                             lax.bitwise_and(v, 15)],
                            vone)

        drain_scatters(0)
        drain_scatters(1)

        pltpu.sync_copy(ldeg, deg_sh.at[idv], add=True)

        plsc.subcore_barrier()

        pltpu.sync_copy(acc_sh.at[pl.ds(zbase, rows_per_tile)],
                        acc_out.at[cid, pl.ds(zbase, rows_per_tile)])
        pltpu.sync_copy(deg_sh.at[pl.ds(sid * dpt, dpt)],
                        deg_out.at[cid, pl.ds(sid * dpt, dpt)])

    return agg_kernel(xh_split, src, dst)


def _tc_dense(acc, deg, x, h_0, c_0, w_full, bias, lin_w, lin_b,
              d_in, d_out, periods, blk):
    n = x.shape[0]
    assert n % blk == 0
    wx = d_in + d_out

    w2 = wx // 2

    def body(acc_ref, deg_ref, x_ref, h_ref, c_ref, wf_ref, b_ref,
             lw_ref, lb_ref, h_out, hh_out, cc_out):
        agg = jnp.concatenate([acc_ref[0], acc_ref[1]], axis=1)
        degc = deg_ref[...]
        scale = 1.0 / jnp.maximum(degc, 1.0)
        aggx = agg[:, :d_in] * scale
        aggh = agg[:, d_in:wx] * scale
        z = jnp.dot(aggx, wf_ref[0:d_in, :],
                    preferred_element_type=jnp.float32)
        z += jnp.dot(x_ref[...], wf_ref[d_in:2 * d_in, :],
                     preferred_element_type=jnp.float32)
        z += jnp.dot(aggh, wf_ref[2 * d_in:2 * d_in + d_out, :],
                     preferred_element_type=jnp.float32)
        z += jnp.dot(h_ref[...], wf_ref[2 * d_in + d_out:, :],
                     preferred_element_type=jnp.float32)
        z += b_ref[...]
        ig = jax.nn.sigmoid(z[:, 0:d_out])
        fg = jax.nn.sigmoid(z[:, d_out:2 * d_out])
        tg = jnp.tanh(z[:, 2 * d_out:3 * d_out])
        og = jax.nn.sigmoid(z[:, 3 * d_out:4 * d_out])
        cc = fg * c_ref[...] + ig * tg
        hh = og * jnp.tanh(cc)
        hr = jnp.maximum(hh, 0.0)
        h_out[...] = jnp.dot(hr, lw_ref[...],
                             preferred_element_type=jnp.float32) + lb_ref[...]
        hh_out[...] = hh
        cc_out[...] = cc

    grid = (n // blk,)
    k_total = 2 * d_in + 2 * d_out
    return pl.pallas_call(
        body,
        grid=grid,
        in_specs=[
            pl.BlockSpec((_NC, blk, w2), lambda i: (0, i, 0)),
            pl.BlockSpec((blk, 1), lambda i: (i, 0)),
            pl.BlockSpec((blk, d_in), lambda i: (i, 0)),
            pl.BlockSpec((blk, d_out), lambda i: (i, 0)),
            pl.BlockSpec((blk, d_out), lambda i: (i, 0)),
            pl.BlockSpec((k_total, 4 * d_out), lambda i: (0, 0)),
            pl.BlockSpec((1, 4 * d_out), lambda i: (0, 0)),
            pl.BlockSpec((d_out, periods), lambda i: (0, 0)),
            pl.BlockSpec((1, periods), lambda i: (0, 0)),
        ],
        out_specs=[
            pl.BlockSpec((blk, periods), lambda i: (i, 0)),
            pl.BlockSpec((blk, d_out), lambda i: (i, 0)),
            pl.BlockSpec((blk, d_out), lambda i: (i, 0)),
        ],
        out_shape=[
            jax.ShapeDtypeStruct((n, periods), jnp.float32),
            jax.ShapeDtypeStruct((n, d_out), jnp.float32),
            jax.ShapeDtypeStruct((n, d_out), jnp.float32),
        ],
    )(acc, deg, x, h_0, c_0, w_full, bias, lin_w, lin_b)


def kernel(x, edge_index, edge_weight, h_0, c_0, params):
    del edge_weight
    n, d_in = x.shape
    d_out = h_0.shape[1]
    periods = params["lin_W"].shape[1]

    n_pad = ((n + _NS * _L - 1) // (_NS * _L)) * (_NS * _L)

    xh = jnp.concatenate([x, h_0], axis=1)
    w2 = xh.shape[1] // 2
    xh_split = jnp.stack([xh[:, :w2], xh[:, w2:]], axis=0)
    src = edge_index[0]
    dst = edge_index[1]

    acc, deg = _sc_aggregate(xh_split, src, dst, n_pad)
    deg_col = deg[0].reshape(n_pad, 1)

    wxg = jnp.concatenate([params["x_%s_W" % g] for g in "ifco"], axis=1)
    rxg = jnp.concatenate([params["x_%s_root" % g] for g in "ifco"], axis=1)
    whg = jnp.concatenate([params["h_%s_W" % g] for g in "ifco"], axis=1)
    rhg = jnp.concatenate([params["h_%s_root" % g] for g in "ifco"], axis=1)
    w_full = jnp.concatenate([wxg, rxg, whg, rhg], axis=0)
    bias = jnp.concatenate(
        [params["x_%s_bias" % g] + params["h_%s_bias" % g] for g in "ifco"]
    ).reshape(1, 4 * d_out)
    lin_b = params["lin_b"].reshape(1, periods)

    h, hh, cc = _tc_dense(acc, deg_col, x, h_0, c_0, w_full, bias,
                          params["lin_W"], lin_b, d_in, d_out, periods,
                          blk=2000)
    return (h, hh, cc)

# --- scband reference (transcript-rebuilt; emitter-appended) ---
"""Pipeline reference for scband-run-lrgcn-50268297233070 (READ-ONLY COPY).

The authoritative reference and input builder live on the scoring server;
editing this copy changes nothing except your own understanding.
"""

import jax, jax.numpy as jnp
import numpy as np

N = 10000
E = 320000
D_IN = 128
D_OUT = 32
PERIODS = 12

def _init(key, shape, scale=0.05):
    return jax.random.normal(key, shape, dtype=jnp.float32) * scale

def setup_inputs(seed: int = 0):
    key = jax.random.key(seed)
    ks = jax.random.split(key, 64)
    inp = {}
    inp["x"] = jax.random.normal(ks[0], (N, D_IN), dtype=jnp.float32)
    inp["edge_index"] = jax.random.randint(ks[1], (2, E), 0, N, dtype=jnp.int32)
    inp["edge_weight"] = jnp.zeros((E,), dtype=jnp.int32)  # edge_type; num_relations=1 so all zero
    inp["h_0"] = jax.random.normal(ks[2], (N, D_OUT), dtype=jnp.float32)
    inp["c_0"] = jax.random.normal(ks[3], (N, D_OUT), dtype=jnp.float32)
    params = {}
    ki = 4
    for g in ["i", "f", "c", "o"]:
        params["x_%s_W" % g] = _init(ks[ki], (D_IN, D_OUT)); ki += 1
        params["x_%s_root" % g] = _init(ks[ki], (D_IN, D_OUT)); ki += 1
        params["x_%s_bias" % g] = jnp.zeros((D_OUT,), dtype=jnp.float32)
        params["h_%s_W" % g] = _init(ks[ki], (D_OUT, D_OUT)); ki += 1
        params["h_%s_root" % g] = _init(ks[ki], (D_OUT, D_OUT)); ki += 1
        params["h_%s_bias" % g] = jnp.zeros((D_OUT,), dtype=jnp.float32)
    params["lin_W"] = _init(ks[ki], (D_OUT, PERIODS)); ki += 1
    params["lin_b"] = jnp.zeros((PERIODS,), dtype=jnp.float32)
    inp["params"] = params
    return inp

def _rgcn(x, edge_index, W, root, bias):
    # RGCNConv with num_relations=1, num_bases=1: mean-aggregate neighbors, project, add root + bias
    src = edge_index[0]
    dst = edge_index[1]
    msg = jnp.take(x, src, axis=0)
    agg = jax.ops.segment_sum(msg, dst, num_segments=N)
    deg = jax.ops.segment_sum(jnp.ones((edge_index.shape[1],), x.dtype), dst, num_segments=N)
    agg = agg / jnp.clip(deg, 1.0, None)[:, None]
    return agg @ W + x @ root + bias

def _lrgcn_forward(x, edge_index, h_0, c_0, p):
    Ig = jax.nn.sigmoid(_rgcn(x, edge_index, p["x_i_W"], p["x_i_root"], p["x_i_bias"]) + _rgcn(h_0, edge_index, p["h_i_W"], p["h_i_root"], p["h_i_bias"]))
    Fg = jax.nn.sigmoid(_rgcn(x, edge_index, p["x_f_W"], p["x_f_root"], p["x_f_bias"]) + _rgcn(h_0, edge_index, p["h_f_W"], p["h_f_root"], p["h_f_bias"]))
    Tg = jnp.tanh(_rgcn(x, edge_index, p["x_c_W"], p["x_c_root"], p["x_c_bias"]) + _rgcn(h_0, edge_index, p["h_c_W"], p["h_c_root"], p["h_c_bias"]))
    C = Fg * c_0 + Ig * Tg
    Og = jax.nn.sigmoid(_rgcn(x, edge_index, p["x_o_W"], p["x_o_root"], p["x_o_bias"]) + _rgcn(h_0, edge_index, p["h_o_W"], p["h_o_root"], p["h_o_bias"]))
    H = Og * jnp.tanh(C)
    h = jax.nn.relu(H)
    h = h @ p["lin_W"] + p["lin_b"]
    return (h, H, C)

def reference(x, edge_index, edge_weight, h_0, c_0, params):
    # edge_weight is consumed as edge_type by LRGCN; with num_relations=1 all edges
    # belong to relation 0, so the single relation processes the full edge set.
    return _lrgcn_forward(x, edge_index, h_0, c_0, params)

if __name__ == "__main__":
    import jax
    _d = setup_inputs()
    print(jax.jit(kernel)(*tuple(_d.values())))

</pallas_src>

<mosaic_0001>
#map = affine_map<(d0, d1) -> (0, 0, 0)>
#map1 = affine_map<(d0, d1) -> (0)>
module attributes {stable_mosaic.version = 14 : i64} {
  func.func @agg_kernel(%arg0: i32, %arg1: i32, %arg2: memref<2x10000x80xf32, #tpu.memory_space<hbm>>, %arg3: memref<320000xi32, #tpu.memory_space<hbm>>, %arg4: memref<320000xi32, #tpu.memory_space<hbm>>, %arg5: memref<2x10240x80xf32, #tpu.memory_space<hbm>>, %arg6: memref<2x640x16xf32, #tpu.memory_space<hbm>>, %arg7: memref<2x5x80xi32, #tpu.memory_space<vmem>>, %arg8: memref<2x5x80xi32, #tpu.memory_space<vmem>>, %arg9: memref<2x5x80x80xf32, #tpu.memory_space<vmem>>, %arg10: memref<16x80xf32, #tpu.memory_space<vmem>>, %arg11: memref<640x16xf32, #tpu.memory_space<vmem>>, %arg12: memref<640xi32, #tpu.memory_space<vmem>>, %arg13: memref<10240x80xf32, #tpu.memory_space<vmem_shared>>, %arg14: memref<640x16xf32, #tpu.memory_space<vmem_shared>>, %arg15: memref<!tpu.dma_semaphore, #tpu.memory_space<semaphore_mem>>, %arg16: memref<!tpu.dma_semaphore, #tpu.memory_space<semaphore_mem>>, %arg17: memref<!tpu.dma_semaphore, #tpu.memory_space<semaphore_mem>>, %arg18: memref<!tpu.dma_semaphore, #tpu.memory_space<semaphore_mem>>, %arg19: memref<!tpu.dma_semaphore, #tpu.memory_space<semaphore_mem>>, %arg20: memref<!tpu.dma_semaphore, #tpu.memory_space<semaphore_mem>>, %arg21: memref<!tpu.dma_semaphore, #tpu.memory_space<semaphore_mem>>, %arg22: memref<!tpu.dma_semaphore, #tpu.memory_space<semaphore_mem>>) attributes {dimension_semantics = [#tpu.dimension_semantics<core_parallel>, #tpu.dimension_semantics<subcore_parallel>], iteration_bounds = array<i64: 2, 16>, scalar_prefetch = 0 : i64, scratch_operands = 16 : i64, tpu.core_type = #tpu.core_type<sc_vector_subcore>, window_params = [{transform_indices = #map}, {transform_indices = #map1}, {transform_indices = #map1}, {transform_indices = #map}, {transform_indices = #map}]} {
    %broadcast_in_dim3A = arith.constant 0.000000e+00 : f32
    %broadcast_in_dim3A_0 = vector.broadcast %broadcast_in_dim3A : f32 to vector<16xf32>
    %swap3A = arith.constant 0 : i32
    %swap3A_1 = arith.index_cast %swap3A : i32 to index
    %swap3A_2 = arith.constant 0 : index
    %swap3A_3 = tpu.vector_load %arg10[%swap3A_1, %swap3A_2] {strides = array<i32>} : memref<16x80xf32, #tpu.memory_space<vmem>>, vector<16xf32>,
    tpu.vector_store %arg10[%swap3A_1, %swap3A_2], %broadcast_in_dim3A_0 {strides = array<i32>} : memref<16x80xf32, #tpu.memory_space<vmem>>, vector<16xf32>,
    %broadcast_in_dim3A_4 = arith.constant 0.000000e+00 : f32
    %broadcast_in_dim3A_5 = vector.broadcast %broadcast_in_dim3A_4 : f32 to vector<16xf32>
    %swap3A_6 = arith.constant 0 : i32
    %swap3A_7 = arith.index_cast %swap3A_6 : i32 to index
    %swap3A_8 = arith.constant 16 : index
    %swap3A_9 = tpu.vector_load %arg10[%swap3A_7, %swap3A_8] {strides = array<i32>} : memref<16x80xf32, #tpu.memory_space<vmem>>, vector<16xf32>,
    tpu.vector_store %arg10[%swap3A_7, %swap3A_8], %broadcast_in_dim3A_5 {strides = array<i32>} : memref<16x80xf32, #tpu.memory_space<vmem>>, vector<16xf32>,
    %broadcast_in_dim3A_10 = arith.constant 0.000000e+00 : f32
    %broadcast_in_dim3A_11 = vector.broadcast %broadcast_in_dim3A_10 : f32 to vector<16xf32>
    %swap3A_12 = arith.constant 0 : i32
    %swap3A_13 = arith.index_cast %swap3A_12 : i32 to index
    %swap3A_14 = arith.constant 32 : index
    %swap3A_15 = tpu.vector_load %arg10[%swap3A_13, %swap3A_14] {strides = array<i32>} : memref<16x80xf32, #tpu.memory_space<vmem>>, vector<16xf32>,
    tpu.vector_store %arg10[%swap3A_13, %swap3A_14], %broadcast_in_dim3A_11 {strides = array<i32>} : memref<16x80xf32, #tpu.memory_space<vmem>>, vector<16xf32>,
    %broadcast_in_dim3A_16 = arith.constant 0.000000e+00 : f32
    %broadcast_in_dim3A_17 = vector.broadcast %broadcast_in_dim3A_16 : f32 to vector<16xf32>
    %swap3A_18 = arith.constant 0 : i32
    %swap3A_19 = arith.index_cast %swap3A_18 : i32 to index
    %swap3A_20 = arith.constant 48 : index
    %swap3A_21 = tpu.vector_load %arg10[%swap3A_19, %swap3A_20] {strides = array<i32>} : memref<16x80xf32, #tpu.memory_space<vmem>>, vector<16xf32>,
    tpu.vector_store %arg10[%swap3A_19, %swap3A_20], %broadcast_in_dim3A_17 {strides = array<i32>} : memref<16x80xf32, #tpu.memory_space<vmem>>, vector<16xf32>,
    %broadcast_in_dim3A_22 = arith.constant 0.000000e+00 : f32
    %broadcast_in_dim3A_23 = vector.broadcast %broadcast_in_dim3A_22 : f32 to vector<16xf32>
    %swap3A_24 = arith.constant 0 : i32
    %swap3A_25 = arith.index_cast %swap3A_24 : i32 to index
    %swap3A_26 = arith.constant 64 : index
    %swap3A_27 = tpu.vector_load %arg10[%swap3A_25, %swap3A_26] {strides = array<i32>} : memref<16x80xf32, #tpu.memory_space<vmem>>, vector<16xf32>,
    tpu.vector_store %arg10[%swap3A_25, %swap3A_26], %broadcast_in_dim3A_23 {strides = array<i32>} : memref<16x80xf32, #tpu.memory_space<vmem>>, vector<16xf32>,
    %broadcast_in_dim3A_28 = arith.constant 0.000000e+00 : f32
    %broadcast_in_dim3A_29 = vector.broadcast %broadcast_in_dim3A_28 : f32 to vector<16xf32>
    %swap3A_30 = arith.constant 1 : i32
    %swap3A_31 = arith.index_cast %swap3A_30 : i32 to index
    %swap3A_32 = arith.constant 0 : index
    %swap3A_33 = tpu.vector_load %arg10[%swap3A_31, %swap3A_32] {strides = array<i32>} : memref<16x80xf32, #tpu.memory_space<vmem>>, vector<16xf32>,
    tpu.vector_store %arg10[%swap3A_31, %swap3A_32], %broadcast_in_dim3A_29 {strides = array<i32>} : memref<16x80xf32, #tpu.memory_space<vmem>>, vector<16xf32>,
    %broadcast_in_dim3A_34 = arith.constant 0.000000e+00 : f32
    %broadcast_in_dim3A_35 = vector.broadcast %broadcast_in_dim3A_34 : f32 to vector<16xf32>
    %swap3A_36 = arith.constant 1 : i32
    %swap3A_37 = arith.index_cast %swap3A_36 : i32 to index
    %swap3A_38 = arith.constant 16 : index
    %swap3A_39 = tpu.vector_load %arg10[%swap3A_37, %swap3A_38] {strides = array<i32>} : memref<16x80xf32, #tpu.memory_space<vmem>>, vector<16xf32>,
    tpu.vector_store %arg10[%swap3A_37, %swap3A_38], %broadcast_in_dim3A_35 {strides = array<i32>} : memref<16x80xf32, #tpu.memory_space<vmem>>, vector<16xf32>,
    %broadcast_in_dim3A_40 = arith.constant 0.000000e+00 : f32
    %broadcast_in_dim3A_41 = vector.broadcast %broadcast_in_dim3A_40 : f32 to vector<16xf32>
    %swap3A_42 = arith.constant 1 : i32
    %swap3A_43 = arith.index_cast %swap3A_42 : i32 to index
    %swap3A_44 = arith.constant 32 : index
    %swap3A_45 = tpu.vector_load %arg10[%swap3A_43, %swap3A_44] {strides = array<i32>} : memref<16x80xf32, #tpu.memory_space<vmem>>, vector<16xf32>,
    tpu.vector_store %arg10[%swap3A_43, %swap3A_44], %broadcast_in_dim3A_41 {strides = array<i32>} : memref<16x80xf32, #tpu.memory_space<vmem>>, vector<16xf32>,
    %broadcast_in_dim3A_46 = arith.constant 0.000000e+00 : f32
    %broadcast_in_dim3A_47 = vector.broadcast %broadcast_in_dim3A_46 : f32 to vector<16xf32>
    %swap3A_48 = arith.constant 1 : i32
    %swap3A_49 = arith.index_cast %swap3A_48 : i32 to index
    %swap3A_50 = arith.constant 48 : index
    %swap3A_51 = tpu.vector_load %arg10[%swap3A_49, %swap3A_50] {strides = array<i32>} : memref<16x80xf32, #tpu.memory_space<vmem>>, vector<16xf32>,
    tpu.vector_store %arg10[%swap3A_49, %swap3A_50], %broadcast_in_dim3A_47 {strides = array<i32>} : memref<16x80xf32, #tpu.memory_space<vmem>>, vector<16xf32>,
    %broadcast_in_dim3A_52 = arith.constant 0.000000e+00 : f32
    %broadcast_in_dim3A_53 = vector.broadcast %broadcast_in_dim3A_52 : f32 to vector<16xf32>
    %swap3A_54 = arith.constant 1 : i32
    %swap3A_55 = arith.index_cast %swap3A_54 : i32 to index
    %swap3A_56 = arith.constant 64 : index
    %swap3A_57 = tpu.vector_load %arg10[%swap3A_55, %swap3A_56] {strides = array<i32>} : memref<16x80xf32, #tpu.memory_space<vmem>>, vector<16xf32>,
    tpu.vector_store %arg10[%swap3A_55, %swap3A_56], %broadcast_in_dim3A_53 {strides = array<i32>} : memref<16x80xf32, #tpu.memory_space<vmem>>, vector<16xf32>,
    %broadcast_in_dim3A_58 = arith.constant 0.000000e+00 : f32
    %broadcast_in_dim3A_59 = vector.broadcast %broadcast_in_dim3A_58 : f32 to vector<16xf32>
    %swap3A_60 = arith.constant 2 : i32
    %swap3A_61 = arith.index_cast %swap3A_60 : i32 to index
    %swap3A_62 = arith.constant 0 : index
    %swap3A_63 = tpu.vector_load %arg10[%swap3A_61, %swap3A_62] {strides = array<i32>} : memref<16x80xf32, #tpu.memory_space<vmem>>, vector<16xf32>,
    tpu.vector_store %arg10[%swap3A_61, %swap3A_62], %broadcast_in_dim3A_59 {strides = array<i32>} : memref<16x80xf32, #tpu.memory_space<vmem>>, vector<16xf32>,
    %broadcast_in_dim3A_64 = arith.constant 0.000000e+00 : f32
    %broadcast_in_dim3A_65 = vector.broadcast %broadcast_in_dim3A_64 : f32 to vector<16xf32>
    %swap3A_66 = arith.constant 2 : i32
    %swap3A_67 = arith.index_cast %swap3A_66 : i32 to index
    %swap3A_68 = arith.constant 16 : index
    %swap3A_69 = tpu.vector_load %arg10[%swap3A_67, %swap3A_68] {strides = array<i32>} : memref<16x80xf32, #tpu.memory_space<vmem>>, vector<16xf32>,
    tpu.vector_store %arg10[%swap3A_67, %swap3A_68], %broadcast_in_dim3A_65 {strides = array<i32>} : memref<16x80xf32, #tpu.memory_space<vmem>>, vector<16xf32>,
    %broadcast_in_dim3A_70 = arith.constant 0.000000e+00 : f32
    %broadcast_in_dim3A_71 = vector.broadcast %broadcast_in_dim3A_70 : f32 to vector<16xf32>
    %swap3A_72 = arith.constant 2 : i32
    %swap3A_73 = arith.index_cast %swap3A_72 : i32 to index
    %swap3A_74 = arith.constant 32 : index
    %swap3A_75 = tpu.vector_load %arg10[%swap3A_73, %swap3A_74] {strides = array<i32>} : memref<16x80xf32, #tpu.memory_space<vmem>>, vector<16xf32>,
    tpu.vector_store %arg10[%swap3A_73, %swap3A_74], %broadcast_in_dim3A_71 {strides = array<i32>} : memref<16x80xf32, #tpu.memory_space<vmem>>, vector<16xf32>,
    %broadcast_in_dim3A_76 = arith.constant 0.000000e+00 : f32
    %broadcast_in_dim3A_77 = vector.broadcast %broadcast_in_dim3A_76 : f32 to vector<16xf32>
    %swap3A_78 = arith.constant 2 : i32
    %swap3A_79 = arith.index_cast %swap3A_78 : i32 to index
    %swap3A_80 = arith.constant 48 : index
    %swap3A_81 = tpu.vector_load %arg10[%swap3A_79, %swap3A_80] {strides = array<i32>} : memref<16x80xf32, #tpu.memory_space<vmem>>, vector<16xf32>,
    tpu.vector_store %arg10[%swap3A_79, %swap3A_80], %broadcast_in_dim3A_77 {strides = array<i32>} : memref<16x80xf32, #tpu.memory_space<vmem>>, vector<16xf32>,
    %broadcast_in_dim3A_82 = arith.constant 0.000000e+00 : f32
    %broadcast_in_dim3A_83 = vector.broadcast %broadcast_in_dim3A_82 : f32 to vector<16xf32>
    %swap3A_84 = arith.constant 2 : i32
    %swap3A_85 = arith.index_cast %swap3A_84 : i32 to index
    %swap3A_86 = arith.constant 64 : index
    %swap3A_87 = tpu.vector_load %arg10[%swap3A_85, %swap3A_86] {strides = array<i32>} : memref<16x80xf32, #tpu.memory_space<vmem>>, vector<16xf32>,
    tpu.vector_store %arg10[%swap3A_85, %swap3A_86], %broadcast_in_dim3A_83 {strides = array<i32>} : memref<16x80xf32, #tpu.memory_space<vmem>>, vector<16xf32>,
    %broadcast_in_dim3A_88 = arith.constant 0.000000e+00 : f32
    %broadcast_in_dim3A_89 = vector.broadcast %broadcast_in_dim3A_88 : f32 to vector<16xf32>
    %swap3A_90 = arith.constant 3 : i32
    %swap3A_91 = arith.index_cast %swap3A_90 : i32 to index
    %swap3A_92 = arith.constant 0 : index
    %swap3A_93 = tpu.vector_load %arg10[%swap3A_91, %swap3A_92] {strides = array<i32>} : memref<16x80xf32, #tpu.memory_space<vmem>>, vector<16xf32>,
    tpu.vector_store %arg10[%swap3A_91, %swap3A_92], %broadcast_in_dim3A_89 {strides = array<i32>} : memref<16x80xf32, #tpu.memory_space<vmem>>, vector<16xf32>,
    %broadcast_in_dim3A_94 = arith.constant 0.000000e+00 : f32
    %broadcast_in_dim3A_95 = vector.broadcast %broadcast_in_dim3A_94 : f32 to vector<16xf32>
    %swap3A_96 = arith.constant 3 : i32
    %swap3A_97 = arith.index_cast %swap3A_96 : i32 to index
    %swap3A_98 = arith.constant 16 : index
    %swap3A_99 = tpu.vector_load %arg10[%swap3A_97, %swap3A_98] {strides = array<i32>} : memref<16x80xf32, #tpu.memory_space<vmem>>, vector<16xf32>,
    tpu.vector_store %arg10[%swap3A_97, %swap3A_98], %broadcast_in_dim3A_95 {strides = array<i32>} : memref<16x80xf32, #tpu.memory_space<vmem>>, vector<16xf32>,
    %broadcast_in_dim3A_100 = arith.constant 0.000000e+00 : f32
    %broadcast_in_dim3A_101 = vector.broadcast %broadcast_in_dim3A_100 : f32 to vector<16xf32>
    %swap3A_102 = arith.constant 3 : i32
    %swap3A_103 = arith.index_cast %swap3A_102 : i32 to index
    %swap3A_104 = arith.constant 32 : index
    %swap3A_105 = tpu.vector_load %arg10[%swap3A_103, %swap3A_104] {strides = array<i32>} : memref<16x80xf32, #tpu.memory_space<vmem>>, vector<16xf32>,
    tpu.vector_store %arg10[%swap3A_103, %swap3A_104], %broadcast_in_dim3A_101 {strides = array<i32>} : memref<16x80xf32, #tpu.memory_space<vmem>>, vector<16xf32>,
    %broadcast_in_dim3A_106 = arith.constant 0.000000e+00 : f32
    %broadcast_in_dim3A_107 = vector.broadcast %broadcast_in_dim3A_106 : f32 to vector<16xf32>
    %swap3A_108 = arith.constant 3 : i32
    %swap3A_109 = arith.index_cast %swap3A_108 : i32 to index
    %swap3A_110 = arith.constant 48 : index
    %swap3A_111 = tpu.vector_load %arg10[%swap3A_109, %swap3A_110] {strides = array<i32>} : memref<16x80xf32, #tpu.memory_space<vmem>>, vector<16xf32>,
    tpu.vector_store %arg10[%swap3A_109, %swap3A_110], %broadcast_in_dim3A_107 {strides = array<i32>} : memref<16x80xf32, #tpu.memory_space<vmem>>, vector<16xf32>,
    %broadcast_in_dim3A_112 = arith.constant 0.000000e+00 : f32
    %broadcast_in_dim3A_113 = vector.broadcast %broadcast_in_dim3A_112 : f32 to vector<16xf32>
    %swap3A_114 = arith.constant 3 : i32
    %swap3A_115 = arith.index_cast %swap3A_114 : i32 to index
    %swap3A_116 = arith.constant 64 : index
    %swap3A_117 = tpu.vector_load %arg10[%swap3A_115, %swap3A_116] {strides = array<i32>} : memref<16x80xf32, #tpu.memory_space<vmem>>, vector<16xf32>,
    tpu.vector_store %arg10[%swap3A_115, %swap3A_116], %broadcast_in_dim3A_113 {strides = array<i32>} : memref<16x80xf32, #tpu.memory_space<vmem>>, vector<16xf32>,
    %broadcast_in_dim3A_118 = arith.constant 0.000000e+00 : f32
    %broadcast_in_dim3A_119 = vector.broadcast %broadcast_in_dim3A_118 : f32 to vector<16xf32>
    %swap3A_120 = arith.constant 4 : i32
    %swap3A_121 = arith.index_cast %swap3A_120 : i32 to index
    %swap3A_122 = arith.constant 0 : index
    %swap3A_123 = tpu.vector_load %arg10[%swap3A_121, %swap3A_122] {strides = array<i32>} : memref<16x80xf32, #tpu.memory_space<vmem>>, vector<16xf32>,
    tpu.vector_store %arg10[%swap3A_121, %swap3A_122], %broadcast_in_dim3A_119 {strides = array<i32>} : memref<16x80xf32, #tpu.memory_space<vmem>>, vector<16xf32>,
    %broadcast_in_dim3A_124 = arith.constant 0.000000e+00 : f32
    %broadcast_in_dim3A_125 = vector.broadcast %broadcast_in_dim3A_124 : f32 to vector<16xf32>
    %swap3A_126 = arith.constant 4 : i32
    %swap3A_127 = arith.index_cast %swap3A_126 : i32 to index
    %swap3A_128 = arith.constant 16 : index
    %swap3A_129 = tpu.vector_load %arg10[%swap3A_127, %swap3A_128] {strides = array<i32>} : memref<16x80xf32, #tpu.memory_space<vmem>>, vector<16xf32>,
    tpu.vector_store %arg10[%swap3A_127, %swap3A_128], %broadcast_in_dim3A_125 {strides = array<i32>} : memref<16x80xf32, #tpu.memory_space<vmem>>, vector<16xf32>,
    %broadcast_in_dim3A_130 = arith.constant 0.000000e+00 : f32
    %broadcast_in_dim3A_131 = vector.broadcast %broadcast_in_dim3A_130 : f32 to vector<16xf32>
    %swap3A_132 = arith.constant 4 : i32
    %swap3A_133 = arith.index_cast %swap3A_132 : i32 to index
    %swap3A_134 = arith.constant 32 : index
    %swap3A_135 = tpu.vector_load %arg10[%swap3A_133, %swap3A_134] {strides = array<i32>} : memref<16x80xf32, #tpu.memory_space<vmem>>, vector<16xf32>,
    tpu.vector_store %arg10[%swap3A_133, %swap3A_134], %broadcast_in_dim3A_131 {strides = array<i32>} : memref<16x80xf32, #tpu.memory_space<vmem>>, vector<16xf32>,
    %broadcast_in_dim3A_136 = arith.constant 0.000000e+00 : f32
    %broadcast_in_dim3A_137 = vector.broadcast %broadcast_in_dim3A_136 : f32 to vector<16xf32>
    %swap3A_138 = arith.constant 4 : i32
    %swap3A_139 = arith.index_cast %swap3A_138 : i32 to index
    %swap3A_140 = arith.constant 48 : index
    %swap3A_141 = tpu.vector_load %arg10[%swap3A_139, %swap3A_140] {strides = array<i32>} : memref<16x80xf32, #tpu.memory_space<vmem>>, vector<16xf32>,
    tpu.vector_store %arg10[%swap3A_139, %swap3A_140], %broadcast_in_dim3A_137 {strides = array<i32>} : memref<16x80xf32, #tpu.memory_space<vmem>>, vector<16xf32>,
    %broadcast_in_dim3A_142 = arith.constant 0.000000e+00 : f32
    %broadcast_in_dim3A_143 = vector.broadcast %broadcast_in_dim3A_142 : f32 to vector<16xf32>
    %swap3A_144 = arith.constant 4 : i32
    %swap3A_145 = arith.index_cast %swap3A_144 : i32 to index
    %swap3A_146 = arith.constant 64 : index
    %swap3A_147 = tpu.vector_load %arg10[%swap3A_145, %swap3A_146] {strides = array<i32>} : memref<16x80xf32, #tpu.memory_space<vmem>>, vector<16xf32>,
    tpu.vector_store %arg10[%swap3A_145, %swap3A_146], %broadcast_in_dim3A_143 {strides = array<i32>} : memref<16x80xf32, #tpu.memory_space<vmem>>, vector<16xf32>,
    %broadcast_in_dim3A_148 = arith.constant 0.000000e+00 : f32
    %broadcast_in_dim3A_149 = vector.broadcast %broadcast_in_dim3A_148 : f32 to vector<16xf32>
    %swap3A_150 = arith.constant 5 : i32
    %swap3A_151 = arith.index_cast %swap3A_150 : i32 to index
    %swap3A_152 = arith.constant 0 : index
    %swap3A_153 = tpu.vector_load %arg10[%swap3A_151, %swap3A_152] {strides = array<i32>} : memref<16x80xf32, #tpu.memory_space<vmem>>, vector<16xf32>,
    tpu.vector_store %arg10[%swap3A_151, %swap3A_152], %broadcast_in_dim3A_149 {strides = array<i32>} : memref<16x80xf32, #tpu.memory_space<vmem>>, vector<16xf32>,
    %broadcast_in_dim3A_154 = arith.constant 0.000000e+00 : f32
    %broadcast_in_dim3A_155 = vector.broadcast %broadcast_in_dim3A_154 : f32 to vector<16xf32>
    %swap3A_156 = arith.constant 5 : i32
    %swap3A_157 = arith.index_cast %swap3A_156 : i32 to index
    %swap3A_158 = arith.constant 16 : index
    %swap3A_159 = tpu.vector_load %arg10[%swap3A_157, %swap3A_158] {strides = array<i32>} : memref<16x80xf32, #tpu.memory_space<vmem>>, vector<16xf32>,
    tpu.vector_store %arg10[%swap3A_157, %swap3A_158], %broadcast_in_dim3A_155 {strides = array<i32>} : memref<16x80xf32, #tpu.memory_space<vmem>>, vector<16xf32>,
    %broadcast_in_dim3A_160 = arith.constant 0.000000e+00 : f32
    %broadcast_in_dim3A_161 = vector.broadcast %broadcast_in_dim3A_160 : f32 to vector<16xf32>
    %swap3A_162 = arith.constant 5 : i32
    %swap3A_163 = arith.index_cast %swap3A_162 : i32 to index
    %swap3A_164 = arith.constant 32 : index
    %swap3A_165 = tpu.vector_load %arg10[%swap3A_163, %swap3A_164] {strides = array<i32>} : memref<16x80xf32, #tpu.memory_space<vmem>>, vector<16xf32>,
    tpu.vector_store %arg10[%swap3A_163, %swap3A_164], %broadcast_in_dim3A_161 {strides = array<i32>} : memref<16x80xf32, #tpu.memory_space<vmem>>, vector<16xf32>,
    %broadcast_in_dim3A_166 = arith.constant 0.000000e+00 : f32
    %broadcast_in_dim3A_167 = vector.broadcast %broadcast_in_dim3A_166 : f32 to vector<16xf32>
    %swap3A_168 = arith.constant 5 : i32
    %swap3A_169 = arith.index_cast %swap3A_168 : i32 to index
    %swap3A_170 = arith.constant 48 : index
    %swap3A_171 = tpu.vector_load %arg10[%swap3A_169, %swap3A_170] {strides = array<i32>} : memref<16x80xf32, #tpu.memory_space<vmem>>, vector<16xf32>,
    tpu.vector_store %arg10[%swap3A_169, %swap3A_170], %broadcast_in_dim3A_167 {strides = array<i32>} : memref<16x80xf32, #tpu.memory_space<vmem>>, vector<16xf32>,
    %broadcast_in_dim3A_172 = arith.constant 0.000000e+00 : f32
    %broadcast_in_dim3A_173 = vector.broadcast %broadcast_in_dim3A_172 : f32 to vector<16xf32>
    %swap3A_174 = arith.constant 5 : i32
    %swap3A_175 = arith.index_cast %swap3A_174 : i32 to index
    %swap3A_176 = arith.constant 64 : index
    %swap3A_177 = tpu.vector_load %arg10[%swap3A_175, %swap3A_176] {strides = array<i32>} : memref<16x80xf32, #tpu.memory_space<vmem>>, vector<16xf32>,
    tpu.vector_store %arg10[%swap3A_175, %swap3A_176], %broadcast_in_dim3A_173 {strides = array<i32>} : memref<16x80xf32, #tpu.memory_space<vmem>>, vector<16xf32>,
    %broadcast_in_dim3A_178 = arith.constant 0.000000e+00 : f32
    %broadcast_in_dim3A_179 = vector.broadcast %broadcast_in_dim3A_178 : f32 to vector<16xf32>
    %swap3A_180 = arith.constant 6 : i32
    %swap3A_181 = arith.index_cast %swap3A_180 : i32 to index
    %swap3A_182 = arith.constant 0 : index
    %swap3A_183 = tpu.vector_load %arg10[%swap3A_181, %swap3A_182] {strides = array<i32>} : memref<16x80xf32, #tpu.memory_space<vmem>>, vector<16xf32>,
    tpu.vector_store %arg10[%swap3A_181, %swap3A_182], %broadcast_in_dim3A_179 {strides = array<i32>} : memref<16x80xf32, #tpu.memory_space<vmem>>, vector<16xf32>,
    %broadcast_in_dim3A_184 = arith.constant 0.000000e+00 : f32
    %broadcast_in_dim3A_185 = vector.broadcast %broadcast_in_dim3A_184 : f32 to vector<16xf32>
    %swap3A_186 = arith.constant 6 : i32
    %swap3A_187 = arith.index_cast %swap3A_186 : i32 to index
    %swap3A_188 = arith.constant 16 : index
    %swap3A_189 = tpu.vector_load %arg10[%swap3A_187, %swap3A_188] {strides = array<i32>} : memref<16x80xf32, #tpu.memory_space<vmem>>, vector<16xf32>,
    tpu.vector_store %arg10[%swap3A_187, %swap3A_188], %broadcast_in_dim3A_185 {strides = array<i32>} : memref<16x80xf32, #tpu.memory_space<vmem>>, vector<16xf32>,
    %broadcast_in_dim3A_190 = arith.constant 0.000000e+00 : f32
    %broadcast_in_dim3A_191 = vector.broadcast %broadcast_in_dim3A_190 : f32 to vector<16xf32>
    %swap3A_192 = arith.constant 6 : i32
    %swap3A_193 = arith.index_cast %swap3A_192 : i32 to index
    %swap3A_194 = arith.constant 32 : index
    %swap3A_195 = tpu.vector_load %arg10[%swap3A_193, %swap3A_194] {strides = array<i32>} : memref<16x80xf32, #tpu.memory_space<vmem>>, vector<16xf32>,
    tpu.vector_store %arg10[%swap3A_193, %swap3A_194], %broadcast_in_dim3A_191 {strides = array<i32>} : memref<16x80xf32, #tpu.memory_space<vmem>>, vector<16xf32>,
    %broadcast_in_dim3A_196 = arith.constant 0.000000e+00 : f32
    %broadcast_in_dim3A_197 = vector.broadcast %broadcast_in_dim3A_196 : f32 to vector<16xf32>
    %swap3A_198 = arith.constant 6 : i32
    %swap3A_199 = arith.index_cast %swap3A_198 : i32 to index
    %swap3A_200 = arith.constant 48 : index
    %swap3A_201 = tpu.vector_load %arg10[%swap3A_199, %swap3A_200] {strides = array<i32>} : memref<16x80xf32, #tpu.memory_space<vmem>>, vector<16xf32>,
    tpu.vector_store %arg10[%swap3A_199, %swap3A_200], %broadcast_in_dim3A_197 {strides = array<i32>} : memref<16x80xf32, #tpu.memory_space<vmem>>, vector<16xf32>,
    %broadcast_in_dim3A_202 = arith.constant 0.000000e+00 : f32
    %broadcast_in_dim3A_203 = vector.broadcast %broadcast_in_dim3A_202 : f32 to vector<16xf32>
    %swap3A_204 = arith.constant 6 : i32
    %swap3A_205 = arith.index_cast %swap3A_204 : i32 to index
    %swap3A_206 = arith.constant 64 : index
    %swap3A_207 = tpu.vector_load %arg10[%swap3A_205, %swap3A_206] {strides = array<i32>} : memref<16x80xf32, #tpu.memory_space<vmem>>, vector<16xf32>,
    tpu.vector_store %arg10[%swap3A_205, %swap3A_206], %broadcast_in_dim3A_203 {strides = array<i32>} : memref<16x80xf32, #tpu.memory_space<vmem>>, vector<16xf32>,
    %broadcast_in_dim3A_208 = arith.constant 0.000000e+00 : f32
    %broadcast_in_dim3A_209 = vector.broadcast %broadcast_in_dim3A_208 : f32 to vector<16xf32>
    %swap3A_210 = arith.constant 7 : i32
    %swap3A_211 = arith.index_cast %swap3A_210 : i32 to index
    %swap3A_212 = arith.constant 0 : index
    %swap3A_213 = tpu.vector_load %arg10[%swap3A_211, %swap3A_212] {strides = array<i32>} : memref<16x80xf32, #tpu.memory_space<vmem>>, vector<16xf32>,
    tpu.vector_store %arg10[%swap3A_211, %swap3A_212], %broadcast_in_dim3A_209 {strides = array<i32>} : memref<16x80xf32, #tpu.memory_space<vmem>>, vector<16xf32>,
    %broadcast_in_dim3A_214 = arith.constant 0.000000e+00 : f32
    %broadcast_in_dim3A_215 = vector.broadcast %broadcast_in_dim3A_214 : f32 to vector<16xf32>
    %swap3A_216 = arith.constant 7 : i32
    %swap3A_217 = arith.index_cast %swap3A_216 : i32 to index
    %swap3A_218 = arith.constant 16 : index
    %swap3A_219 = tpu.vector_load %arg10[%swap3A_217, %swap3A_218] {strides = array<i32>} : memref<16x80xf32, #tpu.memory_space<vmem>>, vector<16xf32>,
    tpu.vector_store %arg10[%swap3A_217, %swap3A_218], %broadcast_in_dim3A_215 {strides = array<i32>} : memref<16x80xf32, #tpu.memory_space<vmem>>, vector<16xf32>,
    %broadcast_in_dim3A_220 = arith.constant 0.000000e+00 : f32
    %broadcast_in_dim3A_221 = vector.broadcast %broadcast_in_dim3A_220 : f32 to vector<16xf32>
    %swap3A_222 = arith.constant 7 : i32
    %swap3A_223 = arith.index_cast %swap3A_222 : i32 to index
    %swap3A_224 = arith.constant 32 : index
    %swap3A_225 = tpu.vector_load %arg10[%swap3A_223, %swap3A_224] {strides = array<i32>} : memref<16x80xf32, #tpu.memory_space<vmem>>, vector<16xf32>,
    tpu.vector_store %arg10[%swap3A_223, %swap3A_224], %broadcast_in_dim3A_221 {strides = array<i32>} : memref<16x80xf32, #tpu.memory_space<vmem>>, vector<16xf32>,
    %broadcast_in_dim3A_226 = arith.constant 0.000000e+00 : f32
    %broadcast_in_dim3A_227 = vector.broadcast %broadcast_in_dim3A_226 : f32 to vector<16xf32>
    %swap3A_228 = arith.constant 7 : i32
    %swap3A_229 = arith.index_cast %swap3A_228 : i32 to index
    %swap3A_230 = arith.constant 48 : index
    %swap3A_231 = tpu.vector_load %arg10[%swap3A_229, %swap3A_230] {strides = array<i32>} : memref<16x80xf32, #tpu.memory_space<vmem>>, vector<16xf32>,
    tpu.vector_store %arg10[%swap3A_229, %swap3A_230], %broadcast_in_dim3A_227 {strides = array<i32>} : memref<16x80xf32, #tpu.memory_space<vmem>>, vector<16xf32>,
    %broadcast_in_dim3A_232 = arith.constant 0.000000e+00 : f32
    %broadcast_in_dim3A_233 = vector.broadcast %broadcast_in_dim3A_232 : f32 to vector<16xf32>
    %swap3A_234 = arith.constant 7 : i32
    %swap3A_235 = arith.index_cast %swap3A_234 : i32 to index
    %swap3A_236 = arith.constant 64 : index
    %swap3A_237 = tpu.vector_load %arg10[%swap3A_235, %swap3A_236] {strides = array<i32>} : memref<16x80xf32, #tpu.memory_space<vmem>>, vector<16xf32>,
    tpu.vector_store %arg10[%swap3A_235, %swap3A_236], %broadcast_in_dim3A_233 {strides = array<i32>} : memref<16x80xf32, #tpu.memory_space<vmem>>, vector<16xf32>,
    %broadcast_in_dim3A_238 = arith.constant 0.000000e+00 : f32
    %broadcast_in_dim3A_239 = vector.broadcast %broadcast_in_dim3A_238 : f32 to vector<16xf32>
    %swap3A_240 = arith.constant 8 : i32
    %swap3A_241 = arith.index_cast %swap3A_240 : i32 to index
    %swap3A_242 = arith.constant 0 : index
    %swap3A_243 = tpu.vector_load %arg10[%swap3A_241, %swap3A_242] {strides = array<i32>} : memref<16x80xf32, #tpu.memory_space<vmem>>, vector<16xf32>,
    tpu.vector_store %arg10[%swap3A_241, %swap3A_242], %broadcast_in_dim3A_239 {strides = array<i32>} : memref<16x80xf32, #tpu.memory_space<vmem>>, vector<16xf32>,
    %broadcast_in_dim3A_244 = arith.constant 0.000000e+00 : f32
    %broadcast_in_dim3A_245 = vector.broadcast %broadcast_in_dim3A_244 : f32 to vector<16xf32>
    %swap3A_246 = arith.constant 8 : i32
    %swap3A_247 = arith.index_cast %swap3A_246 : i32 to index
    %swap3A_248 = arith.constant 16 : index
    %swap3A_249 = tpu.vector_load %arg10[%swap3A_247, %swap3A_248] {strides = array<i32>} : memref<16x80xf32, #tpu.memory_space<vmem>>, vector<16xf32>,
    tpu.vector_store %arg10[%swap3A_247, %swap3A_248], %broadcast_in_dim3A_245 {strides = array<i32>} : memref<16x80xf32, #tpu.memory_space<vmem>>, vector<16xf32>,
    %broadcast_in_dim3A_250 = arith.constant 0.000000e+00 : f32
    %broadcast_in_dim3A_251 = vector.broadcast %broadcast_in_dim3A_250 : f32 to vector<16xf32>
    %swap3A_252 = arith.constant 8 : i32
    %swap3A_253 = arith.index_cast %swap3A_252 : i32 to index
    %swap3A_254 = arith.constant 32 : index
    %swap3A_255 = tpu.vector_load %arg10[%swap3A_253, %swap3A_254] {strides = array<i32>} : memref<16x80xf32, #tpu.memory_space<vmem>>, vector<16xf32>,
    tpu.vector_store %arg10[%swap3A_253, %swap3A_254], %broadcast_in_dim3A_251 {strides = array<i32>} : memref<16x80xf32, #tpu.memory_space<vmem>>, vector<16xf32>,
    %broadcast_in_dim3A_256 = arith.constant 0.000000e+00 : f32
    %broadcast_in_dim3A_257 = vector.broadcast %broadcast_in_dim3A_256 : f32 to vector<16xf32>
    %swap3A_258 = arith.constant 8 : i32
    %swap3A_259 = arith.index_cast %swap3A_258 : i32 to index
    %swap3A_260 = arith.constant 48 : index
    %swap3A_261 = tpu.vector_load %arg10[%swap3A_259, %swap3A_260] {strides = array<i32>} : memref<16x80xf32, #tpu.memory_space<vmem>>, vector<16xf32>,
    tpu.vector_store %arg10[%swap3A_259, %swap3A_260], %broadcast_in_dim3A_257 {strides = array<i32>} : memref<16x80xf32, #tpu.memory_space<vmem>>, vector<16xf32>,
    %broadcast_in_dim3A_262 = arith.constant 0.000000e+00 : f32
    %broadcast_in_dim3A_263 = vector.broadcast %broadcast_in_dim3A_262 : f32 to vector<16xf32>
    %swap3A_264 = arith.constant 8 : i32
    %swap3A_265 = arith.index_cast %swap3A_264 : i32 to index
    %swap3A_266 = arith.constant 64 : index
    %swap3A_267 = tpu.vector_load %arg10[%swap3A_265, %swap3A_266] {strides = array<i32>} : memref<16x80xf32, #tpu.memory_space<vmem>>, vector<16xf32>,
    tpu.vector_store %arg10[%swap3A_265, %swap3A_266], %broadcast_in_dim3A_263 {strides = array<i32>} : memref<16x80xf32, #tpu.memory_space<vmem>>, vector<16xf32>,
    %broadcast_in_dim3A_268 = arith.constant 0.000000e+00 : f32
    %broadcast_in_dim3A_269 = vector.broadcast %broadcast_in_dim3A_268 : f32 to vector<16xf32>
    %swap3A_270 = arith.constant 9 : i32
    %swap3A_271 = arith.index_cast %swap3A_270 : i32 to index
    %swap3A_272 = arith.constant 0 : index
    %swap3A_273 = tpu.vector_load %arg10[%swap3A_271, %swap3A_272] {strides = array<i32>} : memref<16x80xf32, #tpu.memory_space<vmem>>, vector<16xf32>,
    tpu.vector_store %arg10[%swap3A_271, %swap3A_272], %broadcast_in_dim3A_269 {strides = array<i32>} : memref<16x80xf32, #tpu.memory_space<vmem>>, vector<16xf32>,
    %broadcast_in_dim3A_274 = arith.constant 0.000000e+00 : f32
    %broadcast_in_dim3A_275 = vector.broadcast %broadcast_in_dim3A_274 : f32 to vector<16xf32>
    %swap3A_276 = arith.constant 9 : i32
    %swap3A_277 = arith.index_cast %swap3A_276 : i32 to index
    %swap3A_278 = arith.constant 16 : index
    %swap3A_279 = tpu.vector_load %arg10[%swap3A_277, %swap3A_278] {strides = array<i32>} : memref<16x80xf32, #tpu.memory_space<vmem>>, vector<16xf32>,
    tpu.vector_store %arg10[%swap3A_277, %swap3A_278], %broadcast_in_dim3A_275 {strides = array<i32>} : memref<16x80xf32, #tpu.memory_space<vmem>>, vector<16xf32>,
    %broadcast_in_dim3A_280 = arith.constant 0.000000e+00 : f32
    %broadcast_in_dim3A_281 = vector.broadcast %broadcast_in_dim3A_280 : f32 to vector<16xf32>
    %swap3A_282 = arith.constant 9 : i32
    %swap3A_283 = arith.index_cast %swap3A_282 : i32 to index
    %swap3A_284 = arith.constant 32 : index
    %swap3A_285 = tpu.vector_load %arg10[%swap3A_283, %swap3A_284] {strides = array<i32>} : memref<16x80xf32, #tpu.memory_space<vmem>>, vector<16xf32>,
    tpu.vector_store %arg10[%swap3A_283, %swap3A_284], %broadcast_in_dim3A_281 {strides = array<i32>} : memref<16x80xf32, #tpu.memory_space<vmem>>, vector<16xf32>,
    %broadcast_in_dim3A_286 = arith.constant 0.000000e+00 : f32
    %broadcast_in_dim3A_287 = vector.broadcast %broadcast_in_dim3A_286 : f32 to vector<16xf32>
    %swap3A_288 = arith.constant 9 : i32
    %swap3A_289 = arith.index_cast %swap3A_288 : i32 to index
    %swap3A_290 = arith.constant 48 : index
    %swap3A_291 = tpu.vector_load %arg10[%swap3A_289, %swap3A_290] {strides = array<i32>} : memref<16x80xf32, #tpu.memory_space<vmem>>, vector<16xf32>,
    tpu.vector_store %arg10[%swap3A_289, %swap3A_290], %broadcast_in_dim3A_287 {strides = array<i32>} : memref<16x80xf32, #tpu.memory_space<vmem>>, vector<16xf32>,
    %broadcast_in_dim3A_292 = arith.constant 0.000000e+00 : f32
    %broadcast_in_dim3A_293 = vector.broadcast %broadcast_in_dim3A_292 : f32 to vector<16xf32>
    %swap3A_294 = arith.constant 9 : i32
    %swap3A_295 = arith.index_cast %swap3A_294 : i32 to index
    %swap3A_296 = arith.constant 64 : index
    %swap3A_297 = tpu.vector_load %arg10[%swap3A_295, %swap3A_296] {strides = array<i32>} : memref<16x80xf32, #tpu.memory_space<vmem>>, vector<16xf32>,
    tpu.vector_store %arg10[%swap3A_295, %swap3A_296], %broadcast_in_dim3A_293 {strides = array<i32>} : memref<16x80xf32, #tpu.memory_space<vmem>>, vector<16xf32>,
    %broadcast_in_dim3A_298 = arith.constant 0.000000e+00 : f32
    %broadcast_in_dim3A_299 = vector.broadcast %broadcast_in_dim3A_298 : f32 to vector<16xf32>
    %swap3A_300 = arith.constant 10 : i32
    %swap3A_301 = arith.index_cast %swap3A_300 : i32 to index
    %swap3A_302 = arith.constant 0 : index
    %swap3A_303 = tpu.vector_load %arg10[%swap3A_301, %swap3A_302] {strides = array<i32>} : memref<16x80xf32, #tpu.memory_space<vmem>>, vector<16xf32>,
    tpu.vector_store %arg10[%swap3A_301, %swap3A_302], %broadcast_in_dim3A_299 {strides = array<i32>} : memref<16x80xf32, #tpu.memory_space<vmem>>, vector<16xf32>,
    %broadcast_in_dim3A_304 = arith.constant 0.000000e+00 : f32
    %broadcast_in_dim3A_305 = vector.broadcast %broadcast_in_dim3A_304 : f32 to vector<16xf32>
    %swap3A_306 = arith.constant 10 : i32
    %swap3A_307 = arith.index_cast %swap3A_306 : i32 to index
    %swap3A_308 = arith.constant 16 : index
    %swap3A_309 = tpu.vector_load %arg10[%swap3A_307, %swap3A_308] {strides = array<i32>} : memref<16x80xf32, #tpu.memory_space<vmem>>, vector<16xf32>,
    tpu.vector_store %arg10[%swap3A_307, %swap3A_308], %broadcast_in_dim3A_305 {strides = array<i32>} : memref<16x80xf32, #tpu.memory_space<vmem>>, vector<16xf32>,
    %broadcast_in_dim3A_310 = arith.constant 0.000000e+00 : f32
    %broadcast_in_dim3A_311 = vector.broadcast %broadcast_in_dim3A_310 : f32 to vector<16xf32>
    %swap3A_312 = arith.constant 10 : i32
    %swap3A_313 = arith.index_cast %swap3A_312 : i32 to index
    %swap3A_314 = arith.constant 32 : index
    %swap3A_315 = tpu.vector_load %arg10[%swap3A_313, %swap3A_314] {strides = array<i32>} : memref<16x80xf32, #tpu.memory_space<vmem>>, vector<16xf32>,
    tpu.vector_store %arg10[%swap3A_313, %swap3A_314], %broadcast_in_dim3A_311 {strides = array<i32>} : memref<16x80xf32, #tpu.memory_space<vmem>>, vector<16xf32>,
    %broadcast_in_dim3A_316 = arith.constant 0.000000e+00 : f32
    %broadcast_in_dim3A_317 = vector.broadcast %broadcast_in_dim3A_316 : f32 to vector<16xf32>
    %swap3A_318 = arith.constant 10 : i32
    %swap3A_319 = arith.index_cast %swap3A_318 : i32 to index
    %swap3A_320 = arith.constant 48 : index
    %swap3A_321 = tpu.vector_load %arg10[%swap3A_319, %swap3A_320] {strides = array<i32>} : memref<16x80xf32, #tpu.memory_space<vmem>>, vector<16xf32>,
    tpu.vector_store %arg10[%swap3A_319, %swap3A_320], %broadcast_in_dim3A_317 {strides = array<i32>} : memref<16x80xf32, #tpu.memory_space<vmem>>, vector<16xf32>,
    %broadcast_in_dim3A_322 = arith.constant 0.000000e+00 : f32
    %broadcast_in_dim3A_323 = vector.broadcast %broadcast_in_dim3A_322 : f32 to vector<16xf32>
    %swap3A_324 = arith.constant 10 : i32
    %swap3A_325 = arith.index_cast %swap3A_324 : i32 to index
    %swap3A_326 = arith.constant 64 : index
    %swap3A_327 = tpu.vector_load %arg10[%swap3A_325, %swap3A_326] {strides = array<i32>} : memref<16x80xf32, #tpu.memory_space<vmem>>, vector<16xf32>,
    tpu.vector_store %arg10[%swap3A_325, %swap3A_326], %broadcast_in_dim3A_323 {strides = array<i32>} : memref<16x80xf32, #tpu.memory_space<vmem>>, vector<16xf32>,
    %broadcast_in_dim3A_328 = arith.constant 0.000000e+00 : f32
    %broadcast_in_dim3A_329 = vector.broadcast %broadcast_in_dim3A_328 : f32 to vector<16xf32>
    %swap3A_330 = arith.constant 11 : i32
    %swap3A_331 = arith.index_cast %swap3A_330 : i32 to index
    %swap3A_332 = arith.constant 0 : index
    %swap3A_333 = tpu.vector_load %arg10[%swap3A_331, %swap3A_332] {strides = array<i32>} : memref<16x80xf32, #tpu.memory_space<vmem>>, vector<16xf32>,
    tpu.vector_store %arg10[%swap3A_331, %swap3A_332], %broadcast_in_dim3A_329 {strides = array<i32>} : memref<16x80xf32, #tpu.memory_space<vmem>>, vector<16xf32>,
    %broadcast_in_dim3A_334 = arith.constant 0.000000e+00 : f32
    %broadcast_in_dim3A_335 = vector.broadcast %broadcast_in_dim3A_334 : f32 to vector<16xf32>
    %swap3A_336 = arith.constant 11 : i32
    %swap3A_337 = arith.index_cast %swap3A_336 : i32 to index
    %swap3A_338 = arith.constant 16 : index
    %swap3A_339 = tpu.vector_load %arg10[%swap3A_337, %swap3A_338] {strides = array<i32>} : memref<16x80xf32, #tpu.memory_space<vmem>>, vector<16xf32>,
    tpu.vector_store %arg10[%swap3A_337, %swap3A_338], %broadcast_in_dim3A_335 {strides = array<i32>} : memref<16x80xf32, #tpu.memory_space<vmem>>, vector<16xf32>,
    %broadcast_in_dim3A_340 = arith.constant 0.000000e+00 : f32
    %broadcast_in_dim3A_341 = vector.broadcast %broadcast_in_dim3A_340 : f32 to vector<16xf32>
    %swap3A_342 = arith.constant 11 : i32
    %swap3A_343 = arith.index_cast %swap3A_342 : i32 to index
    %swap3A_344 = arith.constant 32 : index
    %swap3A_345 = tpu.vector_load %arg10[%swap3A_343, %swap3A_344] {strides = array<i32>} : memref<16x80xf32, #tpu.memory_space<vmem>>, vector<16xf32>,
    tpu.vector_store %arg10[%swap3A_343, %swap3A_344], %broadcast_in_dim3A_341 {strides = array<i32>} : memref<16x80xf32, #tpu.memory_space<vmem>>, vector<16xf32>,
    %broadcast_in_dim3A_346 = arith.constant 0.000000e+00 : f32
    %broadcast_in_dim3A_347 = vector.broadcast %broadcast_in_dim3A_346 : f32 to vector<16xf32>
    %swap3A_348 = arith.constant 11 : i32
    %swap3A_349 = arith.index_cast %swap3A_348 : i32 to index
    %swap3A_350 = arith.constant 48 : index
    %swap3A_351 = tpu.vector_load %arg10[%swap3A_349, %swap3A_350] {strides = array<i32>} : memref<16x80xf32, #tpu.memory_space<vmem>>, vector<16xf32>,
    tpu.vector_store %arg10[%swap3A_349, %swap3A_350], %broadcast_in_dim3A_347 {strides = array<i32>} : memref<16x80xf32, #tpu.memory_space<vmem>>, vector<16xf32>,
    %broadcast_in_dim3A_352 = arith.constant 0.000000e+00 : f32
    %broadcast_in_dim3A_353 = vector.broadcast %broadcast_in_dim3A_352 : f32 to vector<16xf32>
    %swap3A_354 = arith.constant 11 : i32
    %swap3A_355 = arith.index_cast %swap3A_354 : i32 to index
    %swap3A_356 = arith.constant 64 : index
    %swap3A_357 = tpu.vector_load %arg10[%swap3A_355, %swap3A_356] {strides = array<i32>} : memref<16x80xf32, #tpu.memory_space<vmem>>, vector<16xf32>,
    tpu.vector_store %arg10[%swap3A_355, %swap3A_356], %broadcast_in_dim3A_353 {strides = array<i32>} : memref<16x80xf32, #tpu.memory_space<vmem>>, vector<16xf32>,
    %broadcast_in_dim3A_358 = arith.constant 0.000000e+00 : f32
    %broadcast_in_dim3A_359 = vector.broadcast %broadcast_in_dim3A_358 : f32 to vector<16xf32>
    %swap3A_360 = arith.constant 12 : i32
    %swap3A_361 = arith.index_cast %swap3A_360 : i32 to index
    %swap3A_362 = arith.constant 0 : index
    %swap3A_363 = tpu.vector_load %arg10[%swap3A_361, %swap3A_362] {strides = array<i32>} : memref<16x80xf32, #tpu.memory_space<vmem>>, vector<16xf32>,
    tpu.vector_store %arg10[%swap3A_361, %swap3A_362], %broadcast_in_dim3A_359 {strides = array<i32>} : memref<16x80xf32, #tpu.memory_space<vmem>>, vector<16xf32>,
    %broadcast_in_dim3A_364 = arith.constant 0.000000e+00 : f32
    %broadcast_in_dim3A_365 = vector.broadcast %broadcast_in_dim3A_364 : f32 to vector<16xf32>
    %swap3A_366 = arith.constant 12 : i32
    %swap3A_367 = arith.index_cast %swap3A_366 : i32 to index
    %swap3A_368 = arith.constant 16 : index
    %swap3A_369 = tpu.vector_load %arg10[%swap3A_367, %swap3A_368] {strides = array<i32>} : memref<16x80xf32, #tpu.memory_space<vmem>>, vector<16xf32>,
    tpu.vector_store %arg10[%swap3A_367, %swap3A_368], %broadcast_in_dim3A_365 {strides = array<i32>} : memref<16x80xf32, #tpu.memory_space<vmem>>, vector<16xf32>,
    %broadcast_in_dim3A_370 = arith.constant 0.000000e+00 : f32
    %broadcast_in_dim3A_371 = vector.broadcast %broadcast_in_dim3A_370 : f32 to vector<16xf32>
    %swap3A_372 = arith.constant 12 : i32
    %swap3A_373 = arith.index_cast %swap3A_372 : i32 to index
    %swap3A_374 = arith.constant 32 : index
    %swap3A_375 = tpu.vector_load %arg10[%swap3A_373, %swap3A_374] {strides = array<i32>} : memref<16x80xf32, #tpu.memory_space<vmem>>, vector<16xf32>,
    tpu.vector_store %arg10[%swap3A_373, %swap3A_374], %broadcast_in_dim3A_371 {strides = array<i32>} : memref<16x80xf32, #tpu.memory_space<vmem>>, vector<16xf32>,
    %broadcast_in_dim3A_376 = arith.constant 0.000000e+00 : f32
    %broadcast_in_dim3A_377 = vector.broadcast %broadcast_in_dim3A_376 : f32 to vector<16xf32>
    %swap3A_378 = arith.constant 12 : i32
    %swap3A_379 = arith.index_cast %swap3A_378 : i32 to index
    %swap3A_380 = arith.constant 48 : index
    %swap3A_381 = tpu.vector_load %arg10[%swap3A_379, %swap3A_380] {strides = array<i32>} : memref<16x80xf32, #tpu.memory_space<vmem>>, vector<16xf32>,
    tpu.vector_store %arg10[%swap3A_379, %swap3A_380], %broadcast_in_dim3A_377 {strides = array<i32>} : memref<16x80xf32, #tpu.memory_space<vmem>>, vector<16xf32>,
    %broadcast_in_dim3A_382 = arith.constant 0.000000e+00 : f32
    %broadcast_in_dim3A_383 = vector.broadcast %broadcast_in_dim3A_382 : f32 to vector<16xf32>
    %swap3A_384 = arith.constant 12 : i32
    %swap3A_385 = arith.index_cast %swap3A_384 : i32 to index
    %swap3A_386 = arith.constant 64 : index
    %swap3A_387 = tpu.vector_load %arg10[%swap3A_385, %swap3A_386] {strides = array<i32>} : memref<16x80xf32, #tpu.memory_space<vmem>>, vector<16xf32>,
    tpu.vector_store %arg10[%swap3A_385, %swap3A_386], %broadcast_in_dim3A_383 {strides = array<i32>} : memref<16x80xf32, #tpu.memory_space<vmem>>, vector<16xf32>,
    %broadcast_in_dim3A_388 = arith.constant 0.000000e+00 : f32
    %broadcast_in_dim3A_389 = vector.broadcast %broadcast_in_dim3A_388 : f32 to vector<16xf32>
    %swap3A_390 = arith.constant 13 : i32
    %swap3A_391 = arith.index_cast %swap3A_390 : i32 to index
    %swap3A_392 = arith.constant 0 : index
    %swap3A_393 = tpu.vector_load %arg10[%swap3A_391, %swap3A_392] {strides = array<i32>} : memref<16x80xf32, #tpu.memory_space<vmem>>, vector<16xf32>,
    tpu.vector_store %arg10[%swap3A_391, %swap3A_392], %broadcast_in_dim3A_389 {strides = array<i32>} : memref<16x80xf32, #tpu.memory_space<vmem>>, vector<16xf32>,
    %broadcast_in_dim3A_394 = arith.constant 0.000000e+00 : f32
    %broadcast_in_dim3A_395 = vector.broadcast %broadcast_in_dim3A_394 : f32 to vector<16xf32>
    %swap3A_396 = arith.constant 13 : i32
    %swap3A_397 = arith.index_cast %swap3A_396 : i32 to index
    %swap3A_398 = arith.constant 16 : index
    %swap3A_399 = tpu.vector_load %arg10[%swap3A_397, %swap3A_398] {strides = array<i32>} : memref<16x80xf32, #tpu.memory_space<vmem>>, vector<16xf32>,
    tpu.vector_store %arg10[%swap3A_397, %swap3A_398], %broadcast_in_dim3A_395 {strides = array<i32>} : memref<16x80xf32, #tpu.memory_space<vmem>>, vector<16xf32>,
    %broadcast_in_dim3A_400 = arith.constant 0.000000e+00 : f32
    %broadcast_in_dim3A_401 = vector.broadcast %broadcast_in_dim3A_400 : f32 to vector<16xf32>
    %swap3A_402 = arith.constant 13 : i32
    %swap3A_403 = arith.index_cast %swap3A_402 : i32 to index
    %swap3A_404 = arith.constant 32 : index
    %swap3A_405 = tpu.vector_load %arg10[%swap3A_403, %swap3A_404] {strides = array<i32>} : memref<16x80xf32, #tpu.memory_space<vmem>>, vector<16xf32>,
    tpu.vector_store %arg10[%swap3A_403, %swap3A_404], %broadcast_in_dim3A_401 {strides = array<i32>} : memref<16x80xf32, #tpu.memory_space<vmem>>, vector<16xf32>,
    %broadcast_in_dim3A_406 = arith.constant 0.000000e+00 : f32
    %broadcast_in_dim3A_407 = vector.broadcast %broadcast_in_dim3A_406 : f32 to vector<16xf32>
    %swap3A_408 = arith.constant 13 : i32
    %swap3A_409 = arith.index_cast %swap3A_408 : i32 to index
    %swap3A_410 = arith.constant 48 : index
    %swap3A_411 = tpu.vector_load %arg10[%swap3A_409, %swap3A_410] {strides = array<i32>} : memref<16x80xf32, #tpu.memory_space<vmem>>, vector<16xf32>,
    tpu.vector_store %arg10[%swap3A_409, %swap3A_410], %broadcast_in_dim3A_407 {strides = array<i32>} : memref<16x80xf32, #tpu.memory_space<vmem>>, vector<16xf32>,
    %broadcast_in_dim3A_412 = arith.constant 0.000000e+00 : f32
    %broadcast_in_dim3A_413 = vector.broadcast %broadcast_in_dim3A_412 : f32 to vector<16xf32>
    %swap3A_414 = arith.constant 13 : i32
    %swap3A_415 = arith.index_cast %swap3A_414 : i32 to index
    %swap3A_416 = arith.constant 64 : index
    %swap3A_417 = tpu.vector_load %arg10[%swap3A_415, %swap3A_416] {strides = array<i32>} : memref<16x80xf32, #tpu.memory_space<vmem>>, vector<16xf32>,
    tpu.vector_store %arg10[%swap3A_415, %swap3A_416], %broadcast_in_dim3A_413 {strides = array<i32>} : memref<16x80xf32, #tpu.memory_space<vmem>>, vector<16xf32>,
    %broadcast_in_dim3A_418 = arith.constant 0.000000e+00 : f32
    %broadcast_in_dim3A_419 = vector.broadcast %broadcast_in_dim3A_418 : f32 to vector<16xf32>
    %swap3A_420 = arith.constant 14 : i32
    %swap3A_421 = arith.index_cast %swap3A_420 : i32 to index
    %swap3A_422 = arith.constant 0 : index
    %swap3A_423 = tpu.vector_load %arg10[%swap3A_421, %swap3A_422] {strides = array<i32>} : memref<16x80xf32, #tpu.memory_space<vmem>>, vector<16xf32>,
    tpu.vector_store %arg10[%swap3A_421, %swap3A_422], %broadcast_in_dim3A_419 {strides = array<i32>} : memref<16x80xf32, #tpu.memory_space<vmem>>, vector<16xf32>,
    %broadcast_in_dim3A_424 = arith.constant 0.000000e+00 : f32
    %broadcast_in_dim3A_425 = vector.broadcast %broadcast_in_dim3A_424 : f32 to vector<16xf32>
    %swap3A_426 = arith.constant 14 : i32
    %swap3A_427 = arith.index_cast %swap3A_426 : i32 to index
    %swap3A_428 = arith.constant 16 : index
    %swap3A_429 = tpu.vector_load %arg10[%swap3A_427, %swap3A_428] {strides = array<i32>} : memref<16x80xf32, #tpu.memory_space<vmem>>, vector<16xf32>,
    tpu.vector_store %arg10[%swap3A_427, %swap3A_428], %broadcast_in_dim3A_425 {strides = array<i32>} : memref<16x80xf32, #tpu.memory_space<vmem>>, vector<16xf32>,
    %broadcast_in_dim3A_430 = arith.constant 0.000000e+00 : f32
    %broadcast_in_dim3A_431 = vector.broadcast %broadcast_in_dim3A_430 : f32 to vector<16xf32>
    %swap3A_432 = arith.constant 14 : i32
    %swap3A_433 = arith.index_cast %swap3A_432 : i32 to index
    %swap3A_434 = arith.constant 32 : index
    %swap3A_435 = tpu.vector_load %arg10[%swap3A_433, %swap3A_434] {strides = array<i32>} : memref<16x80xf32, #tpu.memory_space<vmem>>, vector<16xf32>,
    tpu.vector_store %arg10[%swap3A_433, %swap3A_434], %broadcast_in_dim3A_431 {strides = array<i32>} : memref<16x80xf32, #tpu.memory_space<vmem>>, vector<16xf32>,
    %broadcast_in_dim3A_436 = arith.constant 0.000000e+00 : f32
    %broadcast_in_dim3A_437 = vector.broadcast %broadcast_in_dim3A_436 : f32 to vector<16xf32>
    %swap3A_438 = arith.constant 14 : i32
    %swap3A_439 = arith.index_cast %swap3A_438 : i32 to index
    %swap3A_440 = arith.constant 48 : index
    %swap3A_441 = tpu.vector_load %arg10[%swap3A_439, %swap3A_440] {strides = array<i32>} : memref<16x80xf32, #tpu.memory_space<vmem>>, vector<16xf32>,
    tpu.vector_store %arg10[%swap3A_439, %swap3A_440], %broadcast_in_dim3A_437 {strides = array<i32>} : memref<16x80xf32, #tpu.memory_space<vmem>>, vector<16xf32>,
    %broadcast_in_dim3A_442 = arith.constant 0.000000e+00 : f32
    %broadcast_in_dim3A_443 = vector.broadcast %broadcast_in_dim3A_442 : f32 to vector<16xf32>
    %swap3A_444 = arith.constant 14 : i32
    %swap3A_445 = arith.index_cast %swap3A_444 : i32 to index
    %swap3A_446 = arith.constant 64 : index
    %swap3A_447 = tpu.vector_load %arg10[%swap3A_445, %swap3A_446] {strides = array<i32>} : memref<16x80xf32, #tpu.memory_space<vmem>>, vector<16xf32>,
    tpu.vector_store %arg10[%swap3A_445, %swap3A_446], %broadcast_in_dim3A_443 {strides = array<i32>} : memref<16x80xf32, #tpu.memory_space<vmem>>, vector<16xf32>,
    %broadcast_in_dim3A_448 = arith.constant 0.000000e+00 : f32
    %broadcast_in_dim3A_449 = vector.broadcast %broadcast_in_dim3A_448 : f32 to vector<16xf32>
    %swap3A_450 = arith.constant 15 : i32
    %swap3A_451 = arith.index_cast %swap3A_450 : i32 to index
    %swap3A_452 = arith.constant 0 : index
    %swap3A_453 = tpu.vector_load %arg10[%swap3A_451, %swap3A_452] {strides = array<i32>} : memref<16x80xf32, #tpu.memory_space<vmem>>, vector<16xf32>,
    tpu.vector_store %arg10[%swap3A_451, %swap3A_452], %broadcast_in_dim3A_449 {strides = array<i32>} : memref<16x80xf32, #tpu.memory_space<vmem>>, vector<16xf32>,
    %broadcast_in_dim3A_454 = arith.constant 0.000000e+00 : f32
    %broadcast_in_dim3A_455 = vector.broadcast %broadcast_in_dim3A_454 : f32 to vector<16xf32>
    %swap3A_456 = arith.constant 15 : i32
    %swap3A_457 = arith.index_cast %swap3A_456 : i32 to index
    %swap3A_458 = arith.constant 16 : index
    %swap3A_459 = tpu.vector_load %arg10[%swap3A_457, %swap3A_458] {strides = array<i32>} : memref<16x80xf32, #tpu.memory_space<vmem>>, vector<16xf32>,
    tpu.vector_store %arg10[%swap3A_457, %swap3A_458], %broadcast_in_dim3A_455 {strides = array<i32>} : memref<16x80xf32, #tpu.memory_space<vmem>>, vector<16xf32>,
    %broadcast_in_dim3A_460 = arith.constant 0.000000e+00 : f32
    %broadcast_in_dim3A_461 = vector.broadcast %broadcast_in_dim3A_460 : f32 to vector<16xf32>
    %swap3A_462 = arith.constant 15 : i32
    %swap3A_463 = arith.index_cast %swap3A_462 : i32 to index
    %swap3A_464 = arith.constant 32 : index
    %swap3A_465 = tpu.vector_load %arg10[%swap3A_463, %swap3A_464] {strides = array<i32>} : memref<16x80xf32, #tpu.memory_space<vmem>>, vector<16xf32>,
    tpu.vector_store %arg10[%swap3A_463, %swap3A_464], %broadcast_in_dim3A_461 {strides = array<i32>} : memref<16x80xf32, #tpu.memory_space<vmem>>, vector<16xf32>,
    %broadcast_in_dim3A_466 = arith.constant 0.000000e+00 : f32
    %broadcast_in_dim3A_467 = vector.broadcast %broadcast_in_dim3A_466 : f32 to vector<16xf32>
    %swap3A_468 = arith.constant 15 : i32
    %swap3A_469 = arith.index_cast %swap3A_468 : i32 to index
    %swap3A_470 = arith.constant 48 : index
    %swap3A_471 = tpu.vector_load %arg10[%swap3A_469, %swap3A_470] {strides = array<i32>} : memref<16x80xf32, #tpu.memory_space<vmem>>, vector<16xf32>,
    tpu.vector_store %arg10[%swap3A_469, %swap3A_470], %broadcast_in_dim3A_467 {strides = array<i32>} : memref<16x80xf32, #tpu.memory_space<vmem>>, vector<16xf32>,
    %broadcast_in_dim3A_472 = arith.constant 0.000000e+00 : f32
    %broadcast_in_dim3A_473 = vector.broadcast %broadcast_in_dim3A_472 : f32 to vector<16xf32>
    %swap3A_474 = arith.constant 15 : i32
    %swap3A_475 = arith.index_cast %swap3A_474 : i32 to index
    %swap3A_476 = arith.constant 64 : index
    %swap3A_477 = tpu.vector_load %arg10[%swap3A_475, %swap3A_476] {strides = array<i32>} : memref<16x80xf32, #tpu.memory_space<vmem>>, vector<16xf32>,
    tpu.vector_store %arg10[%swap3A_475, %swap3A_476], %broadcast_in_dim3A_473 {strides = array<i32>} : memref<16x80xf32, #tpu.memory_space<vmem>>, vector<16xf32>,
    %scan3A = arith.constant 0 : i32
    %scan3A_478 = arith.constant 640 : i32
    %scan3A_479 = arith.addi %scan3A, %scan3A_478 : i32
    %scan3A_480 = arith.constant 1 : i32
    scf.for %scan3A_933 = %scan3A to %scan3A_479 step %scan3A_480  : i32 {
      %mul3A_934 = arith.constant 1 : i32
      %mul3A_935 = arith.muli %scan3A_933, %mul3A_934 : i32
      %add3A_936 = arith.constant 0 : i32
      %add3A_937 = arith.addi %add3A_936, %mul3A_935 : i32
      %broadcast_in_dim3A_938 = arith.constant 0.000000e+00 : f32
      %broadcast_in_dim3A_939 = vector.broadcast %broadcast_in_dim3A_938 : f32 to vector<16xf32>
      %swap3A_940 = arith.index_cast %add3A_937 : i32 to index
      %swap3A_941 = arith.constant 0 : index
      %swap3A_942 = tpu.vector_load %arg11[%swap3A_940, %swap3A_941] {strides = array<i32>} : memref<640x16xf32, #tpu.memory_space<vmem>>, vector<16xf32>,
      tpu.vector_store %arg11[%swap3A_940, %swap3A_941], %broadcast_in_dim3A_939 {strides = array<i32>} : memref<640x16xf32, #tpu.memory_space<vmem>>, vector<16xf32>,
    }
    %scan3A_481 = arith.constant 640 : i32
    %scan3A_482 = arith.constant 0 : i32
    %scan3A_483 = arith.constant 40 : i32
    %scan3A_484 = arith.addi %scan3A_482, %scan3A_483 : i32
    %scan3A_485 = arith.constant 1 : i32
    scf.for %scan3A_933 = %scan3A_482 to %scan3A_484 step %scan3A_485  : i32 {
      %mul3A_934 = arith.constant 16 : i32
      %mul3A_935 = arith.muli %scan3A_933, %mul3A_934 : i32
      %add3A_936 = arith.constant 0 : i32
      %add3A_937 = arith.addi %add3A_936, %mul3A_935 : i32
      %iota3A = tpu.iota {dimensions = array<i32: 0>} : vector<16xi32>
      %add3A_938 = vector.broadcast %add3A_937 : i32 to vector<16xi32>
      %add3A_939 = arith.addi %iota3A, %add3A_938 : vector<16xi32>
      %swap3A_940 = arith.index_cast %add3A_937 : i32 to index
      %swap3A_941 = tpu.vector_load %arg12[%swap3A_940] {strides = array<i32>} : memref<640xi32, #tpu.memory_space<vmem>>, vector<16xi32>,
      tpu.vector_store %arg12[%swap3A_940], %add3A_939 {strides = array<i32>} : memref<640xi32, #tpu.memory_space<vmem>>, vector<16xi32>,
    }
    %scan3A_486 = arith.constant 40 : i32
    %mul3A = arith.constant 640 : i32
    %mul3A_487 = arith.muli %arg1, %mul3A : i32
    %scan3A_488 = arith.constant 0 : i32
    %scan3A_489 = arith.constant 40 : i32
    %scan3A_490 = arith.addi %scan3A_488, %scan3A_489 : i32
    %scan3A_491 = arith.constant 1 : i32
    scf.for %scan3A_933 = %scan3A_488 to %scan3A_490 step %scan3A_491  : i32 {
      %mul3A_934 = arith.constant 16 : i32
      %mul3A_935 = arith.muli %scan3A_933, %mul3A_934 : i32
      %add3A_936 = arith.constant 0 : i32
      %add3A_937 = arith.addi %add3A_936, %mul3A_935 : i32
      %add3A_938 = arith.addi %mul3A_487, %add3A_937 : i32
      %dma_start3A_939 = arith.constant 0 : i32
      %dma_start3A_940 = tpu.memref_slice %arg13[%add3A_938, %dma_start3A_939] : memref<10240x80xf32, #tpu.memory_space<vmem_shared>> -> memref<16x80xf32, #tpu.memory_space<vmem_shared>>
      %dma_start3A_941 = arith.constant 0 : i32
      %dma_start3A_942 = tpu.memref_slice %arg13[%add3A_938, %dma_start3A_941] : memref<10240x80xf32, #tpu.memory_space<vmem_shared>> -> memref<16x80xf32, #tpu.memory_space<vmem_shared>>
      tpu.enqueue_dma source(%arg10 : memref<16x80xf32, #tpu.memory_space<vmem>>) target(%dma_start3A_942 : memref<16x80xf32, #tpu.memory_space<vmem_shared>>) target_semaphore(%arg19 : memref<!tpu.dma_semaphore, #tpu.memory_space<semaphore_mem>>)
    }
    %scan3A_492 = arith.constant 40 : i32
    %mul3A_493 = arith.constant 40 : i32
    %mul3A_494 = arith.muli %arg1, %mul3A_493 : i32
    "tpu.region"() ({
      %run_scoped3A = tpu.sem_alloc : memref<!tpu.dma_semaphore, #tpu.memory_space<semaphore_mem>>
      %dma_start3A_933 = arith.constant 0 : i32
      %dma_start3A_934 = arith.constant 0 : i32
      %dma_start3A_935 = tpu.memref_slice %arg11[%dma_start3A_933, %dma_start3A_934] : memref<640x16xf32, #tpu.memory_space<vmem>> -> memref<40x16xf32, #tpu.memory_space<vmem>>
      %dma_start3A_936 = arith.constant 0 : i32
      %dma_start3A_937 = tpu.memref_slice %arg14[%mul3A_494, %dma_start3A_936] : memref<640x16xf32, #tpu.memory_space<vmem_shared>> -> memref<40x16xf32, #tpu.memory_space<vmem_shared>>
      %dma_start3A_938 = arith.constant 0 : i32
      %dma_start3A_939 = tpu.memref_slice %arg14[%mul3A_494, %dma_start3A_938] : memref<640x16xf32, #tpu.memory_space<vmem_shared>> -> memref<40x16xf32, #tpu.memory_space<vmem_shared>>
      %dma_start3A_940 = arith.constant 0 : i32
      %dma_start3A_941 = arith.constant 0 : i32
      %dma_start3A_942 = tpu.memref_slice %arg11[%dma_start3A_940, %dma_start3A_941] : memref<640x16xf32, #tpu.memory_space<vmem>> -> memref<40x16xf32, #tpu.memory_space<vmem>>
      tpu.enqueue_dma source(%dma_start3A_942 : memref<40x16xf32, #tpu.memory_space<vmem>>) target(%dma_start3A_939 : memref<40x16xf32, #tpu.memory_space<vmem_shared>>) target_semaphore(%run_scoped3A : memref<!tpu.dma_semaphore, #tpu.memory_space<semaphore_mem>>)
      %dma_wait3A_943 = arith.constant 0 : i32
      %dma_wait3A_944 = arith.constant 0 : i32
      %dma_wait3A_945 = tpu.memref_slice %arg11[%dma_wait3A_943, %dma_wait3A_944] : memref<640x16xf32, #tpu.memory_space<vmem>> -> memref<40x16xf32, #tpu.memory_space<vmem>>
      %dma_wait3A_946 = arith.constant 0 : i32
      %dma_wait3A_947 = tpu.memref_slice %arg14[%mul3A_494, %dma_wait3A_946] : memref<640x16xf32, #tpu.memory_space<vmem_shared>> -> memref<40x16xf32, #tpu.memory_space<vmem_shared>>
      %dma_wait3A_948 = arith.constant 0 : i32
      %dma_wait3A_949 = tpu.memref_slice %arg14[%mul3A_494, %dma_wait3A_948] : memref<640x16xf32, #tpu.memory_space<vmem_shared>> -> memref<40x16xf32, #tpu.memory_space<vmem_shared>>
      %dma_wait3A_950 = arith.constant 0 : i32
      %dma_wait3A_951 = arith.constant 0 : i32
      %dma_wait3A_952 = tpu.memref_slice %arg11[%dma_wait3A_950, %dma_wait3A_951] : memref<640x16xf32, #tpu.memory_space<vmem>> -> memref<40x16xf32, #tpu.memory_space<vmem>>
      tpu.wait_dma2 semaphore(%run_scoped3A : memref<!tpu.dma_semaphore, #tpu.memory_space<semaphore_mem>>) src(%dma_wait3A_952 : memref<40x16xf32, #tpu.memory_space<vmem>>) dst(%dma_wait3A_949 : memref<40x16xf32, #tpu.memory_space<vmem_shared>>)
      tpu.yield
    }) : () -> ()
    %dma_wait3A = arith.constant 0 : i32
    %dma_wait3A_495 = tpu.memref_slice %arg13[%mul3A_487, %dma_wait3A] : memref<10240x80xf32, #tpu.memory_space<vmem_shared>> -> memref<16x80xf32, #tpu.memory_space<vmem_shared>>
    %dma_wait3A_496 = arith.constant 0 : i32
    %dma_wait3A_497 = tpu.memref_slice %arg13[%mul3A_487, %dma_wait3A_496] : memref<10240x80xf32, #tpu.memory_space<vmem_shared>> -> memref<16x80xf32, #tpu.memory_space<vmem_shared>>
    tpu.wait_dma2 semaphore(%arg19 : memref<!tpu.dma_semaphore, #tpu.memory_space<semaphore_mem>>) src(%arg10 : memref<16x80xf32, #tpu.memory_space<vmem>>) dst(%dma_wait3A_497 : memref<16x80xf32, #tpu.memory_space<vmem_shared>>)
    %dma_wait3A_498 = arith.constant 0 : i32
    %dma_wait3A_499 = tpu.memref_slice %arg13[%mul3A_487, %dma_wait3A_498] : memref<10240x80xf32, #tpu.memory_space<vmem_shared>> -> memref<16x80xf32, #tpu.memory_space<vmem_shared>>
    %dma_wait3A_500 = arith.constant 0 : i32
    %dma_wait3A_501 = tpu.memref_slice %arg13[%mul3A_487, %dma_wait3A_500] : memref<10240x80xf32, #tpu.memory_space<vmem_shared>> -> memref<16x80xf32, #tpu.memory_space<vmem_shared>>
    tpu.wait_dma2 semaphore(%arg19 : memref<!tpu.dma_semaphore, #tpu.memory_space<semaphore_mem>>) src(%arg10 : memref<16x80xf32, #tpu.memory_space<vmem>>) dst(%dma_wait3A_501 : memref<16x80xf32, #tpu.memory_space<vmem_shared>>)
    %dma_wait3A_502 = arith.constant 0 : i32
    %dma_wait3A_503 = tpu.memref_slice %arg13[%mul3A_487, %dma_wait3A_502] : memref<10240x80xf32, #tpu.memory_space<vmem_shared>> -> memref<16x80xf32, #tpu.memory_space<vmem_shared>>
    %dma_wait3A_504 = arith.constant 0 : i32
    %dma_wait3A_505 = tpu.memref_slice %arg13[%mul3A_487, %dma_wait3A_504] : memref<10240x80xf32, #tpu.memory_space<vmem_shared>> -> memref<16x80xf32, #tpu.memory_space<vmem_shared>>
    tpu.wait_dma2 semaphore(%arg19 : memref<!tpu.dma_semaphore, #tpu.memory_space<semaphore_mem>>) src(%arg10 : memref<16x80xf32, #tpu.memory_space<vmem>>) dst(%dma_wait3A_505 : memref<16x80xf32, #tpu.memory_space<vmem_shared>>)
    %dma_wait3A_506 = arith.constant 0 : i32
    %dma_wait3A_507 = tpu.memref_slice %arg13[%mul3A_487, %dma_wait3A_506] : memref<10240x80xf32, #tpu.memory_space<vmem_shared>> -> memref<16x80xf32, #tpu.memory_space<vmem_shared>>
    %dma_wait3A_508 = arith.constant 0 : i32
    %dma_wait3A_509 = tpu.memref_slice %arg13[%mul3A_487, %dma_wait3A_508] : memref<10240x80xf32, #tpu.memory_space<vmem_shared>> -> memref<16x80xf32, #tpu.memory_space<vmem_shared>>
    tpu.wait_dma2 semaphore(%arg19 : memref<!tpu.dma_semaphore, #tpu.memory_space<semaphore_mem>>) src(%arg10 : memref<16x80xf32, #tpu.memory_space<vmem>>) dst(%dma_wait3A_509 : memref<16x80xf32, #tpu.memory_space<vmem_shared>>)
    %dma_wait3A_510 = arith.constant 0 : i32
    %dma_wait3A_511 = tpu.memref_slice %arg13[%mul3A_487, %dma_wait3A_510] : memref<10240x80xf32, #tpu.memory_space<vmem_shared>> -> memref<16x80xf32, #tpu.memory_space<vmem_shared>>
    %dma_wait3A_512 = arith.constant 0 : i32
    %dma_wait3A_513 = tpu.memref_slice %arg13[%mul3A_487, %dma_wait3A_512] : memref<10240x80xf32, #tpu.memory_space<vmem_shared>> -> memref<16x80xf32, #tpu.memory_space<vmem_shared>>
    tpu.wait_dma2 semaphore(%arg19 : memref<!tpu.dma_semaphore, #tpu.memory_space<semaphore_mem>>) src(%arg10 : memref<16x80xf32, #tpu.memory_space<vmem>>) dst(%dma_wait3A_513 : memref<16x80xf32, #tpu.memory_space<vmem_shared>>)
    %dma_wait3A_514 = arith.constant 0 : i32
    %dma_wait3A_515 = tpu.memref_slice %arg13[%mul3A_487, %dma_wait3A_514] : memref<10240x80xf32, #tpu.memory_space<vmem_shared>> -> memref<16x80xf32, #tpu.memory_space<vmem_shared>>
    %dma_wait3A_516 = arith.constant 0 : i32
    %dma_wait3A_517 = tpu.memref_slice %arg13[%mul3A_487, %dma_wait3A_516] : memref<10240x80xf32, #tpu.memory_space<vmem_shared>> -> memref<16x80xf32, #tpu.memory_space<vmem_shared>>
    tpu.wait_dma2 semaphore(%arg19 : memref<!tpu.dma_semaphore, #tpu.memory_space<semaphore_mem>>) src(%arg10 : memref<16x80xf32, #tpu.memory_space<vmem>>) dst(%dma_wait3A_517 : memref<16x80xf32, #tpu.memory_space<vmem_shared>>)
    %dma_wait3A_518 = arith.constant 0 : i32
    %dma_wait3A_519 = tpu.memref_slice %arg13[%mul3A_487, %dma_wait3A_518] : memref<10240x80xf32, #tpu.memory_space<vmem_shared>> -> memref<16x80xf32, #tpu.memory_space<vmem_shared>>
    %dma_wait3A_520 = arith.constant 0 : i32
    %dma_wait3A_521 = tpu.memref_slice %arg13[%mul3A_487, %dma_wait3A_520] : memref<10240x80xf32, #tpu.memory_space<vmem_shared>> -> memref<16x80xf32, #tpu.memory_space<vmem_shared>>
    tpu.wait_dma2 semaphore(%arg19 : memref<!tpu.dma_semaphore, #tpu.memory_space<semaphore_mem>>) src(%arg10 : memref<16x80xf32, #tpu.memory_space<vmem>>) dst(%dma_wait3A_521 : memref<16x80xf32, #tpu.memory_space<vmem_shared>>)
    %dma_wait3A_522 = arith.constant 0 : i32
    %dma_wait3A_523 = tpu.memref_slice %arg13[%mul3A_487, %dma_wait3A_522] : memref<10240x80xf32, #tpu.memory_space<vmem_shared>> -> memref<16x80xf32, #tpu.memory_space<vmem_shared>>
    %dma_wait3A_524 = arith.constant 0 : i32
    %dma_wait3A_525 = tpu.memref_slice %arg13[%mul3A_487, %dma_wait3A_524] : memref<10240x80xf32, #tpu.memory_space<vmem_shared>> -> memref<16x80xf32, #tpu.memory_space<vmem_shared>>
    tpu.wait_dma2 semaphore(%arg19 : memref<!tpu.dma_semaphore, #tpu.memory_space<semaphore_mem>>) src(%arg10 : memref<16x80xf32, #tpu.memory_space<vmem>>) dst(%dma_wait3A_525 : memref<16x80xf32, #tpu.memory_space<vmem_shared>>)
    %dma_wait3A_526 = arith.constant 0 : i32
    %dma_wait3A_527 = tpu.memref_slice %arg13[%mul3A_487, %dma_wait3A_526] : memref<10240x80xf32, #tpu.memory_space<vmem_shared>> -> memref<16x80xf32, #tpu.memory_space<vmem_shared>>
    %dma_wait3A_528 = arith.constant 0 : i32
    %dma_wait3A_529 = tpu.memref_slice %arg13[%mul3A_487, %dma_wait3A_528] : memref<10240x80xf32, #tpu.memory_space<vmem_shared>> -> memref<16x80xf32, #tpu.memory_space<vmem_shared>>
    tpu.wait_dma2 semaphore(%arg19 : memref<!tpu.dma_semaphore, #tpu.memory_space<semaphore_mem>>) src(%arg10 : memref<16x80xf32, #tpu.memory_space<vmem>>) dst(%dma_wait3A_529 : memref<16x80xf32, #tpu.memory_space<vmem_shared>>)
    %dma_wait3A_530 = arith.constant 0 : i32
    %dma_wait3A_531 = tpu.memref_slice %arg13[%mul3A_487, %dma_wait3A_530] : memref<10240x80xf32, #tpu.memory_space<vmem_shared>> -> memref<16x80xf32, #tpu.memory_space<vmem_shared>>
    %dma_wait3A_532 = arith.constant 0 : i32
    %dma_wait3A_533 = tpu.memref_slice %arg13[%mul3A_487, %dma_wait3A_532] : memref<10240x80xf32, #tpu.memory_space<vmem_shared>> -> memref<16x80xf32, #tpu.memory_space<vmem_shared>>
    tpu.wait_dma2 semaphore(%arg19 : memref<!tpu.dma_semaphore, #tpu.memory_space<semaphore_mem>>) src(%arg10 : memref<16x80xf32, #tpu.memory_space<vmem>>) dst(%dma_wait3A_533 : memref<16x80xf32, #tpu.memory_space<vmem_shared>>)
    %dma_wait3A_534 = arith.constant 0 : i32
    %dma_wait3A_535 = tpu.memref_slice %arg13[%mul3A_487, %dma_wait3A_534] : memref<10240x80xf32, #tpu.memory_space<vmem_shared>> -> memref<16x80xf32, #tpu.memory_space<vmem_shared>>
    %dma_wait3A_536 = arith.constant 0 : i32
    %dma_wait3A_537 = tpu.memref_slice %arg13[%mul3A_487, %dma_wait3A_536] : memref<10240x80xf32, #tpu.memory_space<vmem_shared>> -> memref<16x80xf32, #tpu.memory_space<vmem_shared>>
    tpu.wait_dma2 semaphore(%arg19 : memref<!tpu.dma_semaphore, #tpu.memory_space<semaphore_mem>>) src(%arg10 : memref<16x80xf32, #tpu.memory_space<vmem>>) dst(%dma_wait3A_537 : memref<16x80xf32, #tpu.memory_space<vmem_shared>>)
    %dma_wait3A_538 = arith.constant 0 : i32
    %dma_wait3A_539 = tpu.memref_slice %arg13[%mul3A_487, %dma_wait3A_538] : memref<10240x80xf32, #tpu.memory_space<vmem_shared>> -> memref<16x80xf32, #tpu.memory_space<vmem_shared>>
    %dma_wait3A_540 = arith.constant 0 : i32
    %dma_wait3A_541 = tpu.memref_slice %arg13[%mul3A_487, %dma_wait3A_540] : memref<10240x80xf32, #tpu.memory_space<vmem_shared>> -> memref<16x80xf32, #tpu.memory_space<vmem_shared>>
    tpu.wait_dma2 semaphore(%arg19 : memref<!tpu.dma_semaphore, #tpu.memory_space<semaphore_mem>>) src(%arg10 : memref<16x80xf32, #tpu.memory_space<vmem>>) dst(%dma_wait3A_541 : memref<16x80xf32, #tpu.memory_space<vmem_shared>>)
    %dma_wait3A_542 = arith.constant 0 : i32
    %dma_wait3A_543 = tpu.memref_slice %arg13[%mul3A_487, %dma_wait3A_542] : memref<10240x80xf32, #tpu.memory_space<vmem_shared>> -> memref<16x80xf32, #tpu.memory_space<vmem_shared>>
    %dma_wait3A_544 = arith.constant 0 : i32
    %dma_wait3A_545 = tpu.memref_slice %arg13[%mul3A_487, %dma_wait3A_544] : memref<10240x80xf32, #tpu.memory_space<vmem_shared>> -> memref<16x80xf32, #tpu.memory_space<vmem_shared>>
    tpu.wait_dma2 semaphore(%arg19 : memref<!tpu.dma_semaphore, #tpu.memory_space<semaphore_mem>>) src(%arg10 : memref<16x80xf32, #tpu.memory_space<vmem>>) dst(%dma_wait3A_545 : memref<16x80xf32, #tpu.memory_space<vmem_shared>>)
    %dma_wait3A_546 = arith.constant 0 : i32
    %dma_wait3A_547 = tpu.memref_slice %arg13[%mul3A_487, %dma_wait3A_546] : memref<10240x80xf32, #tpu.memory_space<vmem_shared>> -> memref<16x80xf32, #tpu.memory_space<vmem_shared>>
    %dma_wait3A_548 = arith.constant 0 : i32
    %dma_wait3A_549 = tpu.memref_slice %arg13[%mul3A_487, %dma_wait3A_548] : memref<10240x80xf32, #tpu.memory_space<vmem_shared>> -> memref<16x80xf32, #tpu.memory_space<vmem_shared>>
    tpu.wait_dma2 semaphore(%arg19 : memref<!tpu.dma_semaphore, #tpu.memory_space<semaphore_mem>>) src(%arg10 : memref<16x80xf32, #tpu.memory_space<vmem>>) dst(%dma_wait3A_549 : memref<16x80xf32, #tpu.memory_space<vmem_shared>>)
    %dma_wait3A_550 = arith.constant 0 : i32
    %dma_wait3A_551 = tpu.memref_slice %arg13[%mul3A_487, %dma_wait3A_550] : memref<10240x80xf32, #tpu.memory_space<vmem_shared>> -> memref<16x80xf32, #tpu.memory_space<vmem_shared>>
    %dma_wait3A_552 = arith.constant 0 : i32
    %dma_wait3A_553 = tpu.memref_slice %arg13[%mul3A_487, %dma_wait3A_552] : memref<10240x80xf32, #tpu.memory_space<vmem_shared>> -> memref<16x80xf32, #tpu.memory_space<vmem_shared>>
    tpu.wait_dma2 semaphore(%arg19 : memref<!tpu.dma_semaphore, #tpu.memory_space<semaphore_mem>>) src(%arg10 : memref<16x80xf32, #tpu.memory_space<vmem>>) dst(%dma_wait3A_553 : memref<16x80xf32, #tpu.memory_space<vmem_shared>>)
    %dma_wait3A_554 = arith.constant 0 : i32
    %dma_wait3A_555 = tpu.memref_slice %arg13[%mul3A_487, %dma_wait3A_554] : memref<10240x80xf32, #tpu.memory_space<vmem_shared>> -> memref<16x80xf32, #tpu.memory_space<vmem_shared>>
    %dma_wait3A_556 = arith.constant 0 : i32
    %dma_wait3A_557 = tpu.memref_slice %arg13[%mul3A_487, %dma_wait3A_556] : memref<10240x80xf32, #tpu.memory_space<vmem_shared>> -> memref<16x80xf32, #tpu.memory_space<vmem_shared>>
    tpu.wait_dma2 semaphore(%arg19 : memref<!tpu.dma_semaphore, #tpu.memory_space<semaphore_mem>>) src(%arg10 : memref<16x80xf32, #tpu.memory_space<vmem>>) dst(%dma_wait3A_557 : memref<16x80xf32, #tpu.memory_space<vmem_shared>>)
    %dma_wait3A_558 = arith.constant 0 : i32
    %dma_wait3A_559 = tpu.memref_slice %arg13[%mul3A_487, %dma_wait3A_558] : memref<10240x80xf32, #tpu.memory_space<vmem_shared>> -> memref<16x80xf32, #tpu.memory_space<vmem_shared>>
    %dma_wait3A_560 = arith.constant 0 : i32
    %dma_wait3A_561 = tpu.memref_slice %arg13[%mul3A_487, %dma_wait3A_560] : memref<10240x80xf32, #tpu.memory_space<vmem_shared>> -> memref<16x80xf32, #tpu.memory_space<vmem_shared>>
    tpu.wait_dma2 semaphore(%arg19 : memref<!tpu.dma_semaphore, #tpu.memory_space<semaphore_mem>>) src(%arg10 : memref<16x80xf32, #tpu.memory_space<vmem>>) dst(%dma_wait3A_561 : memref<16x80xf32, #tpu.memory_space<vmem_shared>>)
    %dma_wait3A_562 = arith.constant 0 : i32
    %dma_wait3A_563 = tpu.memref_slice %arg13[%mul3A_487, %dma_wait3A_562] : memref<10240x80xf32, #tpu.memory_space<vmem_shared>> -> memref<16x80xf32, #tpu.memory_space<vmem_shared>>
    %dma_wait3A_564 = arith.constant 0 : i32
    %dma_wait3A_565 = tpu.memref_slice %arg13[%mul3A_487, %dma_wait3A_564] : memref<10240x80xf32, #tpu.memory_space<vmem_shared>> -> memref<16x80xf32, #tpu.memory_space<vmem_shared>>
    tpu.wait_dma2 semaphore(%arg19 : memref<!tpu.dma_semaphore, #tpu.memory_space<semaphore_mem>>) src(%arg10 : memref<16x80xf32, #tpu.memory_space<vmem>>) dst(%dma_wait3A_565 : memref<16x80xf32, #tpu.memory_space<vmem_shared>>)
    %dma_wait3A_566 = arith.constant 0 : i32
    %dma_wait3A_567 = tpu.memref_slice %arg13[%mul3A_487, %dma_wait3A_566] : memref<10240x80xf32, #tpu.memory_space<vmem_shared>> -> memref<16x80xf32, #tpu.memory_space<vmem_shared>>
    %dma_wait3A_568 = arith.constant 0 : i32
    %dma_wait3A_569 = tpu.memref_slice %arg13[%mul3A_487, %dma_wait3A_568] : memref<10240x80xf32, #tpu.memory_space<vmem_shared>> -> memref<16x80xf32, #tpu.memory_space<vmem_shared>>
    tpu.wait_dma2 semaphore(%arg19 : memref<!tpu.dma_semaphore, #tpu.memory_space<semaphore_mem>>) src(%arg10 : memref<16x80xf32, #tpu.memory_space<vmem>>) dst(%dma_wait3A_569 : memref<16x80xf32, #tpu.memory_space<vmem_shared>>)
    %dma_wait3A_570 = arith.constant 0 : i32
    %dma_wait3A_571 = tpu.memref_slice %arg13[%mul3A_487, %dma_wait3A_570] : memref<10240x80xf32, #tpu.memory_space<vmem_shared>> -> memref<16x80xf32, #tpu.memory_space<vmem_shared>>
    %dma_wait3A_572 = arith.constant 0 : i32
    %dma_wait3A_573 = tpu.memref_slice %arg13[%mul3A_487, %dma_wait3A_572] : memref<10240x80xf32, #tpu.memory_space<vmem_shared>> -> memref<16x80xf32, #tpu.memory_space<vmem_shared>>
    tpu.wait_dma2 semaphore(%arg19 : memref<!tpu.dma_semaphore, #tpu.memory_space<semaphore_mem>>) src(%arg10 : memref<16x80xf32, #tpu.memory_space<vmem>>) dst(%dma_wait3A_573 : memref<16x80xf32, #tpu.memory_space<vmem_shared>>)
    %dma_wait3A_574 = arith.constant 0 : i32
    %dma_wait3A_575 = tpu.memref_slice %arg13[%mul3A_487, %dma_wait3A_574] : memref<10240x80xf32, #tpu.memory_space<vmem_shared>> -> memref<16x80xf32, #tpu.memory_space<vmem_shared>>
    %dma_wait3A_576 = arith.constant 0 : i32
    %dma_wait3A_577 = tpu.memref_slice %arg13[%mul3A_487, %dma_wait3A_576] : memref<10240x80xf32, #tpu.memory_space<vmem_shared>> -> memref<16x80xf32, #tpu.memory_space<vmem_shared>>
    tpu.wait_dma2 semaphore(%arg19 : memref<!tpu.dma_semaphore, #tpu.memory_space<semaphore_mem>>) src(%arg10 : memref<16x80xf32, #tpu.memory_space<vmem>>) dst(%dma_wait3A_577 : memref<16x80xf32, #tpu.memory_space<vmem_shared>>)
    %dma_wait3A_578 = arith.constant 0 : i32
    %dma_wait3A_579 = tpu.memref_slice %arg13[%mul3A_487, %dma_wait3A_578] : memref<10240x80xf32, #tpu.memory_space<vmem_shared>> -> memref<16x80xf32, #tpu.memory_space<vmem_shared>>
    %dma_wait3A_580 = arith.constant 0 : i32
    %dma_wait3A_581 = tpu.memref_slice %arg13[%mul3A_487, %dma_wait3A_580] : memref<10240x80xf32, #tpu.memory_space<vmem_shared>> -> memref<16x80xf32, #tpu.memory_space<vmem_shared>>
    tpu.wait_dma2 semaphore(%arg19 : memref<!tpu.dma_semaphore, #tpu.memory_space<semaphore_mem>>) src(%arg10 : memref<16x80xf32, #tpu.memory_space<vmem>>) dst(%dma_wait3A_581 : memref<16x80xf32, #tpu.memory_space<vmem_shared>>)
    %dma_wait3A_582 = arith.constant 0 : i32
    %dma_wait3A_583 = tpu.memref_slice %arg13[%mul3A_487, %dma_wait3A_582] : memref<10240x80xf32, #tpu.memory_space<vmem_shared>> -> memref<16x80xf32, #tpu.memory_space<vmem_shared>>
    %dma_wait3A_584 = arith.constant 0 : i32
    %dma_wait3A_585 = tpu.memref_slice %arg13[%mul3A_487, %dma_wait3A_584] : memref<10240x80xf32, #tpu.memory_space<vmem_shared>> -> memref<16x80xf32, #tpu.memory_space<vmem_shared>>
    tpu.wait_dma2 semaphore(%arg19 : memref<!tpu.dma_semaphore, #tpu.memory_space<semaphore_mem>>) src(%arg10 : memref<16x80xf32, #tpu.memory_space<vmem>>) dst(%dma_wait3A_585 : memref<16x80xf32, #tpu.memory_space<vmem_shared>>)
    %dma_wait3A_586 = arith.constant 0 : i32
    %dma_wait3A_587 = tpu.memref_slice %arg13[%mul3A_487, %dma_wait3A_586] : memref<10240x80xf32, #tpu.memory_space<vmem_shared>> -> memref<16x80xf32, #tpu.memory_space<vmem_shared>>
    %dma_wait3A_588 = arith.constant 0 : i32
    %dma_wait3A_589 = tpu.memref_slice %arg13[%mul3A_487, %dma_wait3A_588] : memref<10240x80xf32, #tpu.memory_space<vmem_shared>> -> memref<16x80xf32, #tpu.memory_space<vmem_shared>>
    tpu.wait_dma2 semaphore(%arg19 : memref<!tpu.dma_semaphore, #tpu.memory_space<semaphore_mem>>) src(%arg10 : memref<16x80xf32, #tpu.memory_space<vmem>>) dst(%dma_wait3A_589 : memref<16x80xf32, #tpu.memory_space<vmem_shared>>)
    %dma_wait3A_590 = arith.constant 0 : i32
    %dma_wait3A_591 = tpu.memref_slice %arg13[%mul3A_487, %dma_wait3A_590] : memref<10240x80xf32, #tpu.memory_space<vmem_shared>> -> memref<16x80xf32, #tpu.memory_space<vmem_shared>>
    %dma_wait3A_592 = arith.constant 0 : i32
    %dma_wait3A_593 = tpu.memref_slice %arg13[%mul3A_487, %dma_wait3A_592] : memref<10240x80xf32, #tpu.memory_space<vmem_shared>> -> memref<16x80xf32, #tpu.memory_space<vmem_shared>>
    tpu.wait_dma2 semaphore(%arg19 : memref<!tpu.dma_semaphore, #tpu.memory_space<semaphore_mem>>) src(%arg10 : memref<16x80xf32, #tpu.memory_space<vmem>>) dst(%dma_wait3A_593 : memref<16x80xf32, #tpu.memory_space<vmem_shared>>)
    %dma_wait3A_594 = arith.constant 0 : i32
    %dma_wait3A_595 = tpu.memref_slice %arg13[%mul3A_487, %dma_wait3A_594] : memref<10240x80xf32, #tpu.memory_space<vmem_shared>> -> memref<16x80xf32, #tpu.memory_space<vmem_shared>>
    %dma_wait3A_596 = arith.constant 0 : i32
    %dma_wait3A_597 = tpu.memref_slice %arg13[%mul3A_487, %dma_wait3A_596] : memref<10240x80xf32, #tpu.memory_space<vmem_shared>> -> memref<16x80xf32, #tpu.memory_space<vmem_shared>>
    tpu.wait_dma2 semaphore(%arg19 : memref<!tpu.dma_semaphore, #tpu.memory_space<semaphore_mem>>) src(%arg10 : memref<16x80xf32, #tpu.memory_space<vmem>>) dst(%dma_wait3A_597 : memref<16x80xf32, #tpu.memory_space<vmem_shared>>)
    %dma_wait3A_598 = arith.constant 0 : i32
    %dma_wait3A_599 = tpu.memref_slice %arg13[%mul3A_487, %dma_wait3A_598] : memref<10240x80xf32, #tpu.memory_space<vmem_shared>> -> memref<16x80xf32, #tpu.memory_space<vmem_shared>>
    %dma_wait3A_600 = arith.constant 0 : i32
    %dma_wait3A_601 = tpu.memref_slice %arg13[%mul3A_487, %dma_wait3A_600] : memref<10240x80xf32, #tpu.memory_space<vmem_shared>> -> memref<16x80xf32, #tpu.memory_space<vmem_shared>>
    tpu.wait_dma2 semaphore(%arg19 : memref<!tpu.dma_semaphore, #tpu.memory_space<semaphore_mem>>) src(%arg10 : memref<16x80xf32, #tpu.memory_space<vmem>>) dst(%dma_wait3A_601 : memref<16x80xf32, #tpu.memory_space<vmem_shared>>)
    %dma_wait3A_602 = arith.constant 0 : i32
    %dma_wait3A_603 = tpu.memref_slice %arg13[%mul3A_487, %dma_wait3A_602] : memref<10240x80xf32, #tpu.memory_space<vmem_shared>> -> memref<16x80xf32, #tpu.memory_space<vmem_shared>>
    %dma_wait3A_604 = arith.constant 0 : i32
    %dma_wait3A_605 = tpu.memref_slice %arg13[%mul3A_487, %dma_wait3A_604] : memref<10240x80xf32, #tpu.memory_space<vmem_shared>> -> memref<16x80xf32, #tpu.memory_space<vmem_shared>>
    tpu.wait_dma2 semaphore(%arg19 : memref<!tpu.dma_semaphore, #tpu.memory_space<semaphore_mem>>) src(%arg10 : memref<16x80xf32, #tpu.memory_space<vmem>>) dst(%dma_wait3A_605 : memref<16x80xf32, #tpu.memory_space<vmem_shared>>)
    %dma_wait3A_606 = arith.constant 0 : i32
    %dma_wait3A_607 = tpu.memref_slice %arg13[%mul3A_487, %dma_wait3A_606] : memref<10240x80xf32, #tpu.memory_space<vmem_shared>> -> memref<16x80xf32, #tpu.memory_space<vmem_shared>>
    %dma_wait3A_608 = arith.constant 0 : i32
    %dma_wait3A_609 = tpu.memref_slice %arg13[%mul3A_487, %dma_wait3A_608] : memref<10240x80xf32, #tpu.memory_space<vmem_shared>> -> memref<16x80xf32, #tpu.memory_space<vmem_shared>>
    tpu.wait_dma2 semaphore(%arg19 : memref<!tpu.dma_semaphore, #tpu.memory_space<semaphore_mem>>) src(%arg10 : memref<16x80xf32, #tpu.memory_space<vmem>>) dst(%dma_wait3A_609 : memref<16x80xf32, #tpu.memory_space<vmem_shared>>)
    %dma_wait3A_610 = arith.constant 0 : i32
    %dma_wait3A_611 = tpu.memref_slice %arg13[%mul3A_487, %dma_wait3A_610] : memref<10240x80xf32, #tpu.memory_space<vmem_shared>> -> memref<16x80xf32, #tpu.memory_space<vmem_shared>>
    %dma_wait3A_612 = arith.constant 0 : i32
    %dma_wait3A_613 = tpu.memref_slice %arg13[%mul3A_487, %dma_wait3A_612] : memref<10240x80xf32, #tpu.memory_space<vmem_shared>> -> memref<16x80xf32, #tpu.memory_space<vmem_shared>>
    tpu.wait_dma2 semaphore(%arg19 : memref<!tpu.dma_semaphore, #tpu.memory_space<semaphore_mem>>) src(%arg10 : memref<16x80xf32, #tpu.memory_space<vmem>>) dst(%dma_wait3A_613 : memref<16x80xf32, #tpu.memory_space<vmem_shared>>)
    %dma_wait3A_614 = arith.constant 0 : i32
    %dma_wait3A_615 = tpu.memref_slice %arg13[%mul3A_487, %dma_wait3A_614] : memref<10240x80xf32, #tpu.memory_space<vmem_shared>> -> memref<16x80xf32, #tpu.memory_space<vmem_shared>>
    %dma_wait3A_616 = arith.constant 0 : i32
    %dma_wait3A_617 = tpu.memref_slice %arg13[%mul3A_487, %dma_wait3A_616] : memref<10240x80xf32, #tpu.memory_space<vmem_shared>> -> memref<16x80xf32, #tpu.memory_space<vmem_shared>>
    tpu.wait_dma2 semaphore(%arg19 : memref<!tpu.dma_semaphore, #tpu.memory_space<semaphore_mem>>) src(%arg10 : memref<16x80xf32, #tpu.memory_space<vmem>>) dst(%dma_wait3A_617 : memref<16x80xf32, #tpu.memory_space<vmem_shared>>)
    %dma_wait3A_618 = arith.constant 0 : i32
    %dma_wait3A_619 = tpu.memref_slice %arg13[%mul3A_487, %dma_wait3A_618] : memref<10240x80xf32, #tpu.memory_space<vmem_shared>> -> memref<16x80xf32, #tpu.memory_space<vmem_shared>>
    %dma_wait3A_620 = arith.constant 0 : i32
    %dma_wait3A_621 = tpu.memref_slice %arg13[%mul3A_487, %dma_wait3A_620] : memref<10240x80xf32, #tpu.memory_space<vmem_shared>> -> memref<16x80xf32, #tpu.memory_space<vmem_shared>>
    tpu.wait_dma2 semaphore(%arg19 : memref<!tpu.dma_semaphore, #tpu.memory_space<semaphore_mem>>) src(%arg10 : memref<16x80xf32, #tpu.memory_space<vmem>>) dst(%dma_wait3A_621 : memref<16x80xf32, #tpu.memory_space<vmem_shared>>)
    %dma_wait3A_622 = arith.constant 0 : i32
    %dma_wait3A_623 = tpu.memref_slice %arg13[%mul3A_487, %dma_wait3A_622] : memref<10240x80xf32, #tpu.memory_space<vmem_shared>> -> memref<16x80xf32, #tpu.memory_space<vmem_shared>>
    %dma_wait3A_624 = arith.constant 0 : i32
    %dma_wait3A_625 = tpu.memref_slice %arg13[%mul3A_487, %dma_wait3A_624] : memref<10240x80xf32, #tpu.memory_space<vmem_shared>> -> memref<16x80xf32, #tpu.memory_space<vmem_shared>>
    tpu.wait_dma2 semaphore(%arg19 : memref<!tpu.dma_semaphore, #tpu.memory_space<semaphore_mem>>) src(%arg10 : memref<16x80xf32, #tpu.memory_space<vmem>>) dst(%dma_wait3A_625 : memref<16x80xf32, #tpu.memory_space<vmem_shared>>)
    %dma_wait3A_626 = arith.constant 0 : i32
    %dma_wait3A_627 = tpu.memref_slice %arg13[%mul3A_487, %dma_wait3A_626] : memref<10240x80xf32, #tpu.memory_space<vmem_shared>> -> memref<16x80xf32, #tpu.memory_space<vmem_shared>>
    %dma_wait3A_628 = arith.constant 0 : i32
    %dma_wait3A_629 = tpu.memref_slice %arg13[%mul3A_487, %dma_wait3A_628] : memref<10240x80xf32, #tpu.memory_space<vmem_shared>> -> memref<16x80xf32, #tpu.memory_space<vmem_shared>>
    tpu.wait_dma2 semaphore(%arg19 : memref<!tpu.dma_semaphore, #tpu.memory_space<semaphore_mem>>) src(%arg10 : memref<16x80xf32, #tpu.memory_space<vmem>>) dst(%dma_wait3A_629 : memref<16x80xf32, #tpu.memory_space<vmem_shared>>)
    %dma_wait3A_630 = arith.constant 0 : i32
    %dma_wait3A_631 = tpu.memref_slice %arg13[%mul3A_487, %dma_wait3A_630] : memref<10240x80xf32, #tpu.memory_space<vmem_shared>> -> memref<16x80xf32, #tpu.memory_space<vmem_shared>>
    %dma_wait3A_632 = arith.constant 0 : i32
    %dma_wait3A_633 = tpu.memref_slice %arg13[%mul3A_487, %dma_wait3A_632] : memref<10240x80xf32, #tpu.memory_space<vmem_shared>> -> memref<16x80xf32, #tpu.memory_space<vmem_shared>>
    tpu.wait_dma2 semaphore(%arg19 : memref<!tpu.dma_semaphore, #tpu.memory_space<semaphore_mem>>) src(%arg10 : memref<16x80xf32, #tpu.memory_space<vmem>>) dst(%dma_wait3A_633 : memref<16x80xf32, #tpu.memory_space<vmem_shared>>)
    %dma_wait3A_634 = arith.constant 0 : i32
    %dma_wait3A_635 = tpu.memref_slice %arg13[%mul3A_487, %dma_wait3A_634] : memref<10240x80xf32, #tpu.memory_space<vmem_shared>> -> memref<16x80xf32, #tpu.memory_space<vmem_shared>>
    %dma_wait3A_636 = arith.constant 0 : i32
    %dma_wait3A_637 = tpu.memref_slice %arg13[%mul3A_487, %dma_wait3A_636] : memref<10240x80xf32, #tpu.memory_space<vmem_shared>> -> memref<16x80xf32, #tpu.memory_space<vmem_shared>>
    tpu.wait_dma2 semaphore(%arg19 : memref<!tpu.dma_semaphore, #tpu.memory_space<semaphore_mem>>) src(%arg10 : memref<16x80xf32, #tpu.memory_space<vmem>>) dst(%dma_wait3A_637 : memref<16x80xf32, #tpu.memory_space<vmem_shared>>)
    %dma_wait3A_638 = arith.constant 0 : i32
    %dma_wait3A_639 = tpu.memref_slice %arg13[%mul3A_487, %dma_wait3A_638] : memref<10240x80xf32, #tpu.memory_space<vmem_shared>> -> memref<16x80xf32, #tpu.memory_space<vmem_shared>>
    %dma_wait3A_640 = arith.constant 0 : i32
    %dma_wait3A_641 = tpu.memref_slice %arg13[%mul3A_487, %dma_wait3A_640] : memref<10240x80xf32, #tpu.memory_space<vmem_shared>> -> memref<16x80xf32, #tpu.memory_space<vmem_shared>>
    tpu.wait_dma2 semaphore(%arg19 : memref<!tpu.dma_semaphore, #tpu.memory_space<semaphore_mem>>) src(%arg10 : memref<16x80xf32, #tpu.memory_space<vmem>>) dst(%dma_wait3A_641 : memref<16x80xf32, #tpu.memory_space<vmem_shared>>)
    %dma_wait3A_642 = arith.constant 0 : i32
    %dma_wait3A_643 = tpu.memref_slice %arg13[%mul3A_487, %dma_wait3A_642] : memref<10240x80xf32, #tpu.memory_space<vmem_shared>> -> memref<16x80xf32, #tpu.memory_space<vmem_shared>>
    %dma_wait3A_644 = arith.constant 0 : i32
    %dma_wait3A_645 = tpu.memref_slice %arg13[%mul3A_487, %dma_wait3A_644] : memref<10240x80xf32, #tpu.memory_space<vmem_shared>> -> memref<16x80xf32, #tpu.memory_space<vmem_shared>>
    tpu.wait_dma2 semaphore(%arg19 : memref<!tpu.dma_semaphore, #tpu.memory_space<semaphore_mem>>) src(%arg10 : memref<16x80xf32, #tpu.memory_space<vmem>>) dst(%dma_wait3A_645 : memref<16x80xf32, #tpu.memory_space<vmem_shared>>)
    %dma_wait3A_646 = arith.constant 0 : i32
    %dma_wait3A_647 = tpu.memref_slice %arg13[%mul3A_487, %dma_wait3A_646] : memref<10240x80xf32, #tpu.memory_space<vmem_shared>> -> memref<16x80xf32, #tpu.memory_space<vmem_shared>>
    %dma_wait3A_648 = arith.constant 0 : i32
    %dma_wait3A_649 = tpu.memref_slice %arg13[%mul3A_487, %dma_wait3A_648] : memref<10240x80xf32, #tpu.memory_space<vmem_shared>> -> memref<16x80xf32, #tpu.memory_space<vmem_shared>>
    tpu.wait_dma2 semaphore(%arg19 : memref<!tpu.dma_semaphore, #tpu.memory_space<semaphore_mem>>) src(%arg10 : memref<16x80xf32, #tpu.memory_space<vmem>>) dst(%dma_wait3A_649 : memref<16x80xf32, #tpu.memory_space<vmem_shared>>)
    %dma_wait3A_650 = arith.constant 0 : i32
    %dma_wait3A_651 = tpu.memref_slice %arg13[%mul3A_487, %dma_wait3A_650] : memref<10240x80xf32, #tpu.memory_space<vmem_shared>> -> memref<16x80xf32, #tpu.memory_space<vmem_shared>>
    %dma_wait3A_652 = arith.constant 0 : i32
    %dma_wait3A_653 = tpu.memref_slice %arg13[%mul3A_487, %dma_wait3A_652] : memref<10240x80xf32, #tpu.memory_space<vmem_shared>> -> memref<16x80xf32, #tpu.memory_space<vmem_shared>>
    tpu.wait_dma2 semaphore(%arg19 : memref<!tpu.dma_semaphore, #tpu.memory_space<semaphore_mem>>) src(%arg10 : memref<16x80xf32, #tpu.memory_space<vmem>>) dst(%dma_wait3A_653 : memref<16x80xf32, #tpu.memory_space<vmem_shared>>)
    %barrier3A = arith.constant 0 : index
    tpu.barrier barrier_id(%barrier3A)
    %mul3A_654 = arith.constant 20000 : i32
    %mul3A_655 = arith.muli %arg1, %mul3A_654 : i32
    %add3A = arith.constant 0 : i32
    %add3A_656 = arith.addi %mul3A_655, %add3A : i32
    %multiple_of3A = tpu.assume_multiple %add3A_656, 8 : i32
    %dma_start3A = arith.constant 0 : i32
    %dma_start3A_657 = arith.constant 0 : i32
    %dma_start3A_658 = arith.constant 0 : i32
    %dma_start3A_659 = tpu.memref_slice %arg7[%dma_start3A, %dma_start3A_657, %dma_start3A_658] : memref<2x5x80xi32, #tpu.memory_space<vmem>> -> memref<1x1x80xi32, #tpu.memory_space<vmem>>
    %dma_start3A_660 = tpu.memref_squeeze %dma_start3A_659 : memref<1x1x80xi32, #tpu.memory_space<vmem>> -> memref<80xi32, #tpu.memory_space<vmem>>
    %dma_start3A_661 = tpu.memref_slice %arg3[%multiple_of3A] : memref<320000xi32, #tpu.memory_space<hbm>> -> memref<80xi32, #tpu.memory_space<hbm>>
    %dma_start3A_662 = arith.constant 0 : i32
    %dma_start3A_663 = tpu.memref_slice %arg7[%dma_start3A, %dma_start3A_657, %dma_start3A_662] : memref<2x5x80xi32, #tpu.memory_space<vmem>> -> memref<1x1x80xi32, #tpu.memory_space<vmem>>
    %dma_start3A_664 = tpu.memref_squeeze %dma_start3A_663 : memref<1x1x80xi32, #tpu.memory_space<vmem>> -> memref<80xi32, #tpu.memory_space<vmem>>
    %dma_start3A_665 = tpu.memref_slice %arg3[%multiple_of3A] : memref<320000xi32, #tpu.memory_space<hbm>> -> memref<80xi32, #tpu.memory_space<hbm>>
    tpu.enqueue_dma source(%dma_start3A_665 : memref<80xi32, #tpu.memory_space<hbm>>) target(%dma_start3A_664 : memref<80xi32, #tpu.memory_space<vmem>>) target_semaphore(%arg15 : memref<!tpu.dma_semaphore, #tpu.memory_space<semaphore_mem>>)
    %add3A_666 = arith.constant 80 : i32
    %add3A_667 = arith.addi %mul3A_655, %add3A_666 : i32
    %multiple_of3A_668 = tpu.assume_multiple %add3A_667, 8 : i32
    %dma_start3A_669 = arith.constant 0 : i32
    %dma_start3A_670 = arith.constant 1 : i32
    %dma_start3A_671 = arith.constant 0 : i32
    %dma_start3A_672 = tpu.memref_slice %arg7[%dma_start3A_669, %dma_start3A_670, %dma_start3A_671] : memref<2x5x80xi32, #tpu.memory_space<vmem>> -> memref<1x1x80xi32, #tpu.memory_space<vmem>>
    %dma_start3A_673 = tpu.memref_squeeze %dma_start3A_672 : memref<1x1x80xi32, #tpu.memory_space<vmem>> -> memref<80xi32, #tpu.memory_space<vmem>>
    %dma_start3A_674 = tpu.memref_slice %arg3[%multiple_of3A_668] : memref<320000xi32, #tpu.memory_space<hbm>> -> memref<80xi32, #tpu.memory_space<hbm>>
    %dma_start3A_675 = arith.constant 0 : i32
    %dma_start3A_676 = tpu.memref_slice %arg7[%dma_start3A_669, %dma_start3A_670, %dma_start3A_675] : memref<2x5x80xi32, #tpu.memory_space<vmem>> -> memref<1x1x80xi32, #tpu.memory_space<vmem>>
    %dma_start3A_677 = tpu.memref_squeeze %dma_start3A_676 : memref<1x1x80xi32, #tpu.memory_space<vmem>> -> memref<80xi32, #tpu.memory_space<vmem>>
    %dma_start3A_678 = tpu.memref_slice %arg3[%multiple_of3A_668] : memref<320000xi32, #tpu.memory_space<hbm>> -> memref<80xi32, #tpu.memory_space<hbm>>
    tpu.enqueue_dma source(%dma_start3A_678 : memref<80xi32, #tpu.memory_space<hbm>>) target(%dma_start3A_677 : memref<80xi32, #tpu.memory_space<vmem>>) target_semaphore(%arg15 : memref<!tpu.dma_semaphore, #tpu.memory_space<semaphore_mem>>)
    %add3A_679 = arith.constant 160 : i32
    %add3A_680 = arith.addi %mul3A_655, %add3A_679 : i32
    %multiple_of3A_681 = tpu.assume_multiple %add3A_680, 8 : i32
    %dma_start3A_682 = arith.constant 0 : i32
    %dma_start3A_683 = arith.constant 2 : i32
    %dma_start3A_684 = arith.constant 0 : i32
    %dma_start3A_685 = tpu.memref_slice %arg7[%dma_start3A_682, %dma_start3A_683, %dma_start3A_684] : memref<2x5x80xi32, #tpu.memory_space<vmem>> -> memref<1x1x80xi32, #tpu.memory_space<vmem>>
    %dma_start3A_686 = tpu.memref_squeeze %dma_start3A_685 : memref<1x1x80xi32, #tpu.memory_space<vmem>> -> memref<80xi32, #tpu.memory_space<vmem>>
    %dma_start3A_687 = tpu.memref_slice %arg3[%multiple_of3A_681] : memref<320000xi32, #tpu.memory_space<hbm>> -> memref<80xi32, #tpu.memory_space<hbm>>
    %dma_start3A_688 = arith.constant 0 : i32
    %dma_start3A_689 = tpu.memref_slice %arg7[%dma_start3A_682, %dma_start3A_683, %dma_start3A_688] : memref<2x5x80xi32, #tpu.memory_space<vmem>> -> memref<1x1x80xi32, #tpu.memory_space<vmem>>
    %dma_start3A_690 = tpu.memref_squeeze %dma_start3A_689 : memref<1x1x80xi32, #tpu.memory_space<vmem>> -> memref<80xi32, #tpu.memory_space<vmem>>
    %dma_start3A_691 = tpu.memref_slice %arg3[%multiple_of3A_681] : memref<320000xi32, #tpu.memory_space<hbm>> -> memref<80xi32, #tpu.memory_space<hbm>>
    tpu.enqueue_dma source(%dma_start3A_691 : memref<80xi32, #tpu.memory_space<hbm>>) target(%dma_start3A_690 : memref<80xi32, #tpu.memory_space<vmem>>) target_semaphore(%arg15 : memref<!tpu.dma_semaphore, #tpu.memory_space<semaphore_mem>>)
    %add3A_692 = arith.constant 240 : i32
    %add3A_693 = arith.addi %mul3A_655, %add3A_692 : i32
    %multiple_of3A_694 = tpu.assume_multiple %add3A_693, 8 : i32
    %dma_start3A_695 = arith.constant 0 : i32
    %dma_start3A_696 = arith.constant 3 : i32
    %dma_start3A_697 = arith.constant 0 : i32
    %dma_start3A_698 = tpu.memref_slice %arg7[%dma_start3A_695, %dma_start3A_696, %dma_start3A_697] : memref<2x5x80xi32, #tpu.memory_space<vmem>> -> memref<1x1x80xi32, #tpu.memory_space<vmem>>
    %dma_start3A_699 = tpu.memref_squeeze %dma_start3A_698 : memref<1x1x80xi32, #tpu.memory_space<vmem>> -> memref<80xi32, #tpu.memory_space<vmem>>
    %dma_start3A_700 = tpu.memref_slice %arg3[%multiple_of3A_694] : memref<320000xi32, #tpu.memory_space<hbm>> -> memref<80xi32, #tpu.memory_space<hbm>>
    %dma_start3A_701 = arith.constant 0 : i32
    %dma_start3A_702 = tpu.memref_slice %arg7[%dma_start3A_695, %dma_start3A_696, %dma_start3A_701] : memref<2x5x80xi32, #tpu.memory_space<vmem>> -> memref<1x1x80xi32, #tpu.memory_space<vmem>>
    %dma_start3A_703 = tpu.memref_squeeze %dma_start3A_702 : memref<1x1x80xi32, #tpu.memory_space<vmem>> -> memref<80xi32, #tpu.memory_space<vmem>>
    %dma_start3A_704 = tpu.memref_slice %arg3[%multiple_of3A_694] : memref<320000xi32, #tpu.memory_space<hbm>> -> memref<80xi32, #tpu.memory_space<hbm>>
    tpu.enqueue_dma source(%dma_start3A_704 : memref<80xi32, #tpu.memory_space<hbm>>) target(%dma_start3A_703 : memref<80xi32, #tpu.memory_space<vmem>>) target_semaphore(%arg15 : memref<!tpu.dma_semaphore, #tpu.memory_space<semaphore_mem>>)
    %add3A_705 = arith.constant 320 : i32
    %add3A_706 = arith.addi %mul3A_655, %add3A_705 : i32
    %multiple_of3A_707 = tpu.assume_multiple %add3A_706, 8 : i32
    %dma_start3A_708 = arith.constant 0 : i32
    %dma_start3A_709 = arith.constant 4 : i32
    %dma_start3A_710 = arith.constant 0 : i32
    %dma_start3A_711 = tpu.memref_slice %arg7[%dma_start3A_708, %dma_start3A_709, %dma_start3A_710] : memref<2x5x80xi32, #tpu.memory_space<vmem>> -> memref<1x1x80xi32, #tpu.memory_space<vmem>>
    %dma_start3A_712 = tpu.memref_squeeze %dma_start3A_711 : memref<1x1x80xi32, #tpu.memory_space<vmem>> -> memref<80xi32, #tpu.memory_space<vmem>>
    %dma_start3A_713 = tpu.memref_slice %arg3[%multiple_of3A_707] : memref<320000xi32, #tpu.memory_space<hbm>> -> memref<80xi32, #tpu.memory_space<hbm>>
    %dma_start3A_714 = arith.constant 0 : i32
    %dma_start3A_715 = tpu.memref_slice %arg7[%dma_start3A_708, %dma_start3A_709, %dma_start3A_714] : memref<2x5x80xi32, #tpu.memory_space<vmem>> -> memref<1x1x80xi32, #tpu.memory_space<vmem>>
    %dma_start3A_716 = tpu.memref_squeeze %dma_start3A_715 : memref<1x1x80xi32, #tpu.memory_space<vmem>> -> memref<80xi32, #tpu.memory_space<vmem>>
    %dma_start3A_717 = tpu.memref_slice %arg3[%multiple_of3A_707] : memref<320000xi32, #tpu.memory_space<hbm>> -> memref<80xi32, #tpu.memory_space<hbm>>
    tpu.enqueue_dma source(%dma_start3A_717 : memref<80xi32, #tpu.memory_space<hbm>>) target(%dma_start3A_716 : memref<80xi32, #tpu.memory_space<vmem>>) target_semaphore(%arg15 : memref<!tpu.dma_semaphore, #tpu.memory_space<semaphore_mem>>)
    %add3A_718 = arith.constant 400 : i32
    %add3A_719 = arith.addi %mul3A_655, %add3A_718 : i32
    %multiple_of3A_720 = tpu.assume_multiple %add3A_719, 8 : i32
    %dma_start3A_721 = arith.constant 1 : i32
    %dma_start3A_722 = arith.constant 0 : i32
    %dma_start3A_723 = arith.constant 0 : i32
    %dma_start3A_724 = tpu.memref_slice %arg7[%dma_start3A_721, %dma_start3A_722, %dma_start3A_723] : memref<2x5x80xi32, #tpu.memory_space<vmem>> -> memref<1x1x80xi32, #tpu.memory_space<vmem>>
    %dma_start3A_725 = tpu.memref_squeeze %dma_start3A_724 : memref<1x1x80xi32, #tpu.memory_space<vmem>> -> memref<80xi32, #tpu.memory_space<vmem>>
    %dma_start3A_726 = tpu.memref_slice %arg3[%multiple_of3A_720] : memref<320000xi32, #tpu.memory_space<hbm>> -> memref<80xi32, #tpu.memory_space<hbm>>
    %dma_start3A_727 = arith.constant 0 : i32
    %dma_start3A_728 = tpu.memref_slice %arg7[%dma_start3A_721, %dma_start3A_722, %dma_start3A_727] : memref<2x5x80xi32, #tpu.memory_space<vmem>> -> memref<1x1x80xi32, #tpu.memory_space<vmem>>
    %dma_start3A_729 = tpu.memref_squeeze %dma_start3A_728 : memref<1x1x80xi32, #tpu.memory_space<vmem>> -> memref<80xi32, #tpu.memory_space<vmem>>
    %dma_start3A_730 = tpu.memref_slice %arg3[%multiple_of3A_720] : memref<320000xi32, #tpu.memory_space<hbm>> -> memref<80xi32, #tpu.memory_space<hbm>>
    tpu.enqueue_dma source(%dma_start3A_730 : memref<80xi32, #tpu.memory_space<hbm>>) target(%dma_start3A_729 : memref<80xi32, #tpu.memory_space<vmem>>) target_semaphore(%arg16 : memref<!tpu.dma_semaphore, #tpu.memory_space<semaphore_mem>>)
    %add3A_731 = arith.constant 480 : i32
    %add3A_732 = arith.addi %mul3A_655, %add3A_731 : i32
    %multiple_of3A_733 = tpu.assume_multiple %add3A_732, 8 : i32
    %dma_start3A_734 = arith.constant 1 : i32
    %dma_start3A_735 = arith.constant 1 : i32
    %dma_start3A_736 = arith.constant 0 : i32
    %dma_start3A_737 = tpu.memref_slice %arg7[%dma_start3A_734, %dma_start3A_735, %dma_start3A_736] : memref<2x5x80xi32, #tpu.memory_space<vmem>> -> memref<1x1x80xi32, #tpu.memory_space<vmem>>
    %dma_start3A_738 = tpu.memref_squeeze %dma_start3A_737 : memref<1x1x80xi32, #tpu.memory_space<vmem>> -> memref<80xi32, #tpu.memory_space<vmem>>
    %dma_start3A_739 = tpu.memref_slice %arg3[%multiple_of3A_733] : memref<320000xi32, #tpu.memory_space<hbm>> -> memref<80xi32, #tpu.memory_space<hbm>>
    %dma_start3A_740 = arith.constant 0 : i32
    %dma_start3A_741 = tpu.memref_slice %arg7[%dma_start3A_734, %dma_start3A_735, %dma_start3A_740] : memref<2x5x80xi32, #tpu.memory_space<vmem>> -> memref<1x1x80xi32, #tpu.memory_space<vmem>>
    %dma_start3A_742 = tpu.memref_squeeze %dma_start3A_741 : memref<1x1x80xi32, #tpu.memory_space<vmem>> -> memref<80xi32, #tpu.memory_space<vmem>>
    %dma_start3A_743 = tpu.memref_slice %arg3[%multiple_of3A_733] : memref<320000xi32, #tpu.memory_space<hbm>> -> memref<80xi32, #tpu.memory_space<hbm>>
    tpu.enqueue_dma source(%dma_start3A_743 : memref<80xi32, #tpu.memory_space<hbm>>) target(%dma_start3A_742 : memref<80xi32, #tpu.memory_space<vmem>>) target_semaphore(%arg16 : memref<!tpu.dma_semaphore, #tpu.memory_space<semaphore_mem>>)
    %add3A_744 = arith.constant 560 : i32
    %add3A_745 = arith.addi %mul3A_655, %add3A_744 : i32
    %multiple_of3A_746 = tpu.assume_multiple %add3A_745, 8 : i32
    %dma_start3A_747 = arith.constant 1 : i32
    %dma_start3A_748 = arith.constant 2 : i32
    %dma_start3A_749 = arith.constant 0 : i32
    %dma_start3A_750 = tpu.memref_slice %arg7[%dma_start3A_747, %dma_start3A_748, %dma_start3A_749] : memref<2x5x80xi32, #tpu.memory_space<vmem>> -> memref<1x1x80xi32, #tpu.memory_space<vmem>>
    %dma_start3A_751 = tpu.memref_squeeze %dma_start3A_750 : memref<1x1x80xi32, #tpu.memory_space<vmem>> -> memref<80xi32, #tpu.memory_space<vmem>>
    %dma_start3A_752 = tpu.memref_slice %arg3[%multiple_of3A_746] : memref<320000xi32, #tpu.memory_space<hbm>> -> memref<80xi32, #tpu.memory_space<hbm>>
    %dma_start3A_753 = arith.constant 0 : i32
    %dma_start3A_754 = tpu.memref_slice %arg7[%dma_start3A_747, %dma_start3A_748, %dma_start3A_753] : memref<2x5x80xi32, #tpu.memory_space<vmem>> -> memref<1x1x80xi32, #tpu.memory_space<vmem>>
    %dma_start3A_755 = tpu.memref_squeeze %dma_start3A_754 : memref<1x1x80xi32, #tpu.memory_space<vmem>> -> memref<80xi32, #tpu.memory_space<vmem>>
    %dma_start3A_756 = tpu.memref_slice %arg3[%multiple_of3A_746] : memref<320000xi32, #tpu.memory_space<hbm>> -> memref<80xi32, #tpu.memory_space<hbm>>
    tpu.enqueue_dma source(%dma_start3A_756 : memref<80xi32, #tpu.memory_space<hbm>>) target(%dma_start3A_755 : memref<80xi32, #tpu.memory_space<vmem>>) target_semaphore(%arg16 : memref<!tpu.dma_semaphore, #tpu.memory_space<semaphore_mem>>)
    %add3A_757 = arith.constant 640 : i32
    %add3A_758 = arith.addi %mul3A_655, %add3A_757 : i32
    %multiple_of3A_759 = tpu.assume_multiple %add3A_758, 8 : i32
    %dma_start3A_760 = arith.constant 1 : i32
    %dma_start3A_761 = arith.constant 3 : i32
    %dma_start3A_762 = arith.constant 0 : i32
    %dma_start3A_763 = tpu.memref_slice %arg7[%dma_start3A_760, %dma_start3A_761, %dma_start3A_762] : memref<2x5x80xi32, #tpu.memory_space<vmem>> -> memref<1x1x80xi32, #tpu.memory_space<vmem>>
    %dma_start3A_764 = tpu.memref_squeeze %dma_start3A_763 : memref<1x1x80xi32, #tpu.memory_space<vmem>> -> memref<80xi32, #tpu.memory_space<vmem>>
    %dma_start3A_765 = tpu.memref_slice %arg3[%multiple_of3A_759] : memref<320000xi32, #tpu.memory_space<hbm>> -> memref<80xi32, #tpu.memory_space<hbm>>
    %dma_start3A_766 = arith.constant 0 : i32
    %dma_start3A_767 = tpu.memref_slice %arg7[%dma_start3A_760, %dma_start3A_761, %dma_start3A_766] : memref<2x5x80xi32, #tpu.memory_space<vmem>> -> memref<1x1x80xi32, #tpu.memory_space<vmem>>
    %dma_start3A_768 = tpu.memref_squeeze %dma_start3A_767 : memref<1x1x80xi32, #tpu.memory_space<vmem>> -> memref<80xi32, #tpu.memory_space<vmem>>
    %dma_start3A_769 = tpu.memref_slice %arg3[%multiple_of3A_759] : memref<320000xi32, #tpu.memory_space<hbm>> -> memref<80xi32, #tpu.memory_space<hbm>>
    tpu.enqueue_dma source(%dma_start3A_769 : memref<80xi32, #tpu.memory_space<hbm>>) target(%dma_start3A_768 : memref<80xi32, #tpu.memory_space<vmem>>) target_semaphore(%arg16 : memref<!tpu.dma_semaphore, #tpu.memory_space<semaphore_mem>>)
    %add3A_770 = arith.constant 720 : i32
    %add3A_771 = arith.addi %mul3A_655, %add3A_770 : i32
    %multiple_of3A_772 = tpu.assume_multiple %add3A_771, 8 : i32
    %dma_start3A_773 = arith.constant 1 : i32
    %dma_start3A_774 = arith.constant 4 : i32
    %dma_start3A_775 = arith.constant 0 : i32
    %dma_start3A_776 = tpu.memref_slice %arg7[%dma_start3A_773, %dma_start3A_774, %dma_start3A_775] : memref<2x5x80xi32, #tpu.memory_space<vmem>> -> memref<1x1x80xi32, #tpu.memory_space<vmem>>
    %dma_start3A_777 = tpu.memref_squeeze %dma_start3A_776 : memref<1x1x80xi32, #tpu.memory_space<vmem>> -> memref<80xi32, #tpu.memory_space<vmem>>
    %dma_start3A_778 = tpu.memref_slice %arg3[%multiple_of3A_772] : memref<320000xi32, #tpu.memory_space<hbm>> -> memref<80xi32, #tpu.memory_space<hbm>>
    %dma_start3A_779 = arith.constant 0 : i32
    %dma_start3A_780 = tpu.memref_slice %arg7[%dma_start3A_773, %dma_start3A_774, %dma_start3A_779] : memref<2x5x80xi32, #tpu.memory_space<vmem>> -> memref<1x1x80xi32, #tpu.memory_space<vmem>>
    %dma_start3A_781 = tpu.memref_squeeze %dma_start3A_780 : memref<1x1x80xi32, #tpu.memory_space<vmem>> -> memref<80xi32, #tpu.memory_space<vmem>>
    %dma_start3A_782 = tpu.memref_slice %arg3[%multiple_of3A_772] : memref<320000xi32, #tpu.memory_space<hbm>> -> memref<80xi32, #tpu.memory_space<hbm>>
    tpu.enqueue_dma source(%dma_start3A_782 : memref<80xi32, #tpu.memory_space<hbm>>) target(%dma_start3A_781 : memref<80xi32, #tpu.memory_space<vmem>>) target_semaphore(%arg16 : memref<!tpu.dma_semaphore, #tpu.memory_space<semaphore_mem>>)
    %scan3A_783 = arith.constant 0 : i32
    %scan3A_784 = arith.constant 25 : i32
    %scan3A_785 = arith.addi %scan3A_783, %scan3A_784 : i32
    %scan3A_786 = arith.constant 1 : i32
    scf.for %scan3A_933 = %scan3A_783 to %scan3A_785 step %scan3A_786  : i32 {
      %mul3A_934 = arith.constant 2 : i32
      %mul3A_935 = arith.muli %scan3A_933, %mul3A_934 : i32
      %add3A_936 = arith.constant 0 : i32
      %add3A_937 = arith.addi %add3A_936, %mul3A_935 : i32
      %ge3A = arith.constant 2 : i32
      %ge3A_938 = arith.cmpi sge, %add3A_937, %ge3A : i32
      %convert_element_type3A = arith.extui %ge3A_938 : i1 to i32
      %cond3A = arith.constant 0 : i32
      %cond3A_939 = arith.cmpi ne, %convert_element_type3A, %cond3A : i32
      scf.if %cond3A_939 {
        %dma_wait3A_2447 = arith.constant 0 : i32
        %dma_wait3A_2448 = arith.constant 0 : i32
        %dma_wait3A_2449 = arith.constant 0 : i32
        %dma_wait3A_2450 = arith.constant 0 : i32
        %dma_wait3A_2451 = arith.constant 0 : i32
        %dma_wait3A_2452 = arith.constant 0 : i32
        %dma_wait3A_2453 = tpu.memref_slice %arg9[%dma_wait3A_2447, %dma_wait3A_2448, %dma_wait3A_2451, %dma_wait3A_2452] : memref<2x5x80x80xf32, #tpu.memory_space<vmem>> -> memref<1x1x80x80xf32, #tpu.memory_space<vmem>>
        %dma_wait3A_2454 = tpu.memref_squeeze %dma_wait3A_2453 : memref<1x1x80x80xf32, #tpu.memory_space<vmem>> -> memref<80x80xf32, #tpu.memory_space<vmem>>
        %dma_wait3A_2455 = arith.constant 0 : i32
        %dma_wait3A_2456 = tpu.memref_slice %arg8[%dma_wait3A_2449, %dma_wait3A_2450, %dma_wait3A_2455] : memref<2x5x80xi32, #tpu.memory_space<vmem>> -> memref<1x1x80xi32, #tpu.memory_space<vmem>>
        %dma_wait3A_2457 = tpu.memref_squeeze %dma_wait3A_2456 : memref<1x1x80xi32, #tpu.memory_space<vmem>> -> memref<80xi32, #tpu.memory_space<vmem>>
        %dma_wait3A_2458 = arith.constant 0 : i32
        %dma_wait3A_2459 = arith.constant 0 : i32
        %dma_wait3A_2460 = tpu.memref_slice %arg13[%dma_wait3A_2458, %dma_wait3A_2459] : memref<10240x80xf32, #tpu.memory_space<vmem_shared>> -> memref<10240x80xf32, #tpu.memory_space<vmem_shared>>
        tpu.wait_indirect_dma semaphore(%arg21 : memref<!tpu.dma_semaphore, #tpu.memory_space<semaphore_mem>>) src(%dma_wait3A_2454 : memref<80x80xf32, #tpu.memory_space<vmem>>) dst(%dma_wait3A_2460 : memref<10240x80xf32, #tpu.memory_space<vmem_shared>>)
        %dma_wait3A_2461 = arith.constant 0 : i32
        %dma_wait3A_2462 = arith.constant 1 : i32
        %dma_wait3A_2463 = arith.constant 0 : i32
        %dma_wait3A_2464 = arith.constant 1 : i32
        %dma_wait3A_2465 = arith.constant 0 : i32
        %dma_wait3A_2466 = arith.constant 0 : i32
        %dma_wait3A_2467 = tpu.memref_slice %arg9[%dma_wait3A_2461, %dma_wait3A_2462, %dma_wait3A_2465, %dma_wait3A_2466] : memref<2x5x80x80xf32, #tpu.memory_space<vmem>> -> memref<1x1x80x80xf32, #tpu.memory_space<vmem>>
        %dma_wait3A_2468 = tpu.memref_squeeze %dma_wait3A_2467 : memref<1x1x80x80xf32, #tpu.memory_space<vmem>> -> memref<80x80xf32, #tpu.memory_space<vmem>>
        %dma_wait3A_2469 = arith.constant 0 : i32
        %dma_wait3A_2470 = tpu.memref_slice %arg8[%dma_wait3A_2463, %dma_wait3A_2464, %dma_wait3A_2469] : memref<2x5x80xi32, #tpu.memory_space<vmem>> -> memref<1x1x80xi32, #tpu.memory_space<vmem>>
        %dma_wait3A_2471 = tpu.memref_squeeze %dma_wait3A_2470 : memref<1x1x80xi32, #tpu.memory_space<vmem>> -> memref<80xi32, #tpu.memory_space<vmem>>
        %dma_wait3A_2472 = arith.constant 0 : i32
        %dma_wait3A_2473 = arith.constant 0 : i32
        %dma_wait3A_2474 = tpu.memref_slice %arg13[%dma_wait3A_2472, %dma_wait3A_2473] : memref<10240x80xf32, #tpu.memory_space<vmem_shared>> -> memref<10240x80xf32, #tpu.memory_space<vmem_shared>>
        tpu.wait_indirect_dma semaphore(%arg21 : memref<!tpu.dma_semaphore, #tpu.memory_space<semaphore_mem>>) src(%dma_wait3A_2468 : memref<80x80xf32, #tpu.memory_space<vmem>>) dst(%dma_wait3A_2474 : memref<10240x80xf32, #tpu.memory_space<vmem_shared>>)
        %dma_wait3A_2475 = arith.constant 0 : i32
        %dma_wait3A_2476 = arith.constant 2 : i32
        %dma_wait3A_2477 = arith.constant 0 : i32
        %dma_wait3A_2478 = arith.constant 2 : i32
        %dma_wait3A_2479 = arith.constant 0 : i32
        %dma_wait3A_2480 = arith.constant 0 : i32
        %dma_wait3A_2481 = tpu.memref_slice %arg9[%dma_wait3A_2475, %dma_wait3A_2476, %dma_wait3A_2479, %dma_wait3A_2480] : memref<2x5x80x80xf32, #tpu.memory_space<vmem>> -> memref<1x1x80x80xf32, #tpu.memory_space<vmem>>
        %dma_wait3A_2482 = tpu.memref_squeeze %dma_wait3A_2481 : memref<1x1x80x80xf32, #tpu.memory_space<vmem>> -> memref<80x80xf32, #tpu.memory_space<vmem>>
        %dma_wait3A_2483 = arith.constant 0 : i32
        %dma_wait3A_2484 = tpu.memref_slice %arg8[%dma_wait3A_2477, %dma_wait3A_2478, %dma_wait3A_2483] : memref<2x5x80xi32, #tpu.memory_space<vmem>> -> memref<1x1x80xi32, #tpu.memory_space<vmem>>
        %dma_wait3A_2485 = tpu.memref_squeeze %dma_wait3A_2484 : memref<1x1x80xi32, #tpu.memory_space<vmem>> -> memref<80xi32, #tpu.memory_space<vmem>>
        %dma_wait3A_2486 = arith.constant 0 : i32
        %dma_wait3A_2487 = arith.constant 0 : i32
        %dma_wait3A_2488 = tpu.memref_slice %arg13[%dma_wait3A_2486, %dma_wait3A_2487] : memref<10240x80xf32, #tpu.memory_space<vmem_shared>> -> memref<10240x80xf32, #tpu.memory_space<vmem_shared>>
        tpu.wait_indirect_dma semaphore(%arg21 : memref<!tpu.dma_semaphore, #tpu.memory_space<semaphore_mem>>) src(%dma_wait3A_2482 : memref<80x80xf32, #tpu.memory_space<vmem>>) dst(%dma_wait3A_2488 : memref<10240x80xf32, #tpu.memory_space<vmem_shared>>)
        %dma_wait3A_2489 = arith.constant 0 : i32
        %dma_wait3A_2490 = arith.constant 3 : i32
        %dma_wait3A_2491 = arith.constant 0 : i32
        %dma_wait3A_2492 = arith.constant 3 : i32
        %dma_wait3A_2493 = arith.constant 0 : i32
        %dma_wait3A_2494 = arith.constant 0 : i32
        %dma_wait3A_2495 = tpu.memref_slice %arg9[%dma_wait3A_2489, %dma_wait3A_2490, %dma_wait3A_2493, %dma_wait3A_2494] : memref<2x5x80x80xf32, #tpu.memory_space<vmem>> -> memref<1x1x80x80xf32, #tpu.memory_space<vmem>>
        %dma_wait3A_2496 = tpu.memref_squeeze %dma_wait3A_2495 : memref<1x1x80x80xf32, #tpu.memory_space<vmem>> -> memref<80x80xf32, #tpu.memory_space<vmem>>
        %dma_wait3A_2497 = arith.constant 0 : i32
        %dma_wait3A_2498 = tpu.memref_slice %arg8[%dma_wait3A_2491, %dma_wait3A_2492, %dma_wait3A_2497] : memref<2x5x80xi32, #tpu.memory_space<vmem>> -> memref<1x1x80xi32, #tpu.memory_space<vmem>>
        %dma_wait3A_2499 = tpu.memref_squeeze %dma_wait3A_2498 : memref<1x1x80xi32, #tpu.memory_space<vmem>> -> memref<80xi32, #tpu.memory_space<vmem>>
        %dma_wait3A_2500 = arith.constant 0 : i32
        %dma_wait3A_2501 = arith.constant 0 : i32
        %dma_wait3A_2502 = tpu.memref_slice %arg13[%dma_wait3A_2500, %dma_wait3A_2501] : memref<10240x80xf32, #tpu.memory_space<vmem_shared>> -> memref<10240x80xf32, #tpu.memory_space<vmem_shared>>
        tpu.wait_indirect_dma semaphore(%arg21 : memref<!tpu.dma_semaphore, #tpu.memory_space<semaphore_mem>>) src(%dma_wait3A_2496 : memref<80x80xf32, #tpu.memory_space<vmem>>) dst(%dma_wait3A_2502 : memref<10240x80xf32, #tpu.memory_space<vmem_shared>>)
        %dma_wait3A_2503 = arith.constant 0 : i32
        %dma_wait3A_2504 = arith.constant 4 : i32
        %dma_wait3A_2505 = arith.constant 0 : i32
        %dma_wait3A_2506 = arith.constant 4 : i32
        %dma_wait3A_2507 = arith.constant 0 : i32
        %dma_wait3A_2508 = arith.constant 0 : i32
        %dma_wait3A_2509 = tpu.memref_slice %arg9[%dma_wait3A_2503, %dma_wait3A_2504, %dma_wait3A_2507, %dma_wait3A_2508] : memref<2x5x80x80xf32, #tpu.memory_space<vmem>> -> memref<1x1x80x80xf32, #tpu.memory_space<vmem>>
        %dma_wait3A_2510 = tpu.memref_squeeze %dma_wait3A_2509 : memref<1x1x80x80xf32, #tpu.memory_space<vmem>> -> memref<80x80xf32, #tpu.memory_space<vmem>>
        %dma_wait3A_2511 = arith.constant 0 : i32
        %dma_wait3A_2512 = tpu.memref_slice %arg8[%dma_wait3A_2505, %dma_wait3A_2506, %dma_wait3A_2511] : memref<2x5x80xi32, #tpu.memory_space<vmem>> -> memref<1x1x80xi32, #tpu.memory_space<vmem>>
        %dma_wait3A_2513 = tpu.memref_squeeze %dma_wait3A_2512 : memref<1x1x80xi32, #tpu.memory_space<vmem>> -> memref<80xi32, #tpu.memory_space<vmem>>
        %dma_wait3A_2514 = arith.constant 0 : i32
        %dma_wait3A_2515 = arith.constant 0 : i32
        %dma_wait3A_2516 = tpu.memref_slice %arg13[%dma_wait3A_2514, %dma_wait3A_2515] : memref<10240x80xf32, #tpu.memory_space<vmem_shared>> -> memref<10240x80xf32, #tpu.memory_space<vmem_shared>>
        tpu.wait_indirect_dma semaphore(%arg21 : memref<!tpu.dma_semaphore, #tpu.memory_space<semaphore_mem>>) src(%dma_wait3A_2510 : memref<80x80xf32, #tpu.memory_space<vmem>>) dst(%dma_wait3A_2516 : memref<10240x80xf32, #tpu.memory_space<vmem_shared>>)
      } else {
      }
      %add3A_940 = arith.constant 0 : i32
      %add3A_941 = arith.addi %add3A_937, %add3A_940 : i32
      %mul3A_942 = arith.constant 5 : i32
      %mul3A_943 = arith.muli %add3A_941, %mul3A_942 : i32
      %add3A_944 = arith.constant 0 : i32
      %add3A_945 = arith.addi %mul3A_943, %add3A_944 : i32
      %mul3A_946 = arith.constant 80 : i32
      %mul3A_947 = arith.muli %add3A_945, %mul3A_946 : i32
      %add3A_948 = arith.addi %mul3A_655, %mul3A_947 : i32
      %multiple_of3A_949 = tpu.assume_multiple %add3A_948, 8 : i32
      %dma_start3A_950 = arith.constant 0 : i32
      %dma_start3A_951 = arith.constant 0 : i32
      %dma_start3A_952 = arith.constant 0 : i32
      %dma_start3A_953 = tpu.memref_slice %arg8[%dma_start3A_950, %dma_start3A_951, %dma_start3A_952] : memref<2x5x80xi32, #tpu.memory_space<vmem>> -> memref<1x1x80xi32, #tpu.memory_space<vmem>>
      %dma_start3A_954 = tpu.memref_squeeze %dma_start3A_953 : memref<1x1x80xi32, #tpu.memory_space<vmem>> -> memref<80xi32, #tpu.memory_space<vmem>>
      %dma_start3A_955 = tpu.memref_slice %arg4[%multiple_of3A_949] : memref<320000xi32, #tpu.memory_space<hbm>> -> memref<80xi32, #tpu.memory_space<hbm>>
      %dma_start3A_956 = arith.constant 0 : i32
      %dma_start3A_957 = tpu.memref_slice %arg8[%dma_start3A_950, %dma_start3A_951, %dma_start3A_956] : memref<2x5x80xi32, #tpu.memory_space<vmem>> -> memref<1x1x80xi32, #tpu.memory_space<vmem>>
      %dma_start3A_958 = tpu.memref_squeeze %dma_start3A_957 : memref<1x1x80xi32, #tpu.memory_space<vmem>> -> memref<80xi32, #tpu.memory_space<vmem>>
      %dma_start3A_959 = tpu.memref_slice %arg4[%multiple_of3A_949] : memref<320000xi32, #tpu.memory_space<hbm>> -> memref<80xi32, #tpu.memory_space<hbm>>
      tpu.enqueue_dma source(%dma_start3A_959 : memref<80xi32, #tpu.memory_space<hbm>>) target(%dma_start3A_958 : memref<80xi32, #tpu.memory_space<vmem>>) target_semaphore(%arg17 : memref<!tpu.dma_semaphore, #tpu.memory_space<semaphore_mem>>)
      %mul3A_960 = arith.constant 5 : i32
      %mul3A_961 = arith.muli %add3A_941, %mul3A_960 : i32
      %add3A_962 = arith.constant 1 : i32
      %add3A_963 = arith.addi %mul3A_961, %add3A_962 : i32
      %mul3A_964 = arith.constant 80 : i32
      %mul3A_965 = arith.muli %add3A_963, %mul3A_964 : i32
      %add3A_966 = arith.addi %mul3A_655, %mul3A_965 : i32
      %multiple_of3A_967 = tpu.assume_multiple %add3A_966, 8 : i32
      %dma_start3A_968 = arith.constant 0 : i32
      %dma_start3A_969 = arith.constant 1 : i32
      %dma_start3A_970 = arith.constant 0 : i32
      %dma_start3A_971 = tpu.memref_slice %arg8[%dma_start3A_968, %dma_start3A_969, %dma_start3A_970] : memref<2x5x80xi32, #tpu.memory_space<vmem>> -> memref<1x1x80xi32, #tpu.memory_space<vmem>>
      %dma_start3A_972 = tpu.memref_squeeze %dma_start3A_971 : memref<1x1x80xi32, #tpu.memory_space<vmem>> -> memref<80xi32, #tpu.memory_space<vmem>>
      %dma_start3A_973 = tpu.memref_slice %arg4[%multiple_of3A_967] : memref<320000xi32, #tpu.memory_space<hbm>> -> memref<80xi32, #tpu.memory_space<hbm>>
      %dma_start3A_974 = arith.constant 0 : i32
      %dma_start3A_975 = tpu.memref_slice %arg8[%dma_start3A_968, %dma_start3A_969, %dma_start3A_974] : memref<2x5x80xi32, #tpu.memory_space<vmem>> -> memref<1x1x80xi32, #tpu.memory_space<vmem>>
      %dma_start3A_976 = tpu.memref_squeeze %dma_start3A_975 : memref<1x1x80xi32, #tpu.memory_space<vmem>> -> memref<80xi32, #tpu.memory_space<vmem>>
      %dma_start3A_977 = tpu.memref_slice %arg4[%multiple_of3A_967] : memref<320000xi32, #tpu.memory_space<hbm>> -> memref<80xi32, #tpu.memory_space<hbm>>
      tpu.enqueue_dma source(%dma_start3A_977 : memref<80xi32, #tpu.memory_space<hbm>>) target(%dma_start3A_976 : memref<80xi32, #tpu.memory_space<vmem>>) target_semaphore(%arg17 : memref<!tpu.dma_semaphore, #tpu.memory_space<semaphore_mem>>)
      %mul3A_978 = arith.constant 5 : i32
      %mul3A_979 = arith.muli %add3A_941, %mul3A_978 : i32
      %add3A_980 = arith.constant 2 : i32
      %add3A_981 = arith.addi %mul3A_979, %add3A_980 : i32
      %mul3A_982 = arith.constant 80 : i32
      %mul3A_983 = arith.muli %add3A_981, %mul3A_982 : i32
      %add3A_984 = arith.addi %mul3A_655, %mul3A_983 : i32
      %multiple_of3A_985 = tpu.assume_multiple %add3A_984, 8 : i32
      %dma_start3A_986 = arith.constant 0 : i32
      %dma_start3A_987 = arith.constant 2 : i32
      %dma_start3A_988 = arith.constant 0 : i32
      %dma_start3A_989 = tpu.memref_slice %arg8[%dma_start3A_986, %dma_start3A_987, %dma_start3A_988] : memref<2x5x80xi32, #tpu.memory_space<vmem>> -> memref<1x1x80xi32, #tpu.memory_space<vmem>>
      %dma_start3A_990 = tpu.memref_squeeze %dma_start3A_989 : memref<1x1x80xi32, #tpu.memory_space<vmem>> -> memref<80xi32, #tpu.memory_space<vmem>>
      %dma_start3A_991 = tpu.memref_slice %arg4[%multiple_of3A_985] : memref<320000xi32, #tpu.memory_space<hbm>> -> memref<80xi32, #tpu.memory_space<hbm>>
      %dma_start3A_992 = arith.constant 0 : i32
      %dma_start3A_993 = tpu.memref_slice %arg8[%dma_start3A_986, %dma_start3A_987, %dma_start3A_992] : memref<2x5x80xi32, #tpu.memory_space<vmem>> -> memref<1x1x80xi32, #tpu.memory_space<vmem>>
      %dma_start3A_994 = tpu.memref_squeeze %dma_start3A_993 : memref<1x1x80xi32, #tpu.memory_space<vmem>> -> memref<80xi32, #tpu.memory_space<vmem>>
      %dma_start3A_995 = tpu.memref_slice %arg4[%multiple_of3A_985] : memref<320000xi32, #tpu.memory_space<hbm>> -> memref<80xi32, #tpu.memory_space<hbm>>
      tpu.enqueue_dma source(%dma_start3A_995 : memref<80xi32, #tpu.memory_space<hbm>>) target(%dma_start3A_994 : memref<80xi32, #tpu.memory_space<vmem>>) target_semaphore(%arg17 : memref<!tpu.dma_semaphore, #tpu.memory_space<semaphore_mem>>)
      %mul3A_996 = arith.constant 5 : i32
      %mul3A_997 = arith.muli %add3A_941, %mul3A_996 : i32
      %add3A_998 = arith.constant 3 : i32
      %add3A_999 = arith.addi %mul3A_997, %add3A_998 : i32
      %mul3A_1000 = arith.constant 80 : i32
      %mul3A_1001 = arith.muli %add3A_999, %mul3A_1000 : i32
      %add3A_1002 = arith.addi %mul3A_655, %mul3A_1001 : i32
      %multiple_of3A_1003 = tpu.assume_multiple %add3A_1002, 8 : i32
      %dma_start3A_1004 = arith.constant 0 : i32
      %dma_start3A_1005 = arith.constant 3 : i32
      %dma_start3A_1006 = arith.constant 0 : i32
      %dma_start3A_1007 = tpu.memref_slice %arg8[%dma_start3A_1004, %dma_start3A_1005, %dma_start3A_1006] : memref<2x5x80xi32, #tpu.memory_space<vmem>> -> memref<1x1x80xi32, #tpu.memory_space<vmem>>
      %dma_start3A_1008 = tpu.memref_squeeze %dma_start3A_1007 : memref<1x1x80xi32, #tpu.memory_space<vmem>> -> memref<80xi32, #tpu.memory_space<vmem>>
      %dma_start3A_1009 = tpu.memref_slice %arg4[%multiple_of3A_1003] : memref<320000xi32, #tpu.memory_space<hbm>> -> memref<80xi32, #tpu.memory_space<hbm>>
      %dma_start3A_1010 = arith.constant 0 : i32
      %dma_start3A_1011 = tpu.memref_slice %arg8[%dma_start3A_1004, %dma_start3A_1005, %dma_start3A_1010] : memref<2x5x80xi32, #tpu.memory_space<vmem>> -> memref<1x1x80xi32, #tpu.memory_space<vmem>>
      %dma_start3A_1012 = tpu.memref_squeeze %dma_start3A_1011 : memref<1x1x80xi32, #tpu.memory_space<vmem>> -> memref<80xi32, #tpu.memory_space<vmem>>
      %dma_start3A_1013 = tpu.memref_slice %arg4[%multiple_of3A_1003] : memref<320000xi32, #tpu.memory_space<hbm>> -> memref<80xi32, #tpu.memory_space<hbm>>
      tpu.enqueue_dma source(%dma_start3A_1013 : memref<80xi32, #tpu.memory_space<hbm>>) target(%dma_start3A_1012 : memref<80xi32, #tpu.memory_space<vmem>>) target_semaphore(%arg17 : memref<!tpu.dma_semaphore, #tpu.memory_space<semaphore_mem>>)
      %mul3A_1014 = arith.constant 5 : i32
      %mul3A_1015 = arith.muli %add3A_941, %mul3A_1014 : i32
      %add3A_1016 = arith.constant 4 : i32
      %add3A_1017 = arith.addi %mul3A_1015, %add3A_1016 : i32
      %mul3A_1018 = arith.constant 80 : i32
      %mul3A_1019 = arith.muli %add3A_1017, %mul3A_1018 : i32
      %add3A_1020 = arith.addi %mul3A_655, %mul3A_1019 : i32
      %multiple_of3A_1021 = tpu.assume_multiple %add3A_1020, 8 : i32
      %dma_start3A_1022 = arith.constant 0 : i32
      %dma_start3A_1023 = arith.constant 4 : i32
      %dma_start3A_1024 = arith.constant 0 : i32
      %dma_start3A_1025 = tpu.memref_slice %arg8[%dma_start3A_1022, %dma_start3A_1023, %dma_start3A_1024] : memref<2x5x80xi32, #tpu.memory_space<vmem>> -> memref<1x1x80xi32, #tpu.memory_space<vmem>>
      %dma_start3A_1026 = tpu.memref_squeeze %dma_start3A_1025 : memref<1x1x80xi32, #tpu.memory_space<vmem>> -> memref<80xi32, #tpu.memory_space<vmem>>
      %dma_start3A_1027 = tpu.memref_slice %arg4[%multiple_of3A_1021] : memref<320000xi32, #tpu.memory_space<hbm>> -> memref<80xi32, #tpu.memory_space<hbm>>
      %dma_start3A_1028 = arith.constant 0 : i32
      %dma_start3A_1029 = tpu.memref_slice %arg8[%dma_start3A_1022, %dma_start3A_1023, %dma_start3A_1028] : memref<2x5x80xi32, #tpu.memory_space<vmem>> -> memref<1x1x80xi32, #tpu.memory_space<vmem>>
      %dma_start3A_1030 = tpu.memref_squeeze %dma_start3A_1029 : memref<1x1x80xi32, #tpu.memory_space<vmem>> -> memref<80xi32, #tpu.memory_space<vmem>>
      %dma_start3A_1031 = tpu.memref_slice %arg4[%multiple_of3A_1021] : memref<320000xi32, #tpu.memory_space<hbm>> -> memref<80xi32, #tpu.memory_space<hbm>>
      tpu.enqueue_dma source(%dma_start3A_1031 : memref<80xi32, #tpu.memory_space<hbm>>) target(%dma_start3A_1030 : memref<80xi32, #tpu.memory_space<vmem>>) target_semaphore(%arg17 : memref<!tpu.dma_semaphore, #tpu.memory_space<semaphore_mem>>)
      %dma_wait3A_1032 = arith.constant 0 : i32
      %dma_wait3A_1033 = arith.constant 0 : i32
      %dma_wait3A_1034 = arith.constant 0 : i32
      %dma_wait3A_1035 = tpu.memref_slice %arg7[%dma_wait3A_1032, %dma_wait3A_1033, %dma_wait3A_1034] : memref<2x5x80xi32, #tpu.memory_space<vmem>> -> memref<1x1x80xi32, #tpu.memory_space<vmem>>
      %dma_wait3A_1036 = tpu.memref_squeeze %dma_wait3A_1035 : memref<1x1x80xi32, #tpu.memory_space<vmem>> -> memref<80xi32, #tpu.memory_space<vmem>>
      %dma_wait3A_1037 = tpu.memref_slice %arg3[%mul3A_655] : memref<320000xi32, #tpu.memory_space<hbm>> -> memref<80xi32, #tpu.memory_space<hbm>>
      %dma_wait3A_1038 = arith.constant 0 : i32
      %dma_wait3A_1039 = tpu.memref_slice %arg7[%dma_wait3A_1032, %dma_wait3A_1033, %dma_wait3A_1038] : memref<2x5x80xi32, #tpu.memory_space<vmem>> -> memref<1x1x80xi32, #tpu.memory_space<vmem>>
      %dma_wait3A_1040 = tpu.memref_squeeze %dma_wait3A_1039 : memref<1x1x80xi32, #tpu.memory_space<vmem>> -> memref<80xi32, #tpu.memory_space<vmem>>
      %dma_wait3A_1041 = tpu.memref_slice %arg3[%mul3A_655] : memref<320000xi32, #tpu.memory_space<hbm>> -> memref<80xi32, #tpu.memory_space<hbm>>
      tpu.wait_dma2 semaphore(%arg15 : memref<!tpu.dma_semaphore, #tpu.memory_space<semaphore_mem>>) src(%dma_wait3A_1041 : memref<80xi32, #tpu.memory_space<hbm>>) dst(%dma_wait3A_1040 : memref<80xi32, #tpu.memory_space<vmem>>)
      %dma_wait3A_1042 = arith.constant 0 : i32
      %dma_wait3A_1043 = arith.constant 1 : i32
      %dma_wait3A_1044 = arith.constant 0 : i32
      %dma_wait3A_1045 = tpu.memref_slice %arg7[%dma_wait3A_1042, %dma_wait3A_1043, %dma_wait3A_1044] : memref<2x5x80xi32, #tpu.memory_space<vmem>> -> memref<1x1x80xi32, #tpu.memory_space<vmem>>
      %dma_wait3A_1046 = tpu.memref_squeeze %dma_wait3A_1045 : memref<1x1x80xi32, #tpu.memory_space<vmem>> -> memref<80xi32, #tpu.memory_space<vmem>>
      %dma_wait3A_1047 = tpu.memref_slice %arg3[%mul3A_655] : memref<320000xi32, #tpu.memory_space<hbm>> -> memref<80xi32, #tpu.memory_space<hbm>>
      %dma_wait3A_1048 = arith.constant 0 : i32
      %dma_wait3A_1049 = tpu.memref_slice %arg7[%dma_wait3A_1042, %dma_wait3A_1043, %dma_wait3A_1048] : memref<2x5x80xi32, #tpu.memory_space<vmem>> -> memref<1x1x80xi32, #tpu.memory_space<vmem>>
      %dma_wait3A_1050 = tpu.memref_squeeze %dma_wait3A_1049 : memref<1x1x80xi32, #tpu.memory_space<vmem>> -> memref<80xi32, #tpu.memory_space<vmem>>
      %dma_wait3A_1051 = tpu.memref_slice %arg3[%mul3A_655] : memref<320000xi32, #tpu.memory_space<hbm>> -> memref<80xi32, #tpu.memory_space<hbm>>
      tpu.wait_dma2 semaphore(%arg15 : memref<!tpu.dma_semaphore, #tpu.memory_space<semaphore_mem>>) src(%dma_wait3A_1051 : memref<80xi32, #tpu.memory_space<hbm>>) dst(%dma_wait3A_1050 : memref<80xi32, #tpu.memory_space<vmem>>)
      %dma_wait3A_1052 = arith.constant 0 : i32
      %dma_wait3A_1053 = arith.constant 2 : i32
      %dma_wait3A_1054 = arith.constant 0 : i32
      %dma_wait3A_1055 = tpu.memref_slice %arg7[%dma_wait3A_1052, %dma_wait3A_1053, %dma_wait3A_1054] : memref<2x5x80xi32, #tpu.memory_space<vmem>> -> memref<1x1x80xi32, #tpu.memory_space<vmem>>
      %dma_wait3A_1056 = tpu.memref_squeeze %dma_wait3A_1055 : memref<1x1x80xi32, #tpu.memory_space<vmem>> -> memref<80xi32, #tpu.memory_space<vmem>>
      %dma_wait3A_1057 = tpu.memref_slice %arg3[%mul3A_655] : memref<320000xi32, #tpu.memory_space<hbm>> -> memref<80xi32, #tpu.memory_space<hbm>>
      %dma_wait3A_1058 = arith.constant 0 : i32
      %dma_wait3A_1059 = tpu.memref_slice %arg7[%dma_wait3A_1052, %dma_wait3A_1053, %dma_wait3A_1058] : memref<2x5x80xi32, #tpu.memory_space<vmem>> -> memref<1x1x80xi32, #tpu.memory_space<vmem>>
      %dma_wait3A_1060 = tpu.memref_squeeze %dma_wait3A_1059 : memref<1x1x80xi32, #tpu.memory_space<vmem>> -> memref<80xi32, #tpu.memory_space<vmem>>
      %dma_wait3A_1061 = tpu.memref_slice %arg3[%mul3A_655] : memref<320000xi32, #tpu.memory_space<hbm>> -> memref<80xi32, #tpu.memory_space<hbm>>
      tpu.wait_dma2 semaphore(%arg15 : memref<!tpu.dma_semaphore, #tpu.memory_space<semaphore_mem>>) src(%dma_wait3A_1061 : memref<80xi32, #tpu.memory_space<hbm>>) dst(%dma_wait3A_1060 : memref<80xi32, #tpu.memory_space<vmem>>)
      %dma_wait3A_1062 = arith.constant 0 : i32
      %dma_wait3A_1063 = arith.constant 3 : i32
      %dma_wait3A_1064 = arith.constant 0 : i32
      %dma_wait3A_1065 = tpu.memref_slice %arg7[%dma_wait3A_1062, %dma_wait3A_1063, %dma_wait3A_1064] : memref<2x5x80xi32, #tpu.memory_space<vmem>> -> memref<1x1x80xi32, #tpu.memory_space<vmem>>
      %dma_wait3A_1066 = tpu.memref_squeeze %dma_wait3A_1065 : memref<1x1x80xi32, #tpu.memory_space<vmem>> -> memref<80xi32, #tpu.memory_space<vmem>>
      %dma_wait3A_1067 = tpu.memref_slice %arg3[%mul3A_655] : memref<320000xi32, #tpu.memory_space<hbm>> -> memref<80xi32, #tpu.memory_space<hbm>>
      %dma_wait3A_1068 = arith.constant 0 : i32
      %dma_wait3A_1069 = tpu.memref_slice %arg7[%dma_wait3A_1062, %dma_wait3A_1063, %dma_wait3A_1068] : memref<2x5x80xi32, #tpu.memory_space<vmem>> -> memref<1x1x80xi32, #tpu.memory_space<vmem>>
      %dma_wait3A_1070 = tpu.memref_squeeze %dma_wait3A_1069 : memref<1x1x80xi32, #tpu.memory_space<vmem>> -> memref<80xi32, #tpu.memory_space<vmem>>
      %dma_wait3A_1071 = tpu.memref_slice %arg3[%mul3A_655] : memref<320000xi32, #tpu.memory_space<hbm>> -> memref<80xi32, #tpu.memory_space<hbm>>
      tpu.wait_dma2 semaphore(%arg15 : memref<!tpu.dma_semaphore, #tpu.memory_space<semaphore_mem>>) src(%dma_wait3A_1071 : memref<80xi32, #tpu.memory_space<hbm>>) dst(%dma_wait3A_1070 : memref<80xi32, #tpu.memory_space<vmem>>)
      %dma_wait3A_1072 = arith.constant 0 : i32
      %dma_wait3A_1073 = arith.constant 4 : i32
      %dma_wait3A_1074 = arith.constant 0 : i32
      %dma_wait3A_1075 = tpu.memref_slice %arg7[%dma_wait3A_1072, %dma_wait3A_1073, %dma_wait3A_1074] : memref<2x5x80xi32, #tpu.memory_space<vmem>> -> memref<1x1x80xi32, #tpu.memory_space<vmem>>
      %dma_wait3A_1076 = tpu.memref_squeeze %dma_wait3A_1075 : memref<1x1x80xi32, #tpu.memory_space<vmem>> -> memref<80xi32, #tpu.memory_space<vmem>>
      %dma_wait3A_1077 = tpu.memref_slice %arg3[%mul3A_655] : memref<320000xi32, #tpu.memory_space<hbm>> -> memref<80xi32, #tpu.memory_space<hbm>>
      %dma_wait3A_1078 = arith.constant 0 : i32
      %dma_wait3A_1079 = tpu.memref_slice %arg7[%dma_wait3A_1072, %dma_wait3A_1073, %dma_wait3A_1078] : memref<2x5x80xi32, #tpu.memory_space<vmem>> -> memref<1x1x80xi32, #tpu.memory_space<vmem>>
      %dma_wait3A_1080 = tpu.memref_squeeze %dma_wait3A_1079 : memref<1x1x80xi32, #tpu.memory_space<vmem>> -> memref<80xi32, #tpu.memory_space<vmem>>
      %dma_wait3A_1081 = tpu.memref_slice %arg3[%mul3A_655] : memref<320000xi32, #tpu.memory_space<hbm>> -> memref<80xi32, #tpu.memory_space<hbm>>
      tpu.wait_dma2 semaphore(%arg15 : memref<!tpu.dma_semaphore, #tpu.memory_space<semaphore_mem>>) src(%dma_wait3A_1081 : memref<80xi32, #tpu.memory_space<hbm>>) dst(%dma_wait3A_1080 : memref<80xi32, #tpu.memory_space<vmem>>)
      %dma_start3A_1082 = arith.constant 0 : i32
      %dma_start3A_1083 = arith.constant 0 : i32
      %dma_start3A_1084 = arith.constant 0 : i32
      %dma_start3A_1085 = arith.constant 0 : i32
      %dma_start3A_1086 = arith.constant 0 : i32
      %dma_start3A_1087 = arith.constant 0 : i32
      %dma_start3A_1088 = tpu.memref_slice %arg9[%dma_start3A_1084, %dma_start3A_1085, %dma_start3A_1086, %dma_start3A_1087] : memref<2x5x80x80xf32, #tpu.memory_space<vmem>> -> memref<1x1x80x80xf32, #tpu.memory_space<vmem>>
      %dma_start3A_1089 = tpu.memref_squeeze %dma_start3A_1088 : memref<1x1x80x80xf32, #tpu.memory_space<vmem>> -> memref<80x80xf32, #tpu.memory_space<vmem>>
      %dma_start3A_1090 = arith.constant 0 : i32
      %dma_start3A_1091 = tpu.memref_slice %arg7[%dma_start3A_1082, %dma_start3A_1083, %dma_start3A_1090] : memref<2x5x80xi32, #tpu.memory_space<vmem>> -> memref<1x1x80xi32, #tpu.memory_space<vmem>>
      %dma_start3A_1092 = tpu.memref_squeeze %dma_start3A_1091 : memref<1x1x80xi32, #tpu.memory_space<vmem>> -> memref<80xi32, #tpu.memory_space<vmem>>
      %dma_start3A_1093 = arith.constant 0 : i32
      %dma_start3A_1094 = arith.constant 0 : i32
      %dma_start3A_1095 = tpu.memref_slice %arg2[%arg0, %dma_start3A_1093, %dma_start3A_1094] : memref<2x10000x80xf32, #tpu.memory_space<hbm>> -> memref<1x10000x80xf32, #tpu.memory_space<hbm>>
      %dma_start3A_1096 = tpu.memref_squeeze %dma_start3A_1095 : memref<1x10000x80xf32, #tpu.memory_space<hbm>> -> memref<10000x80xf32, #tpu.memory_space<hbm>>
      %dma_start3A_1097 = arith.constant 0 : i32
      %dma_start3A_1098 = arith.constant 0 : i32
      %dma_start3A_1099 = tpu.memref_slice %dma_start3A_1096[%dma_start3A_1097, %dma_start3A_1098] : memref<10000x80xf32, #tpu.memory_space<hbm>> -> memref<10000x80xf32, #tpu.memory_space<hbm>>
      tpu.enqueue_indirect_dma source(%dma_start3A_1099 : memref<10000x80xf32, #tpu.memory_space<hbm>>) target(%dma_start3A_1089 : memref<80x80xf32, #tpu.memory_space<vmem>>) offsets(%dma_start3A_1092 : memref<80xi32, #tpu.memory_space<vmem>>) semaphore(%arg19 : memref<!tpu.dma_semaphore, #tpu.memory_space<semaphore_mem>>)
      %dma_start3A_1100 = arith.constant 0 : i32
      %dma_start3A_1101 = arith.constant 1 : i32
      %dma_start3A_1102 = arith.constant 0 : i32
      %dma_start3A_1103 = arith.constant 1 : i32
      %dma_start3A_1104 = arith.constant 0 : i32
      %dma_start3A_1105 = arith.constant 0 : i32
      %dma_start3A_1106 = tpu.memref_slice %arg9[%dma_start3A_1102, %dma_start3A_1103, %dma_start3A_1104, %dma_start3A_1105] : memref<2x5x80x80xf32, #tpu.memory_space<vmem>> -> memref<1x1x80x80xf32, #tpu.memory_space<vmem>>
      %dma_start3A_1107 = tpu.memref_squeeze %dma_start3A_1106 : memref<1x1x80x80xf32, #tpu.memory_space<vmem>> -> memref<80x80xf32, #tpu.memory_space<vmem>>
      %dma_start3A_1108 = arith.constant 0 : i32
      %dma_start3A_1109 = tpu.memref_slice %arg7[%dma_start3A_1100, %dma_start3A_1101, %dma_start3A_1108] : memref<2x5x80xi32, #tpu.memory_space<vmem>> -> memref<1x1x80xi32, #tpu.memory_space<vmem>>
      %dma_start3A_1110 = tpu.memref_squeeze %dma_start3A_1109 : memref<1x1x80xi32, #tpu.memory_space<vmem>> -> memref<80xi32, #tpu.memory_space<vmem>>
      %dma_start3A_1111 = arith.constant 0 : i32
      %dma_start3A_1112 = arith.constant 0 : i32
      %dma_start3A_1113 = tpu.memref_slice %arg2[%arg0, %dma_start3A_1111, %dma_start3A_1112] : memref<2x10000x80xf32, #tpu.memory_space<hbm>> -> memref<1x10000x80xf32, #tpu.memory_space<hbm>>
      %dma_start3A_1114 = tpu.memref_squeeze %dma_start3A_1113 : memref<1x10000x80xf32, #tpu.memory_space<hbm>> -> memref<10000x80xf32, #tpu.memory_space<hbm>>
      %dma_start3A_1115 = arith.constant 0 : i32
      %dma_start3A_1116 = arith.constant 0 : i32
      %dma_start3A_1117 = tpu.memref_slice %dma_start3A_1114[%dma_start3A_1115, %dma_start3A_1116] : memref<10000x80xf32, #tpu.memory_space<hbm>> -> memref<10000x80xf32, #tpu.memory_space<hbm>>
      tpu.enqueue_indirect_dma source(%dma_start3A_1117 : memref<10000x80xf32, #tpu.memory_space<hbm>>) target(%dma_start3A_1107 : memref<80x80xf32, #tpu.memory_space<vmem>>) offsets(%dma_start3A_1110 : memref<80xi32, #tpu.memory_space<vmem>>) semaphore(%arg19 : memref<!tpu.dma_semaphore, #tpu.memory_space<semaphore_mem>>)
      %dma_start3A_1118 = arith.constant 0 : i32
      %dma_start3A_1119 = arith.constant 2 : i32
      %dma_start3A_1120 = arith.constant 0 : i32
      %dma_start3A_1121 = arith.constant 2 : i32
      %dma_start3A_1122 = arith.constant 0 : i32
      %dma_start3A_1123 = arith.constant 0 : i32
      %dma_start3A_1124 = tpu.memref_slice %arg9[%dma_start3A_1120, %dma_start3A_1121, %dma_start3A_1122, %dma_start3A_1123] : memref<2x5x80x80xf32, #tpu.memory_space<vmem>> -> memref<1x1x80x80xf32, #tpu.memory_space<vmem>>
      %dma_start3A_1125 = tpu.memref_squeeze %dma_start3A_1124 : memref<1x1x80x80xf32, #tpu.memory_space<vmem>> -> memref<80x80xf32, #tpu.memory_space<vmem>>
      %dma_start3A_1126 = arith.constant 0 : i32
      %dma_start3A_1127 = tpu.memref_slice %arg7[%dma_start3A_1118, %dma_start3A_1119, %dma_start3A_1126] : memref<2x5x80xi32, #tpu.memory_space<vmem>> -> memref<1x1x80xi32, #tpu.memory_space<vmem>>
      %dma_start3A_1128 = tpu.memref_squeeze %dma_start3A_1127 : memref<1x1x80xi32, #tpu.memory_space<vmem>> -> memref<80xi32, #tpu.memory_space<vmem>>
      %dma_start3A_1129 = arith.constant 0 : i32
      %dma_start3A_1130 = arith.constant 0 : i32
      %dma_start3A_1131 = tpu.memref_slice %arg2[%arg0, %dma_start3A_1129, %dma_start3A_1130] : memref<2x10000x80xf32, #tpu.memory_space<hbm>> -> memref<1x10000x80xf32, #tpu.memory_space<hbm>>
      %dma_start3A_1132 = tpu.memref_squeeze %dma_start3A_1131 : memref<1x10000x80xf32, #tpu.memory_space<hbm>> -> memref<10000x80xf32, #tpu.memory_space<hbm>>
      %dma_start3A_1133 = arith.constant 0 : i32
      %dma_start3A_1134 = arith.constant 0 : i32
      %dma_start3A_1135 = tpu.memref_slice %dma_start3A_1132[%dma_start3A_1133, %dma_start3A_1134] : memref<10000x80xf32, #tpu.memory_space<hbm>> -> memref<10000x80xf32, #tpu.memory_space<hbm>>
      tpu.enqueue_indirect_dma source(%dma_start3A_1135 : memref<10000x80xf32, #tpu.memory_space<hbm>>) target(%dma_start3A_1125 : memref<80x80xf32, #tpu.memory_space<vmem>>) offsets(%dma_start3A_1128 : memref<80xi32, #tpu.memory_space<vmem>>) semaphore(%arg19 : memref<!tpu.dma_semaphore, #tpu.memory_space<semaphore_mem>>)
      %dma_start3A_1136 = arith.constant 0 : i32
      %dma_start3A_1137 = arith.constant 3 : i32
      %dma_start3A_1138 = arith.constant 0 : i32
      %dma_start3A_1139 = arith.constant 3 : i32
      %dma_start3A_1140 = arith.constant 0 : i32
      %dma_start3A_1141 = arith.constant 0 : i32
      %dma_start3A_1142 = tpu.memref_slice %arg9[%dma_start3A_1138, %dma_start3A_1139, %dma_start3A_1140, %dma_start3A_1141] : memref<2x5x80x80xf32, #tpu.memory_space<vmem>> -> memref<1x1x80x80xf32, #tpu.memory_space<vmem>>
      %dma_start3A_1143 = tpu.memref_squeeze %dma_start3A_1142 : memref<1x1x80x80xf32, #tpu.memory_space<vmem>> -> memref<80x80xf32, #tpu.memory_space<vmem>>
      %dma_start3A_1144 = arith.constant 0 : i32
      %dma_start3A_1145 = tpu.memref_slice %arg7[%dma_start3A_1136, %dma_start3A_1137, %dma_start3A_1144] : memref<2x5x80xi32, #tpu.memory_space<vmem>> -> memref<1x1x80xi32, #tpu.memory_space<vmem>>
      %dma_start3A_1146 = tpu.memref_squeeze %dma_start3A_1145 : memref<1x1x80xi32, #tpu.memory_space<vmem>> -> memref<80xi32, #tpu.memory_space<vmem>>
      %dma_start3A_1147 = arith.constant 0 : i32
      %dma_start3A_1148 = arith.constant 0 : i32
      %dma_start3A_1149 = tpu.memref_slice %arg2[%arg0, %dma_start3A_1147, %dma_start3A_1148] : memref<2x10000x80xf32, #tpu.memory_space<hbm>> -> memref<1x10000x80xf32, #tpu.memory_space<hbm>>
      %dma_start3A_1150 = tpu.memref_squeeze %dma_start3A_1149 : memref<1x10000x80xf32, #tpu.memory_space<hbm>> -> memref<10000x80xf32, #tpu.memory_space<hbm>>
      %dma_start3A_1151 = arith.constant 0 : i32
      %dma_start3A_1152 = arith.constant 0 : i32
      %dma_start3A_1153 = tpu.memref_slice %dma_start3A_1150[%dma_start3A_1151, %dma_start3A_1152] : memref<10000x80xf32, #tpu.memory_space<hbm>> -> memref<10000x80xf32, #tpu.memory_space<hbm>>
      tpu.enqueue_indirect_dma source(%dma_start3A_1153 : memref<10000x80xf32, #tpu.memory_space<hbm>>) target(%dma_start3A_1143 : memref<80x80xf32, #tpu.memory_space<vmem>>) offsets(%dma_start3A_1146 : memref<80xi32, #tpu.memory_space<vmem>>) semaphore(%arg19 : memref<!tpu.dma_semaphore, #tpu.memory_space<semaphore_mem>>)
      %dma_start3A_1154 = arith.constant 0 : i32
      %dma_start3A_1155 = arith.constant 4 : i32
      %dma_start3A_1156 = arith.constant 0 : i32
      %dma_start3A_1157 = arith.constant 4 : i32
      %dma_start3A_1158 = arith.constant 0 : i32
      %dma_start3A_1159 = arith.constant 0 : i32
      %dma_start3A_1160 = tpu.memref_slice %arg9[%dma_start3A_1156, %dma_start3A_1157, %dma_start3A_1158, %dma_start3A_1159] : memref<2x5x80x80xf32, #tpu.memory_space<vmem>> -> memref<1x1x80x80xf32, #tpu.memory_space<vmem>>
      %dma_start3A_1161 = tpu.memref_squeeze %dma_start3A_1160 : memref<1x1x80x80xf32, #tpu.memory_space<vmem>> -> memref<80x80xf32, #tpu.memory_space<vmem>>
      %dma_start3A_1162 = arith.constant 0 : i32
      %dma_start3A_1163 = tpu.memref_slice %arg7[%dma_start3A_1154, %dma_start3A_1155, %dma_start3A_1162] : memref<2x5x80xi32, #tpu.memory_space<vmem>> -> memref<1x1x80xi32, #tpu.memory_space<vmem>>
      %dma_start3A_1164 = tpu.memref_squeeze %dma_start3A_1163 : memref<1x1x80xi32, #tpu.memory_space<vmem>> -> memref<80xi32, #tpu.memory_space<vmem>>
      %dma_start3A_1165 = arith.constant 0 : i32
      %dma_start3A_1166 = arith.constant 0 : i32
      %dma_start3A_1167 = tpu.memref_slice %arg2[%arg0, %dma_start3A_1165, %dma_start3A_1166] : memref<2x10000x80xf32, #tpu.memory_space<hbm>> -> memref<1x10000x80xf32, #tpu.memory_space<hbm>>
      %dma_start3A_1168 = tpu.memref_squeeze %dma_start3A_1167 : memref<1x10000x80xf32, #tpu.memory_space<hbm>> -> memref<10000x80xf32, #tpu.memory_space<hbm>>
      %dma_start3A_1169 = arith.constant 0 : i32
      %dma_start3A_1170 = arith.constant 0 : i32
      %dma_start3A_1171 = tpu.memref_slice %dma_start3A_1168[%dma_start3A_1169, %dma_start3A_1170] : memref<10000x80xf32, #tpu.memory_space<hbm>> -> memref<10000x80xf32, #tpu.memory_space<hbm>>
      tpu.enqueue_indirect_dma source(%dma_start3A_1171 : memref<10000x80xf32, #tpu.memory_space<hbm>>) target(%dma_start3A_1161 : memref<80x80xf32, #tpu.memory_space<vmem>>) offsets(%dma_start3A_1164 : memref<80xi32, #tpu.memory_space<vmem>>) semaphore(%arg19 : memref<!tpu.dma_semaphore, #tpu.memory_space<semaphore_mem>>)
      %dma_wait3A_1172 = arith.constant 0 : i32
      %dma_wait3A_1173 = arith.constant 0 : i32
      %dma_wait3A_1174 = arith.constant 0 : i32
      %dma_wait3A_1175 = arith.constant 0 : i32
      %dma_wait3A_1176 = arith.constant 0 : i32
      %dma_wait3A_1177 = arith.constant 0 : i32
      %dma_wait3A_1178 = tpu.memref_slice %arg9[%dma_wait3A_1174, %dma_wait3A_1175, %dma_wait3A_1176, %dma_wait3A_1177] : memref<2x5x80x80xf32, #tpu.memory_space<vmem>> -> memref<1x1x80x80xf32, #tpu.memory_space<vmem>>
      %dma_wait3A_1179 = tpu.memref_squeeze %dma_wait3A_1178 : memref<1x1x80x80xf32, #tpu.memory_space<vmem>> -> memref<80x80xf32, #tpu.memory_space<vmem>>
      %dma_wait3A_1180 = arith.constant 0 : i32
      %dma_wait3A_1181 = tpu.memref_slice %arg7[%dma_wait3A_1172, %dma_wait3A_1173, %dma_wait3A_1180] : memref<2x5x80xi32, #tpu.memory_space<vmem>> -> memref<1x1x80xi32, #tpu.memory_space<vmem>>
      %dma_wait3A_1182 = tpu.memref_squeeze %dma_wait3A_1181 : memref<1x1x80xi32, #tpu.memory_space<vmem>> -> memref<80xi32, #tpu.memory_space<vmem>>
      %dma_wait3A_1183 = arith.constant 0 : i32
      %dma_wait3A_1184 = arith.constant 0 : i32
      %dma_wait3A_1185 = tpu.memref_slice %arg2[%arg0, %dma_wait3A_1183, %dma_wait3A_1184] : memref<2x10000x80xf32, #tpu.memory_space<hbm>> -> memref<1x10000x80xf32, #tpu.memory_space<hbm>>
      %dma_wait3A_1186 = tpu.memref_squeeze %dma_wait3A_1185 : memref<1x10000x80xf32, #tpu.memory_space<hbm>> -> memref<10000x80xf32, #tpu.memory_space<hbm>>
      %dma_wait3A_1187 = arith.constant 0 : i32
      %dma_wait3A_1188 = arith.constant 0 : i32
      %dma_wait3A_1189 = tpu.memref_slice %dma_wait3A_1186[%dma_wait3A_1187, %dma_wait3A_1188] : memref<10000x80xf32, #tpu.memory_space<hbm>> -> memref<10000x80xf32, #tpu.memory_space<hbm>>
      tpu.wait_indirect_dma semaphore(%arg19 : memref<!tpu.dma_semaphore, #tpu.memory_space<semaphore_mem>>) src(%dma_wait3A_1189 : memref<10000x80xf32, #tpu.memory_space<hbm>>) dst(%dma_wait3A_1179 : memref<80x80xf32, #tpu.memory_space<vmem>>)
      %dma_wait3A_1190 = arith.constant 0 : i32
      %dma_wait3A_1191 = arith.constant 1 : i32
      %dma_wait3A_1192 = arith.constant 0 : i32
      %dma_wait3A_1193 = arith.constant 1 : i32
      %dma_wait3A_1194 = arith.constant 0 : i32
      %dma_wait3A_1195 = arith.constant 0 : i32
      %dma_wait3A_1196 = tpu.memref_slice %arg9[%dma_wait3A_1192, %dma_wait3A_1193, %dma_wait3A_1194, %dma_wait3A_1195] : memref<2x5x80x80xf32, #tpu.memory_space<vmem>> -> memref<1x1x80x80xf32, #tpu.memory_space<vmem>>
      %dma_wait3A_1197 = tpu.memref_squeeze %dma_wait3A_1196 : memref<1x1x80x80xf32, #tpu.memory_space<vmem>> -> memref<80x80xf32, #tpu.memory_space<vmem>>
      %dma_wait3A_1198 = arith.constant 0 : i32
      %dma_wait3A_1199 = tpu.memref_slice %arg7[%dma_wait3A_1190, %dma_wait3A_1191, %dma_wait3A_1198] : memref<2x5x80xi32, #tpu.memory_space<vmem>> -> memref<1x1x80xi32, #tpu.memory_space<vmem>>
      %dma_wait3A_1200 = tpu.memref_squeeze %dma_wait3A_1199 : memref<1x1x80xi32, #tpu.memory_space<vmem>> -> memref<80xi32, #tpu.memory_space<vmem>>
      %dma_wait3A_1201 = arith.constant 0 : i32
      %dma_wait3A_1202 = arith.constant 0 : i32
      %dma_wait3A_1203 = tpu.memref_slice %arg2[%arg0, %dma_wait3A_1201, %dma_wait3A_1202] : memref<2x10000x80xf32, #tpu.memory_space<hbm>> -> memref<1x10000x80xf32, #tpu.memory_space<hbm>>
      %dma_wait3A_1204 = tpu.memref_squeeze %dma_wait3A_1203 : memref<1x10000x80xf32, #tpu.memory_space<hbm>> -> memref<10000x80xf32, #tpu.memory_space<hbm>>
      %dma_wait3A_1205 = arith.constant 0 : i32
      %dma_wait3A_1206 = arith.constant 0 : i32
      %dma_wait3A_1207 = tpu.memref_slice %dma_wait3A_1204[%dma_wait3A_1205, %dma_wait3A_1206] : memref<10000x80xf32, #tpu.memory_space<hbm>> -> memref<10000x80xf32, #tpu.memory_space<hbm>>
      tpu.wait_indirect_dma semaphore(%arg19 : memref<!tpu.dma_semaphore, #tpu.memory_space<semaphore_mem>>) src(%dma_wait3A_1207 : memref<10000x80xf32, #tpu.memory_space<hbm>>) dst(%dma_wait3A_1197 : memref<80x80xf32, #tpu.memory_space<vmem>>)
      %dma_wait3A_1208 = arith.constant 0 : i32
      %dma_wait3A_1209 = arith.constant 2 : i32
      %dma_wait3A_1210 = arith.constant 0 : i32
      %dma_wait3A_1211 = arith.constant 2 : i32
      %dma_wait3A_1212 = arith.constant 0 : i32
      %dma_wait3A_1213 = arith.constant 0 : i32
      %dma_wait3A_1214 = tpu.memref_slice %arg9[%dma_wait3A_1210, %dma_wait3A_1211, %dma_wait3A_1212, %dma_wait3A_1213] : memref<2x5x80x80xf32, #tpu.memory_space<vmem>> -> memref<1x1x80x80xf32, #tpu.memory_space<vmem>>
      %dma_wait3A_1215 = tpu.memref_squeeze %dma_wait3A_1214 : memref<1x1x80x80xf32, #tpu.memory_space<vmem>> -> memref<80x80xf32, #tpu.memory_space<vmem>>
      %dma_wait3A_1216 = arith.constant 0 : i32
      %dma_wait3A_1217 = tpu.memref_slice %arg7[%dma_wait3A_1208, %dma_wait3A_1209, %dma_wait3A_1216] : memref<2x5x80xi32, #tpu.memory_space<vmem>> -> memref<1x1x80xi32, #tpu.memory_space<vmem>>
      %dma_wait3A_1218 = tpu.memref_squeeze %dma_wait3A_1217 : memref<1x1x80xi32, #tpu.memory_space<vmem>> -> memref<80xi32, #tpu.memory_space<vmem>>
      %dma_wait3A_1219 = arith.constant 0 : i32
      %dma_wait3A_1220 = arith.constant 0 : i32
      %dma_wait3A_1221 = tpu.memref_slice %arg2[%arg0, %dma_wait3A_1219, %dma_wait3A_1220] : memref<2x10000x80xf32, #tpu.memory_space<hbm>> -> memref<1x10000x80xf32, #tpu.memory_space<hbm>>
      %dma_wait3A_1222 = tpu.memref_squeeze %dma_wait3A_1221 : memref<1x10000x80xf32, #tpu.memory_space<hbm>> -> memref<10000x80xf32, #tpu.memory_space<hbm>>
      %dma_wait3A_1223 = arith.constant 0 : i32
      %dma_wait3A_1224 = arith.constant 0 : i32
      %dma_wait3A_1225 = tpu.memref_slice %dma_wait3A_1222[%dma_wait3A_1223, %dma_wait3A_1224] : memref<10000x80xf32, #tpu.memory_space<hbm>> -> memref<10000x80xf32, #tpu.memory_space<hbm>>
      tpu.wait_indirect_dma semaphore(%arg19 : memref<!tpu.dma_semaphore, #tpu.memory_space<semaphore_mem>>) src(%dma_wait3A_1225 : memref<10000x80xf32, #tpu.memory_space<hbm>>) dst(%dma_wait3A_1215 : memref<80x80xf32, #tpu.memory_space<vmem>>)
      %dma_wait3A_1226 = arith.constant 0 : i32
      %dma_wait3A_1227 = arith.constant 3 : i32
      %dma_wait3A_1228 = arith.constant 0 : i32
      %dma_wait3A_1229 = arith.constant 3 : i32
      %dma_wait3A_1230 = arith.constant 0 : i32
      %dma_wait3A_1231 = arith.constant 0 : i32
      %dma_wait3A_1232 = tpu.memref_slice %arg9[%dma_wait3A_1228, %dma_wait3A_1229, %dma_wait3A_1230, %dma_wait3A_1231] : memref<2x5x80x80xf32, #tpu.memory_space<vmem>> -> memref<1x1x80x80xf32, #tpu.memory_space<vmem>>
      %dma_wait3A_1233 = tpu.memref_squeeze %dma_wait3A_1232 : memref<1x1x80x80xf32, #tpu.memory_space<vmem>> -> memref<80x80xf32, #tpu.memory_space<vmem>>
      %dma_wait3A_1234 = arith.constant 0 : i32
      %dma_wait3A_1235 = tpu.memref_slice %arg7[%dma_wait3A_1226, %dma_wait3A_1227, %dma_wait3A_1234] : memref<2x5x80xi32, #tpu.memory_space<vmem>> -> memref<1x1x80xi32, #tpu.memory_space<vmem>>
      %dma_wait3A_1236 = tpu.memref_squeeze %dma_wait3A_1235 : memref<1x1x80xi32, #tpu.memory_space<vmem>> -> memref<80xi32, #tpu.memory_space<vmem>>
      %dma_wait3A_1237 = arith.constant 0 : i32
      %dma_wait3A_1238 = arith.constant 0 : i32
      %dma_wait3A_1239 = tpu.memref_slice %arg2[%arg0, %dma_wait3A_1237, %dma_wait3A_1238] : memref<2x10000x80xf32, #tpu.memory_space<hbm>> -> memref<1x10000x80xf32, #tpu.memory_space<hbm>>
      %dma_wait3A_1240 = tpu.memref_squeeze %dma_wait3A_1239 : memref<1x10000x80xf32, #tpu.memory_space<hbm>> -> memref<10000x80xf32, #tpu.memory_space<hbm>>
      %dma_wait3A_1241 = arith.constant 0 : i32
      %dma_wait3A_1242 = arith.constant 0 : i32
      %dma_wait3A_1243 = tpu.memref_slice %dma_wait3A_1240[%dma_wait3A_1241, %dma_wait3A_1242] : memref<10000x80xf32, #tpu.memory_space<hbm>> -> memref<10000x80xf32, #tpu.memory_space<hbm>>
      tpu.wait_indirect_dma semaphore(%arg19 : memref<!tpu.dma_semaphore, #tpu.memory_space<semaphore_mem>>) src(%dma_wait3A_1243 : memref<10000x80xf32, #tpu.memory_space<hbm>>) dst(%dma_wait3A_1233 : memref<80x80xf32, #tpu.memory_space<vmem>>)
      %dma_wait3A_1244 = arith.constant 0 : i32
      %dma_wait3A_1245 = arith.constant 4 : i32
      %dma_wait3A_1246 = arith.constant 0 : i32
      %dma_wait3A_1247 = arith.constant 4 : i32
      %dma_wait3A_1248 = arith.constant 0 : i32
      %dma_wait3A_1249 = arith.constant 0 : i32
      %dma_wait3A_1250 = tpu.memref_slice %arg9[%dma_wait3A_1246, %dma_wait3A_1247, %dma_wait3A_1248, %dma_wait3A_1249] : memref<2x5x80x80xf32, #tpu.memory_space<vmem>> -> memref<1x1x80x80xf32, #tpu.memory_space<vmem>>
      %dma_wait3A_1251 = tpu.memref_squeeze %dma_wait3A_1250 : memref<1x1x80x80xf32, #tpu.memory_space<vmem>> -> memref<80x80xf32, #tpu.memory_space<vmem>>
      %dma_wait3A_1252 = arith.constant 0 : i32
      %dma_wait3A_1253 = tpu.memref_slice %arg7[%dma_wait3A_1244, %dma_wait3A_1245, %dma_wait3A_1252] : memref<2x5x80xi32, #tpu.memory_space<vmem>> -> memref<1x1x80xi32, #tpu.memory_space<vmem>>
      %dma_wait3A_1254 = tpu.memref_squeeze %dma_wait3A_1253 : memref<1x1x80xi32, #tpu.memory_space<vmem>> -> memref<80xi32, #tpu.memory_space<vmem>>
      %dma_wait3A_1255 = arith.constant 0 : i32
      %dma_wait3A_1256 = arith.constant 0 : i32
      %dma_wait3A_1257 = tpu.memref_slice %arg2[%arg0, %dma_wait3A_1255, %dma_wait3A_1256] : memref<2x10000x80xf32, #tpu.memory_space<hbm>> -> memref<1x10000x80xf32, #tpu.memory_space<hbm>>
      %dma_wait3A_1258 = tpu.memref_squeeze %dma_wait3A_1257 : memref<1x10000x80xf32, #tpu.memory_space<hbm>> -> memref<10000x80xf32, #tpu.memory_space<hbm>>
      %dma_wait3A_1259 = arith.constant 0 : i32
      %dma_wait3A_1260 = arith.constant 0 : i32
      %dma_wait3A_1261 = tpu.memref_slice %dma_wait3A_1258[%dma_wait3A_1259, %dma_wait3A_1260] : memref<10000x80xf32, #tpu.memory_space<hbm>> -> memref<10000x80xf32, #tpu.memory_space<hbm>>
      tpu.wait_indirect_dma semaphore(%arg19 : memref<!tpu.dma_semaphore, #tpu.memory_space<semaphore_mem>>) src(%dma_wait3A_1261 : memref<10000x80xf32, #tpu.memory_space<hbm>>) dst(%dma_wait3A_1251 : memref<80x80xf32, #tpu.memory_space<vmem>>)
      %add3A_1262 = arith.constant 0 : i32
      %add3A_1263 = arith.addi %add3A_937, %add3A_1262 : i32
      %add3A_1264 = arith.constant 2 : i32
      %add3A_1265 = arith.addi %add3A_1263, %add3A_1264 : i32
      %lt3A = arith.constant 50 : i32
      %lt3A_1266 = arith.cmpi slt, %add3A_1265, %lt3A : i32
      %convert_element_type3A_1267 = arith.extui %lt3A_1266 : i1 to i32
      %cond3A_1268 = arith.constant 0 : i32
      %cond3A_1269 = arith.cmpi ne, %convert_element_type3A_1267, %cond3A_1268 : i32
      scf.if %cond3A_1269 {
        %add3A_2447 = arith.constant 0 : i32
        %add3A_2448 = arith.addi %add3A_937, %add3A_2447 : i32
        %add3A_2449 = arith.constant 2 : i32
        %add3A_2450 = arith.addi %add3A_2448, %add3A_2449 : i32
        %mul3A_2451 = arith.constant 5 : i32
        %mul3A_2452 = arith.muli %add3A_2450, %mul3A_2451 : i32
        %add3A_2453 = arith.constant 0 : i32
        %add3A_2454 = arith.addi %mul3A_2452, %add3A_2453 : i32
        %mul3A_2455 = arith.constant 80 : i32
        %mul3A_2456 = arith.muli %add3A_2454, %mul3A_2455 : i32
        %add3A_2457 = arith.addi %mul3A_655, %mul3A_2456 : i32
        %multiple_of3A_2458 = tpu.assume_multiple %add3A_2457, 8 : i32
        %dma_start3A_2459 = arith.constant 0 : i32
        %dma_start3A_2460 = arith.constant 0 : i32
        %dma_start3A_2461 = arith.constant 0 : i32
        %dma_start3A_2462 = tpu.memref_slice %arg7[%dma_start3A_2459, %dma_start3A_2460, %dma_start3A_2461] : memref<2x5x80xi32, #tpu.memory_space<vmem>> -> memref<1x1x80xi32, #tpu.memory_space<vmem>>
        %dma_start3A_2463 = tpu.memref_squeeze %dma_start3A_2462 : memref<1x1x80xi32, #tpu.memory_space<vmem>> -> memref<80xi32, #tpu.memory_space<vmem>>
        %dma_start3A_2464 = tpu.memref_slice %arg3[%multiple_of3A_2458] : memref<320000xi32, #tpu.memory_space<hbm>> -> memref<80xi32, #tpu.memory_space<hbm>>
        %dma_start3A_2465 = arith.constant 0 : i32
        %dma_start3A_2466 = tpu.memref_slice %arg7[%dma_start3A_2459, %dma_start3A_2460, %dma_start3A_2465] : memref<2x5x80xi32, #tpu.memory_space<vmem>> -> memref<1x1x80xi32, #tpu.memory_space<vmem>>
        %dma_start3A_2467 = tpu.memref_squeeze %dma_start3A_2466 : memref<1x1x80xi32, #tpu.memory_space<vmem>> -> memref<80xi32, #tpu.memory_space<vmem>>
        %dma_start3A_2468 = tpu.memref_slice %arg3[%multiple_of3A_2458] : memref<320000xi32, #tpu.memory_space<hbm>> -> memref<80xi32, #tpu.memory_space<hbm>>
        tpu.enqueue_dma source(%dma_start3A_2468 : memref<80xi32, #tpu.memory_space<hbm>>) target(%dma_start3A_2467 : memref<80xi32, #tpu.memory_space<vmem>>) target_semaphore(%arg15 : memref<!tpu.dma_semaphore, #tpu.memory_space<semaphore_mem>>)
        %mul3A_2469 = arith.constant 5 : i32
        %mul3A_2470 = arith.muli %add3A_2450, %mul3A_2469 : i32
        %add3A_2471 = arith.constant 1 : i32
        %add3A_2472 = arith.addi %mul3A_2470, %add3A_2471 : i32
        %mul3A_2473 = arith.constant 80 : i32
        %mul3A_2474 = arith.muli %add3A_2472, %mul3A_2473 : i32
        %add3A_2475 = arith.addi %mul3A_655, %mul3A_2474 : i32
        %multiple_of3A_2476 = tpu.assume_multiple %add3A_2475, 8 : i32
        %dma_start3A_2477 = arith.constant 0 : i32
        %dma_start3A_2478 = arith.constant 1 : i32
        %dma_start3A_2479 = arith.constant 0 : i32
        %dma_start3A_2480 = tpu.memref_slice %arg7[%dma_start3A_2477, %dma_start3A_2478, %dma_start3A_2479] : memref<2x5x80xi32, #tpu.memory_space<vmem>> -> memref<1x1x80xi32, #tpu.memory_space<vmem>>
        %dma_start3A_2481 = tpu.memref_squeeze %dma_start3A_2480 : memref<1x1x80xi32, #tpu.memory_space<vmem>> -> memref<80xi32, #tpu.memory_space<vmem>>
        %dma_start3A_2482 = tpu.memref_slice %arg3[%multiple_of3A_2476] : memref<320000xi32, #tpu.memory_space<hbm>> -> memref<80xi32, #tpu.memory_space<hbm>>
        %dma_start3A_2483 = arith.constant 0 : i32
        %dma_start3A_2484 = tpu.memref_slice %arg7[%dma_start3A_2477, %dma_start3A_2478, %dma_start3A_2483] : memref<2x5x80xi32, #tpu.memory_space<vmem>> -> memref<1x1x80xi32, #tpu.memory_space<vmem>>
        %dma_start3A_2485 = tpu.memref_squeeze %dma_start3A_2484 : memref<1x1x80xi32, #tpu.memory_space<vmem>> -> memref<80xi32, #tpu.memory_space<vmem>>
        %dma_start3A_2486 = tpu.memref_slice %arg3[%multiple_of3A_2476] : memref<320000xi32, #tpu.memory_space<hbm>> -> memref<80xi32, #tpu.memory_space<hbm>>
        tpu.enqueue_dma source(%dma_start3A_2486 : memref<80xi32, #tpu.memory_space<hbm>>) target(%dma_start3A_2485 : memref<80xi32, #tpu.memory_space<vmem>>) target_semaphore(%arg15 : memref<!tpu.dma_semaphore, #tpu.memory_space<semaphore_mem>>)
        %mul3A_2487 = arith.constant 5 : i32
        %mul3A_2488 = arith.muli %add3A_2450, %mul3A_2487 : i32
        %add3A_2489 = arith.constant 2 : i32
        %add3A_2490 = arith.addi %mul3A_2488, %add3A_2489 : i32
        %mul3A_2491 = arith.constant 80 : i32
        %mul3A_2492 = arith.muli %add3A_2490, %mul3A_2491 : i32
        %add3A_2493 = arith.addi %mul3A_655, %mul3A_2492 : i32
        %multiple_of3A_2494 = tpu.assume_multiple %add3A_2493, 8 : i32
        %dma_start3A_2495 = arith.constant 0 : i32
        %dma_start3A_2496 = arith.constant 2 : i32
        %dma_start3A_2497 = arith.constant 0 : i32
        %dma_start3A_2498 = tpu.memref_slice %arg7[%dma_start3A_2495, %dma_start3A_2496, %dma_start3A_2497] : memref<2x5x80xi32, #tpu.memory_space<vmem>> -> memref<1x1x80xi32, #tpu.memory_space<vmem>>
        %dma_start3A_2499 = tpu.memref_squeeze %dma_start3A_2498 : memref<1x1x80xi32, #tpu.memory_space<vmem>> -> memref<80xi32, #tpu.memory_space<vmem>>
        %dma_start3A_2500 = tpu.memref_slice %arg3[%multiple_of3A_2494] : memref<320000xi32, #tpu.memory_space<hbm>> -> memref<80xi32, #tpu.memory_space<hbm>>
        %dma_start3A_2501 = arith.constant 0 : i32
        %dma_start3A_2502 = tpu.memref_slice %arg7[%dma_start3A_2495, %dma_start3A_2496, %dma_start3A_2501] : memref<2x5x80xi32, #tpu.memory_space<vmem>> -> memref<1x1x80xi32, #tpu.memory_space<vmem>>
        %dma_start3A_2503 = tpu.memref_squeeze %dma_start3A_2502 : memref<1x1x80xi32, #tpu.memory_space<vmem>> -> memref<80xi32, #tpu.memory_space<vmem>>
        %dma_start3A_2504 = tpu.memref_slice %arg3[%multiple_of3A_2494] : memref<320000xi32, #tpu.memory_space<hbm>> -> memref<80xi32, #tpu.memory_space<hbm>>
        tpu.enqueue_dma source(%dma_start3A_2504 : memref<80xi32, #tpu.memory_space<hbm>>) target(%dma_start3A_2503 : memref<80xi32, #tpu.memory_space<vmem>>) target_semaphore(%arg15 : memref<!tpu.dma_semaphore, #tpu.memory_space<semaphore_mem>>)
        %mul3A_2505 = arith.constant 5 : i32
        %mul3A_2506 = arith.muli %add3A_2450, %mul3A_2505 : i32
        %add3A_2507 = arith.constant 3 : i32
        %add3A_2508 = arith.addi %mul3A_2506, %add3A_2507 : i32
        %mul3A_2509 = arith.constant 80 : i32
        %mul3A_2510 = arith.muli %add3A_2508, %mul3A_2509 : i32
        %add3A_2511 = arith.addi %mul3A_655, %mul3A_2510 : i32
        %multiple_of3A_2512 = tpu.assume_multiple %add3A_2511, 8 : i32
        %dma_start3A_2513 = arith.constant 0 : i32
        %dma_start3A_2514 = arith.constant 3 : i32
        %dma_start3A_2515 = arith.constant 0 : i32
        %dma_start3A_2516 = tpu.memref_slice %arg7[%dma_start3A_2513, %dma_start3A_2514, %dma_start3A_2515] : memref<2x5x80xi32, #tpu.memory_space<vmem>> -> memref<1x1x80xi32, #tpu.memory_space<vmem>>
        %dma_start3A_2517 = tpu.memref_squeeze %dma_start3A_2516 : memref<1x1x80xi32, #tpu.memory_space<vmem>> -> memref<80xi32, #tpu.memory_space<vmem>>
        %dma_start3A_2518 = tpu.memref_slice %arg3[%multiple_of3A_2512] : memref<320000xi32, #tpu.memory_space<hbm>> -> memref<80xi32, #tpu.memory_space<hbm>>
        %dma_start3A_2519 = arith.constant 0 : i32
        %dma_start3A_2520 = tpu.memref_slice %arg7[%dma_start3A_2513, %dma_start3A_2514, %dma_start3A_2519] : memref<2x5x80xi32, #tpu.memory_space<vmem>> -> memref<1x1x80xi32, #tpu.memory_space<vmem>>
        %dma_start3A_2521 = tpu.memref_squeeze %dma_start3A_2520 : memref<1x1x80xi32, #tpu.memory_space<vmem>> -> memref<80xi32, #tpu.memory_space<vmem>>
        %dma_start3A_2522 = tpu.memref_slice %arg3[%multiple_of3A_2512] : memref<320000xi32, #tpu.memory_space<hbm>> -> memref<80xi32, #tpu.memory_space<hbm>>
        tpu.enqueue_dma source(%dma_start3A_2522 : memref<80xi32, #tpu.memory_space<hbm>>) target(%dma_start3A_2521 : memref<80xi32, #tpu.memory_space<vmem>>) target_semaphore(%arg15 : memref<!tpu.dma_semaphore, #tpu.memory_space<semaphore_mem>>)
        %mul3A_2523 = arith.constant 5 : i32
        %mul3A_2524 = arith.muli %add3A_2450, %mul3A_2523 : i32
        %add3A_2525 = arith.constant 4 : i32
        %add3A_2526 = arith.addi %mul3A_2524, %add3A_2525 : i32
        %mul3A_2527 = arith.constant 80 : i32
        %mul3A_2528 = arith.muli %add3A_2526, %mul3A_2527 : i32
        %add3A_2529 = arith.addi %mul3A_655, %mul3A_2528 : i32
        %multiple_of3A_2530 = tpu.assume_multiple %add3A_2529, 8 : i32
        %dma_start3A_2531 = arith.constant 0 : i32
        %dma_start3A_2532 = arith.constant 4 : i32
        %dma_start3A_2533 = arith.constant 0 : i32
        %dma_start3A_2534 = tpu.memref_slice %arg7[%dma_start3A_2531, %dma_start3A_2532, %dma_start3A_2533] : memref<2x5x80xi32, #tpu.memory_space<vmem>> -> memref<1x1x80xi32, #tpu.memory_space<vmem>>
        %dma_start3A_2535 = tpu.memref_squeeze %dma_start3A_2534 : memref<1x1x80xi32, #tpu.memory_space<vmem>> -> memref<80xi32, #tpu.memory_space<vmem>>
        %dma_start3A_2536 = tpu.memref_slice %arg3[%multiple_of3A_2530] : memref<320000xi32, #tpu.memory_space<hbm>> -> memref<80xi32, #tpu.memory_space<hbm>>
        %dma_start3A_2537 = arith.constant 0 : i32
        %dma_start3A_2538 = tpu.memref_slice %arg7[%dma_start3A_2531, %dma_start3A_2532, %dma_start3A_2537] : memref<2x5x80xi32, #tpu.memory_space<vmem>> -> memref<1x1x80xi32, #tpu.memory_space<vmem>>
        %dma_start3A_2539 = tpu.memref_squeeze %dma_start3A_2538 : memref<1x1x80xi32, #tpu.memory_space<vmem>> -> memref<80xi32, #tpu.memory_space<vmem>>
        %dma_start3A_2540 = tpu.memref_slice %arg3[%multiple_of3A_2530] : memref<320000xi32, #tpu.memory_space<hbm>> -> memref<80xi32, #tpu.memory_space<hbm>>
        tpu.enqueue_dma source(%dma_start3A_2540 : memref<80xi32, #tpu.memory_space<hbm>>) target(%dma_start3A_2539 : memref<80xi32, #tpu.memory_space<vmem>>) target_semaphore(%arg15 : memref<!tpu.dma_semaphore, #tpu.memory_space<semaphore_mem>>)
      } else {
      }
      %dma_wait3A_1270 = arith.constant 0 : i32
      %dma_wait3A_1271 = arith.constant 0 : i32
      %dma_wait3A_1272 = arith.constant 0 : i32
      %dma_wait3A_1273 = tpu.memref_slice %arg8[%dma_wait3A_1270, %dma_wait3A_1271, %dma_wait3A_1272] : memref<2x5x80xi32, #tpu.memory_space<vmem>> -> memref<1x1x80xi32, #tpu.memory_space<vmem>>
      %dma_wait3A_1274 = tpu.memref_squeeze %dma_wait3A_1273 : memref<1x1x80xi32, #tpu.memory_space<vmem>> -> memref<80xi32, #tpu.memory_space<vmem>>
      %dma_wait3A_1275 = tpu.memref_slice %arg4[%mul3A_655] : memref<320000xi32, #tpu.memory_space<hbm>> -> memref<80xi32, #tpu.memory_space<hbm>>
      %dma_wait3A_1276 = arith.constant 0 : i32
      %dma_wait3A_1277 = tpu.memref_slice %arg8[%dma_wait3A_1270, %dma_wait3A_1271, %dma_wait3A_1276] : memref<2x5x80xi32, #tpu.memory_space<vmem>> -> memref<1x1x80xi32, #tpu.memory_space<vmem>>
      %dma_wait3A_1278 = tpu.memref_squeeze %dma_wait3A_1277 : memref<1x1x80xi32, #tpu.memory_space<vmem>> -> memref<80xi32, #tpu.memory_space<vmem>>
      %dma_wait3A_1279 = tpu.memref_slice %arg4[%mul3A_655] : memref<320000xi32, #tpu.memory_space<hbm>> -> memref<80xi32, #tpu.memory_space<hbm>>
      tpu.wait_dma2 semaphore(%arg17 : memref<!tpu.dma_semaphore, #tpu.memory_space<semaphore_mem>>) src(%dma_wait3A_1279 : memref<80xi32, #tpu.memory_space<hbm>>) dst(%dma_wait3A_1278 : memref<80xi32, #tpu.memory_space<vmem>>)
      %dma_wait3A_1280 = arith.constant 0 : i32
      %dma_wait3A_1281 = arith.constant 1 : i32
      %dma_wait3A_1282 = arith.constant 0 : i32
      %dma_wait3A_1283 = tpu.memref_slice %arg8[%dma_wait3A_1280, %dma_wait3A_1281, %dma_wait3A_1282] : memref<2x5x80xi32, #tpu.memory_space<vmem>> -> memref<1x1x80xi32, #tpu.memory_space<vmem>>
      %dma_wait3A_1284 = tpu.memref_squeeze %dma_wait3A_1283 : memref<1x1x80xi32, #tpu.memory_space<vmem>> -> memref<80xi32, #tpu.memory_space<vmem>>
      %dma_wait3A_1285 = tpu.memref_slice %arg4[%mul3A_655] : memref<320000xi32, #tpu.memory_space<hbm>> -> memref<80xi32, #tpu.memory_space<hbm>>
      %dma_wait3A_1286 = arith.constant 0 : i32
      %dma_wait3A_1287 = tpu.memref_slice %arg8[%dma_wait3A_1280, %dma_wait3A_1281, %dma_wait3A_1286] : memref<2x5x80xi32, #tpu.memory_space<vmem>> -> memref<1x1x80xi32, #tpu.memory_space<vmem>>
      %dma_wait3A_1288 = tpu.memref_squeeze %dma_wait3A_1287 : memref<1x1x80xi32, #tpu.memory_space<vmem>> -> memref<80xi32, #tpu.memory_space<vmem>>
      %dma_wait3A_1289 = tpu.memref_slice %arg4[%mul3A_655] : memref<320000xi32, #tpu.memory_space<hbm>> -> memref<80xi32, #tpu.memory_space<hbm>>
      tpu.wait_dma2 semaphore(%arg17 : memref<!tpu.dma_semaphore, #tpu.memory_space<semaphore_mem>>) src(%dma_wait3A_1289 : memref<80xi32, #tpu.memory_space<hbm>>) dst(%dma_wait3A_1288 : memref<80xi32, #tpu.memory_space<vmem>>)
      %dma_wait3A_1290 = arith.constant 0 : i32
      %dma_wait3A_1291 = arith.constant 2 : i32
      %dma_wait3A_1292 = arith.constant 0 : i32
      %dma_wait3A_1293 = tpu.memref_slice %arg8[%dma_wait3A_1290, %dma_wait3A_1291, %dma_wait3A_1292] : memref<2x5x80xi32, #tpu.memory_space<vmem>> -> memref<1x1x80xi32, #tpu.memory_space<vmem>>
      %dma_wait3A_1294 = tpu.memref_squeeze %dma_wait3A_1293 : memref<1x1x80xi32, #tpu.memory_space<vmem>> -> memref<80xi32, #tpu.memory_space<vmem>>
      %dma_wait3A_1295 = tpu.memref_slice %arg4[%mul3A_655] : memref<320000xi32, #tpu.memory_space<hbm>> -> memref<80xi32, #tpu.memory_space<hbm>>
      %dma_wait3A_1296 = arith.constant 0 : i32
      %dma_wait3A_1297 = tpu.memref_slice %arg8[%dma_wait3A_1290, %dma_wait3A_1291, %dma_wait3A_1296] : memref<2x5x80xi32, #tpu.memory_space<vmem>> -> memref<1x1x80xi32, #tpu.memory_space<vmem>>
      %dma_wait3A_1298 = tpu.memref_squeeze %dma_wait3A_1297 : memref<1x1x80xi32, #tpu.memory_space<vmem>> -> memref<80xi32, #tpu.memory_space<vmem>>
      %dma_wait3A_1299 = tpu.memref_slice %arg4[%mul3A_655] : memref<320000xi32, #tpu.memory_space<hbm>> -> memref<80xi32, #tpu.memory_space<hbm>>
      tpu.wait_dma2 semaphore(%arg17 : memref<!tpu.dma_semaphore, #tpu.memory_space<semaphore_mem>>) src(%dma_wait3A_1299 : memref<80xi32, #tpu.memory_space<hbm>>) dst(%dma_wait3A_1298 : memref<80xi32, #tpu.memory_space<vmem>>)
      %dma_wait3A_1300 = arith.constant 0 : i32
      %dma_wait3A_1301 = arith.constant 3 : i32
      %dma_wait3A_1302 = arith.constant 0 : i32
      %dma_wait3A_1303 = tpu.memref_slice %arg8[%dma_wait3A_1300, %dma_wait3A_1301, %dma_wait3A_1302] : memref<2x5x80xi32, #tpu.memory_space<vmem>> -> memref<1x1x80xi32, #tpu.memory_space<vmem>>
      %dma_wait3A_1304 = tpu.memref_squeeze %dma_wait3A_1303 : memref<1x1x80xi32, #tpu.memory_space<vmem>> -> memref<80xi32, #tpu.memory_space<vmem>>
      %dma_wait3A_1305 = tpu.memref_slice %arg4[%mul3A_655] : memref<320000xi32, #tpu.memory_space<hbm>> -> memref<80xi32, #tpu.memory_space<hbm>>
      %dma_wait3A_1306 = arith.constant 0 : i32
      %dma_wait3A_1307 = tpu.memref_slice %arg8[%dma_wait3A_1300, %dma_wait3A_1301, %dma_wait3A_1306] : memref<2x5x80xi32, #tpu.memory_space<vmem>> -> memref<1x1x80xi32, #tpu.memory_space<vmem>>
      %dma_wait3A_1308 = tpu.memref_squeeze %dma_wait3A_1307 : memref<1x1x80xi32, #tpu.memory_space<vmem>> -> memref<80xi32, #tpu.memory_space<vmem>>
      %dma_wait3A_1309 = tpu.memref_slice %arg4[%mul3A_655] : memref<320000xi32, #tpu.memory_space<hbm>> -> memref<80xi32, #tpu.memory_space<hbm>>
      tpu.wait_dma2 semaphore(%arg17 : memref<!tpu.dma_semaphore, #tpu.memory_space<semaphore_mem>>) src(%dma_wait3A_1309 : memref<80xi32, #tpu.memory_space<hbm>>) dst(%dma_wait3A_1308 : memref<80xi32, #tpu.memory_space<vmem>>)
      %dma_wait3A_1310 = arith.constant 0 : i32
      %dma_wait3A_1311 = arith.constant 4 : i32
      %dma_wait3A_1312 = arith.constant 0 : i32
      %dma_wait3A_1313 = tpu.memref_slice %arg8[%dma_wait3A_1310, %dma_wait3A_1311, %dma_wait3A_1312] : memref<2x5x80xi32, #tpu.memory_space<vmem>> -> memref<1x1x80xi32, #tpu.memory_space<vmem>>
      %dma_wait3A_1314 = tpu.memref_squeeze %dma_wait3A_1313 : memref<1x1x80xi32, #tpu.memory_space<vmem>> -> memref<80xi32, #tpu.memory_space<vmem>>
      %dma_wait3A_1315 = tpu.memref_slice %arg4[%mul3A_655] : memref<320000xi32, #tpu.memory_space<hbm>> -> memref<80xi32, #tpu.memory_space<hbm>>
      %dma_wait3A_1316 = arith.constant 0 : i32
      %dma_wait3A_1317 = tpu.memref_slice %arg8[%dma_wait3A_1310, %dma_wait3A_1311, %dma_wait3A_1316] : memref<2x5x80xi32, #tpu.memory_space<vmem>> -> memref<1x1x80xi32, #tpu.memory_space<vmem>>
      %dma_wait3A_1318 = tpu.memref_squeeze %dma_wait3A_1317 : memref<1x1x80xi32, #tpu.memory_space<vmem>> -> memref<80xi32, #tpu.memory_space<vmem>>
      %dma_wait3A_1319 = tpu.memref_slice %arg4[%mul3A_655] : memref<320000xi32, #tpu.memory_space<hbm>> -> memref<80xi32, #tpu.memory_space<hbm>>
      tpu.wait_dma2 semaphore(%arg17 : memref<!tpu.dma_semaphore, #tpu.memory_space<semaphore_mem>>) src(%dma_wait3A_1319 : memref<80xi32, #tpu.memory_space<hbm>>) dst(%dma_wait3A_1318 : memref<80xi32, #tpu.memory_space<vmem>>)
      %dma_start3A_1320 = arith.constant 0 : i32
      %dma_start3A_1321 = arith.constant 0 : i32
      %dma_start3A_1322 = arith.constant 0 : i32
      %dma_start3A_1323 = arith.constant 0 : i32
      %dma_start3A_1324 = arith.constant 0 : i32
      %dma_start3A_1325 = arith.constant 0 : i32
      %dma_start3A_1326 = tpu.memref_slice %arg9[%dma_start3A_1320, %dma_start3A_1321, %dma_start3A_1324, %dma_start3A_1325] : memref<2x5x80x80xf32, #tpu.memory_space<vmem>> -> memref<1x1x80x80xf32, #tpu.memory_space<vmem>>
      %dma_start3A_1327 = tpu.memref_squeeze %dma_start3A_1326 : memref<1x1x80x80xf32, #tpu.memory_space<vmem>> -> memref<80x80xf32, #tpu.memory_space<vmem>>
      %dma_start3A_1328 = arith.constant 0 : i32
      %dma_start3A_1329 = tpu.memref_slice %arg8[%dma_start3A_1322, %dma_start3A_1323, %dma_start3A_1328] : memref<2x5x80xi32, #tpu.memory_space<vmem>> -> memref<1x1x80xi32, #tpu.memory_space<vmem>>
      %dma_start3A_1330 = tpu.memref_squeeze %dma_start3A_1329 : memref<1x1x80xi32, #tpu.memory_space<vmem>> -> memref<80xi32, #tpu.memory_space<vmem>>
      %dma_start3A_1331 = arith.constant 0 : i32
      %dma_start3A_1332 = arith.constant 0 : i32
      %dma_start3A_1333 = tpu.memref_slice %arg13[%dma_start3A_1331, %dma_start3A_1332] : memref<10240x80xf32, #tpu.memory_space<vmem_shared>> -> memref<10240x80xf32, #tpu.memory_space<vmem_shared>>
      tpu.enqueue_indirect_dma source(%dma_start3A_1327 : memref<80x80xf32, #tpu.memory_space<vmem>>) target(%dma_start3A_1333 : memref<10240x80xf32, #tpu.memory_space<vmem_shared>>) offsets(%dma_start3A_1330 : memref<80xi32, #tpu.memory_space<vmem>>) semaphore(%arg21 : memref<!tpu.dma_semaphore, #tpu.memory_space<semaphore_mem>>) {add = true}
      %dma_start3A_1334 = arith.constant 0 : i32
      %dma_start3A_1335 = arith.constant 1 : i32
      %dma_start3A_1336 = arith.constant 0 : i32
      %dma_start3A_1337 = arith.constant 1 : i32
      %dma_start3A_1338 = arith.constant 0 : i32
      %dma_start3A_1339 = arith.constant 0 : i32
      %dma_start3A_1340 = tpu.memref_slice %arg9[%dma_start3A_1334, %dma_start3A_1335, %dma_start3A_1338, %dma_start3A_1339] : memref<2x5x80x80xf32, #tpu.memory_space<vmem>> -> memref<1x1x80x80xf32, #tpu.memory_space<vmem>>
      %dma_start3A_1341 = tpu.memref_squeeze %dma_start3A_1340 : memref<1x1x80x80xf32, #tpu.memory_space<vmem>> -> memref<80x80xf32, #tpu.memory_space<vmem>>
      %dma_start3A_1342 = arith.constant 0 : i32
      %dma_start3A_1343 = tpu.memref_slice %arg8[%dma_start3A_1336, %dma_start3A_1337, %dma_start3A_1342] : memref<2x5x80xi32, #tpu.memory_space<vmem>> -> memref<1x1x80xi32, #tpu.memory_space<vmem>>
      %dma_start3A_1344 = tpu.memref_squeeze %dma_start3A_1343 : memref<1x1x80xi32, #tpu.memory_space<vmem>> -> memref<80xi32, #tpu.memory_space<vmem>>
      %dma_start3A_1345 = arith.constant 0 : i32
      %dma_start3A_1346 = arith.constant 0 : i32
      %dma_start3A_1347 = tpu.memref_slice %arg13[%dma_start3A_1345, %dma_start3A_1346] : memref<10240x80xf32, #tpu.memory_space<vmem_shared>> -> memref<10240x80xf32, #tpu.memory_space<vmem_shared>>
      tpu.enqueue_indirect_dma source(%dma_start3A_1341 : memref<80x80xf32, #tpu.memory_space<vmem>>) target(%dma_start3A_1347 : memref<10240x80xf32, #tpu.memory_space<vmem_shared>>) offsets(%dma_start3A_1344 : memref<80xi32, #tpu.memory_space<vmem>>) semaphore(%arg21 : memref<!tpu.dma_semaphore, #tpu.memory_space<semaphore_mem>>) {add = true}
      %dma_start3A_1348 = arith.constant 0 : i32
      %dma_start3A_1349 = arith.constant 2 : i32
      %dma_start3A_1350 = arith.constant 0 : i32
      %dma_start3A_1351 = arith.constant 2 : i32
      %dma_start3A_1352 = arith.constant 0 : i32
      %dma_start3A_1353 = arith.constant 0 : i32
      %dma_start3A_1354 = tpu.memref_slice %arg9[%dma_start3A_1348, %dma_start3A_1349, %dma_start3A_1352, %dma_start3A_1353] : memref<2x5x80x80xf32, #tpu.memory_space<vmem>> -> memref<1x1x80x80xf32, #tpu.memory_space<vmem>>
      %dma_start3A_1355 = tpu.memref_squeeze %dma_start3A_1354 : memref<1x1x80x80xf32, #tpu.memory_space<vmem>> -> memref<80x80xf32, #tpu.memory_space<vmem>>
      %dma_start3A_1356 = arith.constant 0 : i32
      %dma_start3A_1357 = tpu.memref_slice %arg8[%dma_start3A_1350, %dma_start3A_1351, %dma_start3A_1356] : memref<2x5x80xi32, #tpu.memory_space<vmem>> -> memref<1x1x80xi32, #tpu.memory_space<vmem>>
      %dma_start3A_1358 = tpu.memref_squeeze %dma_start3A_1357 : memref<1x1x80xi32, #tpu.memory_space<vmem>> -> memref<80xi32, #tpu.memory_space<vmem>>
      %dma_start3A_1359 = arith.constant 0 : i32
      %dma_start3A_1360 = arith.constant 0 : i32
      %dma_start3A_1361 = tpu.memref_slice %arg13[%dma_start3A_1359, %dma_start3A_1360] : memref<10240x80xf32, #tpu.memory_space<vmem_shared>> -> memref<10240x80xf32, #tpu.memory_space<vmem_shared>>
      tpu.enqueue_indirect_dma source(%dma_start3A_1355 : memref<80x80xf32, #tpu.memory_space<vmem>>) target(%dma_start3A_1361 : memref<10240x80xf32, #tpu.memory_space<vmem_shared>>) offsets(%dma_start3A_1358 : memref<80xi32, #tpu.memory_space<vmem>>) semaphore(%arg21 : memref<!tpu.dma_semaphore, #tpu.memory_space<semaphore_mem>>) {add = true}
      %dma_start3A_1362 = arith.constant 0 : i32
      %dma_start3A_1363 = arith.constant 3 : i32
      %dma_start3A_1364 = arith.constant 0 : i32
      %dma_start3A_1365 = arith.constant 3 : i32
      %dma_start3A_1366 = arith.constant 0 : i32
      %dma_start3A_1367 = arith.constant 0 : i32
      %dma_start3A_1368 = tpu.memref_slice %arg9[%dma_start3A_1362, %dma_start3A_1363, %dma_start3A_1366, %dma_start3A_1367] : memref<2x5x80x80xf32, #tpu.memory_space<vmem>> -> memref<1x1x80x80xf32, #tpu.memory_space<vmem>>
      %dma_start3A_1369 = tpu.memref_squeeze %dma_start3A_1368 : memref<1x1x80x80xf32, #tpu.memory_space<vmem>> -> memref<80x80xf32, #tpu.memory_space<vmem>>
      %dma_start3A_1370 = arith.constant 0 : i32
      %dma_start3A_1371 = tpu.memref_slice %arg8[%dma_start3A_1364, %dma_start3A_1365, %dma_start3A_1370] : memref<2x5x80xi32, #tpu.memory_space<vmem>> -> memref<1x1x80xi32, #tpu.memory_space<vmem>>
      %dma_start3A_1372 = tpu.memref_squeeze %dma_start3A_1371 : memref<1x1x80xi32, #tpu.memory_space<vmem>> -> memref<80xi32, #tpu.memory_space<vmem>>
      %dma_start3A_1373 = arith.constant 0 : i32
      %dma_start3A_1374 = arith.constant 0 : i32
      %dma_start3A_1375 = tpu.memref_slice %arg13[%dma_start3A_1373, %dma_start3A_1374] : memref<10240x80xf32, #tpu.memory_space<vmem_shared>> -> memref<10240x80xf32, #tpu.memory_space<vmem_shared>>
      tpu.enqueue_indirect_dma source(%dma_start3A_1369 : memref<80x80xf32, #tpu.memory_space<vmem>>) target(%dma_start3A_1375 : memref<10240x80xf32, #tpu.memory_space<vmem_shared>>) offsets(%dma_start3A_1372 : memref<80xi32, #tpu.memory_space<vmem>>) semaphore(%arg21 : memref<!tpu.dma_semaphore, #tpu.memory_space<semaphore_mem>>) {add = true}
      %dma_start3A_1376 = arith.constant 0 : i32
      %dma_start3A_1377 = arith.constant 4 : i32
      %dma_start3A_1378 = arith.constant 0 : i32
      %dma_start3A_1379 = arith.constant 4 : i32
      %dma_start3A_1380 = arith.constant 0 : i32
      %dma_start3A_1381 = arith.constant 0 : i32
      %dma_start3A_1382 = tpu.memref_slice %arg9[%dma_start3A_1376, %dma_start3A_1377, %dma_start3A_1380, %dma_start3A_1381] : memref<2x5x80x80xf32, #tpu.memory_space<vmem>> -> memref<1x1x80x80xf32, #tpu.memory_space<vmem>>
      %dma_start3A_1383 = tpu.memref_squeeze %dma_start3A_1382 : memref<1x1x80x80xf32, #tpu.memory_space<vmem>> -> memref<80x80xf32, #tpu.memory_space<vmem>>
      %dma_start3A_1384 = arith.constant 0 : i32
      %dma_start3A_1385 = tpu.memref_slice %arg8[%dma_start3A_1378, %dma_start3A_1379, %dma_start3A_1384] : memref<2x5x80xi32, #tpu.memory_space<vmem>> -> memref<1x1x80xi32, #tpu.memory_space<vmem>>
      %dma_start3A_1386 = tpu.memref_squeeze %dma_start3A_1385 : memref<1x1x80xi32, #tpu.memory_space<vmem>> -> memref<80xi32, #tpu.memory_space<vmem>>
      %dma_start3A_1387 = arith.constant 0 : i32
      %dma_start3A_1388 = arith.constant 0 : i32
      %dma_start3A_1389 = tpu.memref_slice %arg13[%dma_start3A_1387, %dma_start3A_1388] : memref<10240x80xf32, #tpu.memory_space<vmem_shared>> -> memref<10240x80xf32, #tpu.memory_space<vmem_shared>>
      tpu.enqueue_indirect_dma source(%dma_start3A_1383 : memref<80x80xf32, #tpu.memory_space<vmem>>) target(%dma_start3A_1389 : memref<10240x80xf32, #tpu.memory_space<vmem_shared>>) offsets(%dma_start3A_1386 : memref<80xi32, #tpu.memory_space<vmem>>) semaphore(%arg21 : memref<!tpu.dma_semaphore, #tpu.memory_space<semaphore_mem>>) {add = true}
      %broadcast_in_dim3A_1390 = arith.constant 1.000000e+00 : f32
      %broadcast_in_dim3A_1391 = vector.broadcast %broadcast_in_dim3A_1390 : f32 to vector<16xf32>
      %get3A = arith.constant 0 : i32
      %get3A_1392 = arith.constant 0 : i32
      %get3A_1393 = arith.index_cast %get3A : i32 to index
      %get3A_1394 = arith.index_cast %get3A_1392 : i32 to index
      %get3A_1395 = arith.constant 0 : index
      %get3A_1396 = tpu.vector_load %arg8[%get3A_1393, %get3A_1394, %get3A_1395] {strides = array<i32>} : memref<2x5x80xi32, #tpu.memory_space<vmem>>, vector<16xi32>,
      %shift_right_logical3A = arith.constant 4 : i32
      %shift_right_logical3A_1397 = vector.broadcast %shift_right_logical3A : i32 to vector<16xi32>
      %shift_right_logical3A_1398 = arith.shrui %get3A_1396, %shift_right_logical3A_1397 : vector<16xi32>
      %and3A = arith.constant 15 : i32
      %and3A_1399 = vector.broadcast %and3A : i32 to vector<16xi32>
      %and3A_1400 = arith.andi %get3A_1396, %and3A_1399 : vector<16xi32>
      tpu.vector_store_idx %arg11[%shift_right_logical3A_1398, %and3A_1400], %broadcast_in_dim3A_1391 {add = true} : memref<640x16xf32, #tpu.memory_space<vmem>>[vector<16xi32>, vector<16xi32>], vector<16xf32>,
      %get3A_1401 = arith.constant 0 : i32
      %get3A_1402 = arith.constant 0 : i32
      %get3A_1403 = arith.index_cast %get3A_1401 : i32 to index
      %get3A_1404 = arith.index_cast %get3A_1402 : i32 to index
      %get3A_1405 = arith.constant 16 : index
      %get3A_1406 = tpu.vector_load %arg8[%get3A_1403, %get3A_1404, %get3A_1405] {strides = array<i32>} : memref<2x5x80xi32, #tpu.memory_space<vmem>>, vector<16xi32>,
      %shift_right_logical3A_1407 = arith.constant 4 : i32
      %shift_right_logical3A_1408 = vector.broadcast %shift_right_logical3A_1407 : i32 to vector<16xi32>
      %shift_right_logical3A_1409 = arith.shrui %get3A_1406, %shift_right_logical3A_1408 : vector<16xi32>
      %and3A_1410 = arith.constant 15 : i32
      %and3A_1411 = vector.broadcast %and3A_1410 : i32 to vector<16xi32>
      %and3A_1412 = arith.andi %get3A_1406, %and3A_1411 : vector<16xi32>
      tpu.vector_store_idx %arg11[%shift_right_logical3A_1409, %and3A_1412], %broadcast_in_dim3A_1391 {add = true} : memref<640x16xf32, #tpu.memory_space<vmem>>[vector<16xi32>, vector<16xi32>], vector<16xf32>,
      %get3A_1413 = arith.constant 0 : i32
      %get3A_1414 = arith.constant 0 : i32
      %get3A_1415 = arith.index_cast %get3A_1413 : i32 to index
      %get3A_1416 = arith.index_cast %get3A_1414 : i32 to index
      %get3A_1417 = arith.constant 32 : index
      %get3A_1418 = tpu.vector_load %arg8[%get3A_1415, %get3A_1416, %get3A_1417] {strides = array<i32>} : memref<2x5x80xi32, #tpu.memory_space<vmem>>, vector<16xi32>,
      %shift_right_logical3A_1419 = arith.constant 4 : i32
      %shift_right_logical3A_1420 = vector.broadcast %shift_right_logical3A_1419 : i32 to vector<16xi32>
      %shift_right_logical3A_1421 = arith.shrui %get3A_1418, %shift_right_logical3A_1420 : vector<16xi32>
      %and3A_1422 = arith.constant 15 : i32
      %and3A_1423 = vector.broadcast %and3A_1422 : i32 to vector<16xi32>
      %and3A_1424 = arith.andi %get3A_1418, %and3A_1423 : vector<16xi32>
      tpu.vector_store_idx %arg11[%shift_right_logical3A_1421, %and3A_1424], %broadcast_in_dim3A_1391 {add = true} : memref<640x16xf32, #tpu.memory_space<vmem>>[vector<16xi32>, vector<16xi32>], vector<16xf32>,
      %get3A_1425 = arith.constant 0 : i32
      %get3A_1426 = arith.constant 0 : i32
      %get3A_1427 = arith.index_cast %get3A_1425 : i32 to index
      %get3A_1428 = arith.index_cast %get3A_1426 : i32 to index
      %get3A_1429 = arith.constant 48 : index
      %get3A_1430 = tpu.vector_load %arg8[%get3A_1427, %get3A_1428, %get3A_1429] {strides = array<i32>} : memref<2x5x80xi32, #tpu.memory_space<vmem>>, vector<16xi32>,
      %shift_right_logical3A_1431 = arith.constant 4 : i32
      %shift_right_logical3A_1432 = vector.broadcast %shift_right_logical3A_1431 : i32 to vector<16xi32>
      %shift_right_logical3A_1433 = arith.shrui %get3A_1430, %shift_right_logical3A_1432 : vector<16xi32>
      %and3A_1434 = arith.constant 15 : i32
      %and3A_1435 = vector.broadcast %and3A_1434 : i32 to vector<16xi32>
      %and3A_1436 = arith.andi %get3A_1430, %and3A_1435 : vector<16xi32>
      tpu.vector_store_idx %arg11[%shift_right_logical3A_1433, %and3A_1436], %broadcast_in_dim3A_1391 {add = true} : memref<640x16xf32, #tpu.memory_space<vmem>>[vector<16xi32>, vector<16xi32>], vector<16xf32>,
      %get3A_1437 = arith.constant 0 : i32
      %get3A_1438 = arith.constant 0 : i32
      %get3A_1439 = arith.index_cast %get3A_1437 : i32 to index
      %get3A_1440 = arith.index_cast %get3A_1438 : i32 to index
      %get3A_1441 = arith.constant 64 : index
      %get3A_1442 = tpu.vector_load %arg8[%get3A_1439, %get3A_1440, %get3A_1441] {strides = array<i32>} : memref<2x5x80xi32, #tpu.memory_space<vmem>>, vector<16xi32>,
      %shift_right_logical3A_1443 = arith.constant 4 : i32
      %shift_right_logical3A_1444 = vector.broadcast %shift_right_logical3A_1443 : i32 to vector<16xi32>
      %shift_right_logical3A_1445 = arith.shrui %get3A_1442, %shift_right_logical3A_1444 : vector<16xi32>
      %and3A_1446 = arith.constant 15 : i32
      %and3A_1447 = vector.broadcast %and3A_1446 : i32 to vector<16xi32>
      %and3A_1448 = arith.andi %get3A_1442, %and3A_1447 : vector<16xi32>
      tpu.vector_store_idx %arg11[%shift_right_logical3A_1445, %and3A_1448], %broadcast_in_dim3A_1391 {add = true} : memref<640x16xf32, #tpu.memory_space<vmem>>[vector<16xi32>, vector<16xi32>], vector<16xf32>,
      %get3A_1449 = arith.constant 0 : i32
      %get3A_1450 = arith.constant 1 : i32
      %get3A_1451 = arith.index_cast %get3A_1449 : i32 to index
      %get3A_1452 = arith.index_cast %get3A_1450 : i32 to index
      %get3A_1453 = arith.constant 0 : index
      %get3A_1454 = tpu.vector_load %arg8[%get3A_1451, %get3A_1452, %get3A_1453] {strides = array<i32>} : memref<2x5x80xi32, #tpu.memory_space<vmem>>, vector<16xi32>,
      %shift_right_logical3A_1455 = arith.constant 4 : i32
      %shift_right_logical3A_1456 = vector.broadcast %shift_right_logical3A_1455 : i32 to vector<16xi32>
      %shift_right_logical3A_1457 = arith.shrui %get3A_1454, %shift_right_logical3A_1456 : vector<16xi32>
      %and3A_1458 = arith.constant 15 : i32
      %and3A_1459 = vector.broadcast %and3A_1458 : i32 to vector<16xi32>
      %and3A_1460 = arith.andi %get3A_1454, %and3A_1459 : vector<16xi32>
      tpu.vector_store_idx %arg11[%shift_right_logical3A_1457, %and3A_1460], %broadcast_in_dim3A_1391 {add = true} : memref<640x16xf32, #tpu.memory_space<vmem>>[vector<16xi32>, vector<16xi32>], vector<16xf32>,
      %get3A_1461 = arith.constant 0 : i32
      %get3A_1462 = arith.constant 1 : i32
      %get3A_1463 = arith.index_cast %get3A_1461 : i32 to index
      %get3A_1464 = arith.index_cast %get3A_1462 : i32 to index
      %get3A_1465 = arith.constant 16 : index
      %get3A_1466 = tpu.vector_load %arg8[%get3A_1463, %get3A_1464, %get3A_1465] {strides = array<i32>} : memref<2x5x80xi32, #tpu.memory_space<vmem>>, vector<16xi32>,
      %shift_right_logical3A_1467 = arith.constant 4 : i32
      %shift_right_logical3A_1468 = vector.broadcast %shift_right_logical3A_1467 : i32 to vector<16xi32>
      %shift_right_logical3A_1469 = arith.shrui %get3A_1466, %shift_right_logical3A_1468 : vector<16xi32>
      %and3A_1470 = arith.constant 15 : i32
      %and3A_1471 = vector.broadcast %and3A_1470 : i32 to vector<16xi32>
      %and3A_1472 = arith.andi %get3A_1466, %and3A_1471 : vector<16xi32>
      tpu.vector_store_idx %arg11[%shift_right_logical3A_1469, %and3A_1472], %broadcast_in_dim3A_1391 {add = true} : memref<640x16xf32, #tpu.memory_space<vmem>>[vector<16xi32>, vector<16xi32>], vector<16xf32>,
      %get3A_1473 = arith.constant 0 : i32
      %get3A_1474 = arith.constant 1 : i32
      %get3A_1475 = arith.index_cast %get3A_1473 : i32 to index
      %get3A_1476 = arith.index_cast %get3A_1474 : i32 to index
      %get3A_1477 = arith.constant 32 : index
      %get3A_1478 = tpu.vector_load %arg8[%get3A_1475, %get3A_1476, %get3A_1477] {strides = array<i32>} : memref<2x5x80xi32, #tpu.memory_space<vmem>>, vector<16xi32>,
      %shift_right_logical3A_1479 = arith.constant 4 : i32
      %shift_right_logical3A_1480 = vector.broadcast %shift_right_logical3A_1479 : i32 to vector<16xi32>
      %shift_right_logical3A_1481 = arith.shrui %get3A_1478, %shift_right_logical3A_1480 : vector<16xi32>
      %and3A_1482 = arith.constant 15 : i32
      %and3A_1483 = vector.broadcast %and3A_1482 : i32 to vector<16xi32>
      %and3A_1484 = arith.andi %get3A_1478, %and3A_1483 : vector<16xi32>
      tpu.vector_store_idx %arg11[%shift_right_logical3A_1481, %and3A_1484], %broadcast_in_dim3A_1391 {add = true} : memref<640x16xf32, #tpu.memory_space<vmem>>[vector<16xi32>, vector<16xi32>], vector<16xf32>,
      %get3A_1485 = arith.constant 0 : i32
      %get3A_1486 = arith.constant 1 : i32
      %get3A_1487 = arith.index_cast %get3A_1485 : i32 to index
      %get3A_1488 = arith.index_cast %get3A_1486 : i32 to index
      %get3A_1489 = arith.constant 48 : index
      %get3A_1490 = tpu.vector_load %arg8[%get3A_1487, %get3A_1488, %get3A_1489] {strides = array<i32>} : memref<2x5x80xi32, #tpu.memory_space<vmem>>, vector<16xi32>,
      %shift_right_logical3A_1491 = arith.constant 4 : i32
      %shift_right_logical3A_1492 = vector.broadcast %shift_right_logical3A_1491 : i32 to vector<16xi32>
      %shift_right_logical3A_1493 = arith.shrui %get3A_1490, %shift_right_logical3A_1492 : vector<16xi32>
      %and3A_1494 = arith.constant 15 : i32
      %and3A_1495 = vector.broadcast %and3A_1494 : i32 to vector<16xi32>
      %and3A_1496 = arith.andi %get3A_1490, %and3A_1495 : vector<16xi32>
      tpu.vector_store_idx %arg11[%shift_right_logical3A_1493, %and3A_1496], %broadcast_in_dim3A_1391 {add = true} : memref<640x16xf32, #tpu.memory_space<vmem>>[vector<16xi32>, vector<16xi32>], vector<16xf32>,
      %get3A_1497 = arith.constant 0 : i32
      %get3A_1498 = arith.constant 1 : i32
      %get3A_1499 = arith.index_cast %get3A_1497 : i32 to index
      %get3A_1500 = arith.index_cast %get3A_1498 : i32 to index
      %get3A_1501 = arith.constant 64 : index
      %get3A_1502 = tpu.vector_load %arg8[%get3A_1499, %get3A_1500, %get3A_1501] {strides = array<i32>} : memref<2x5x80xi32, #tpu.memory_space<vmem>>, vector<16xi32>,
      %shift_right_logical3A_1503 = arith.constant 4 : i32
      %shift_right_logical3A_1504 = vector.broadcast %shift_right_logical3A_1503 : i32 to vector<16xi32>
      %shift_right_logical3A_1505 = arith.shrui %get3A_1502, %shift_right_logical3A_1504 : vector<16xi32>
      %and3A_1506 = arith.constant 15 : i32
      %and3A_1507 = vector.broadcast %and3A_1506 : i32 to vector<16xi32>
      %and3A_1508 = arith.andi %get3A_1502, %and3A_1507 : vector<16xi32>
      tpu.vector_store_idx %arg11[%shift_right_logical3A_1505, %and3A_1508], %broadcast_in_dim3A_1391 {add = true} : memref<640x16xf32, #tpu.memory_space<vmem>>[vector<16xi32>, vector<16xi32>], vector<16xf32>,
      %get3A_1509 = arith.constant 0 : i32
      %get3A_1510 = arith.constant 2 : i32
      %get3A_1511 = arith.index_cast %get3A_1509 : i32 to index
      %get3A_1512 = arith.index_cast %get3A_1510 : i32 to index
      %get3A_1513 = arith.constant 0 : index
      %get3A_1514 = tpu.vector_load %arg8[%get3A_1511, %get3A_1512, %get3A_1513] {strides = array<i32>} : memref<2x5x80xi32, #tpu.memory_space<vmem>>, vector<16xi32>,
      %shift_right_logical3A_1515 = arith.constant 4 : i32
      %shift_right_logical3A_1516 = vector.broadcast %shift_right_logical3A_1515 : i32 to vector<16xi32>
      %shift_right_logical3A_1517 = arith.shrui %get3A_1514, %shift_right_logical3A_1516 : vector<16xi32>
      %and3A_1518 = arith.constant 15 : i32
      %and3A_1519 = vector.broadcast %and3A_1518 : i32 to vector<16xi32>
      %and3A_1520 = arith.andi %get3A_1514, %and3A_1519 : vector<16xi32>
      tpu.vector_store_idx %arg11[%shift_right_logical3A_1517, %and3A_1520], %broadcast_in_dim3A_1391 {add = true} : memref<640x16xf32, #tpu.memory_space<vmem>>[vector<16xi32>, vector<16xi32>], vector<16xf32>,
      %get3A_1521 = arith.constant 0 : i32
      %get3A_1522 = arith.constant 2 : i32
      %get3A_1523 = arith.index_cast %get3A_1521 : i32 to index
      %get3A_1524 = arith.index_cast %get3A_1522 : i32 to index
      %get3A_1525 = arith.constant 16 : index
      %get3A_1526 = tpu.vector_load %arg8[%get3A_1523, %get3A_1524, %get3A_1525] {strides = array<i32>} : memref<2x5x80xi32, #tpu.memory_space<vmem>>, vector<16xi32>,
      %shift_right_logical3A_1527 = arith.constant 4 : i32
      %shift_right_logical3A_1528 = vector.broadcast %shift_right_logical3A_1527 : i32 to vector<16xi32>
      %shift_right_logical3A_1529 = arith.shrui %get3A_1526, %shift_right_logical3A_1528 : vector<16xi32>
      %and3A_1530 = arith.constant 15 : i32
      %and3A_1531 = vector.broadcast %and3A_1530 : i32 to vector<16xi32>
      %and3A_1532 = arith.andi %get3A_1526, %and3A_1531 : vector<16xi32>
      tpu.vector_store_idx %arg11[%shift_right_logical3A_1529, %and3A_1532], %broadcast_in_dim3A_1391 {add = true} : memref<640x16xf32, #tpu.memory_space<vmem>>[vector<16xi32>, vector<16xi32>], vector<16xf32>,
      %get3A_1533 = arith.constant 0 : i32
      %get3A_1534 = arith.constant 2 : i32
      %get3A_1535 = arith.index_cast %get3A_1533 : i32 to index
      %get3A_1536 = arith.index_cast %get3A_1534 : i32 to index
      %get3A_1537 = arith.constant 32 : index
      %get3A_1538 = tpu.vector_load %arg8[%get3A_1535, %get3A_1536, %get3A_1537] {strides = array<i32>} : memref<2x5x80xi32, #tpu.memory_space<vmem>>, vector<16xi32>,
      %shift_right_logical3A_1539 = arith.constant 4 : i32
      %shift_right_logical3A_1540 = vector.broadcast %shift_right_logical3A_1539 : i32 to vector<16xi32>
      %shift_right_logical3A_1541 = arith.shrui %get3A_1538, %shift_right_logical3A_1540 : vector<16xi32>
      %and3A_1542 = arith.constant 15 : i32
      %and3A_1543 = vector.broadcast %and3A_1542 : i32 to vector<16xi32>
      %and3A_1544 = arith.andi %get3A_1538, %and3A_1543 : vector<16xi32>
      tpu.vector_store_idx %arg11[%shift_right_logical3A_1541, %and3A_1544], %broadcast_in_dim3A_1391 {add = true} : memref<640x16xf32, #tpu.memory_space<vmem>>[vector<16xi32>, vector<16xi32>], vector<16xf32>,
      %get3A_1545 = arith.constant 0 : i32
      %get3A_1546 = arith.constant 2 : i32
      %get3A_1547 = arith.index_cast %get3A_1545 : i32 to index
      %get3A_1548 = arith.index_cast %get3A_1546 : i32 to index
      %get3A_1549 = arith.constant 48 : index
      %get3A_1550 = tpu.vector_load %arg8[%get3A_1547, %get3A_1548, %get3A_1549] {strides = array<i32>} : memref<2x5x80xi32, #tpu.memory_space<vmem>>, vector<16xi32>,
      %shift_right_logical3A_1551 = arith.constant 4 : i32
      %shift_right_logical3A_1552 = vector.broadcast %shift_right_logical3A_1551 : i32 to vector<16xi32>
      %shift_right_logical3A_1553 = arith.shrui %get3A_1550, %shift_right_logical3A_1552 : vector<16xi32>
      %and3A_1554 = arith.constant 15 : i32
      %and3A_1555 = vector.broadcast %and3A_1554 : i32 to vector<16xi32>
      %and3A_1556 = arith.andi %get3A_1550, %and3A_1555 : vector<16xi32>
      tpu.vector_store_idx %arg11[%shift_right_logical3A_1553, %and3A_1556], %broadcast_in_dim3A_1391 {add = true} : memref<640x16xf32, #tpu.memory_space<vmem>>[vector<16xi32>, vector<16xi32>], vector<16xf32>,
      %get3A_1557 = arith.constant 0 : i32
      %get3A_1558 = arith.constant 2 : i32
      %get3A_1559 = arith.index_cast %get3A_1557 : i32 to index
      %get3A_1560 = arith.index_cast %get3A_1558 : i32 to index
      %get3A_1561 = arith.constant 64 : index
      %get3A_1562 = tpu.vector_load %arg8[%get3A_1559, %get3A_1560, %get3A_1561] {strides = array<i32>} : memref<2x5x80xi32, #tpu.memory_space<vmem>>, vector<16xi32>,
      %shift_right_logical3A_1563 = arith.constant 4 : i32
      %shift_right_logical3A_1564 = vector.broadcast %shift_right_logical3A_1563 : i32 to vector<16xi32>
      %shift_right_logical3A_1565 = arith.shrui %get3A_1562, %shift_right_logical3A_1564 : vector<16xi32>
      %and3A_1566 = arith.constant 15 : i32
      %and3A_1567 = vector.broadcast %and3A_1566 : i32 to vector<16xi32>
      %and3A_1568 = arith.andi %get3A_1562, %and3A_1567 : vector<16xi32>
      tpu.vector_store_idx %arg11[%shift_right_logical3A_1565, %and3A_1568], %broadcast_in_dim3A_1391 {add = true} : memref<640x16xf32, #tpu.memory_space<vmem>>[vector<16xi32>, vector<16xi32>], vector<16xf32>,
      %get3A_1569 = arith.constant 0 : i32
      %get3A_1570 = arith.constant 3 : i32
      %get3A_1571 = arith.index_cast %get3A_1569 : i32 to index
      %get3A_1572 = arith.index_cast %get3A_1570 : i32 to index
      %get3A_1573 = arith.constant 0 : index
      %get3A_1574 = tpu.vector_load %arg8[%get3A_1571, %get3A_1572, %get3A_1573] {strides = array<i32>} : memref<2x5x80xi32, #tpu.memory_space<vmem>>, vector<16xi32>,
      %shift_right_logical3A_1575 = arith.constant 4 : i32
      %shift_right_logical3A_1576 = vector.broadcast %shift_right_logical3A_1575 : i32 to vector<16xi32>
      %shift_right_logical3A_1577 = arith.shrui %get3A_1574, %shift_right_logical3A_1576 : vector<16xi32>
      %and3A_1578 = arith.constant 15 : i32
      %and3A_1579 = vector.broadcast %and3A_1578 : i32 to vector<16xi32>
      %and3A_1580 = arith.andi %get3A_1574, %and3A_1579 : vector<16xi32>
      tpu.vector_store_idx %arg11[%shift_right_logical3A_1577, %and3A_1580], %broadcast_in_dim3A_1391 {add = true} : memref<640x16xf32, #tpu.memory_space<vmem>>[vector<16xi32>, vector<16xi32>], vector<16xf32>,
      %get3A_1581 = arith.constant 0 : i32
      %get3A_1582 = arith.constant 3 : i32
      %get3A_1583 = arith.index_cast %get3A_1581 : i32 to index
      %get3A_1584 = arith.index_cast %get3A_1582 : i32 to index
      %get3A_1585 = arith.constant 16 : index
      %get3A_1586 = tpu.vector_load %arg8[%get3A_1583, %get3A_1584, %get3A_1585] {strides = array<i32>} : memref<2x5x80xi32, #tpu.memory_space<vmem>>, vector<16xi32>,
      %shift_right_logical3A_1587 = arith.constant 4 : i32
      %shift_right_logical3A_1588 = vector.broadcast %shift_right_logical3A_1587 : i32 to vector<16xi32>
      %shift_right_logical3A_1589 = arith.shrui %get3A_1586, %shift_right_logical3A_1588 : vector<16xi32>
      %and3A_1590 = arith.constant 15 : i32
      %and3A_1591 = vector.broadcast %and3A_1590 : i32 to vector<16xi32>
      %and3A_1592 = arith.andi %get3A_1586, %and3A_1591 : vector<16xi32>
      tpu.vector_store_idx %arg11[%shift_right_logical3A_1589, %and3A_1592], %broadcast_in_dim3A_1391 {add = true} : memref<640x16xf32, #tpu.memory_space<vmem>>[vector<16xi32>, vector<16xi32>], vector<16xf32>,
      %get3A_1593 = arith.constant 0 : i32
      %get3A_1594 = arith.constant 3 : i32
      %get3A_1595 = arith.index_cast %get3A_1593 : i32 to index
      %get3A_1596 = arith.index_cast %get3A_1594 : i32 to index
      %get3A_1597 = arith.constant 32 : index
      %get3A_1598 = tpu.vector_load %arg8[%get3A_1595, %get3A_1596, %get3A_1597] {strides = array<i32>} : memref<2x5x80xi32, #tpu.memory_space<vmem>>, vector<16xi32>,
      %shift_right_logical3A_1599 = arith.constant 4 : i32
      %shift_right_logical3A_1600 = vector.broadcast %shift_right_logical3A_1599 : i32 to vector<16xi32>
      %shift_right_logical3A_1601 = arith.shrui %get3A_1598, %shift_right_logical3A_1600 : vector<16xi32>
      %and3A_1602 = arith.constant 15 : i32
      %and3A_1603 = vector.broadcast %and3A_1602 : i32 to vector<16xi32>
      %and3A_1604 = arith.andi %get3A_1598, %and3A_1603 : vector<16xi32>
      tpu.vector_store_idx %arg11[%shift_right_logical3A_1601, %and3A_1604], %broadcast_in_dim3A_1391 {add = true} : memref<640x16xf32, #tpu.memory_space<vmem>>[vector<16xi32>, vector<16xi32>], vector<16xf32>,
      %get3A_1605 = arith.constant 0 : i32
      %get3A_1606 = arith.constant 3 : i32
      %get3A_1607 = arith.index_cast %get3A_1605 : i32 to index
      %get3A_1608 = arith.index_cast %get3A_1606 : i32 to index
      %get3A_1609 = arith.constant 48 : index
      %get3A_1610 = tpu.vector_load %arg8[%get3A_1607, %get3A_1608, %get3A_1609] {strides = array<i32>} : memref<2x5x80xi32, #tpu.memory_space<vmem>>, vector<16xi32>,
      %shift_right_logical3A_1611 = arith.constant 4 : i32
      %shift_right_logical3A_1612 = vector.broadcast %shift_right_logical3A_1611 : i32 to vector<16xi32>
      %shift_right_logical3A_1613 = arith.shrui %get3A_1610, %shift_right_logical3A_1612 : vector<16xi32>
      %and3A_1614 = arith.constant 15 : i32
      %and3A_1615 = vector.broadcast %and3A_1614 : i32 to vector<16xi32>
      %and3A_1616 = arith.andi %get3A_1610, %and3A_1615 : vector<16xi32>
      tpu.vector_store_idx %arg11[%shift_right_logical3A_1613, %and3A_1616], %broadcast_in_dim3A_1391 {add = true} : memref<640x16xf32, #tpu.memory_space<vmem>>[vector<16xi32>, vector<16xi32>], vector<16xf32>,
      %get3A_1617 = arith.constant 0 : i32
      %get3A_1618 = arith.constant 3 : i32
      %get3A_1619 = arith.index_cast %get3A_1617 : i32 to index
      %get3A_1620 = arith.index_cast %get3A_1618 : i32 to index
      %get3A_1621 = arith.constant 64 : index
      %get3A_1622 = tpu.vector_load %arg8[%get3A_1619, %get3A_1620, %get3A_1621] {strides = array<i32>} : memref<2x5x80xi32, #tpu.memory_space<vmem>>, vector<16xi32>,
      %shift_right_logical3A_1623 = arith.constant 4 : i32
      %shift_right_logical3A_1624 = vector.broadcast %shift_right_logical3A_1623 : i32 to vector<16xi32>
      %shift_right_logical3A_1625 = arith.shrui %get3A_1622, %shift_right_logical3A_1624 : vector<16xi32>
      %and3A_1626 = arith.constant 15 : i32
      %and3A_1627 = vector.broadcast %and3A_1626 : i32 to vector<16xi32>
      %and3A_1628 = arith.andi %get3A_1622, %and3A_1627 : vector<16xi32>
      tpu.vector_store_idx %arg11[%shift_right_logical3A_1625, %and3A_1628], %broadcast_in_dim3A_1391 {add = true} : memref<640x16xf32, #tpu.memory_space<vmem>>[vector<16xi32>, vector<16xi32>], vector<16xf32>,
      %get3A_1629 = arith.constant 0 : i32
      %get3A_1630 = arith.constant 4 : i32
      %get3A_1631 = arith.index_cast %get3A_1629 : i32 to index
      %get3A_1632 = arith.index_cast %get3A_1630 : i32 to index
      %get3A_1633 = arith.constant 0 : index
      %get3A_1634 = tpu.vector_load %arg8[%get3A_1631, %get3A_1632, %get3A_1633] {strides = array<i32>} : memref<2x5x80xi32, #tpu.memory_space<vmem>>, vector<16xi32>,
      %shift_right_logical3A_1635 = arith.constant 4 : i32
      %shift_right_logical3A_1636 = vector.broadcast %shift_right_logical3A_1635 : i32 to vector<16xi32>
      %shift_right_logical3A_1637 = arith.shrui %get3A_1634, %shift_right_logical3A_1636 : vector<16xi32>
      %and3A_1638 = arith.constant 15 : i32
      %and3A_1639 = vector.broadcast %and3A_1638 : i32 to vector<16xi32>
      %and3A_1640 = arith.andi %get3A_1634, %and3A_1639 : vector<16xi32>
      tpu.vector_store_idx %arg11[%shift_right_logical3A_1637, %and3A_1640], %broadcast_in_dim3A_1391 {add = true} : memref<640x16xf32, #tpu.memory_space<vmem>>[vector<16xi32>, vector<16xi32>], vector<16xf32>,
      %get3A_1641 = arith.constant 0 : i32
      %get3A_1642 = arith.constant 4 : i32
      %get3A_1643 = arith.index_cast %get3A_1641 : i32 to index
      %get3A_1644 = arith.index_cast %get3A_1642 : i32 to index
      %get3A_1645 = arith.constant 16 : index
      %get3A_1646 = tpu.vector_load %arg8[%get3A_1643, %get3A_1644, %get3A_1645] {strides = array<i32>} : memref<2x5x80xi32, #tpu.memory_space<vmem>>, vector<16xi32>,
      %shift_right_logical3A_1647 = arith.constant 4 : i32
      %shift_right_logical3A_1648 = vector.broadcast %shift_right_logical3A_1647 : i32 to vector<16xi32>
      %shift_right_logical3A_1649 = arith.shrui %get3A_1646, %shift_right_logical3A_1648 : vector<16xi32>
      %and3A_1650 = arith.constant 15 : i32
      %and3A_1651 = vector.broadcast %and3A_1650 : i32 to vector<16xi32>
      %and3A_1652 = arith.andi %get3A_1646, %and3A_1651 : vector<16xi32>
      tpu.vector_store_idx %arg11[%shift_right_logical3A_1649, %and3A_1652], %broadcast_in_dim3A_1391 {add = true} : memref<640x16xf32, #tpu.memory_space<vmem>>[vector<16xi32>, vector<16xi32>], vector<16xf32>,
      %get3A_1653 = arith.constant 0 : i32
      %get3A_1654 = arith.constant 4 : i32
      %get3A_1655 = arith.index_cast %get3A_1653 : i32 to index
      %get3A_1656 = arith.index_cast %get3A_1654 : i32 to index
      %get3A_1657 = arith.constant 32 : index
      %get3A_1658 = tpu.vector_load %arg8[%get3A_1655, %get3A_1656, %get3A_1657] {strides = array<i32>} : memref<2x5x80xi32, #tpu.memory_space<vmem>>, vector<16xi32>,
      %shift_right_logical3A_1659 = arith.constant 4 : i32
      %shift_right_logical3A_1660 = vector.broadcast %shift_right_logical3A_1659 : i32 to vector<16xi32>
      %shift_right_logical3A_1661 = arith.shrui %get3A_1658, %shift_right_logical3A_1660 : vector<16xi32>
      %and3A_1662 = arith.constant 15 : i32
      %and3A_1663 = vector.broadcast %and3A_1662 : i32 to vector<16xi32>
      %and3A_1664 = arith.andi %get3A_1658, %and3A_1663 : vector<16xi32>
      tpu.vector_store_idx %arg11[%shift_right_logical3A_1661, %and3A_1664], %broadcast_in_dim3A_1391 {add = true} : memref<640x16xf32, #tpu.memory_space<vmem>>[vector<16xi32>, vector<16xi32>], vector<16xf32>,
      %get3A_1665 = arith.constant 0 : i32
      %get3A_1666 = arith.constant 4 : i32
      %get3A_1667 = arith.index_cast %get3A_1665 : i32 to index
      %get3A_1668 = arith.index_cast %get3A_1666 : i32 to index
      %get3A_1669 = arith.constant 48 : index
      %get3A_1670 = tpu.vector_load %arg8[%get3A_1667, %get3A_1668, %get3A_1669] {strides = array<i32>} : memref<2x5x80xi32, #tpu.memory_space<vmem>>, vector<16xi32>,
      %shift_right_logical3A_1671 = arith.constant 4 : i32
      %shift_right_logical3A_1672 = vector.broadcast %shift_right_logical3A_1671 : i32 to vector<16xi32>
      %shift_right_logical3A_1673 = arith.shrui %get3A_1670, %shift_right_logical3A_1672 : vector<16xi32>
      %and3A_1674 = arith.constant 15 : i32
      %and3A_1675 = vector.broadcast %and3A_1674 : i32 to vector<16xi32>
      %and3A_1676 = arith.andi %get3A_1670, %and3A_1675 : vector<16xi32>
      tpu.vector_store_idx %arg11[%shift_right_logical3A_1673, %and3A_1676], %broadcast_in_dim3A_1391 {add = true} : memref<640x16xf32, #tpu.memory_space<vmem>>[vector<16xi32>, vector<16xi32>], vector<16xf32>,
      %get3A_1677 = arith.constant 0 : i32
      %get3A_1678 = arith.constant 4 : i32
      %get3A_1679 = arith.index_cast %get3A_1677 : i32 to index
      %get3A_1680 = arith.index_cast %get3A_1678 : i32 to index
      %get3A_1681 = arith.constant 64 : index
      %get3A_1682 = tpu.vector_load %arg8[%get3A_1679, %get3A_1680, %get3A_1681] {strides = array<i32>} : memref<2x5x80xi32, #tpu.memory_space<vmem>>, vector<16xi32>,
      %shift_right_logical3A_1683 = arith.constant 4 : i32
      %shift_right_logical3A_1684 = vector.broadcast %shift_right_logical3A_1683 : i32 to vector<16xi32>
      %shift_right_logical3A_1685 = arith.shrui %get3A_1682, %shift_right_logical3A_1684 : vector<16xi32>
      %and3A_1686 = arith.constant 15 : i32
      %and3A_1687 = vector.broadcast %and3A_1686 : i32 to vector<16xi32>
      %and3A_1688 = arith.andi %get3A_1682, %and3A_1687 : vector<16xi32>
      tpu.vector_store_idx %arg11[%shift_right_logical3A_1685, %and3A_1688], %broadcast_in_dim3A_1391 {add = true} : memref<640x16xf32, #tpu.memory_space<vmem>>[vector<16xi32>, vector<16xi32>], vector<16xf32>,
      %ge3A_1689 = arith.constant 2 : i32
      %ge3A_1690 = arith.cmpi sge, %add3A_937, %ge3A_1689 : i32
      %convert_element_type3A_1691 = arith.extui %ge3A_1690 : i1 to i32
      %cond3A_1692 = arith.constant 0 : i32
      %cond3A_1693 = arith.cmpi ne, %convert_element_type3A_1691, %cond3A_1692 : i32
      scf.if %cond3A_1693 {
        %dma_wait3A_2447 = arith.constant 1 : i32
        %dma_wait3A_2448 = arith.constant 0 : i32
        %dma_wait3A_2449 = arith.constant 1 : i32
        %dma_wait3A_2450 = arith.constant 0 : i32
        %dma_wait3A_2451 = arith.constant 0 : i32
        %dma_wait3A_2452 = arith.constant 0 : i32
        %dma_wait3A_2453 = tpu.memref_slice %arg9[%dma_wait3A_2447, %dma_wait3A_2448, %dma_wait3A_2451, %dma_wait3A_2452] : memref<2x5x80x80xf32, #tpu.memory_space<vmem>> -> memref<1x1x80x80xf32, #tpu.memory_space<vmem>>
        %dma_wait3A_2454 = tpu.memref_squeeze %dma_wait3A_2453 : memref<1x1x80x80xf32, #tpu.memory_space<vmem>> -> memref<80x80xf32, #tpu.memory_space<vmem>>
        %dma_wait3A_2455 = arith.constant 0 : i32
        %dma_wait3A_2456 = tpu.memref_slice %arg8[%dma_wait3A_2449, %dma_wait3A_2450, %dma_wait3A_2455] : memref<2x5x80xi32, #tpu.memory_space<vmem>> -> memref<1x1x80xi32, #tpu.memory_space<vmem>>
        %dma_wait3A_2457 = tpu.memref_squeeze %dma_wait3A_2456 : memref<1x1x80xi32, #tpu.memory_space<vmem>> -> memref<80xi32, #tpu.memory_space<vmem>>
        %dma_wait3A_2458 = arith.constant 0 : i32
        %dma_wait3A_2459 = arith.constant 0 : i32
        %dma_wait3A_2460 = tpu.memref_slice %arg13[%dma_wait3A_2458, %dma_wait3A_2459] : memref<10240x80xf32, #tpu.memory_space<vmem_shared>> -> memref<10240x80xf32, #tpu.memory_space<vmem_shared>>
        tpu.wait_indirect_dma semaphore(%arg22 : memref<!tpu.dma_semaphore, #tpu.memory_space<semaphore_mem>>) src(%dma_wait3A_2454 : memref<80x80xf32, #tpu.memory_space<vmem>>) dst(%dma_wait3A_2460 : memref<10240x80xf32, #tpu.memory_space<vmem_shared>>)
        %dma_wait3A_2461 = arith.constant 1 : i32
        %dma_wait3A_2462 = arith.constant 1 : i32
        %dma_wait3A_2463 = arith.constant 1 : i32
        %dma_wait3A_2464 = arith.constant 1 : i32
        %dma_wait3A_2465 = arith.constant 0 : i32
        %dma_wait3A_2466 = arith.constant 0 : i32
        %dma_wait3A_2467 = tpu.memref_slice %arg9[%dma_wait3A_2461, %dma_wait3A_2462, %dma_wait3A_2465, %dma_wait3A_2466] : memref<2x5x80x80xf32, #tpu.memory_space<vmem>> -> memref<1x1x80x80xf32, #tpu.memory_space<vmem>>
        %dma_wait3A_2468 = tpu.memref_squeeze %dma_wait3A_2467 : memref<1x1x80x80xf32, #tpu.memory_space<vmem>> -> memref<80x80xf32, #tpu.memory_space<vmem>>
        %dma_wait3A_2469 = arith.constant 0 : i32
        %dma_wait3A_2470 = tpu.memref_slice %arg8[%dma_wait3A_2463, %dma_wait3A_2464, %dma_wait3A_2469] : memref<2x5x80xi32, #tpu.memory_space<vmem>> -> memref<1x1x80xi32, #tpu.memory_space<vmem>>
        %dma_wait3A_2471 = tpu.memref_squeeze %dma_wait3A_2470 : memref<1x1x80xi32, #tpu.memory_space<vmem>> -> memref<80xi32, #tpu.memory_space<vmem>>
        %dma_wait3A_2472 = arith.constant 0 : i32
        %dma_wait3A_2473 = arith.constant 0 : i32
        %dma_wait3A_2474 = tpu.memref_slice %arg13[%dma_wait3A_2472, %dma_wait3A_2473] : memref<10240x80xf32, #tpu.memory_space<vmem_shared>> -> memref<10240x80xf32, #tpu.memory_space<vmem_shared>>
        tpu.wait_indirect_dma semaphore(%arg22 : memref<!tpu.dma_semaphore, #tpu.memory_space<semaphore_mem>>) src(%dma_wait3A_2468 : memref<80x80xf32, #tpu.memory_space<vmem>>) dst(%dma_wait3A_2474 : memref<10240x80xf32, #tpu.memory_space<vmem_shared>>)
        %dma_wait3A_2475 = arith.constant 1 : i32
        %dma_wait3A_2476 = arith.constant 2 : i32
        %dma_wait3A_2477 = arith.constant 1 : i32
        %dma_wait3A_2478 = arith.constant 2 : i32
        %dma_wait3A_2479 = arith.constant 0 : i32
        %dma_wait3A_2480 = arith.constant 0 : i32
        %dma_wait3A_2481 = tpu.memref_slice %arg9[%dma_wait3A_2475, %dma_wait3A_2476, %dma_wait3A_2479, %dma_wait3A_2480] : memref<2x5x80x80xf32, #tpu.memory_space<vmem>> -> memref<1x1x80x80xf32, #tpu.memory_space<vmem>>
        %dma_wait3A_2482 = tpu.memref_squeeze %dma_wait3A_2481 : memref<1x1x80x80xf32, #tpu.memory_space<vmem>> -> memref<80x80xf32, #tpu.memory_space<vmem>>
        %dma_wait3A_2483 = arith.constant 0 : i32
        %dma_wait3A_2484 = tpu.memref_slice %arg8[%dma_wait3A_2477, %dma_wait3A_2478, %dma_wait3A_2483] : memref<2x5x80xi32, #tpu.memory_space<vmem>> -> memref<1x1x80xi32, #tpu.memory_space<vmem>>
        %dma_wait3A_2485 = tpu.memref_squeeze %dma_wait3A_2484 : memref<1x1x80xi32, #tpu.memory_space<vmem>> -> memref<80xi32, #tpu.memory_space<vmem>>
        %dma_wait3A_2486 = arith.constant 0 : i32
        %dma_wait3A_2487 = arith.constant 0 : i32
        %dma_wait3A_2488 = tpu.memref_slice %arg13[%dma_wait3A_2486, %dma_wait3A_2487] : memref<10240x80xf32, #tpu.memory_space<vmem_shared>> -> memref<10240x80xf32, #tpu.memory_space<vmem_shared>>
        tpu.wait_indirect_dma semaphore(%arg22 : memref<!tpu.dma_semaphore, #tpu.memory_space<semaphore_mem>>) src(%dma_wait3A_2482 : memref<80x80xf32, #tpu.memory_space<vmem>>) dst(%dma_wait3A_2488 : memref<10240x80xf32, #tpu.memory_space<vmem_shared>>)
        %dma_wait3A_2489 = arith.constant 1 : i32
        %dma_wait3A_2490 = arith.constant 3 : i32
        %dma_wait3A_2491 = arith.constant 1 : i32
        %dma_wait3A_2492 = arith.constant 3 : i32
        %dma_wait3A_2493 = arith.constant 0 : i32
        %dma_wait3A_2494 = arith.constant 0 : i32
        %dma_wait3A_2495 = tpu.memref_slice %arg9[%dma_wait3A_2489, %dma_wait3A_2490, %dma_wait3A_2493, %dma_wait3A_2494] : memref<2x5x80x80xf32, #tpu.memory_space<vmem>> -> memref<1x1x80x80xf32, #tpu.memory_space<vmem>>
        %dma_wait3A_2496 = tpu.memref_squeeze %dma_wait3A_2495 : memref<1x1x80x80xf32, #tpu.memory_space<vmem>> -> memref<80x80xf32, #tpu.memory_space<vmem>>
        %dma_wait3A_2497 = arith.constant 0 : i32
        %dma_wait3A_2498 = tpu.memref_slice %arg8[%dma_wait3A_2491, %dma_wait3A_2492, %dma_wait3A_2497] : memref<2x5x80xi32, #tpu.memory_space<vmem>> -> memref<1x1x80xi32, #tpu.memory_space<vmem>>
        %dma_wait3A_2499 = tpu.memref_squeeze %dma_wait3A_2498 : memref<1x1x80xi32, #tpu.memory_space<vmem>> -> memref<80xi32, #tpu.memory_space<vmem>>
        %dma_wait3A_2500 = arith.constant 0 : i32
        %dma_wait3A_2501 = arith.constant 0 : i32
        %dma_wait3A_2502 = tpu.memref_slice %arg13[%dma_wait3A_2500, %dma_wait3A_2501] : memref<10240x80xf32, #tpu.memory_space<vmem_shared>> -> memref<10240x80xf32, #tpu.memory_space<vmem_shared>>
        tpu.wait_indirect_dma semaphore(%arg22 : memref<!tpu.dma_semaphore, #tpu.memory_space<semaphore_mem>>) src(%dma_wait3A_2496 : memref<80x80xf32, #tpu.memory_space<vmem>>) dst(%dma_wait3A_2502 : memref<10240x80xf32, #tpu.memory_space<vmem_shared>>)
        %dma_wait3A_2503 = arith.constant 1 : i32
        %dma_wait3A_2504 = arith.constant 4 : i32
        %dma_wait3A_2505 = arith.constant 1 : i32
        %dma_wait3A_2506 = arith.constant 4 : i32
        %dma_wait3A_2507 = arith.constant 0 : i32
        %dma_wait3A_2508 = arith.constant 0 : i32
        %dma_wait3A_2509 = tpu.memref_slice %arg9[%dma_wait3A_2503, %dma_wait3A_2504, %dma_wait3A_2507, %dma_wait3A_2508] : memref<2x5x80x80xf32, #tpu.memory_space<vmem>> -> memref<1x1x80x80xf32, #tpu.memory_space<vmem>>
        %dma_wait3A_2510 = tpu.memref_squeeze %dma_wait3A_2509 : memref<1x1x80x80xf32, #tpu.memory_space<vmem>> -> memref<80x80xf32, #tpu.memory_space<vmem>>
        %dma_wait3A_2511 = arith.constant 0 : i32
        %dma_wait3A_2512 = tpu.memref_slice %arg8[%dma_wait3A_2505, %dma_wait3A_2506, %dma_wait3A_2511] : memref<2x5x80xi32, #tpu.memory_space<vmem>> -> memref<1x1x80xi32, #tpu.memory_space<vmem>>
        %dma_wait3A_2513 = tpu.memref_squeeze %dma_wait3A_2512 : memref<1x1x80xi32, #tpu.memory_space<vmem>> -> memref<80xi32, #tpu.memory_space<vmem>>
        %dma_wait3A_2514 = arith.constant 0 : i32
        %dma_wait3A_2515 = arith.constant 0 : i32
        %dma_wait3A_2516 = tpu.memref_slice %arg13[%dma_wait3A_2514, %dma_wait3A_2515] : memref<10240x80xf32, #tpu.memory_space<vmem_shared>> -> memref<10240x80xf32, #tpu.memory_space<vmem_shared>>
        tpu.wait_indirect_dma semaphore(%arg22 : memref<!tpu.dma_semaphore, #tpu.memory_space<semaphore_mem>>) src(%dma_wait3A_2510 : memref<80x80xf32, #tpu.memory_space<vmem>>) dst(%dma_wait3A_2516 : memref<10240x80xf32, #tpu.memory_space<vmem_shared>>)
      } else {
      }
      %add3A_1694 = arith.constant 1 : i32
      %add3A_1695 = arith.addi %add3A_937, %add3A_1694 : i32
      %mul3A_1696 = arith.constant 5 : i32
      %mul3A_1697 = arith.muli %add3A_1695, %mul3A_1696 : i32
      %add3A_1698 = arith.constant 0 : i32
      %add3A_1699 = arith.addi %mul3A_1697, %add3A_1698 : i32
      %mul3A_1700 = arith.constant 80 : i32
      %mul3A_1701 = arith.muli %add3A_1699, %mul3A_1700 : i32
      %add3A_1702 = arith.addi %mul3A_655, %mul3A_1701 : i32
      %multiple_of3A_1703 = tpu.assume_multiple %add3A_1702, 8 : i32
      %dma_start3A_1704 = arith.constant 1 : i32
      %dma_start3A_1705 = arith.constant 0 : i32
      %dma_start3A_1706 = arith.constant 0 : i32
      %dma_start3A_1707 = tpu.memref_slice %arg8[%dma_start3A_1704, %dma_start3A_1705, %dma_start3A_1706] : memref<2x5x80xi32, #tpu.memory_space<vmem>> -> memref<1x1x80xi32, #tpu.memory_space<vmem>>
      %dma_start3A_1708 = tpu.memref_squeeze %dma_start3A_1707 : memref<1x1x80xi32, #tpu.memory_space<vmem>> -> memref<80xi32, #tpu.memory_space<vmem>>
      %dma_start3A_1709 = tpu.memref_slice %arg4[%multiple_of3A_1703] : memref<320000xi32, #tpu.memory_space<hbm>> -> memref<80xi32, #tpu.memory_space<hbm>>
      %dma_start3A_1710 = arith.constant 0 : i32
      %dma_start3A_1711 = tpu.memref_slice %arg8[%dma_start3A_1704, %dma_start3A_1705, %dma_start3A_1710] : memref<2x5x80xi32, #tpu.memory_space<vmem>> -> memref<1x1x80xi32, #tpu.memory_space<vmem>>
      %dma_start3A_1712 = tpu.memref_squeeze %dma_start3A_1711 : memref<1x1x80xi32, #tpu.memory_space<vmem>> -> memref<80xi32, #tpu.memory_space<vmem>>
      %dma_start3A_1713 = tpu.memref_slice %arg4[%multiple_of3A_1703] : memref<320000xi32, #tpu.memory_space<hbm>> -> memref<80xi32, #tpu.memory_space<hbm>>
      tpu.enqueue_dma source(%dma_start3A_1713 : memref<80xi32, #tpu.memory_space<hbm>>) target(%dma_start3A_1712 : memref<80xi32, #tpu.memory_space<vmem>>) target_semaphore(%arg18 : memref<!tpu.dma_semaphore, #tpu.memory_space<semaphore_mem>>)
      %mul3A_1714 = arith.constant 5 : i32
      %mul3A_1715 = arith.muli %add3A_1695, %mul3A_1714 : i32
      %add3A_1716 = arith.constant 1 : i32
      %add3A_1717 = arith.addi %mul3A_1715, %add3A_1716 : i32
      %mul3A_1718 = arith.constant 80 : i32
      %mul3A_1719 = arith.muli %add3A_1717, %mul3A_1718 : i32
      %add3A_1720 = arith.addi %mul3A_655, %mul3A_1719 : i32
      %multiple_of3A_1721 = tpu.assume_multiple %add3A_1720, 8 : i32
      %dma_start3A_1722 = arith.constant 1 : i32
      %dma_start3A_1723 = arith.constant 1 : i32
      %dma_start3A_1724 = arith.constant 0 : i32
      %dma_start3A_1725 = tpu.memref_slice %arg8[%dma_start3A_1722, %dma_start3A_1723, %dma_start3A_1724] : memref<2x5x80xi32, #tpu.memory_space<vmem>> -> memref<1x1x80xi32, #tpu.memory_space<vmem>>
      %dma_start3A_1726 = tpu.memref_squeeze %dma_start3A_1725 : memref<1x1x80xi32, #tpu.memory_space<vmem>> -> memref<80xi32, #tpu.memory_space<vmem>>
      %dma_start3A_1727 = tpu.memref_slice %arg4[%multiple_of3A_1721] : memref<320000xi32, #tpu.memory_space<hbm>> -> memref<80xi32, #tpu.memory_space<hbm>>
      %dma_start3A_1728 = arith.constant 0 : i32
      %dma_start3A_1729 = tpu.memref_slice %arg8[%dma_start3A_1722, %dma_start3A_1723, %dma_start3A_1728] : memref<2x5x80xi32, #tpu.memory_space<vmem>> -> memref<1x1x80xi32, #tpu.memory_space<vmem>>
      %dma_start3A_1730 = tpu.memref_squeeze %dma_start3A_1729 : memref<1x1x80xi32, #tpu.memory_space<vmem>> -> memref<80xi32, #tpu.memory_space<vmem>>
      %dma_start3A_1731 = tpu.memref_slice %arg4[%multiple_of3A_1721] : memref<320000xi32, #tpu.memory_space<hbm>> -> memref<80xi32, #tpu.memory_space<hbm>>
      tpu.enqueue_dma source(%dma_start3A_1731 : memref<80xi32, #tpu.memory_space<hbm>>) target(%dma_start3A_1730 : memref<80xi32, #tpu.memory_space<vmem>>) target_semaphore(%arg18 : memref<!tpu.dma_semaphore, #tpu.memory_space<semaphore_mem>>)
      %mul3A_1732 = arith.constant 5 : i32
      %mul3A_1733 = arith.muli %add3A_1695, %mul3A_1732 : i32
      %add3A_1734 = arith.constant 2 : i32
      %add3A_1735 = arith.addi %mul3A_1733, %add3A_1734 : i32
      %mul3A_1736 = arith.constant 80 : i32
      %mul3A_1737 = arith.muli %add3A_1735, %mul3A_1736 : i32
      %add3A_1738 = arith.addi %mul3A_655, %mul3A_1737 : i32
      %multiple_of3A_1739 = tpu.assume_multiple %add3A_1738, 8 : i32
      %dma_start3A_1740 = arith.constant 1 : i32
      %dma_start3A_1741 = arith.constant 2 : i32
      %dma_start3A_1742 = arith.constant 0 : i32
      %dma_start3A_1743 = tpu.memref_slice %arg8[%dma_start3A_1740, %dma_start3A_1741, %dma_start3A_1742] : memref<2x5x80xi32, #tpu.memory_space<vmem>> -> memref<1x1x80xi32, #tpu.memory_space<vmem>>
      %dma_start3A_1744 = tpu.memref_squeeze %dma_start3A_1743 : memref<1x1x80xi32, #tpu.memory_space<vmem>> -> memref<80xi32, #tpu.memory_space<vmem>>
      %dma_start3A_1745 = tpu.memref_slice %arg4[%multiple_of3A_1739] : memref<320000xi32, #tpu.memory_space<hbm>> -> memref<80xi32, #tpu.memory_space<hbm>>
      %dma_start3A_1746 = arith.constant 0 : i32
      %dma_start3A_1747 = tpu.memref_slice %arg8[%dma_start3A_1740, %dma_start3A_1741, %dma_start3A_1746] : memref<2x5x80xi32, #tpu.memory_space<vmem>> -> memref<1x1x80xi32, #tpu.memory_space<vmem>>
      %dma_start3A_1748 = tpu.memref_squeeze %dma_start3A_1747 : memref<1x1x80xi32, #tpu.memory_space<vmem>> -> memref<80xi32, #tpu.memory_space<vmem>>
      %dma_start3A_1749 = tpu.memref_slice %arg4[%multiple_of3A_1739] : memref<320000xi32, #tpu.memory_space<hbm>> -> memref<80xi32, #tpu.memory_space<hbm>>
      tpu.enqueue_dma source(%dma_start3A_1749 : memref<80xi32, #tpu.memory_space<hbm>>) target(%dma_start3A_1748 : memref<80xi32, #tpu.memory_space<vmem>>) target_semaphore(%arg18 : memref<!tpu.dma_semaphore, #tpu.memory_space<semaphore_mem>>)
      %mul3A_1750 = arith.constant 5 : i32
      %mul3A_1751 = arith.muli %add3A_1695, %mul3A_1750 : i32
      %add3A_1752 = arith.constant 3 : i32
      %add3A_1753 = arith.addi %mul3A_1751, %add3A_1752 : i32
      %mul3A_1754 = arith.constant 80 : i32
      %mul3A_1755 = arith.muli %add3A_1753, %mul3A_1754 : i32
      %add3A_1756 = arith.addi %mul3A_655, %mul3A_1755 : i32
      %multiple_of3A_1757 = tpu.assume_multiple %add3A_1756, 8 : i32
      %dma_start3A_1758 = arith.constant 1 : i32
      %dma_start3A_1759 = arith.constant 3 : i32
      %dma_start3A_1760 = arith.constant 0 : i32
      %dma_start3A_1761 = tpu.memref_slice %arg8[%dma_start3A_1758, %dma_start3A_1759, %dma_start3A_1760] : memref<2x5x80xi32, #tpu.memory_space<vmem>> -> memref<1x1x80xi32, #tpu.memory_space<vmem>>
      %dma_start3A_1762 = tpu.memref_squeeze %dma_start3A_1761 : memref<1x1x80xi32, #tpu.memory_space<vmem>> -> memref<80xi32, #tpu.memory_space<vmem>>
      %dma_start3A_1763 = tpu.memref_slice %arg4[%multiple_of3A_1757] : memref<320000xi32, #tpu.memory_space<hbm>> -> memref<80xi32, #tpu.memory_space<hbm>>
      %dma_start3A_1764 = arith.constant 0 : i32
      %dma_start3A_1765 = tpu.memref_slice %arg8[%dma_start3A_1758, %dma_start3A_1759, %dma_start3A_1764] : memref<2x5x80xi32, #tpu.memory_space<vmem>> -> memref<1x1x80xi32, #tpu.memory_space<vmem>>
      %dma_start3A_1766 = tpu.memref_squeeze %dma_start3A_1765 : memref<1x1x80xi32, #tpu.memory_space<vmem>> -> memref<80xi32, #tpu.memory_space<vmem>>
      %dma_start3A_1767 = tpu.memref_slice %arg4[%multiple_of3A_1757] : memref<320000xi32, #tpu.memory_space<hbm>> -> memref<80xi32, #tpu.memory_space<hbm>>
      tpu.enqueue_dma source(%dma_start3A_1767 : memref<80xi32, #tpu.memory_space<hbm>>) target(%dma_start3A_1766 : memref<80xi32, #tpu.memory_space<vmem>>) target_semaphore(%arg18 : memref<!tpu.dma_semaphore, #tpu.memory_space<semaphore_mem>>)
      %mul3A_1768 = arith.constant 5 : i32
      %mul3A_1769 = arith.muli %add3A_1695, %mul3A_1768 : i32
      %add3A_1770 = arith.constant 4 : i32
      %add3A_1771 = arith.addi %mul3A_1769, %add3A_1770 : i32
      %mul3A_1772 = arith.constant 80 : i32
      %mul3A_1773 = arith.muli %add3A_1771, %mul3A_1772 : i32
      %add3A_1774 = arith.addi %mul3A_655, %mul3A_1773 : i32
      %multiple_of3A_1775 = tpu.assume_multiple %add3A_1774, 8 : i32
      %dma_start3A_1776 = arith.constant 1 : i32
      %dma_start3A_1777 = arith.constant 4 : i32
      %dma_start3A_1778 = arith.constant 0 : i32
      %dma_start3A_1779 = tpu.memref_slice %arg8[%dma_start3A_1776, %dma_start3A_1777, %dma_start3A_1778] : memref<2x5x80xi32, #tpu.memory_space<vmem>> -> memref<1x1x80xi32, #tpu.memory_space<vmem>>
      %dma_start3A_1780 = tpu.memref_squeeze %dma_start3A_1779 : memref<1x1x80xi32, #tpu.memory_space<vmem>> -> memref<80xi32, #tpu.memory_space<vmem>>
      %dma_start3A_1781 = tpu.memref_slice %arg4[%multiple_of3A_1775] : memref<320000xi32, #tpu.memory_space<hbm>> -> memref<80xi32, #tpu.memory_space<hbm>>
      %dma_start3A_1782 = arith.constant 0 : i32
      %dma_start3A_1783 = tpu.memref_slice %arg8[%dma_start3A_1776, %dma_start3A_1777, %dma_start3A_1782] : memref<2x5x80xi32, #tpu.memory_space<vmem>> -> memref<1x1x80xi32, #tpu.memory_space<vmem>>
      %dma_start3A_1784 = tpu.memref_squeeze %dma_start3A_1783 : memref<1x1x80xi32, #tpu.memory_space<vmem>> -> memref<80xi32, #tpu.memory_space<vmem>>
      %dma_start3A_1785 = tpu.memref_slice %arg4[%multiple_of3A_1775] : memref<320000xi32, #tpu.memory_space<hbm>> -> memref<80xi32, #tpu.memory_space<hbm>>
      tpu.enqueue_dma source(%dma_start3A_1785 : memref<80xi32, #tpu.memory_space<hbm>>) target(%dma_start3A_1784 : memref<80xi32, #tpu.memory_space<vmem>>) target_semaphore(%arg18 : memref<!tpu.dma_semaphore, #tpu.memory_space<semaphore_mem>>)
      %dma_wait3A_1786 = arith.constant 1 : i32
      %dma_wait3A_1787 = arith.constant 0 : i32
      %dma_wait3A_1788 = arith.constant 0 : i32
      %dma_wait3A_1789 = tpu.memref_slice %arg7[%dma_wait3A_1786, %dma_wait3A_1787, %dma_wait3A_1788] : memref<2x5x80xi32, #tpu.memory_space<vmem>> -> memref<1x1x80xi32, #tpu.memory_space<vmem>>
      %dma_wait3A_1790 = tpu.memref_squeeze %dma_wait3A_1789 : memref<1x1x80xi32, #tpu.memory_space<vmem>> -> memref<80xi32, #tpu.memory_space<vmem>>
      %dma_wait3A_1791 = tpu.memref_slice %arg3[%mul3A_655] : memref<320000xi32, #tpu.memory_space<hbm>> -> memref<80xi32, #tpu.memory_space<hbm>>
      %dma_wait3A_1792 = arith.constant 0 : i32
      %dma_wait3A_1793 = tpu.memref_slice %arg7[%dma_wait3A_1786, %dma_wait3A_1787, %dma_wait3A_1792] : memref<2x5x80xi32, #tpu.memory_space<vmem>> -> memref<1x1x80xi32, #tpu.memory_space<vmem>>
      %dma_wait3A_1794 = tpu.memref_squeeze %dma_wait3A_1793 : memref<1x1x80xi32, #tpu.memory_space<vmem>> -> memref<80xi32, #tpu.memory_space<vmem>>
      %dma_wait3A_1795 = tpu.memref_slice %arg3[%mul3A_655] : memref<320000xi32, #tpu.memory_space<hbm>> -> memref<80xi32, #tpu.memory_space<hbm>>
      tpu.wait_dma2 semaphore(%arg16 : memref<!tpu.dma_semaphore, #tpu.memory_space<semaphore_mem>>) src(%dma_wait3A_1795 : memref<80xi32, #tpu.memory_space<hbm>>) dst(%dma_wait3A_1794 : memref<80xi32, #tpu.memory_space<vmem>>)
      %dma_wait3A_1796 = arith.constant 1 : i32
      %dma_wait3A_1797 = arith.constant 1 : i32
      %dma_wait3A_1798 = arith.constant 0 : i32
      %dma_wait3A_1799 = tpu.memref_slice %arg7[%dma_wait3A_1796, %dma_wait3A_1797, %dma_wait3A_1798] : memref<2x5x80xi32, #tpu.memory_space<vmem>> -> memref<1x1x80xi32, #tpu.memory_space<vmem>>
      %dma_wait3A_1800 = tpu.memref_squeeze %dma_wait3A_1799 : memref<1x1x80xi32, #tpu.memory_space<vmem>> -> memref<80xi32, #tpu.memory_space<vmem>>
      %dma_wait3A_1801 = tpu.memref_slice %arg3[%mul3A_655] : memref<320000xi32, #tpu.memory_space<hbm>> -> memref<80xi32, #tpu.memory_space<hbm>>
      %dma_wait3A_1802 = arith.constant 0 : i32
      %dma_wait3A_1803 = tpu.memref_slice %arg7[%dma_wait3A_1796, %dma_wait3A_1797, %dma_wait3A_1802] : memref<2x5x80xi32, #tpu.memory_space<vmem>> -> memref<1x1x80xi32, #tpu.memory_space<vmem>>
      %dma_wait3A_1804 = tpu.memref_squeeze %dma_wait3A_1803 : memref<1x1x80xi32, #tpu.memory_space<vmem>> -> memref<80xi32, #tpu.memory_space<vmem>>
      %dma_wait3A_1805 = tpu.memref_slice %arg3[%mul3A_655] : memref<320000xi32, #tpu.memory_space<hbm>> -> memref<80xi32, #tpu.memory_space<hbm>>
      tpu.wait_dma2 semaphore(%arg16 : memref<!tpu.dma_semaphore, #tpu.memory_space<semaphore_mem>>) src(%dma_wait3A_1805 : memref<80xi32, #tpu.memory_space<hbm>>) dst(%dma_wait3A_1804 : memref<80xi32, #tpu.memory_space<vmem>>)
      %dma_wait3A_1806 = arith.constant 1 : i32
      %dma_wait3A_1807 = arith.constant 2 : i32
      %dma_wait3A_1808 = arith.constant 0 : i32
      %dma_wait3A_1809 = tpu.memref_slice %arg7[%dma_wait3A_1806, %dma_wait3A_1807, %dma_wait3A_1808] : memref<2x5x80xi32, #tpu.memory_space<vmem>> -> memref<1x1x80xi32, #tpu.memory_space<vmem>>
      %dma_wait3A_1810 = tpu.memref_squeeze %dma_wait3A_1809 : memref<1x1x80xi32, #tpu.memory_space<vmem>> -> memref<80xi32, #tpu.memory_space<vmem>>
      %dma_wait3A_1811 = tpu.memref_slice %arg3[%mul3A_655] : memref<320000xi32, #tpu.memory_space<hbm>> -> memref<80xi32, #tpu.memory_space<hbm>>
      %dma_wait3A_1812 = arith.constant 0 : i32
      %dma_wait3A_1813 = tpu.memref_slice %arg7[%dma_wait3A_1806, %dma_wait3A_1807, %dma_wait3A_1812] : memref<2x5x80xi32, #tpu.memory_space<vmem>> -> memref<1x1x80xi32, #tpu.memory_space<vmem>>
      %dma_wait3A_1814 = tpu.memref_squeeze %dma_wait3A_1813 : memref<1x1x80xi32, #tpu.memory_space<vmem>> -> memref<80xi32, #tpu.memory_space<vmem>>
      %dma_wait3A_1815 = tpu.memref_slice %arg3[%mul3A_655] : memref<320000xi32, #tpu.memory_space<hbm>> -> memref<80xi32, #tpu.memory_space<hbm>>
      tpu.wait_dma2 semaphore(%arg16 : memref<!tpu.dma_semaphore, #tpu.memory_space<semaphore_mem>>) src(%dma_wait3A_1815 : memref<80xi32, #tpu.memory_space<hbm>>) dst(%dma_wait3A_1814 : memref<80xi32, #tpu.memory_space<vmem>>)
      %dma_wait3A_1816 = arith.constant 1 : i32
      %dma_wait3A_1817 = arith.constant 3 : i32
      %dma_wait3A_1818 = arith.constant 0 : i32
      %dma_wait3A_1819 = tpu.memref_slice %arg7[%dma_wait3A_1816, %dma_wait3A_1817, %dma_wait3A_1818] : memref<2x5x80xi32, #tpu.memory_space<vmem>> -> memref<1x1x80xi32, #tpu.memory_space<vmem>>
      %dma_wait3A_1820 = tpu.memref_squeeze %dma_wait3A_1819 : memref<1x1x80xi32, #tpu.memory_space<vmem>> -> memref<80xi32, #tpu.memory_space<vmem>>
      %dma_wait3A_1821 = tpu.memref_slice %arg3[%mul3A_655] : memref<320000xi32, #tpu.memory_space<hbm>> -> memref<80xi32, #tpu.memory_space<hbm>>
      %dma_wait3A_1822 = arith.constant 0 : i32
      %dma_wait3A_1823 = tpu.memref_slice %arg7[%dma_wait3A_1816, %dma_wait3A_1817, %dma_wait3A_1822] : memref<2x5x80xi32, #tpu.memory_space<vmem>> -> memref<1x1x80xi32, #tpu.memory_space<vmem>>
      %dma_wait3A_1824 = tpu.memref_squeeze %dma_wait3A_1823 : memref<1x1x80xi32, #tpu.memory_space<vmem>> -> memref<80xi32, #tpu.memory_space<vmem>>
      %dma_wait3A_1825 = tpu.memref_slice %arg3[%mul3A_655] : memref<320000xi32, #tpu.memory_space<hbm>> -> memref<80xi32, #tpu.memory_space<hbm>>
      tpu.wait_dma2 semaphore(%arg16 : memref<!tpu.dma_semaphore, #tpu.memory_space<semaphore_mem>>) src(%dma_wait3A_1825 : memref<80xi32, #tpu.memory_space<hbm>>) dst(%dma_wait3A_1824 : memref<80xi32, #tpu.memory_space<vmem>>)
      %dma_wait3A_1826 = arith.constant 1 : i32
      %dma_wait3A_1827 = arith.constant 4 : i32
      %dma_wait3A_1828 = arith.constant 0 : i32
      %dma_wait3A_1829 = tpu.memref_slice %arg7[%dma_wait3A_1826, %dma_wait3A_1827, %dma_wait3A_1828] : memref<2x5x80xi32, #tpu.memory_space<vmem>> -> memref<1x1x80xi32, #tpu.memory_space<vmem>>
      %dma_wait3A_1830 = tpu.memref_squeeze %dma_wait3A_1829 : memref<1x1x80xi32, #tpu.memory_space<vmem>> -> memref<80xi32, #tpu.memory_space<vmem>>
      %dma_wait3A_1831 = tpu.memref_slice %arg3[%mul3A_655] : memref<320000xi32, #tpu.memory_space<hbm>> -> memref<80xi32, #tpu.memory_space<hbm>>
      %dma_wait3A_1832 = arith.constant 0 : i32
      %dma_wait3A_1833 = tpu.memref_slice %arg7[%dma_wait3A_1826, %dma_wait3A_1827, %dma_wait3A_1832] : memref<2x5x80xi32, #tpu.memory_space<vmem>> -> memref<1x1x80xi32, #tpu.memory_space<vmem>>
      %dma_wait3A_1834 = tpu.memref_squeeze %dma_wait3A_1833 : memref<1x1x80xi32, #tpu.memory_space<vmem>> -> memref<80xi32, #tpu.memory_space<vmem>>
      %dma_wait3A_1835 = tpu.memref_slice %arg3[%mul3A_655] : memref<320000xi32, #tpu.memory_space<hbm>> -> memref<80xi32, #tpu.memory_space<hbm>>
      tpu.wait_dma2 semaphore(%arg16 : memref<!tpu.dma_semaphore, #tpu.memory_space<semaphore_mem>>) src(%dma_wait3A_1835 : memref<80xi32, #tpu.memory_space<hbm>>) dst(%dma_wait3A_1834 : memref<80xi32, #tpu.memory_space<vmem>>)
      %dma_start3A_1836 = arith.constant 1 : i32
      %dma_start3A_1837 = arith.constant 0 : i32
      %dma_start3A_1838 = arith.constant 1 : i32
      %dma_start3A_1839 = arith.constant 0 : i32
      %dma_start3A_1840 = arith.constant 0 : i32
      %dma_start3A_1841 = arith.constant 0 : i32
      %dma_start3A_1842 = tpu.memref_slice %arg9[%dma_start3A_1838, %dma_start3A_1839, %dma_start3A_1840, %dma_start3A_1841] : memref<2x5x80x80xf32, #tpu.memory_space<vmem>> -> memref<1x1x80x80xf32, #tpu.memory_space<vmem>>
      %dma_start3A_1843 = tpu.memref_squeeze %dma_start3A_1842 : memref<1x1x80x80xf32, #tpu.memory_space<vmem>> -> memref<80x80xf32, #tpu.memory_space<vmem>>
      %dma_start3A_1844 = arith.constant 0 : i32
      %dma_start3A_1845 = tpu.memref_slice %arg7[%dma_start3A_1836, %dma_start3A_1837, %dma_start3A_1844] : memref<2x5x80xi32, #tpu.memory_space<vmem>> -> memref<1x1x80xi32, #tpu.memory_space<vmem>>
      %dma_start3A_1846 = tpu.memref_squeeze %dma_start3A_1845 : memref<1x1x80xi32, #tpu.memory_space<vmem>> -> memref<80xi32, #tpu.memory_space<vmem>>
      %dma_start3A_1847 = arith.constant 0 : i32
      %dma_start3A_1848 = arith.constant 0 : i32
      %dma_start3A_1849 = tpu.memref_slice %arg2[%arg0, %dma_start3A_1847, %dma_start3A_1848] : memref<2x10000x80xf32, #tpu.memory_space<hbm>> -> memref<1x10000x80xf32, #tpu.memory_space<hbm>>
      %dma_start3A_1850 = tpu.memref_squeeze %dma_start3A_1849 : memref<1x10000x80xf32, #tpu.memory_space<hbm>> -> memref<10000x80xf32, #tpu.memory_space<hbm>>
      %dma_start3A_1851 = arith.constant 0 : i32
      %dma_start3A_1852 = arith.constant 0 : i32
      %dma_start3A_1853 = tpu.memref_slice %dma_start3A_1850[%dma_start3A_1851, %dma_start3A_1852] : memref<10000x80xf32, #tpu.memory_space<hbm>> -> memref<10000x80xf32, #tpu.memory_space<hbm>>
      tpu.enqueue_indirect_dma source(%dma_start3A_1853 : memref<10000x80xf32, #tpu.memory_space<hbm>>) target(%dma_start3A_1843 : memref<80x80xf32, #tpu.memory_space<vmem>>) offsets(%dma_start3A_1846 : memref<80xi32, #tpu.memory_space<vmem>>) semaphore(%arg20 : memref<!tpu.dma_semaphore, #tpu.memory_space<semaphore_mem>>)
      %dma_start3A_1854 = arith.constant 1 : i32
      %dma_start3A_1855 = arith.constant 1 : i32
      %dma_start3A_1856 = arith.constant 1 : i32
      %dma_start3A_1857 = arith.constant 1 : i32
      %dma_start3A_1858 = arith.constant 0 : i32
      %dma_start3A_1859 = arith.constant 0 : i32
      %dma_start3A_1860 = tpu.memref_slice %arg9[%dma_start3A_1856, %dma_start3A_1857, %dma_start3A_1858, %dma_start3A_1859] : memref<2x5x80x80xf32, #tpu.memory_space<vmem>> -> memref<1x1x80x80xf32, #tpu.memory_space<vmem>>
      %dma_start3A_1861 = tpu.memref_squeeze %dma_start3A_1860 : memref<1x1x80x80xf32, #tpu.memory_space<vmem>> -> memref<80x80xf32, #tpu.memory_space<vmem>>
      %dma_start3A_1862 = arith.constant 0 : i32
      %dma_start3A_1863 = tpu.memref_slice %arg7[%dma_start3A_1854, %dma_start3A_1855, %dma_start3A_1862] : memref<2x5x80xi32, #tpu.memory_space<vmem>> -> memref<1x1x80xi32, #tpu.memory_space<vmem>>
      %dma_start3A_1864 = tpu.memref_squeeze %dma_start3A_1863 : memref<1x1x80xi32, #tpu.memory_space<vmem>> -> memref<80xi32, #tpu.memory_space<vmem>>
      %dma_start3A_1865 = arith.constant 0 : i32
      %dma_start3A_1866 = arith.constant 0 : i32
      %dma_start3A_1867 = tpu.memref_slice %arg2[%arg0, %dma_start3A_1865, %dma_start3A_1866] : memref<2x10000x80xf32, #tpu.memory_space<hbm>> -> memref<1x10000x80xf32, #tpu.memory_space<hbm>>
      %dma_start3A_1868 = tpu.memref_squeeze %dma_start3A_1867 : memref<1x10000x80xf32, #tpu.memory_space<hbm>> -> memref<10000x80xf32, #tpu.memory_space<hbm>>
      %dma_start3A_1869 = arith.constant 0 : i32
      %dma_start3A_1870 = arith.constant 0 : i32
      %dma_start3A_1871 = tpu.memref_slice %dma_start3A_1868[%dma_start3A_1869, %dma_start3A_1870] : memref<10000x80xf32, #tpu.memory_space<hbm>> -> memref<10000x80xf32, #tpu.memory_space<hbm>>
      tpu.enqueue_indirect_dma source(%dma_start3A_1871 : memref<10000x80xf32, #tpu.memory_space<hbm>>) target(%dma_start3A_1861 : memref<80x80xf32, #tpu.memory_space<vmem>>) offsets(%dma_start3A_1864 : memref<80xi32, #tpu.memory_space<vmem>>) semaphore(%arg20 : memref<!tpu.dma_semaphore, #tpu.memory_space<semaphore_mem>>)
      %dma_start3A_1872 = arith.constant 1 : i32
      %dma_start3A_1873 = arith.constant 2 : i32
      %dma_start3A_1874 = arith.constant 1 : i32
      %dma_start3A_1875 = arith.constant 2 : i32
      %dma_start3A_1876 = arith.constant 0 : i32
      %dma_start3A_1877 = arith.constant 0 : i32
      %dma_start3A_1878 = tpu.memref_slice %arg9[%dma_start3A_1874, %dma_start3A_1875, %dma_start3A_1876, %dma_start3A_1877] : memref<2x5x80x80xf32, #tpu.memory_space<vmem>> -> memref<1x1x80x80xf32, #tpu.memory_space<vmem>>
      %dma_start3A_1879 = tpu.memref_squeeze %dma_start3A_1878 : memref<1x1x80x80xf32, #tpu.memory_space<vmem>> -> memref<80x80xf32, #tpu.memory_space<vmem>>
      %dma_start3A_1880 = arith.constant 0 : i32
      %dma_start3A_1881 = tpu.memref_slice %arg7[%dma_start3A_1872, %dma_start3A_1873, %dma_start3A_1880] : memref<2x5x80xi32, #tpu.memory_space<vmem>> -> memref<1x1x80xi32, #tpu.memory_space<vmem>>
      %dma_start3A_1882 = tpu.memref_squeeze %dma_start3A_1881 : memref<1x1x80xi32, #tpu.memory_space<vmem>> -> memref<80xi32, #tpu.memory_space<vmem>>
      %dma_start3A_1883 = arith.constant 0 : i32
      %dma_start3A_1884 = arith.constant 0 : i32
      %dma_start3A_1885 = tpu.memref_slice %arg2[%arg0, %dma_start3A_1883, %dma_start3A_1884] : memref<2x10000x80xf32, #tpu.memory_space<hbm>> -> memref<1x10000x80xf32, #tpu.memory_space<hbm>>
      %dma_start3A_1886 = tpu.memref_squeeze %dma_start3A_1885 : memref<1x10000x80xf32, #tpu.memory_space<hbm>> -> memref<10000x80xf32, #tpu.memory_space<hbm>>
      %dma_start3A_1887 = arith.constant 0 : i32
      %dma_start3A_1888 = arith.constant 0 : i32
      %dma_start3A_1889 = tpu.memref_slice %dma_start3A_1886[%dma_start3A_1887, %dma_start3A_1888] : memref<10000x80xf32, #tpu.memory_space<hbm>> -> memref<10000x80xf32, #tpu.memory_space<hbm>>
      tpu.enqueue_indirect_dma source(%dma_start3A_1889 : memref<10000x80xf32, #tpu.memory_space<hbm>>) target(%dma_start3A_1879 : memref<80x80xf32, #tpu.memory_space<vmem>>) offsets(%dma_start3A_1882 : memref<80xi32, #tpu.memory_space<vmem>>) semaphore(%arg20 : memref<!tpu.dma_semaphore, #tpu.memory_space<semaphore_mem>>)
      %dma_start3A_1890 = arith.constant 1 : i32
      %dma_start3A_1891 = arith.constant 3 : i32
      %dma_start3A_1892 = arith.constant 1 : i32
      %dma_start3A_1893 = arith.constant 3 : i32
      %dma_start3A_1894 = arith.constant 0 : i32
      %dma_start3A_1895 = arith.constant 0 : i32
      %dma_start3A_1896 = tpu.memref_slice %arg9[%dma_start3A_1892, %dma_start3A_1893, %dma_start3A_1894, %dma_start3A_1895] : memref<2x5x80x80xf32, #tpu.memory_space<vmem>> -> memref<1x1x80x80xf32, #tpu.memory_space<vmem>>
      %dma_start3A_1897 = tpu.memref_squeeze %dma_start3A_1896 : memref<1x1x80x80xf32, #tpu.memory_space<vmem>> -> memref<80x80xf32, #tpu.memory_space<vmem>>
      %dma_start3A_1898 = arith.constant 0 : i32
      %dma_start3A_1899 = tpu.memref_slice %arg7[%dma_start3A_1890, %dma_start3A_1891, %dma_start3A_1898] : memref<2x5x80xi32, #tpu.memory_space<vmem>> -> memref<1x1x80xi32, #tpu.memory_space<vmem>>
      %dma_start3A_1900 = tpu.memref_squeeze %dma_start3A_1899 : memref<1x1x80xi32, #tpu.memory_space<vmem>> -> memref<80xi32, #tpu.memory_space<vmem>>
      %dma_start3A_1901 = arith.constant 0 : i32
      %dma_start3A_1902 = arith.constant 0 : i32
      %dma_start3A_1903 = tpu.memref_slice %arg2[%arg0, %dma_start3A_1901, %dma_start3A_1902] : memref<2x10000x80xf32, #tpu.memory_space<hbm>> -> memref<1x10000x80xf32, #tpu.memory_space<hbm>>
      %dma_start3A_1904 = tpu.memref_squeeze %dma_start3A_1903 : memref<1x10000x80xf32, #tpu.memory_space<hbm>> -> memref<10000x80xf32, #tpu.memory_space<hbm>>
      %dma_start3A_1905 = arith.constant 0 : i32
      %dma_start3A_1906 = arith.constant 0 : i32
      %dma_start3A_1907 = tpu.memref_slice %dma_start3A_1904[%dma_start3A_1905, %dma_start3A_1906] : memref<10000x80xf32, #tpu.memory_space<hbm>> -> memref<10000x80xf32, #tpu.memory_space<hbm>>
      tpu.enqueue_indirect_dma source(%dma_start3A_1907 : memref<10000x80xf32, #tpu.memory_space<hbm>>) target(%dma_start3A_1897 : memref<80x80xf32, #tpu.memory_space<vmem>>) offsets(%dma_start3A_1900 : memref<80xi32, #tpu.memory_space<vmem>>) semaphore(%arg20 : memref<!tpu.dma_semaphore, #tpu.memory_space<semaphore_mem>>)
      %dma_start3A_1908 = arith.constant 1 : i32
      %dma_start3A_1909 = arith.constant 4 : i32
      %dma_start3A_1910 = arith.constant 1 : i32
      %dma_start3A_1911 = arith.constant 4 : i32
      %dma_start3A_1912 = arith.constant 0 : i32
      %dma_start3A_1913 = arith.constant 0 : i32
      %dma_start3A_1914 = tpu.memref_slice %arg9[%dma_start3A_1910, %dma_start3A_1911, %dma_start3A_1912, %dma_start3A_1913] : memref<2x5x80x80xf32, #tpu.memory_space<vmem>> -> memref<1x1x80x80xf32, #tpu.memory_space<vmem>>
      %dma_start3A_1915 = tpu.memref_squeeze %dma_start3A_1914 : memref<1x1x80x80xf32, #tpu.memory_space<vmem>> -> memref<80x80xf32, #tpu.memory_space<vmem>>
      %dma_start3A_1916 = arith.constant 0 : i32
      %dma_start3A_1917 = tpu.memref_slice %arg7[%dma_start3A_1908, %dma_start3A_1909, %dma_start3A_1916] : memref<2x5x80xi32, #tpu.memory_space<vmem>> -> memref<1x1x80xi32, #tpu.memory_space<vmem>>
      %dma_start3A_1918 = tpu.memref_squeeze %dma_start3A_1917 : memref<1x1x80xi32, #tpu.memory_space<vmem>> -> memref<80xi32, #tpu.memory_space<vmem>>
      %dma_start3A_1919 = arith.constant 0 : i32
      %dma_start3A_1920 = arith.constant 0 : i32
      %dma_start3A_1921 = tpu.memref_slice %arg2[%arg0, %dma_start3A_1919, %dma_start3A_1920] : memref<2x10000x80xf32, #tpu.memory_space<hbm>> -> memref<1x10000x80xf32, #tpu.memory_space<hbm>>
      %dma_start3A_1922 = tpu.memref_squeeze %dma_start3A_1921 : memref<1x10000x80xf32, #tpu.memory_space<hbm>> -> memref<10000x80xf32, #tpu.memory_space<hbm>>
      %dma_start3A_1923 = arith.constant 0 : i32
      %dma_start3A_1924 = arith.constant 0 : i32
      %dma_start3A_1925 = tpu.memref_slice %dma_start3A_1922[%dma_start3A_1923, %dma_start3A_1924] : memref<10000x80xf32, #tpu.memory_space<hbm>> -> memref<10000x80xf32, #tpu.memory_space<hbm>>
      tpu.enqueue_indirect_dma source(%dma_start3A_1925 : memref<10000x80xf32, #tpu.memory_space<hbm>>) target(%dma_start3A_1915 : memref<80x80xf32, #tpu.memory_space<vmem>>) offsets(%dma_start3A_1918 : memref<80xi32, #tpu.memory_space<vmem>>) semaphore(%arg20 : memref<!tpu.dma_semaphore, #tpu.memory_space<semaphore_mem>>)
      %dma_wait3A_1926 = arith.constant 1 : i32
      %dma_wait3A_1927 = arith.constant 0 : i32
      %dma_wait3A_1928 = arith.constant 1 : i32
      %dma_wait3A_1929 = arith.constant 0 : i32
      %dma_wait3A_1930 = arith.constant 0 : i32
      %dma_wait3A_1931 = arith.constant 0 : i32
      %dma_wait3A_1932 = tpu.memref_slice %arg9[%dma_wait3A_1928, %dma_wait3A_1929, %dma_wait3A_1930, %dma_wait3A_1931] : memref<2x5x80x80xf32, #tpu.memory_space<vmem>> -> memref<1x1x80x80xf32, #tpu.memory_space<vmem>>
      %dma_wait3A_1933 = tpu.memref_squeeze %dma_wait3A_1932 : memref<1x1x80x80xf32, #tpu.memory_space<vmem>> -> memref<80x80xf32, #tpu.memory_space<vmem>>
      %dma_wait3A_1934 = arith.constant 0 : i32
      %dma_wait3A_1935 = tpu.memref_slice %arg7[%dma_wait3A_1926, %dma_wait3A_1927, %dma_wait3A_1934] : memref<2x5x80xi32, #tpu.memory_space<vmem>> -> memref<1x1x80xi32, #tpu.memory_space<vmem>>
      %dma_wait3A_1936 = tpu.memref_squeeze %dma_wait3A_1935 : memref<1x1x80xi32, #tpu.memory_space<vmem>> -> memref<80xi32, #tpu.memory_space<vmem>>
      %dma_wait3A_1937 = arith.constant 0 : i32
      %dma_wait3A_1938 = arith.constant 0 : i32
      %dma_wait3A_1939 = tpu.memref_slice %arg2[%arg0, %dma_wait3A_1937, %dma_wait3A_1938] : memref<2x10000x80xf32, #tpu.memory_space<hbm>> -> memref<1x10000x80xf32, #tpu.memory_space<hbm>>
      %dma_wait3A_1940 = tpu.memref_squeeze %dma_wait3A_1939 : memref<1x10000x80xf32, #tpu.memory_space<hbm>> -> memref<10000x80xf32, #tpu.memory_space<hbm>>
      %dma_wait3A_1941 = arith.constant 0 : i32
      %dma_wait3A_1942 = arith.constant 0 : i32
      %dma_wait3A_1943 = tpu.memref_slice %dma_wait3A_1940[%dma_wait3A_1941, %dma_wait3A_1942] : memref<10000x80xf32, #tpu.memory_space<hbm>> -> memref<10000x80xf32, #tpu.memory_space<hbm>>
      tpu.wait_indirect_dma semaphore(%arg20 : memref<!tpu.dma_semaphore, #tpu.memory_space<semaphore_mem>>) src(%dma_wait3A_1943 : memref<10000x80xf32, #tpu.memory_space<hbm>>) dst(%dma_wait3A_1933 : memref<80x80xf32, #tpu.memory_space<vmem>>)
      %dma_wait3A_1944 = arith.constant 1 : i32
      %dma_wait3A_1945 = arith.constant 1 : i32
      %dma_wait3A_1946 = arith.constant 1 : i32
      %dma_wait3A_1947 = arith.constant 1 : i32
      %dma_wait3A_1948 = arith.constant 0 : i32
      %dma_wait3A_1949 = arith.constant 0 : i32
      %dma_wait3A_1950 = tpu.memref_slice %arg9[%dma_wait3A_1946, %dma_wait3A_1947, %dma_wait3A_1948, %dma_wait3A_1949] : memref<2x5x80x80xf32, #tpu.memory_space<vmem>> -> memref<1x1x80x80xf32, #tpu.memory_space<vmem>>
      %dma_wait3A_1951 = tpu.memref_squeeze %dma_wait3A_1950 : memref<1x1x80x80xf32, #tpu.memory_space<vmem>> -> memref<80x80xf32, #tpu.memory_space<vmem>>
      %dma_wait3A_1952 = arith.constant 0 : i32
      %dma_wait3A_1953 = tpu.memref_slice %arg7[%dma_wait3A_1944, %dma_wait3A_1945, %dma_wait3A_1952] : memref<2x5x80xi32, #tpu.memory_space<vmem>> -> memref<1x1x80xi32, #tpu.memory_space<vmem>>
      %dma_wait3A_1954 = tpu.memref_squeeze %dma_wait3A_1953 : memref<1x1x80xi32, #tpu.memory_space<vmem>> -> memref<80xi32, #tpu.memory_space<vmem>>
      %dma_wait3A_1955 = arith.constant 0 : i32
      %dma_wait3A_1956 = arith.constant 0 : i32
      %dma_wait3A_1957 = tpu.memref_slice %arg2[%arg0, %dma_wait3A_1955, %dma_wait3A_1956] : memref<2x10000x80xf32, #tpu.memory_space<hbm>> -> memref<1x10000x80xf32, #tpu.memory_space<hbm>>
      %dma_wait3A_1958 = tpu.memref_squeeze %dma_wait3A_1957 : memref<1x10000x80xf32, #tpu.memory_space<hbm>> -> memref<10000x80xf32, #tpu.memory_space<hbm>>
      %dma_wait3A_1959 = arith.constant 0 : i32
      %dma_wait3A_1960 = arith.constant 0 : i32
      %dma_wait3A_1961 = tpu.memref_slice %dma_wait3A_1958[%dma_wait3A_1959, %dma_wait3A_1960] : memref<10000x80xf32, #tpu.memory_space<hbm>> -> memref<10000x80xf32, #tpu.memory_space<hbm>>
      tpu.wait_indirect_dma semaphore(%arg20 : memref<!tpu.dma_semaphore, #tpu.memory_space<semaphore_mem>>) src(%dma_wait3A_1961 : memref<10000x80xf32, #tpu.memory_space<hbm>>) dst(%dma_wait3A_1951 : memref<80x80xf32, #tpu.memory_space<vmem>>)
      %dma_wait3A_1962 = arith.constant 1 : i32
      %dma_wait3A_1963 = arith.constant 2 : i32
      %dma_wait3A_1964 = arith.constant 1 : i32
      %dma_wait3A_1965 = arith.constant 2 : i32
      %dma_wait3A_1966 = arith.constant 0 : i32
      %dma_wait3A_1967 = arith.constant 0 : i32
      %dma_wait3A_1968 = tpu.memref_slice %arg9[%dma_wait3A_1964, %dma_wait3A_1965, %dma_wait3A_1966, %dma_wait3A_1967] : memref<2x5x80x80xf32, #tpu.memory_space<vmem>> -> memref<1x1x80x80xf32, #tpu.memory_space<vmem>>
      %dma_wait3A_1969 = tpu.memref_squeeze %dma_wait3A_1968 : memref<1x1x80x80xf32, #tpu.memory_space<vmem>> -> memref<80x80xf32, #tpu.memory_space<vmem>>
      %dma_wait3A_1970 = arith.constant 0 : i32
      %dma_wait3A_1971 = tpu.memref_slice %arg7[%dma_wait3A_1962, %dma_wait3A_1963, %dma_wait3A_1970] : memref<2x5x80xi32, #tpu.memory_space<vmem>> -> memref<1x1x80xi32, #tpu.memory_space<vmem>>
      %dma_wait3A_1972 = tpu.memref_squeeze %dma_wait3A_1971 : memref<1x1x80xi32, #tpu.memory_space<vmem>> -> memref<80xi32, #tpu.memory_space<vmem>>
      %dma_wait3A_1973 = arith.constant 0 : i32
      %dma_wait3A_1974 = arith.constant 0 : i32
      %dma_wait3A_1975 = tpu.memref_slice %arg2[%arg0, %dma_wait3A_1973, %dma_wait3A_1974] : memref<2x10000x80xf32, #tpu.memory_space<hbm>> -> memref<1x10000x80xf32, #tpu.memory_space<hbm>>
      %dma_wait3A_1976 = tpu.memref_squeeze %dma_wait3A_1975 : memref<1x10000x80xf32, #tpu.memory_space<hbm>> -> memref<10000x80xf32, #tpu.memory_space<hbm>>
      %dma_wait3A_1977 = arith.constant 0 : i32
      %dma_wait3A_1978 = arith.constant 0 : i32
      %dma_wait3A_1979 = tpu.memref_slice %dma_wait3A_1976[%dma_wait3A_1977, %dma_wait3A_1978] : memref<10000x80xf32, #tpu.memory_space<hbm>> -> memref<10000x80xf32, #tpu.memory_space<hbm>>
      tpu.wait_indirect_dma semaphore(%arg20 : memref<!tpu.dma_semaphore, #tpu.memory_space<semaphore_mem>>) src(%dma_wait3A_1979 : memref<10000x80xf32, #tpu.memory_space<hbm>>) dst(%dma_wait3A_1969 : memref<80x80xf32, #tpu.memory_space<vmem>>)
      %dma_wait3A_1980 = arith.constant 1 : i32
      %dma_wait3A_1981 = arith.constant 3 : i32
      %dma_wait3A_1982 = arith.constant 1 : i32
      %dma_wait3A_1983 = arith.constant 3 : i32
      %dma_wait3A_1984 = arith.constant 0 : i32
      %dma_wait3A_1985 = arith.constant 0 : i32
      %dma_wait3A_1986 = tpu.memref_slice %arg9[%dma_wait3A_1982, %dma_wait3A_1983, %dma_wait3A_1984, %dma_wait3A_1985] : memref<2x5x80x80xf32, #tpu.memory_space<vmem>> -> memref<1x1x80x80xf32, #tpu.memory_space<vmem>>
      %dma_wait3A_1987 = tpu.memref_squeeze %dma_wait3A_1986 : memref<1x1x80x80xf32, #tpu.memory_space<vmem>> -> memref<80x80xf32, #tpu.memory_space<vmem>>
      %dma_wait3A_1988 = arith.constant 0 : i32
      %dma_wait3A_1989 = tpu.memref_slice %arg7[%dma_wait3A_1980, %dma_wait3A_1981, %dma_wait3A_1988] : memref<2x5x80xi32, #tpu.memory_space<vmem>> -> memref<1x1x80xi32, #tpu.memory_space<vmem>>
      %dma_wait3A_1990 = tpu.memref_squeeze %dma_wait3A_1989 : memref<1x1x80xi32, #tpu.memory_space<vmem>> -> memref<80xi32, #tpu.memory_space<vmem>>
      %dma_wait3A_1991 = arith.constant 0 : i32
      %dma_wait3A_1992 = arith.constant 0 : i32
      %dma_wait3A_1993 = tpu.memref_slice %arg2[%arg0, %dma_wait3A_1991, %dma_wait3A_1992] : memref<2x10000x80xf32, #tpu.memory_space<hbm>> -> memref<1x10000x80xf32, #tpu.memory_space<hbm>>
      %dma_wait3A_1994 = tpu.memref_squeeze %dma_wait3A_1993 : memref<1x10000x80xf32, #tpu.memory_space<hbm>> -> memref<10000x80xf32, #tpu.memory_space<hbm>>
      %dma_wait3A_1995 = arith.constant 0 : i32
      %dma_wait3A_1996 = arith.constant 0 : i32
      %dma_wait3A_1997 = tpu.memref_slice %dma_wait3A_1994[%dma_wait3A_1995, %dma_wait3A_1996] : memref<10000x80xf32, #tpu.memory_space<hbm>> -> memref<10000x80xf32, #tpu.memory_space<hbm>>
      tpu.wait_indirect_dma semaphore(%arg20 : memref<!tpu.dma_semaphore, #tpu.memory_space<semaphore_mem>>) src(%dma_wait3A_1997 : memref<10000x80xf32, #tpu.memory_space<hbm>>) dst(%dma_wait3A_1987 : memref<80x80xf32, #tpu.memory_space<vmem>>)
      %dma_wait3A_1998 = arith.constant 1 : i32
      %dma_wait3A_1999 = arith.constant 4 : i32
      %dma_wait3A_2000 = arith.constant 1 : i32
      %dma_wait3A_2001 = arith.constant 4 : i32
      %dma_wait3A_2002 = arith.constant 0 : i32
      %dma_wait3A_2003 = arith.constant 0 : i32
      %dma_wait3A_2004 = tpu.memref_slice %arg9[%dma_wait3A_2000, %dma_wait3A_2001, %dma_wait3A_2002, %dma_wait3A_2003] : memref<2x5x80x80xf32, #tpu.memory_space<vmem>> -> memref<1x1x80x80xf32, #tpu.memory_space<vmem>>
      %dma_wait3A_2005 = tpu.memref_squeeze %dma_wait3A_2004 : memref<1x1x80x80xf32, #tpu.memory_space<vmem>> -> memref<80x80xf32, #tpu.memory_space<vmem>>
      %dma_wait3A_2006 = arith.constant 0 : i32
      %dma_wait3A_2007 = tpu.memref_slice %arg7[%dma_wait3A_1998, %dma_wait3A_1999, %dma_wait3A_2006] : memref<2x5x80xi32, #tpu.memory_space<vmem>> -> memref<1x1x80xi32, #tpu.memory_space<vmem>>
      %dma_wait3A_2008 = tpu.memref_squeeze %dma_wait3A_2007 : memref<1x1x80xi32, #tpu.memory_space<vmem>> -> memref<80xi32, #tpu.memory_space<vmem>>
      %dma_wait3A_2009 = arith.constant 0 : i32
      %dma_wait3A_2010 = arith.constant 0 : i32
      %dma_wait3A_2011 = tpu.memref_slice %arg2[%arg0, %dma_wait3A_2009, %dma_wait3A_2010] : memref<2x10000x80xf32, #tpu.memory_space<hbm>> -> memref<1x10000x80xf32, #tpu.memory_space<hbm>>
      %dma_wait3A_2012 = tpu.memref_squeeze %dma_wait3A_2011 : memref<1x10000x80xf32, #tpu.memory_space<hbm>> -> memref<10000x80xf32, #tpu.memory_space<hbm>>
      %dma_wait3A_2013 = arith.constant 0 : i32
      %dma_wait3A_2014 = arith.constant 0 : i32
      %dma_wait3A_2015 = tpu.memref_slice %dma_wait3A_2012[%dma_wait3A_2013, %dma_wait3A_2014] : memref<10000x80xf32, #tpu.memory_space<hbm>> -> memref<10000x80xf32, #tpu.memory_space<hbm>>
      tpu.wait_indirect_dma semaphore(%arg20 : memref<!tpu.dma_semaphore, #tpu.memory_space<semaphore_mem>>) src(%dma_wait3A_2015 : memref<10000x80xf32, #tpu.memory_space<hbm>>) dst(%dma_wait3A_2005 : memref<80x80xf32, #tpu.memory_space<vmem>>)
      %add3A_2016 = arith.constant 1 : i32
      %add3A_2017 = arith.addi %add3A_937, %add3A_2016 : i32
      %add3A_2018 = arith.constant 2 : i32
      %add3A_2019 = arith.addi %add3A_2017, %add3A_2018 : i32
      %lt3A_2020 = arith.constant 50 : i32
      %lt3A_2021 = arith.cmpi slt, %add3A_2019, %lt3A_2020 : i32
      %convert_element_type3A_2022 = arith.extui %lt3A_2021 : i1 to i32
      %cond3A_2023 = arith.constant 0 : i32
      %cond3A_2024 = arith.cmpi ne, %convert_element_type3A_2022, %cond3A_2023 : i32
      scf.if %cond3A_2024 {
        %add3A_2447 = arith.constant 1 : i32
        %add3A_2448 = arith.addi %add3A_937, %add3A_2447 : i32
        %add3A_2449 = arith.constant 2 : i32
        %add3A_2450 = arith.addi %add3A_2448, %add3A_2449 : i32
        %mul3A_2451 = arith.constant 5 : i32
        %mul3A_2452 = arith.muli %add3A_2450, %mul3A_2451 : i32
        %add3A_2453 = arith.constant 0 : i32
        %add3A_2454 = arith.addi %mul3A_2452, %add3A_2453 : i32
        %mul3A_2455 = arith.constant 80 : i32
        %mul3A_2456 = arith.muli %add3A_2454, %mul3A_2455 : i32
        %add3A_2457 = arith.addi %mul3A_655, %mul3A_2456 : i32
        %multiple_of3A_2458 = tpu.assume_multiple %add3A_2457, 8 : i32
        %dma_start3A_2459 = arith.constant 1 : i32
        %dma_start3A_2460 = arith.constant 0 : i32
        %dma_start3A_2461 = arith.constant 0 : i32
        %dma_start3A_2462 = tpu.memref_slice %arg7[%dma_start3A_2459, %dma_start3A_2460, %dma_start3A_2461] : memref<2x5x80xi32, #tpu.memory_space<vmem>> -> memref<1x1x80xi32, #tpu.memory_space<vmem>>
        %dma_start3A_2463 = tpu.memref_squeeze %dma_start3A_2462 : memref<1x1x80xi32, #tpu.memory_space<vmem>> -> memref<80xi32, #tpu.memory_space<vmem>>
        %dma_start3A_2464 = tpu.memref_slice %arg3[%multiple_of3A_2458] : memref<320000xi32, #tpu.memory_space<hbm>> -> memref<80xi32, #tpu.memory_space<hbm>>
        %dma_start3A_2465 = arith.constant 0 : i32
        %dma_start3A_2466 = tpu.memref_slice %arg7[%dma_start3A_2459, %dma_start3A_2460, %dma_start3A_2465] : memref<2x5x80xi32, #tpu.memory_space<vmem>> -> memref<1x1x80xi32, #tpu.memory_space<vmem>>
        %dma_start3A_2467 = tpu.memref_squeeze %dma_start3A_2466 : memref<1x1x80xi32, #tpu.memory_space<vmem>> -> memref<80xi32, #tpu.memory_space<vmem>>
        %dma_start3A_2468 = tpu.memref_slice %arg3[%multiple_of3A_2458] : memref<320000xi32, #tpu.memory_space<hbm>> -> memref<80xi32, #tpu.memory_space<hbm>>
        tpu.enqueue_dma source(%dma_start3A_2468 : memref<80xi32, #tpu.memory_space<hbm>>) target(%dma_start3A_2467 : memref<80xi32, #tpu.memory_space<vmem>>) target_semaphore(%arg16 : memref<!tpu.dma_semaphore, #tpu.memory_space<semaphore_mem>>)
        %mul3A_2469 = arith.constant 5 : i32
        %mul3A_2470 = arith.muli %add3A_2450, %mul3A_2469 : i32
        %add3A_2471 = arith.constant 1 : i32
        %add3A_2472 = arith.addi %mul3A_2470, %add3A_2471 : i32
        %mul3A_2473 = arith.constant 80 : i32
        %mul3A_2474 = arith.muli %add3A_2472, %mul3A_2473 : i32
        %add3A_2475 = arith.addi %mul3A_655, %mul3A_2474 : i32
        %multiple_of3A_2476 = tpu.assume_multiple %add3A_2475, 8 : i32
        %dma_start3A_2477 = arith.constant 1 : i32
        %dma_start3A_2478 = arith.constant 1 : i32
        %dma_start3A_2479 = arith.constant 0 : i32
        %dma_start3A_2480 = tpu.memref_slice %arg7[%dma_start3A_2477, %dma_start3A_2478, %dma_start3A_2479] : memref<2x5x80xi32, #tpu.memory_space<vmem>> -> memref<1x1x80xi32, #tpu.memory_space<vmem>>
        %dma_start3A_2481 = tpu.memref_squeeze %dma_start3A_2480 : memref<1x1x80xi32, #tpu.memory_space<vmem>> -> memref<80xi32, #tpu.memory_space<vmem>>
        %dma_start3A_2482 = tpu.memref_slice %arg3[%multiple_of3A_2476] : memref<320000xi32, #tpu.memory_space<hbm>> -> memref<80xi32, #tpu.memory_space<hbm>>
        %dma_start3A_2483 = arith.constant 0 : i32
        %dma_start3A_2484 = tpu.memref_slice %arg7[%dma_start3A_2477, %dma_start3A_2478, %dma_start3A_2483] : memref<2x5x80xi32, #tpu.memory_space<vmem>> -> memref<1x1x80xi32, #tpu.memory_space<vmem>>
        %dma_start3A_2485 = tpu.memref_squeeze %dma_start3A_2484 : memref<1x1x80xi32, #tpu.memory_space<vmem>> -> memref<80xi32, #tpu.memory_space<vmem>>
        %dma_start3A_2486 = tpu.memref_slice %arg3[%multiple_of3A_2476] : memref<320000xi32, #tpu.memory_space<hbm>> -> memref<80xi32, #tpu.memory_space<hbm>>
        tpu.enqueue_dma source(%dma_start3A_2486 : memref<80xi32, #tpu.memory_space<hbm>>) target(%dma_start3A_2485 : memref<80xi32, #tpu.memory_space<vmem>>) target_semaphore(%arg16 : memref<!tpu.dma_semaphore, #tpu.memory_space<semaphore_mem>>)
        %mul3A_2487 = arith.constant 5 : i32
        %mul3A_2488 = arith.muli %add3A_2450, %mul3A_2487 : i32
        %add3A_2489 = arith.constant 2 : i32
        %add3A_2490 = arith.addi %mul3A_2488, %add3A_2489 : i32
        %mul3A_2491 = arith.constant 80 : i32
        %mul3A_2492 = arith.muli %add3A_2490, %mul3A_2491 : i32
        %add3A_2493 = arith.addi %mul3A_655, %mul3A_2492 : i32
        %multiple_of3A_2494 = tpu.assume_multiple %add3A_2493, 8 : i32
        %dma_start3A_2495 = arith.constant 1 : i32
        %dma_start3A_2496 = arith.constant 2 : i32
        %dma_start3A_2497 = arith.constant 0 : i32
        %dma_start3A_2498 = tpu.memref_slice %arg7[%dma_start3A_2495, %dma_start3A_2496, %dma_start3A_2497] : memref<2x5x80xi32, #tpu.memory_space<vmem>> -> memref<1x1x80xi32, #tpu.memory_space<vmem>>
        %dma_start3A_2499 = tpu.memref_squeeze %dma_start3A_2498 : memref<1x1x80xi32, #tpu.memory_space<vmem>> -> memref<80xi32, #tpu.memory_space<vmem>>
        %dma_start3A_2500 = tpu.memref_slice %arg3[%multiple_of3A_2494] : memref<320000xi32, #tpu.memory_space<hbm>> -> memref<80xi32, #tpu.memory_space<hbm>>
        %dma_start3A_2501 = arith.constant 0 : i32
        %dma_start3A_2502 = tpu.memref_slice %arg7[%dma_start3A_2495, %dma_start3A_2496, %dma_start3A_2501] : memref<2x5x80xi32, #tpu.memory_space<vmem>> -> memref<1x1x80xi32, #tpu.memory_space<vmem>>
        %dma_start3A_2503 = tpu.memref_squeeze %dma_start3A_2502 : memref<1x1x80xi32, #tpu.memory_space<vmem>> -> memref<80xi32, #tpu.memory_space<vmem>>
        %dma_start3A_2504 = tpu.memref_slice %arg3[%multiple_of3A_2494] : memref<320000xi32, #tpu.memory_space<hbm>> -> memref<80xi32, #tpu.memory_space<hbm>>
        tpu.enqueue_dma source(%dma_start3A_2504 : memref<80xi32, #tpu.memory_space<hbm>>) target(%dma_start3A_2503 : memref<80xi32, #tpu.memory_space<vmem>>) target_semaphore(%arg16 : memref<!tpu.dma_semaphore, #tpu.memory_space<semaphore_mem>>)
        %mul3A_2505 = arith.constant 5 : i32
        %mul3A_2506 = arith.muli %add3A_2450, %mul3A_2505 : i32
        %add3A_2507 = arith.constant 3 : i32
        %add3A_2508 = arith.addi %mul3A_2506, %add3A_2507 : i32
        %mul3A_2509 = arith.constant 80 : i32
        %mul3A_2510 = arith.muli %add3A_2508, %mul3A_2509 : i32
        %add3A_2511 = arith.addi %mul3A_655, %mul3A_2510 : i32
        %multiple_of3A_2512 = tpu.assume_multiple %add3A_2511, 8 : i32
        %dma_start3A_2513 = arith.constant 1 : i32
        %dma_start3A_2514 = arith.constant 3 : i32
        %dma_start3A_2515 = arith.constant 0 : i32
        %dma_start3A_2516 = tpu.memref_slice %arg7[%dma_start3A_2513, %dma_start3A_2514, %dma_start3A_2515] : memref<2x5x80xi32, #tpu.memory_space<vmem>> -> memref<1x1x80xi32, #tpu.memory_space<vmem>>
        %dma_start3A_2517 = tpu.memref_squeeze %dma_start3A_2516 : memref<1x1x80xi32, #tpu.memory_space<vmem>> -> memref<80xi32, #tpu.memory_space<vmem>>
        %dma_start3A_2518 = tpu.memref_slice %arg3[%multiple_of3A_2512] : memref<320000xi32, #tpu.memory_space<hbm>> -> memref<80xi32, #tpu.memory_space<hbm>>
        %dma_start3A_2519 = arith.constant 0 : i32
        %dma_start3A_2520 = tpu.memref_slice %arg7[%dma_start3A_2513, %dma_start3A_2514, %dma_start3A_2519] : memref<2x5x80xi32, #tpu.memory_space<vmem>> -> memref<1x1x80xi32, #tpu.memory_space<vmem>>
        %dma_start3A_2521 = tpu.memref_squeeze %dma_start3A_2520 : memref<1x1x80xi32, #tpu.memory_space<vmem>> -> memref<80xi32, #tpu.memory_space<vmem>>
        %dma_start3A_2522 = tpu.memref_slice %arg3[%multiple_of3A_2512] : memref<320000xi32, #tpu.memory_space<hbm>> -> memref<80xi32, #tpu.memory_space<hbm>>
        tpu.enqueue_dma source(%dma_start3A_2522 : memref<80xi32, #tpu.memory_space<hbm>>) target(%dma_start3A_2521 : memref<80xi32, #tpu.memory_space<vmem>>) target_semaphore(%arg16 : memref<!tpu.dma_semaphore, #tpu.memory_space<semaphore_mem>>)
        %mul3A_2523 = arith.constant 5 : i32
        %mul3A_2524 = arith.muli %add3A_2450, %mul3A_2523 : i32
        %add3A_2525 = arith.constant 4 : i32
        %add3A_2526 = arith.addi %mul3A_2524, %add3A_2525 : i32
        %mul3A_2527 = arith.constant 80 : i32
        %mul3A_2528 = arith.muli %add3A_2526, %mul3A_2527 : i32
        %add3A_2529 = arith.addi %mul3A_655, %mul3A_2528 : i32
        %multiple_of3A_2530 = tpu.assume_multiple %add3A_2529, 8 : i32
        %dma_start3A_2531 = arith.constant 1 : i32
        %dma_start3A_2532 = arith.constant 4 : i32
        %dma_start3A_2533 = arith.constant 0 : i32
        %dma_start3A_2534 = tpu.memref_slice %arg7[%dma_start3A_2531, %dma_start3A_2532, %dma_start3A_2533] : memref<2x5x80xi32, #tpu.memory_space<vmem>> -> memref<1x1x80xi32, #tpu.memory_space<vmem>>
        %dma_start3A_2535 = tpu.memref_squeeze %dma_start3A_2534 : memref<1x1x80xi32, #tpu.memory_space<vmem>> -> memref<80xi32, #tpu.memory_space<vmem>>
        %dma_start3A_2536 = tpu.memref_slice %arg3[%multiple_of3A_2530] : memref<320000xi32, #tpu.memory_space<hbm>> -> memref<80xi32, #tpu.memory_space<hbm>>
        %dma_start3A_2537 = arith.constant 0 : i32
        %dma_start3A_2538 = tpu.memref_slice %arg7[%dma_start3A_2531, %dma_start3A_2532, %dma_start3A_2537] : memref<2x5x80xi32, #tpu.memory_space<vmem>> -> memref<1x1x80xi32, #tpu.memory_space<vmem>>
        %dma_start3A_2539 = tpu.memref_squeeze %dma_start3A_2538 : memref<1x1x80xi32, #tpu.memory_space<vmem>> -> memref<80xi32, #tpu.memory_space<vmem>>
        %dma_start3A_2540 = tpu.memref_slice %arg3[%multiple_of3A_2530] : memref<320000xi32, #tpu.memory_space<hbm>> -> memref<80xi32, #tpu.memory_space<hbm>>
        tpu.enqueue_dma source(%dma_start3A_2540 : memref<80xi32, #tpu.memory_space<hbm>>) target(%dma_start3A_2539 : memref<80xi32, #tpu.memory_space<vmem>>) target_semaphore(%arg16 : memref<!tpu.dma_semaphore, #tpu.memory_space<semaphore_mem>>)
      } else {
      }
      %dma_wait3A_2025 = arith.constant 1 : i32
      %dma_wait3A_2026 = arith.constant 0 : i32
      %dma_wait3A_2027 = arith.constant 0 : i32
      %dma_wait3A_2028 = tpu.memref_slice %arg8[%dma_wait3A_2025, %dma_wait3A_2026, %dma_wait3A_2027] : memref<2x5x80xi32, #tpu.memory_space<vmem>> -> memref<1x1x80xi32, #tpu.memory_space<vmem>>
      %dma_wait3A_2029 = tpu.memref_squeeze %dma_wait3A_2028 : memref<1x1x80xi32, #tpu.memory_space<vmem>> -> memref<80xi32, #tpu.memory_space<vmem>>
      %dma_wait3A_2030 = tpu.memref_slice %arg4[%mul3A_655] : memref<320000xi32, #tpu.memory_space<hbm>> -> memref<80xi32, #tpu.memory_space<hbm>>
      %dma_wait3A_2031 = arith.constant 0 : i32
      %dma_wait3A_2032 = tpu.memref_slice %arg8[%dma_wait3A_2025, %dma_wait3A_2026, %dma_wait3A_2031] : memref<2x5x80xi32, #tpu.memory_space<vmem>> -> memref<1x1x80xi32, #tpu.memory_space<vmem>>
      %dma_wait3A_2033 = tpu.memref_squeeze %dma_wait3A_2032 : memref<1x1x80xi32, #tpu.memory_space<vmem>> -> memref<80xi32, #tpu.memory_space<vmem>>
      %dma_wait3A_2034 = tpu.memref_slice %arg4[%mul3A_655] : memref<320000xi32, #tpu.memory_space<hbm>> -> memref<80xi32, #tpu.memory_space<hbm>>
      tpu.wait_dma2 semaphore(%arg18 : memref<!tpu.dma_semaphore, #tpu.memory_space<semaphore_mem>>) src(%dma_wait3A_2034 : memref<80xi32, #tpu.memory_space<hbm>>) dst(%dma_wait3A_2033 : memref<80xi32, #tpu.memory_space<vmem>>)
      %dma_wait3A_2035 = arith.constant 1 : i32
      %dma_wait3A_2036 = arith.constant 1 : i32
      %dma_wait3A_2037 = arith.constant 0 : i32
      %dma_wait3A_2038 = tpu.memref_slice %arg8[%dma_wait3A_2035, %dma_wait3A_2036, %dma_wait3A_2037] : memref<2x5x80xi32, #tpu.memory_space<vmem>> -> memref<1x1x80xi32, #tpu.memory_space<vmem>>
      %dma_wait3A_2039 = tpu.memref_squeeze %dma_wait3A_2038 : memref<1x1x80xi32, #tpu.memory_space<vmem>> -> memref<80xi32, #tpu.memory_space<vmem>>
      %dma_wait3A_2040 = tpu.memref_slice %arg4[%mul3A_655] : memref<320000xi32, #tpu.memory_space<hbm>> -> memref<80xi32, #tpu.memory_space<hbm>>
      %dma_wait3A_2041 = arith.constant 0 : i32
      %dma_wait3A_2042 = tpu.memref_slice %arg8[%dma_wait3A_2035, %dma_wait3A_2036, %dma_wait3A_2041] : memref<2x5x80xi32, #tpu.memory_space<vmem>> -> memref<1x1x80xi32, #tpu.memory_space<vmem>>
      %dma_wait3A_2043 = tpu.memref_squeeze %dma_wait3A_2042 : memref<1x1x80xi32, #tpu.memory_space<vmem>> -> memref<80xi32, #tpu.memory_space<vmem>>
      %dma_wait3A_2044 = tpu.memref_slice %arg4[%mul3A_655] : memref<320000xi32, #tpu.memory_space<hbm>> -> memref<80xi32, #tpu.memory_space<hbm>>
      tpu.wait_dma2 semaphore(%arg18 : memref<!tpu.dma_semaphore, #tpu.memory_space<semaphore_mem>>) src(%dma_wait3A_2044 : memref<80xi32, #tpu.memory_space<hbm>>) dst(%dma_wait3A_2043 : memref<80xi32, #tpu.memory_space<vmem>>)
      %dma_wait3A_2045 = arith.constant 1 : i32
      %dma_wait3A_2046 = arith.constant 2 : i32
      %dma_wait3A_2047 = arith.constant 0 : i32
      %dma_wait3A_2048 = tpu.memref_slice %arg8[%dma_wait3A_2045, %dma_wait3A_2046, %dma_wait3A_2047] : memref<2x5x80xi32, #tpu.memory_space<vmem>> -> memref<1x1x80xi32, #tpu.memory_space<vmem>>
      %dma_wait3A_2049 = tpu.memref_squeeze %dma_wait3A_2048 : memref<1x1x80xi32, #tpu.memory_space<vmem>> -> memref<80xi32, #tpu.memory_space<vmem>>
      %dma_wait3A_2050 = tpu.memref_slice %arg4[%mul3A_655] : memref<320000xi32, #tpu.memory_space<hbm>> -> memref<80xi32, #tpu.memory_space<hbm>>
      %dma_wait3A_2051 = arith.constant 0 : i32
      %dma_wait3A_2052 = tpu.memref_slice %arg8[%dma_wait3A_2045, %dma_wait3A_2046, %dma_wait3A_2051] : memref<2x5x80xi32, #tpu.memory_space<vmem>> -> memref<1x1x80xi32, #tpu.memory_space<vmem>>
      %dma_wait3A_2053 = tpu.memref_squeeze %dma_wait3A_2052 : memref<1x1x80xi32, #tpu.memory_space<vmem>> -> memref<80xi32, #tpu.memory_space<vmem>>
      %dma_wait3A_2054 = tpu.memref_slice %arg4[%mul3A_655] : memref<320000xi32, #tpu.memory_space<hbm>> -> memref<80xi32, #tpu.memory_space<hbm>>
      tpu.wait_dma2 semaphore(%arg18 : memref<!tpu.dma_semaphore, #tpu.memory_space<semaphore_mem>>) src(%dma_wait3A_2054 : memref<80xi32, #tpu.memory_space<hbm>>) dst(%dma_wait3A_2053 : memref<80xi32, #tpu.memory_space<vmem>>)
      %dma_wait3A_2055 = arith.constant 1 : i32
      %dma_wait3A_2056 = arith.constant 3 : i32
      %dma_wait3A_2057 = arith.constant 0 : i32
      %dma_wait3A_2058 = tpu.memref_slice %arg8[%dma_wait3A_2055, %dma_wait3A_2056, %dma_wait3A_2057] : memref<2x5x80xi32, #tpu.memory_space<vmem>> -> memref<1x1x80xi32, #tpu.memory_space<vmem>>
      %dma_wait3A_2059 = tpu.memref_squeeze %dma_wait3A_2058 : memref<1x1x80xi32, #tpu.memory_space<vmem>> -> memref<80xi32, #tpu.memory_space<vmem>>
      %dma_wait3A_2060 = tpu.memref_slice %arg4[%mul3A_655] : memref<320000xi32, #tpu.memory_space<hbm>> -> memref<80xi32, #tpu.memory_space<hbm>>
      %dma_wait3A_2061 = arith.constant 0 : i32
      %dma_wait3A_2062 = tpu.memref_slice %arg8[%dma_wait3A_2055, %dma_wait3A_2056, %dma_wait3A_2061] : memref<2x5x80xi32, #tpu.memory_space<vmem>> -> memref<1x1x80xi32, #tpu.memory_space<vmem>>
      %dma_wait3A_2063 = tpu.memref_squeeze %dma_wait3A_2062 : memref<1x1x80xi32, #tpu.memory_space<vmem>> -> memref<80xi32, #tpu.memory_space<vmem>>
      %dma_wait3A_2064 = tpu.memref_slice %arg4[%mul3A_655] : memref<320000xi32, #tpu.memory_space<hbm>> -> memref<80xi32, #tpu.memory_space<hbm>>
      tpu.wait_dma2 semaphore(%arg18 : memref<!tpu.dma_semaphore, #tpu.memory_space<semaphore_mem>>) src(%dma_wait3A_2064 : memref<80xi32, #tpu.memory_space<hbm>>) dst(%dma_wait3A_2063 : memref<80xi32, #tpu.memory_space<vmem>>)
      %dma_wait3A_2065 = arith.constant 1 : i32
      %dma_wait3A_2066 = arith.constant 4 : i32
      %dma_wait3A_2067 = arith.constant 0 : i32
      %dma_wait3A_2068 = tpu.memref_slice %arg8[%dma_wait3A_2065, %dma_wait3A_2066, %dma_wait3A_2067] : memref<2x5x80xi32, #tpu.memory_space<vmem>> -> memref<1x1x80xi32, #tpu.memory_space<vmem>>
      %dma_wait3A_2069 = tpu.memref_squeeze %dma_wait3A_2068 : memref<1x1x80xi32, #tpu.memory_space<vmem>> -> memref<80xi32, #tpu.memory_space<vmem>>
      %dma_wait3A_2070 = tpu.memref_slice %arg4[%mul3A_655] : memref<320000xi32, #tpu.memory_space<hbm>> -> memref<80xi32, #tpu.memory_space<hbm>>
      %dma_wait3A_2071 = arith.constant 0 : i32
      %dma_wait3A_2072 = tpu.memref_slice %arg8[%dma_wait3A_2065, %dma_wait3A_2066, %dma_wait3A_2071] : memref<2x5x80xi32, #tpu.memory_space<vmem>> -> memref<1x1x80xi32, #tpu.memory_space<vmem>>
      %dma_wait3A_2073 = tpu.memref_squeeze %dma_wait3A_2072 : memref<1x1x80xi32, #tpu.memory_space<vmem>> -> memref<80xi32, #tpu.memory_space<vmem>>
      %dma_wait3A_2074 = tpu.memref_slice %arg4[%mul3A_655] : memref<320000xi32, #tpu.memory_space<hbm>> -> memref<80xi32, #tpu.memory_space<hbm>>
      tpu.wait_dma2 semaphore(%arg18 : memref<!tpu.dma_semaphore, #tpu.memory_space<semaphore_mem>>) src(%dma_wait3A_2074 : memref<80xi32, #tpu.memory_space<hbm>>) dst(%dma_wait3A_2073 : memref<80xi32, #tpu.memory_space<vmem>>)
      %dma_start3A_2075 = arith.constant 1 : i32
      %dma_start3A_2076 = arith.constant 0 : i32
      %dma_start3A_2077 = arith.constant 1 : i32
      %dma_start3A_2078 = arith.constant 0 : i32
      %dma_start3A_2079 = arith.constant 0 : i32
      %dma_start3A_2080 = arith.constant 0 : i32
      %dma_start3A_2081 = tpu.memref_slice %arg9[%dma_start3A_2075, %dma_start3A_2076, %dma_start3A_2079, %dma_start3A_2080] : memref<2x5x80x80xf32, #tpu.memory_space<vmem>> -> memref<1x1x80x80xf32, #tpu.memory_space<vmem>>
      %dma_start3A_2082 = tpu.memref_squeeze %dma_start3A_2081 : memref<1x1x80x80xf32, #tpu.memory_space<vmem>> -> memref<80x80xf32, #tpu.memory_space<vmem>>
      %dma_start3A_2083 = arith.constant 0 : i32
      %dma_start3A_2084 = tpu.memref_slice %arg8[%dma_start3A_2077, %dma_start3A_2078, %dma_start3A_2083] : memref<2x5x80xi32, #tpu.memory_space<vmem>> -> memref<1x1x80xi32, #tpu.memory_space<vmem>>
      %dma_start3A_2085 = tpu.memref_squeeze %dma_start3A_2084 : memref<1x1x80xi32, #tpu.memory_space<vmem>> -> memref<80xi32, #tpu.memory_space<vmem>>
      %dma_start3A_2086 = arith.constant 0 : i32
      %dma_start3A_2087 = arith.constant 0 : i32
      %dma_start3A_2088 = tpu.memref_slice %arg13[%dma_start3A_2086, %dma_start3A_2087] : memref<10240x80xf32, #tpu.memory_space<vmem_shared>> -> memref<10240x80xf32, #tpu.memory_space<vmem_shared>>
      tpu.enqueue_indirect_dma source(%dma_start3A_2082 : memref<80x80xf32, #tpu.memory_space<vmem>>) target(%dma_start3A_2088 : memref<10240x80xf32, #tpu.memory_space<vmem_shared>>) offsets(%dma_start3A_2085 : memref<80xi32, #tpu.memory_space<vmem>>) semaphore(%arg22 : memref<!tpu.dma_semaphore, #tpu.memory_space<semaphore_mem>>) {add = true}
      %dma_start3A_2089 = arith.constant 1 : i32
      %dma_start3A_2090 = arith.constant 1 : i32
      %dma_start3A_2091 = arith.constant 1 : i32
      %dma_start3A_2092 = arith.constant 1 : i32
      %dma_start3A_2093 = arith.constant 0 : i32
      %dma_start3A_2094 = arith.constant 0 : i32
      %dma_start3A_2095 = tpu.memref_slice %arg9[%dma_start3A_2089, %dma_start3A_2090, %dma_start3A_2093, %dma_start3A_2094] : memref<2x5x80x80xf32, #tpu.memory_space<vmem>> -> memref<1x1x80x80xf32, #tpu.memory_space<vmem>>
      %dma_start3A_2096 = tpu.memref_squeeze %dma_start3A_2095 : memref<1x1x80x80xf32, #tpu.memory_space<vmem>> -> memref<80x80xf32, #tpu.memory_space<vmem>>
      %dma_start3A_2097 = arith.constant 0 : i32
      %dma_start3A_2098 = tpu.memref_slice %arg8[%dma_start3A_2091, %dma_start3A_2092, %dma_start3A_2097] : memref<2x5x80xi32, #tpu.memory_space<vmem>> -> memref<1x1x80xi32, #tpu.memory_space<vmem>>
      %dma_start3A_2099 = tpu.memref_squeeze %dma_start3A_2098 : memref<1x1x80xi32, #tpu.memory_space<vmem>> -> memref<80xi32, #tpu.memory_space<vmem>>
      %dma_start3A_2100 = arith.constant 0 : i32
      %dma_start3A_2101 = arith.constant 0 : i32
      %dma_start3A_2102 = tpu.memref_slice %arg13[%dma_start3A_2100, %dma_start3A_2101] : memref<10240x80xf32, #tpu.memory_space<vmem_shared>> -> memref<10240x80xf32, #tpu.memory_space<vmem_shared>>
      tpu.enqueue_indirect_dma source(%dma_start3A_2096 : memref<80x80xf32, #tpu.memory_space<vmem>>) target(%dma_start3A_2102 : memref<10240x80xf32, #tpu.memory_space<vmem_shared>>) offsets(%dma_start3A_2099 : memref<80xi32, #tpu.memory_space<vmem>>) semaphore(%arg22 : memref<!tpu.dma_semaphore, #tpu.memory_space<semaphore_mem>>) {add = true}
      %dma_start3A_2103 = arith.constant 1 : i32
      %dma_start3A_2104 = arith.constant 2 : i32
      %dma_start3A_2105 = arith.constant 1 : i32
      %dma_start3A_2106 = arith.constant 2 : i32
      %dma_start3A_2107 = arith.constant 0 : i32
      %dma_start3A_2108 = arith.constant 0 : i32
      %dma_start3A_2109 = tpu.memref_slice %arg9[%dma_start3A_2103, %dma_start3A_2104, %dma_start3A_2107, %dma_start3A_2108] : memref<2x5x80x80xf32, #tpu.memory_space<vmem>> -> memref<1x1x80x80xf32, #tpu.memory_space<vmem>>
      %dma_start3A_2110 = tpu.memref_squeeze %dma_start3A_2109 : memref<1x1x80x80xf32, #tpu.memory_space<vmem>> -> memref<80x80xf32, #tpu.memory_space<vmem>>
      %dma_start3A_2111 = arith.constant 0 : i32
      %dma_start3A_2112 = tpu.memref_slice %arg8[%dma_start3A_2105, %dma_start3A_2106, %dma_start3A_2111] : memref<2x5x80xi32, #tpu.memory_space<vmem>> -> memref<1x1x80xi32, #tpu.memory_space<vmem>>
      %dma_start3A_2113 = tpu.memref_squeeze %dma_start3A_2112 : memref<1x1x80xi32, #tpu.memory_space<vmem>> -> memref<80xi32, #tpu.memory_space<vmem>>
      %dma_start3A_2114 = arith.constant 0 : i32
      %dma_start3A_2115 = arith.constant 0 : i32
      %dma_start3A_2116 = tpu.memref_slice %arg13[%dma_start3A_2114, %dma_start3A_2115] : memref<10240x80xf32, #tpu.memory_space<vmem_shared>> -> memref<10240x80xf32, #tpu.memory_space<vmem_shared>>
      tpu.enqueue_indirect_dma source(%dma_start3A_2110 : memref<80x80xf32, #tpu.memory_space<vmem>>) target(%dma_start3A_2116 : memref<10240x80xf32, #tpu.memory_space<vmem_shared>>) offsets(%dma_start3A_2113 : memref<80xi32, #tpu.memory_space<vmem>>) semaphore(%arg22 : memref<!tpu.dma_semaphore, #tpu.memory_space<semaphore_mem>>) {add = true}
      %dma_start3A_2117 = arith.constant 1 : i32
      %dma_start3A_2118 = arith.constant 3 : i32
      %dma_start3A_2119 = arith.constant 1 : i32
      %dma_start3A_2120 = arith.constant 3 : i32
      %dma_start3A_2121 = arith.constant 0 : i32
      %dma_start3A_2122 = arith.constant 0 : i32
      %dma_start3A_2123 = tpu.memref_slice %arg9[%dma_start3A_2117, %dma_start3A_2118, %dma_start3A_2121, %dma_start3A_2122] : memref<2x5x80x80xf32, #tpu.memory_space<vmem>> -> memref<1x1x80x80xf32, #tpu.memory_space<vmem>>
      %dma_start3A_2124 = tpu.memref_squeeze %dma_start3A_2123 : memref<1x1x80x80xf32, #tpu.memory_space<vmem>> -> memref<80x80xf32, #tpu.memory_space<vmem>>
      %dma_start3A_2125 = arith.constant 0 : i32
      %dma_start3A_2126 = tpu.memref_slice %arg8[%dma_start3A_2119, %dma_start3A_2120, %dma_start3A_2125] : memref<2x5x80xi32, #tpu.memory_space<vmem>> -> memref<1x1x80xi32, #tpu.memory_space<vmem>>
      %dma_start3A_2127 = tpu.memref_squeeze %dma_start3A_2126 : memref<1x1x80xi32, #tpu.memory_space<vmem>> -> memref<80xi32, #tpu.memory_space<vmem>>
      %dma_start3A_2128 = arith.constant 0 : i32
      %dma_start3A_2129 = arith.constant 0 : i32
      %dma_start3A_2130 = tpu.memref_slice %arg13[%dma_start3A_2128, %dma_start3A_2129] : memref<10240x80xf32, #tpu.memory_space<vmem_shared>> -> memref<10240x80xf32, #tpu.memory_space<vmem_shared>>
      tpu.enqueue_indirect_dma source(%dma_start3A_2124 : memref<80x80xf32, #tpu.memory_space<vmem>>) target(%dma_start3A_2130 : memref<10240x80xf32, #tpu.memory_space<vmem_shared>>) offsets(%dma_start3A_2127 : memref<80xi32, #tpu.memory_space<vmem>>) semaphore(%arg22 : memref<!tpu.dma_semaphore, #tpu.memory_space<semaphore_mem>>) {add = true}
      %dma_start3A_2131 = arith.constant 1 : i32
      %dma_start3A_2132 = arith.constant 4 : i32
      %dma_start3A_2133 = arith.constant 1 : i32
      %dma_start3A_2134 = arith.constant 4 : i32
      %dma_start3A_2135 = arith.constant 0 : i32
      %dma_start3A_2136 = arith.constant 0 : i32
      %dma_start3A_2137 = tpu.memref_slice %arg9[%dma_start3A_2131, %dma_start3A_2132, %dma_start3A_2135, %dma_start3A_2136] : memref<2x5x80x80xf32, #tpu.memory_space<vmem>> -> memref<1x1x80x80xf32, #tpu.memory_space<vmem>>
      %dma_start3A_2138 = tpu.memref_squeeze %dma_start3A_2137 : memref<1x1x80x80xf32, #tpu.memory_space<vmem>> -> memref<80x80xf32, #tpu.memory_space<vmem>>
      %dma_start3A_2139 = arith.constant 0 : i32
      %dma_start3A_2140 = tpu.memref_slice %arg8[%dma_start3A_2133, %dma_start3A_2134, %dma_start3A_2139] : memref<2x5x80xi32, #tpu.memory_space<vmem>> -> memref<1x1x80xi32, #tpu.memory_space<vmem>>
      %dma_start3A_2141 = tpu.memref_squeeze %dma_start3A_2140 : memref<1x1x80xi32, #tpu.memory_space<vmem>> -> memref<80xi32, #tpu.memory_space<vmem>>
      %dma_start3A_2142 = arith.constant 0 : i32
      %dma_start3A_2143 = arith.constant 0 : i32
      %dma_start3A_2144 = tpu.memref_slice %arg13[%dma_start3A_2142, %dma_start3A_2143] : memref<10240x80xf32, #tpu.memory_space<vmem_shared>> -> memref<10240x80xf32, #tpu.memory_space<vmem_shared>>
      tpu.enqueue_indirect_dma source(%dma_start3A_2138 : memref<80x80xf32, #tpu.memory_space<vmem>>) target(%dma_start3A_2144 : memref<10240x80xf32, #tpu.memory_space<vmem_shared>>) offsets(%dma_start3A_2141 : memref<80xi32, #tpu.memory_space<vmem>>) semaphore(%arg22 : memref<!tpu.dma_semaphore, #tpu.memory_space<semaphore_mem>>) {add = true}
      %broadcast_in_dim3A_2145 = arith.constant 1.000000e+00 : f32
      %broadcast_in_dim3A_2146 = vector.broadcast %broadcast_in_dim3A_2145 : f32 to vector<16xf32>
      %get3A_2147 = arith.constant 1 : i32
      %get3A_2148 = arith.constant 0 : i32
      %get3A_2149 = arith.index_cast %get3A_2147 : i32 to index
      %get3A_2150 = arith.index_cast %get3A_2148 : i32 to index
      %get3A_2151 = arith.constant 0 : index
      %get3A_2152 = tpu.vector_load %arg8[%get3A_2149, %get3A_2150, %get3A_2151] {strides = array<i32>} : memref<2x5x80xi32, #tpu.memory_space<vmem>>, vector<16xi32>,
      %shift_right_logical3A_2153 = arith.constant 4 : i32
      %shift_right_logical3A_2154 = vector.broadcast %shift_right_logical3A_2153 : i32 to vector<16xi32>
      %shift_right_logical3A_2155 = arith.shrui %get3A_2152, %shift_right_logical3A_2154 : vector<16xi32>
      %and3A_2156 = arith.constant 15 : i32
      %and3A_2157 = vector.broadcast %and3A_2156 : i32 to vector<16xi32>
      %and3A_2158 = arith.andi %get3A_2152, %and3A_2157 : vector<16xi32>
      tpu.vector_store_idx %arg11[%shift_right_logical3A_2155, %and3A_2158], %broadcast_in_dim3A_2146 {add = true} : memref<640x16xf32, #tpu.memory_space<vmem>>[vector<16xi32>, vector<16xi32>], vector<16xf32>,
      %get3A_2159 = arith.constant 1 : i32
      %get3A_2160 = arith.constant 0 : i32
      %get3A_2161 = arith.index_cast %get3A_2159 : i32 to index
      %get3A_2162 = arith.index_cast %get3A_2160 : i32 to index
      %get3A_2163 = arith.constant 16 : index
      %get3A_2164 = tpu.vector_load %arg8[%get3A_2161, %get3A_2162, %get3A_2163] {strides = array<i32>} : memref<2x5x80xi32, #tpu.memory_space<vmem>>, vector<16xi32>,
      %shift_right_logical3A_2165 = arith.constant 4 : i32
      %shift_right_logical3A_2166 = vector.broadcast %shift_right_logical3A_2165 : i32 to vector<16xi32>
      %shift_right_logical3A_2167 = arith.shrui %get3A_2164, %shift_right_logical3A_2166 : vector<16xi32>
      %and3A_2168 = arith.constant 15 : i32
      %and3A_2169 = vector.broadcast %and3A_2168 : i32 to vector<16xi32>
      %and3A_2170 = arith.andi %get3A_2164, %and3A_2169 : vector<16xi32>
      tpu.vector_store_idx %arg11[%shift_right_logical3A_2167, %and3A_2170], %broadcast_in_dim3A_2146 {add = true} : memref<640x16xf32, #tpu.memory_space<vmem>>[vector<16xi32>, vector<16xi32>], vector<16xf32>,
      %get3A_2171 = arith.constant 1 : i32
      %get3A_2172 = arith.constant 0 : i32
      %get3A_2173 = arith.index_cast %get3A_2171 : i32 to index
      %get3A_2174 = arith.index_cast %get3A_2172 : i32 to index
      %get3A_2175 = arith.constant 32 : index
      %get3A_2176 = tpu.vector_load %arg8[%get3A_2173, %get3A_2174, %get3A_2175] {strides = array<i32>} : memref<2x5x80xi32, #tpu.memory_space<vmem>>, vector<16xi32>,
      %shift_right_logical3A_2177 = arith.constant 4 : i32
      %shift_right_logical3A_2178 = vector.broadcast %shift_right_logical3A_2177 : i32 to vector<16xi32>
      %shift_right_logical3A_2179 = arith.shrui %get3A_2176, %shift_right_logical3A_2178 : vector<16xi32>
      %and3A_2180 = arith.constant 15 : i32
      %and3A_2181 = vector.broadcast %and3A_2180 : i32 to vector<16xi32>
      %and3A_2182 = arith.andi %get3A_2176, %and3A_2181 : vector<16xi32>
      tpu.vector_store_idx %arg11[%shift_right_logical3A_2179, %and3A_2182], %broadcast_in_dim3A_2146 {add = true} : memref<640x16xf32, #tpu.memory_space<vmem>>[vector<16xi32>, vector<16xi32>], vector<16xf32>,
      %get3A_2183 = arith.constant 1 : i32
      %get3A_2184 = arith.constant 0 : i32
      %get3A_2185 = arith.index_cast %get3A_2183 : i32 to index
      %get3A_2186 = arith.index_cast %get3A_2184 : i32 to index
      %get3A_2187 = arith.constant 48 : index
      %get3A_2188 = tpu.vector_load %arg8[%get3A_2185, %get3A_2186, %get3A_2187] {strides = array<i32>} : memref<2x5x80xi32, #tpu.memory_space<vmem>>, vector<16xi32>,
      %shift_right_logical3A_2189 = arith.constant 4 : i32
      %shift_right_logical3A_2190 = vector.broadcast %shift_right_logical3A_2189 : i32 to vector<16xi32>
      %shift_right_logical3A_2191 = arith.shrui %get3A_2188, %shift_right_logical3A_2190 : vector<16xi32>
      %and3A_2192 = arith.constant 15 : i32
      %and3A_2193 = vector.broadcast %and3A_2192 : i32 to vector<16xi32>
      %and3A_2194 = arith.andi %get3A_2188, %and3A_2193 : vector<16xi32>
      tpu.vector_store_idx %arg11[%shift_right_logical3A_2191, %and3A_2194], %broadcast_in_dim3A_2146 {add = true} : memref<640x16xf32, #tpu.memory_space<vmem>>[vector<16xi32>, vector<16xi32>], vector<16xf32>,
      %get3A_2195 = arith.constant 1 : i32
      %get3A_2196 = arith.constant 0 : i32
      %get3A_2197 = arith.index_cast %get3A_2195 : i32 to index
      %get3A_2198 = arith.index_cast %get3A_2196 : i32 to index
      %get3A_2199 = arith.constant 64 : index
      %get3A_2200 = tpu.vector_load %arg8[%get3A_2197, %get3A_2198, %get3A_2199] {strides = array<i32>} : memref<2x5x80xi32, #tpu.memory_space<vmem>>, vector<16xi32>,
      %shift_right_logical3A_2201 = arith.constant 4 : i32
      %shift_right_logical3A_2202 = vector.broadcast %shift_right_logical3A_2201 : i32 to vector<16xi32>
      %shift_right_logical3A_2203 = arith.shrui %get3A_2200, %shift_right_logical3A_2202 : vector<16xi32>
      %and3A_2204 = arith.constant 15 : i32
      %and3A_2205 = vector.broadcast %and3A_2204 : i32 to vector<16xi32>
      %and3A_2206 = arith.andi %get3A_2200, %and3A_2205 : vector<16xi32>
      tpu.vector_store_idx %arg11[%shift_right_logical3A_2203, %and3A_2206], %broadcast_in_dim3A_2146 {add = true} : memref<640x16xf32, #tpu.memory_space<vmem>>[vector<16xi32>, vector<16xi32>], vector<16xf32>,
      %get3A_2207 = arith.constant 1 : i32
      %get3A_2208 = arith.constant 1 : i32
      %get3A_2209 = arith.index_cast %get3A_2207 : i32 to index
      %get3A_2210 = arith.index_cast %get3A_2208 : i32 to index
      %get3A_2211 = arith.constant 0 : index
      %get3A_2212 = tpu.vector_load %arg8[%get3A_2209, %get3A_2210, %get3A_2211] {strides = array<i32>} : memref<2x5x80xi32, #tpu.memory_space<vmem>>, vector<16xi32>,
      %shift_right_logical3A_2213 = arith.constant 4 : i32
      %shift_right_logical3A_2214 = vector.broadcast %shift_right_logical3A_2213 : i32 to vector<16xi32>
      %shift_right_logical3A_2215 = arith.shrui %get3A_2212, %shift_right_logical3A_2214 : vector<16xi32>
      %and3A_2216 = arith.constant 15 : i32
      %and3A_2217 = vector.broadcast %and3A_2216 : i32 to vector<16xi32>
      %and3A_2218 = arith.andi %get3A_2212, %and3A_2217 : vector<16xi32>
      tpu.vector_store_idx %arg11[%shift_right_logical3A_2215, %and3A_2218], %broadcast_in_dim3A_2146 {add = true} : memref<640x16xf32, #tpu.memory_space<vmem>>[vector<16xi32>, vector<16xi32>], vector<16xf32>,
      %get3A_2219 = arith.constant 1 : i32
      %get3A_2220 = arith.constant 1 : i32
      %get3A_2221 = arith.index_cast %get3A_2219 : i32 to index
      %get3A_2222 = arith.index_cast %get3A_2220 : i32 to index
      %get3A_2223 = arith.constant 16 : index
      %get3A_2224 = tpu.vector_load %arg8[%get3A_2221, %get3A_2222, %get3A_2223] {strides = array<i32>} : memref<2x5x80xi32, #tpu.memory_space<vmem>>, vector<16xi32>,
      %shift_right_logical3A_2225 = arith.constant 4 : i32
      %shift_right_logical3A_2226 = vector.broadcast %shift_right_logical3A_2225 : i32 to vector<16xi32>
      %shift_right_logical3A_2227 = arith.shrui %get3A_2224, %shift_right_logical3A_2226 : vector<16xi32>
      %and3A_2228 = arith.constant 15 : i32
      %and3A_2229 = vector.broadcast %and3A_2228 : i32 to vector<16xi32>
      %and3A_2230 = arith.andi %get3A_2224, %and3A_2229 : vector<16xi32>
      tpu.vector_store_idx %arg11[%shift_right_logical3A_2227, %and3A_2230], %broadcast_in_dim3A_2146 {add = true} : memref<640x16xf32, #tpu.memory_space<vmem>>[vector<16xi32>, vector<16xi32>], vector<16xf32>,
      %get3A_2231 = arith.constant 1 : i32
      %get3A_2232 = arith.constant 1 : i32
      %get3A_2233 = arith.index_cast %get3A_2231 : i32 to index
      %get3A_2234 = arith.index_cast %get3A_2232 : i32 to index
      %get3A_2235 = arith.constant 32 : index
      %get3A_2236 = tpu.vector_load %arg8[%get3A_2233, %get3A_2234, %get3A_2235] {strides = array<i32>} : memref<2x5x80xi32, #tpu.memory_space<vmem>>, vector<16xi32>,
      %shift_right_logical3A_2237 = arith.constant 4 : i32
      %shift_right_logical3A_2238 = vector.broadcast %shift_right_logical3A_2237 : i32 to vector<16xi32>
      %shift_right_logical3A_2239 = arith.shrui %get3A_2236, %shift_right_logical3A_2238 : vector<16xi32>
      %and3A_2240 = arith.constant 15 : i32
      %and3A_2241 = vector.broadcast %and3A_2240 : i32 to vector<16xi32>
      %and3A_2242 = arith.andi %get3A_2236, %and3A_2241 : vector<16xi32>
      tpu.vector_store_idx %arg11[%shift_right_logical3A_2239, %and3A_2242], %broadcast_in_dim3A_2146 {add = true} : memref<640x16xf32, #tpu.memory_space<vmem>>[vector<16xi32>, vector<16xi32>], vector<16xf32>,
      %get3A_2243 = arith.constant 1 : i32
      %get3A_2244 = arith.constant 1 : i32
      %get3A_2245 = arith.index_cast %get3A_2243 : i32 to index
      %get3A_2246 = arith.index_cast %get3A_2244 : i32 to index
      %get3A_2247 = arith.constant 48 : index
      %get3A_2248 = tpu.vector_load %arg8[%get3A_2245, %get3A_2246, %get3A_2247] {strides = array<i32>} : memref<2x5x80xi32, #tpu.memory_space<vmem>>, vector<16xi32>,
      %shift_right_logical3A_2249 = arith.constant 4 : i32
      %shift_right_logical3A_2250 = vector.broadcast %shift_right_logical3A_2249 : i32 to vector<16xi32>
      %shift_right_logical3A_2251 = arith.shrui %get3A_2248, %shift_right_logical3A_2250 : vector<16xi32>
      %and3A_2252 = arith.constant 15 : i32
      %and3A_2253 = vector.broadcast %and3A_2252 : i32 to vector<16xi32>
      %and3A_2254 = arith.andi %get3A_2248, %and3A_2253 : vector<16xi32>
      tpu.vector_store_idx %arg11[%shift_right_logical3A_2251, %and3A_2254], %broadcast_in_dim3A_2146 {add = true} : memref<640x16xf32, #tpu.memory_space<vmem>>[vector<16xi32>, vector<16xi32>], vector<16xf32>,
      %get3A_2255 = arith.constant 1 : i32
      %get3A_2256 = arith.constant 1 : i32
      %get3A_2257 = arith.index_cast %get3A_2255 : i32 to index
      %get3A_2258 = arith.index_cast %get3A_2256 : i32 to index
      %get3A_2259 = arith.constant 64 : index
      %get3A_2260 = tpu.vector_load %arg8[%get3A_2257, %get3A_2258, %get3A_2259] {strides = array<i32>} : memref<2x5x80xi32, #tpu.memory_space<vmem>>, vector<16xi32>,
      %shift_right_logical3A_2261 = arith.constant 4 : i32
      %shift_right_logical3A_2262 = vector.broadcast %shift_right_logical3A_2261 : i32 to vector<16xi32>
      %shift_right_logical3A_2263 = arith.shrui %get3A_2260, %shift_right_logical3A_2262 : vector<16xi32>
      %and3A_2264 = arith.constant 15 : i32
      %and3A_2265 = vector.broadcast %and3A_2264 : i32 to vector<16xi32>
      %and3A_2266 = arith.andi %get3A_2260, %and3A_2265 : vector<16xi32>
      tpu.vector_store_idx %arg11[%shift_right_logical3A_2263, %and3A_2266], %broadcast_in_dim3A_2146 {add = true} : memref<640x16xf32, #tpu.memory_space<vmem>>[vector<16xi32>, vector<16xi32>], vector<16xf32>,
      %get3A_2267 = arith.constant 1 : i32
      %get3A_2268 = arith.constant 2 : i32
      %get3A_2269 = arith.index_cast %get3A_2267 : i32 to index
      %get3A_2270 = arith.index_cast %get3A_2268 : i32 to index
      %get3A_2271 = arith.constant 0 : index
      %get3A_2272 = tpu.vector_load %arg8[%get3A_2269, %get3A_2270, %get3A_2271] {strides = array<i32>} : memref<2x5x80xi32, #tpu.memory_space<vmem>>, vector<16xi32>,
      %shift_right_logical3A_2273 = arith.constant 4 : i32
      %shift_right_logical3A_2274 = vector.broadcast %shift_right_logical3A_2273 : i32 to vector<16xi32>
      %shift_right_logical3A_2275 = arith.shrui %get3A_2272, %shift_right_logical3A_2274 : vector<16xi32>
      %and3A_2276 = arith.constant 15 : i32
      %and3A_2277 = vector.broadcast %and3A_2276 : i32 to vector<16xi32>
      %and3A_2278 = arith.andi %get3A_2272, %and3A_2277 : vector<16xi32>
      tpu.vector_store_idx %arg11[%shift_right_logical3A_2275, %and3A_2278], %broadcast_in_dim3A_2146 {add = true} : memref<640x16xf32, #tpu.memory_space<vmem>>[vector<16xi32>, vector<16xi32>], vector<16xf32>,
      %get3A_2279 = arith.constant 1 : i32
      %get3A_2280 = arith.constant 2 : i32
      %get3A_2281 = arith.index_cast %get3A_2279 : i32 to index
      %get3A_2282 = arith.index_cast %get3A_2280 : i32 to index
      %get3A_2283 = arith.constant 16 : index
      %get3A_2284 = tpu.vector_load %arg8[%get3A_2281, %get3A_2282, %get3A_2283] {strides = array<i32>} : memref<2x5x80xi32, #tpu.memory_space<vmem>>, vector<16xi32>,
      %shift_right_logical3A_2285 = arith.constant 4 : i32
      %shift_right_logical3A_2286 = vector.broadcast %shift_right_logical3A_2285 : i32 to vector<16xi32>
      %shift_right_logical3A_2287 = arith.shrui %get3A_2284, %shift_right_logical3A_2286 : vector<16xi32>
      %and3A_2288 = arith.constant 15 : i32
      %and3A_2289 = vector.broadcast %and3A_2288 : i32 to vector<16xi32>
      %and3A_2290 = arith.andi %get3A_2284, %and3A_2289 : vector<16xi32>
      tpu.vector_store_idx %arg11[%shift_right_logical3A_2287, %and3A_2290], %broadcast_in_dim3A_2146 {add = true} : memref<640x16xf32, #tpu.memory_space<vmem>>[vector<16xi32>, vector<16xi32>], vector<16xf32>,
      %get3A_2291 = arith.constant 1 : i32
      %get3A_2292 = arith.constant 2 : i32
      %get3A_2293 = arith.index_cast %get3A_2291 : i32 to index
      %get3A_2294 = arith.index_cast %get3A_2292 : i32 to index
      %get3A_2295 = arith.constant 32 : index
      %get3A_2296 = tpu.vector_load %arg8[%get3A_2293, %get3A_2294, %get3A_2295] {strides = array<i32>} : memref<2x5x80xi32, #tpu.memory_space<vmem>>, vector<16xi32>,
      %shift_right_logical3A_2297 = arith.constant 4 : i32
      %shift_right_logical3A_2298 = vector.broadcast %shift_right_logical3A_2297 : i32 to vector<16xi32>
      %shift_right_logical3A_2299 = arith.shrui %get3A_2296, %shift_right_logical3A_2298 : vector<16xi32>
      %and3A_2300 = arith.constant 15 : i32
      %and3A_2301 = vector.broadcast %and3A_2300 : i32 to vector<16xi32>
      %and3A_2302 = arith.andi %get3A_2296, %and3A_2301 : vector<16xi32>
      tpu.vector_store_idx %arg11[%shift_right_logical3A_2299, %and3A_2302], %broadcast_in_dim3A_2146 {add = true} : memref<640x16xf32, #tpu.memory_space<vmem>>[vector<16xi32>, vector<16xi32>], vector<16xf32>,
      %get3A_2303 = arith.constant 1 : i32
      %get3A_2304 = arith.constant 2 : i32
      %get3A_2305 = arith.index_cast %get3A_2303 : i32 to index
      %get3A_2306 = arith.index_cast %get3A_2304 : i32 to index
      %get3A_2307 = arith.constant 48 : index
      %get3A_2308 = tpu.vector_load %arg8[%get3A_2305, %get3A_2306, %get3A_2307] {strides = array<i32>} : memref<2x5x80xi32, #tpu.memory_space<vmem>>, vector<16xi32>,
      %shift_right_logical3A_2309 = arith.constant 4 : i32
      %shift_right_logical3A_2310 = vector.broadcast %shift_right_logical3A_2309 : i32 to vector<16xi32>
      %shift_right_logical3A_2311 = arith.shrui %get3A_2308, %shift_right_logical3A_2310 : vector<16xi32>
      %and3A_2312 = arith.constant 15 : i32
      %and3A_2313 = vector.broadcast %and3A_2312 : i32 to vector<16xi32>
      %and3A_2314 = arith.andi %get3A_2308, %and3A_2313 : vector<16xi32>
      tpu.vector_store_idx %arg11[%shift_right_logical3A_2311, %and3A_2314], %broadcast_in_dim3A_2146 {add = true} : memref<640x16xf32, #tpu.memory_space<vmem>>[vector<16xi32>, vector<16xi32>], vector<16xf32>,
      %get3A_2315 = arith.constant 1 : i32
      %get3A_2316 = arith.constant 2 : i32
      %get3A_2317 = arith.index_cast %get3A_2315 : i32 to index
      %get3A_2318 = arith.index_cast %get3A_2316 : i32 to index
      %get3A_2319 = arith.constant 64 : index
      %get3A_2320 = tpu.vector_load %arg8[%get3A_2317, %get3A_2318, %get3A_2319] {strides = array<i32>} : memref<2x5x80xi32, #tpu.memory_space<vmem>>, vector<16xi32>,
      %shift_right_logical3A_2321 = arith.constant 4 : i32
      %shift_right_logical3A_2322 = vector.broadcast %shift_right_logical3A_2321 : i32 to vector<16xi32>
      %shift_right_logical3A_2323 = arith.shrui %get3A_2320, %shift_right_logical3A_2322 : vector<16xi32>
      %and3A_2324 = arith.constant 15 : i32
      %and3A_2325 = vector.broadcast %and3A_2324 : i32 to vector<16xi32>
      %and3A_2326 = arith.andi %get3A_2320, %and3A_2325 : vector<16xi32>
      tpu.vector_store_idx %arg11[%shift_right_logical3A_2323, %and3A_2326], %broadcast_in_dim3A_2146 {add = true} : memref<640x16xf32, #tpu.memory_space<vmem>>[vector<16xi32>, vector<16xi32>], vector<16xf32>,
      %get3A_2327 = arith.constant 1 : i32
      %get3A_2328 = arith.constant 3 : i32
      %get3A_2329 = arith.index_cast %get3A_2327 : i32 to index
      %get3A_2330 = arith.index_cast %get3A_2328 : i32 to index
      %get3A_2331 = arith.constant 0 : index
      %get3A_2332 = tpu.vector_load %arg8[%get3A_2329, %get3A_2330, %get3A_2331] {strides = array<i32>} : memref<2x5x80xi32, #tpu.memory_space<vmem>>, vector<16xi32>,
      %shift_right_logical3A_2333 = arith.constant 4 : i32
      %shift_right_logical3A_2334 = vector.broadcast %shift_right_logical3A_2333 : i32 to vector<16xi32>
      %shift_right_logical3A_2335 = arith.shrui %get3A_2332, %shift_right_logical3A_2334 : vector<16xi32>
      %and3A_2336 = arith.constant 15 : i32
      %and3A_2337 = vector.broadcast %and3A_2336 : i32 to vector<16xi32>
      %and3A_2338 = arith.andi %get3A_2332, %and3A_2337 : vector<16xi32>
      tpu.vector_store_idx %arg11[%shift_right_logical3A_2335, %and3A_2338], %broadcast_in_dim3A_2146 {add = true} : memref<640x16xf32, #tpu.memory_space<vmem>>[vector<16xi32>, vector<16xi32>], vector<16xf32>,
      %get3A_2339 = arith.constant 1 : i32
      %get3A_2340 = arith.constant 3 : i32
      %get3A_2341 = arith.index_cast %get3A_2339 : i32 to index
      %get3A_2342 = arith.index_cast %get3A_2340 : i32 to index
      %get3A_2343 = arith.constant 16 : index
      %get3A_2344 = tpu.vector_load %arg8[%get3A_2341, %get3A_2342, %get3A_2343] {strides = array<i32>} : memref<2x5x80xi32, #tpu.memory_space<vmem>>, vector<16xi32>,
      %shift_right_logical3A_2345 = arith.constant 4 : i32
      %shift_right_logical3A_2346 = vector.broadcast %shift_right_logical3A_2345 : i32 to vector<16xi32>
      %shift_right_logical3A_2347 = arith.shrui %get3A_2344, %shift_right_logical3A_2346 : vector<16xi32>
      %and3A_2348 = arith.constant 15 : i32
      %and3A_2349 = vector.broadcast %and3A_2348 : i32 to vector<16xi32>
      %and3A_2350 = arith.andi %get3A_2344, %and3A_2349 : vector<16xi32>
      tpu.vector_store_idx %arg11[%shift_right_logical3A_2347, %and3A_2350], %broadcast_in_dim3A_2146 {add = true} : memref<640x16xf32, #tpu.memory_space<vmem>>[vector<16xi32>, vector<16xi32>], vector<16xf32>,
      %get3A_2351 = arith.constant 1 : i32
      %get3A_2352 = arith.constant 3 : i32
      %get3A_2353 = arith.index_cast %get3A_2351 : i32 to index
      %get3A_2354 = arith.index_cast %get3A_2352 : i32 to index
      %get3A_2355 = arith.constant 32 : index
      %get3A_2356 = tpu.vector_load %arg8[%get3A_2353, %get3A_2354, %get3A_2355] {strides = array<i32>} : memref<2x5x80xi32, #tpu.memory_space<vmem>>, vector<16xi32>,
      %shift_right_logical3A_2357 = arith.constant 4 : i32
      %shift_right_logical3A_2358 = vector.broadcast %shift_right_logical3A_2357 : i32 to vector<16xi32>
      %shift_right_logical3A_2359 = arith.shrui %get3A_2356, %shift_right_logical3A_2358 : vector<16xi32>
      %and3A_2360 = arith.constant 15 : i32
      %and3A_2361 = vector.broadcast %and3A_2360 : i32 to vector<16xi32>
      %and3A_2362 = arith.andi %get3A_2356, %and3A_2361 : vector<16xi32>
      tpu.vector_store_idx %arg11[%shift_right_logical3A_2359, %and3A_2362], %broadcast_in_dim3A_2146 {add = true} : memref<640x16xf32, #tpu.memory_space<vmem>>[vector<16xi32>, vector<16xi32>], vector<16xf32>,
      %get3A_2363 = arith.constant 1 : i32
      %get3A_2364 = arith.constant 3 : i32
      %get3A_2365 = arith.index_cast %get3A_2363 : i32 to index
      %get3A_2366 = arith.index_cast %get3A_2364 : i32 to index
      %get3A_2367 = arith.constant 48 : index
      %get3A_2368 = tpu.vector_load %arg8[%get3A_2365, %get3A_2366, %get3A_2367] {strides = array<i32>} : memref<2x5x80xi32, #tpu.memory_space<vmem>>, vector<16xi32>,
      %shift_right_logical3A_2369 = arith.constant 4 : i32
      %shift_right_logical3A_2370 = vector.broadcast %shift_right_logical3A_2369 : i32 to vector<16xi32>
      %shift_right_logical3A_2371 = arith.shrui %get3A_2368, %shift_right_logical3A_2370 : vector<16xi32>
      %and3A_2372 = arith.constant 15 : i32
      %and3A_2373 = vector.broadcast %and3A_2372 : i32 to vector<16xi32>
      %and3A_2374 = arith.andi %get3A_2368, %and3A_2373 : vector<16xi32>
      tpu.vector_store_idx %arg11[%shift_right_logical3A_2371, %and3A_2374], %broadcast_in_dim3A_2146 {add = true} : memref<640x16xf32, #tpu.memory_space<vmem>>[vector<16xi32>, vector<16xi32>], vector<16xf32>,
      %get3A_2375 = arith.constant 1 : i32
      %get3A_2376 = arith.constant 3 : i32
      %get3A_2377 = arith.index_cast %get3A_2375 : i32 to index
      %get3A_2378 = arith.index_cast %get3A_2376 : i32 to index
      %get3A_2379 = arith.constant 64 : index
      %get3A_2380 = tpu.vector_load %arg8[%get3A_2377, %get3A_2378, %get3A_2379] {strides = array<i32>} : memref<2x5x80xi32, #tpu.memory_space<vmem>>, vector<16xi32>,
      %shift_right_logical3A_2381 = arith.constant 4 : i32
      %shift_right_logical3A_2382 = vector.broadcast %shift_right_logical3A_2381 : i32 to vector<16xi32>
      %shift_right_logical3A_2383 = arith.shrui %get3A_2380, %shift_right_logical3A_2382 : vector<16xi32>
      %and3A_2384 = arith.constant 15 : i32
      %and3A_2385 = vector.broadcast %and3A_2384 : i32 to vector<16xi32>
      %and3A_2386 = arith.andi %get3A_2380, %and3A_2385 : vector<16xi32>
      tpu.vector_store_idx %arg11[%shift_right_logical3A_2383, %and3A_2386], %broadcast_in_dim3A_2146 {add = true} : memref<640x16xf32, #tpu.memory_space<vmem>>[vector<16xi32>, vector<16xi32>], vector<16xf32>,
      %get3A_2387 = arith.constant 1 : i32
      %get3A_2388 = arith.constant 4 : i32
      %get3A_2389 = arith.index_cast %get3A_2387 : i32 to index
      %get3A_2390 = arith.index_cast %get3A_2388 : i32 to index
      %get3A_2391 = arith.constant 0 : index
      %get3A_2392 = tpu.vector_load %arg8[%get3A_2389, %get3A_2390, %get3A_2391] {strides = array<i32>} : memref<2x5x80xi32, #tpu.memory_space<vmem>>, vector<16xi32>,
      %shift_right_logical3A_2393 = arith.constant 4 : i32
      %shift_right_logical3A_2394 = vector.broadcast %shift_right_logical3A_2393 : i32 to vector<16xi32>
      %shift_right_logical3A_2395 = arith.shrui %get3A_2392, %shift_right_logical3A_2394 : vector<16xi32>
      %and3A_2396 = arith.constant 15 : i32
      %and3A_2397 = vector.broadcast %and3A_2396 : i32 to vector<16xi32>
      %and3A_2398 = arith.andi %get3A_2392, %and3A_2397 : vector<16xi32>
      tpu.vector_store_idx %arg11[%shift_right_logical3A_2395, %and3A_2398], %broadcast_in_dim3A_2146 {add = true} : memref<640x16xf32, #tpu.memory_space<vmem>>[vector<16xi32>, vector<16xi32>], vector<16xf32>,
      %get3A_2399 = arith.constant 1 : i32
      %get3A_2400 = arith.constant 4 : i32
      %get3A_2401 = arith.index_cast %get3A_2399 : i32 to index
      %get3A_2402 = arith.index_cast %get3A_2400 : i32 to index
      %get3A_2403 = arith.constant 16 : index
      %get3A_2404 = tpu.vector_load %arg8[%get3A_2401, %get3A_2402, %get3A_2403] {strides = array<i32>} : memref<2x5x80xi32, #tpu.memory_space<vmem>>, vector<16xi32>,
      %shift_right_logical3A_2405 = arith.constant 4 : i32
      %shift_right_logical3A_2406 = vector.broadcast %shift_right_logical3A_2405 : i32 to vector<16xi32>
      %shift_right_logical3A_2407 = arith.shrui %get3A_2404, %shift_right_logical3A_2406 : vector<16xi32>
      %and3A_2408 = arith.constant 15 : i32
      %and3A_2409 = vector.broadcast %and3A_2408 : i32 to vector<16xi32>
      %and3A_2410 = arith.andi %get3A_2404, %and3A_2409 : vector<16xi32>
      tpu.vector_store_idx %arg11[%shift_right_logical3A_2407, %and3A_2410], %broadcast_in_dim3A_2146 {add = true} : memref<640x16xf32, #tpu.memory_space<vmem>>[vector<16xi32>, vector<16xi32>], vector<16xf32>,
      %get3A_2411 = arith.constant 1 : i32
      %get3A_2412 = arith.constant 4 : i32
      %get3A_2413 = arith.index_cast %get3A_2411 : i32 to index
      %get3A_2414 = arith.index_cast %get3A_2412 : i32 to index
      %get3A_2415 = arith.constant 32 : index
      %get3A_2416 = tpu.vector_load %arg8[%get3A_2413, %get3A_2414, %get3A_2415] {strides = array<i32>} : memref<2x5x80xi32, #tpu.memory_space<vmem>>, vector<16xi32>,
      %shift_right_logical3A_2417 = arith.constant 4 : i32
      %shift_right_logical3A_2418 = vector.broadcast %shift_right_logical3A_2417 : i32 to vector<16xi32>
      %shift_right_logical3A_2419 = arith.shrui %get3A_2416, %shift_right_logical3A_2418 : vector<16xi32>
      %and3A_2420 = arith.constant 15 : i32
      %and3A_2421 = vector.broadcast %and3A_2420 : i32 to vector<16xi32>
      %and3A_2422 = arith.andi %get3A_2416, %and3A_2421 : vector<16xi32>
      tpu.vector_store_idx %arg11[%shift_right_logical3A_2419, %and3A_2422], %broadcast_in_dim3A_2146 {add = true} : memref<640x16xf32, #tpu.memory_space<vmem>>[vector<16xi32>, vector<16xi32>], vector<16xf32>,
      %get3A_2423 = arith.constant 1 : i32
      %get3A_2424 = arith.constant 4 : i32
      %get3A_2425 = arith.index_cast %get3A_2423 : i32 to index
      %get3A_2426 = arith.index_cast %get3A_2424 : i32 to index
      %get3A_2427 = arith.constant 48 : index
      %get3A_2428 = tpu.vector_load %arg8[%get3A_2425, %get3A_2426, %get3A_2427] {strides = array<i32>} : memref<2x5x80xi32, #tpu.memory_space<vmem>>, vector<16xi32>,
      %shift_right_logical3A_2429 = arith.constant 4 : i32
      %shift_right_logical3A_2430 = vector.broadcast %shift_right_logical3A_2429 : i32 to vector<16xi32>
      %shift_right_logical3A_2431 = arith.shrui %get3A_2428, %shift_right_logical3A_2430 : vector<16xi32>
      %and3A_2432 = arith.constant 15 : i32
      %and3A_2433 = vector.broadcast %and3A_2432 : i32 to vector<16xi32>
      %and3A_2434 = arith.andi %get3A_2428, %and3A_2433 : vector<16xi32>
      tpu.vector_store_idx %arg11[%shift_right_logical3A_2431, %and3A_2434], %broadcast_in_dim3A_2146 {add = true} : memref<640x16xf32, #tpu.memory_space<vmem>>[vector<16xi32>, vector<16xi32>], vector<16xf32>,
      %get3A_2435 = arith.constant 1 : i32
      %get3A_2436 = arith.constant 4 : i32
      %get3A_2437 = arith.index_cast %get3A_2435 : i32 to index
      %get3A_2438 = arith.index_cast %get3A_2436 : i32 to index
      %get3A_2439 = arith.constant 64 : index
      %get3A_2440 = tpu.vector_load %arg8[%get3A_2437, %get3A_2438, %get3A_2439] {strides = array<i32>} : memref<2x5x80xi32, #tpu.memory_space<vmem>>, vector<16xi32>,
      %shift_right_logical3A_2441 = arith.constant 4 : i32
      %shift_right_logical3A_2442 = vector.broadcast %shift_right_logical3A_2441 : i32 to vector<16xi32>
      %shift_right_logical3A_2443 = arith.shrui %get3A_2440, %shift_right_logical3A_2442 : vector<16xi32>
      %and3A_2444 = arith.constant 15 : i32
      %and3A_2445 = vector.broadcast %and3A_2444 : i32 to vector<16xi32>
      %and3A_2446 = arith.andi %get3A_2440, %and3A_2445 : vector<16xi32>
      tpu.vector_store_idx %arg11[%shift_right_logical3A_2443, %and3A_2446], %broadcast_in_dim3A_2146 {add = true} : memref<640x16xf32, #tpu.memory_space<vmem>>[vector<16xi32>, vector<16xi32>], vector<16xf32>,
    }
    %scan3A_787 = arith.constant 25 : i32
    %dma_wait3A_788 = arith.constant 0 : i32
    %dma_wait3A_789 = arith.constant 0 : i32
    %dma_wait3A_790 = arith.constant 0 : i32
    %dma_wait3A_791 = arith.constant 0 : i32
    %dma_wait3A_792 = arith.constant 0 : i32
    %dma_wait3A_793 = arith.constant 0 : i32
    %dma_wait3A_794 = tpu.memref_slice %arg9[%dma_wait3A_788, %dma_wait3A_789, %dma_wait3A_792, %dma_wait3A_793] : memref<2x5x80x80xf32, #tpu.memory_space<vmem>> -> memref<1x1x80x80xf32, #tpu.memory_space<vmem>>
    %dma_wait3A_795 = tpu.memref_squeeze %dma_wait3A_794 : memref<1x1x80x80xf32, #tpu.memory_space<vmem>> -> memref<80x80xf32, #tpu.memory_space<vmem>>
    %dma_wait3A_796 = arith.constant 0 : i32
    %dma_wait3A_797 = tpu.memref_slice %arg8[%dma_wait3A_790, %dma_wait3A_791, %dma_wait3A_796] : memref<2x5x80xi32, #tpu.memory_space<vmem>> -> memref<1x1x80xi32, #tpu.memory_space<vmem>>
    %dma_wait3A_798 = tpu.memref_squeeze %dma_wait3A_797 : memref<1x1x80xi32, #tpu.memory_space<vmem>> -> memref<80xi32, #tpu.memory_space<vmem>>
    %dma_wait3A_799 = arith.constant 0 : i32
    %dma_wait3A_800 = arith.constant 0 : i32
    %dma_wait3A_801 = tpu.memref_slice %arg13[%dma_wait3A_799, %dma_wait3A_800] : memref<10240x80xf32, #tpu.memory_space<vmem_shared>> -> memref<10240x80xf32, #tpu.memory_space<vmem_shared>>
    tpu.wait_indirect_dma semaphore(%arg21 : memref<!tpu.dma_semaphore, #tpu.memory_space<semaphore_mem>>) src(%dma_wait3A_795 : memref<80x80xf32, #tpu.memory_space<vmem>>) dst(%dma_wait3A_801 : memref<10240x80xf32, #tpu.memory_space<vmem_shared>>)
    %dma_wait3A_802 = arith.constant 0 : i32
    %dma_wait3A_803 = arith.constant 1 : i32
    %dma_wait3A_804 = arith.constant 0 : i32
    %dma_wait3A_805 = arith.constant 1 : i32
    %dma_wait3A_806 = arith.constant 0 : i32
    %dma_wait3A_807 = arith.constant 0 : i32
    %dma_wait3A_808 = tpu.memref_slice %arg9[%dma_wait3A_802, %dma_wait3A_803, %dma_wait3A_806, %dma_wait3A_807] : memref<2x5x80x80xf32, #tpu.memory_space<vmem>> -> memref<1x1x80x80xf32, #tpu.memory_space<vmem>>
    %dma_wait3A_809 = tpu.memref_squeeze %dma_wait3A_808 : memref<1x1x80x80xf32, #tpu.memory_space<vmem>> -> memref<80x80xf32, #tpu.memory_space<vmem>>
    %dma_wait3A_810 = arith.constant 0 : i32
    %dma_wait3A_811 = tpu.memref_slice %arg8[%dma_wait3A_804, %dma_wait3A_805, %dma_wait3A_810] : memref<2x5x80xi32, #tpu.memory_space<vmem>> -> memref<1x1x80xi32, #tpu.memory_space<vmem>>
    %dma_wait3A_812 = tpu.memref_squeeze %dma_wait3A_811 : memref<1x1x80xi32, #tpu.memory_space<vmem>> -> memref<80xi32, #tpu.memory_space<vmem>>
    %dma_wait3A_813 = arith.constant 0 : i32
    %dma_wait3A_814 = arith.constant 0 : i32
    %dma_wait3A_815 = tpu.memref_slice %arg13[%dma_wait3A_813, %dma_wait3A_814] : memref<10240x80xf32, #tpu.memory_space<vmem_shared>> -> memref<10240x80xf32, #tpu.memory_space<vmem_shared>>
    tpu.wait_indirect_dma semaphore(%arg21 : memref<!tpu.dma_semaphore, #tpu.memory_space<semaphore_mem>>) src(%dma_wait3A_809 : memref<80x80xf32, #tpu.memory_space<vmem>>) dst(%dma_wait3A_815 : memref<10240x80xf32, #tpu.memory_space<vmem_shared>>)
    %dma_wait3A_816 = arith.constant 0 : i32
    %dma_wait3A_817 = arith.constant 2 : i32
    %dma_wait3A_818 = arith.constant 0 : i32
    %dma_wait3A_819 = arith.constant 2 : i32
    %dma_wait3A_820 = arith.constant 0 : i32
    %dma_wait3A_821 = arith.constant 0 : i32
    %dma_wait3A_822 = tpu.memref_slice %arg9[%dma_wait3A_816, %dma_wait3A_817, %dma_wait3A_820, %dma_wait3A_821] : memref<2x5x80x80xf32, #tpu.memory_space<vmem>> -> memref<1x1x80x80xf32, #tpu.memory_space<vmem>>
    %dma_wait3A_823 = tpu.memref_squeeze %dma_wait3A_822 : memref<1x1x80x80xf32, #tpu.memory_space<vmem>> -> memref<80x80xf32, #tpu.memory_space<vmem>>
    %dma_wait3A_824 = arith.constant 0 : i32
    %dma_wait3A_825 = tpu.memref_slice %arg8[%dma_wait3A_818, %dma_wait3A_819, %dma_wait3A_824] : memref<2x5x80xi32, #tpu.memory_space<vmem>> -> memref<1x1x80xi32, #tpu.memory_space<vmem>>
    %dma_wait3A_826 = tpu.memref_squeeze %dma_wait3A_825 : memref<1x1x80xi32, #tpu.memory_space<vmem>> -> memref<80xi32, #tpu.memory_space<vmem>>
    %dma_wait3A_827 = arith.constant 0 : i32
    %dma_wait3A_828 = arith.constant 0 : i32
    %dma_wait3A_829 = tpu.memref_slice %arg13[%dma_wait3A_827, %dma_wait3A_828] : memref<10240x80xf32, #tpu.memory_space<vmem_shared>> -> memref<10240x80xf32, #tpu.memory_space<vmem_shared>>
    tpu.wait_indirect_dma semaphore(%arg21 : memref<!tpu.dma_semaphore, #tpu.memory_space<semaphore_mem>>) src(%dma_wait3A_823 : memref<80x80xf32, #tpu.memory_space<vmem>>) dst(%dma_wait3A_829 : memref<10240x80xf32, #tpu.memory_space<vmem_shared>>)
    %dma_wait3A_830 = arith.constant 0 : i32
    %dma_wait3A_831 = arith.constant 3 : i32
    %dma_wait3A_832 = arith.constant 0 : i32
    %dma_wait3A_833 = arith.constant 3 : i32
    %dma_wait3A_834 = arith.constant 0 : i32
    %dma_wait3A_835 = arith.constant 0 : i32
    %dma_wait3A_836 = tpu.memref_slice %arg9[%dma_wait3A_830, %dma_wait3A_831, %dma_wait3A_834, %dma_wait3A_835] : memref<2x5x80x80xf32, #tpu.memory_space<vmem>> -> memref<1x1x80x80xf32, #tpu.memory_space<vmem>>
    %dma_wait3A_837 = tpu.memref_squeeze %dma_wait3A_836 : memref<1x1x80x80xf32, #tpu.memory_space<vmem>> -> memref<80x80xf32, #tpu.memory_space<vmem>>
    %dma_wait3A_838 = arith.constant 0 : i32
    %dma_wait3A_839 = tpu.memref_slice %arg8[%dma_wait3A_832, %dma_wait3A_833, %dma_wait3A_838] : memref<2x5x80xi32, #tpu.memory_space<vmem>> -> memref<1x1x80xi32, #tpu.memory_space<vmem>>
    %dma_wait3A_840 = tpu.memref_squeeze %dma_wait3A_839 : memref<1x1x80xi32, #tpu.memory_space<vmem>> -> memref<80xi32, #tpu.memory_space<vmem>>
    %dma_wait3A_841 = arith.constant 0 : i32
    %dma_wait3A_842 = arith.constant 0 : i32
    %dma_wait3A_843 = tpu.memref_slice %arg13[%dma_wait3A_841, %dma_wait3A_842] : memref<10240x80xf32, #tpu.memory_space<vmem_shared>> -> memref<10240x80xf32, #tpu.memory_space<vmem_shared>>
    tpu.wait_indirect_dma semaphore(%arg21 : memref<!tpu.dma_semaphore, #tpu.memory_space<semaphore_mem>>) src(%dma_wait3A_837 : memref<80x80xf32, #tpu.memory_space<vmem>>) dst(%dma_wait3A_843 : memref<10240x80xf32, #tpu.memory_space<vmem_shared>>)
    %dma_wait3A_844 = arith.constant 0 : i32
    %dma_wait3A_845 = arith.constant 4 : i32
    %dma_wait3A_846 = arith.constant 0 : i32
    %dma_wait3A_847 = arith.constant 4 : i32
    %dma_wait3A_848 = arith.constant 0 : i32
    %dma_wait3A_849 = arith.constant 0 : i32
    %dma_wait3A_850 = tpu.memref_slice %arg9[%dma_wait3A_844, %dma_wait3A_845, %dma_wait3A_848, %dma_wait3A_849] : memref<2x5x80x80xf32, #tpu.memory_space<vmem>> -> memref<1x1x80x80xf32, #tpu.memory_space<vmem>>
    %dma_wait3A_851 = tpu.memref_squeeze %dma_wait3A_850 : memref<1x1x80x80xf32, #tpu.memory_space<vmem>> -> memref<80x80xf32, #tpu.memory_space<vmem>>
    %dma_wait3A_852 = arith.constant 0 : i32
    %dma_wait3A_853 = tpu.memref_slice %arg8[%dma_wait3A_846, %dma_wait3A_847, %dma_wait3A_852] : memref<2x5x80xi32, #tpu.memory_space<vmem>> -> memref<1x1x80xi32, #tpu.memory_space<vmem>>
    %dma_wait3A_854 = tpu.memref_squeeze %dma_wait3A_853 : memref<1x1x80xi32, #tpu.memory_space<vmem>> -> memref<80xi32, #tpu.memory_space<vmem>>
    %dma_wait3A_855 = arith.constant 0 : i32
    %dma_wait3A_856 = arith.constant 0 : i32
    %dma_wait3A_857 = tpu.memref_slice %arg13[%dma_wait3A_855, %dma_wait3A_856] : memref<10240x80xf32, #tpu.memory_space<vmem_shared>> -> memref<10240x80xf32, #tpu.memory_space<vmem_shared>>
    tpu.wait_indirect_dma semaphore(%arg21 : memref<!tpu.dma_semaphore, #tpu.memory_space<semaphore_mem>>) src(%dma_wait3A_851 : memref<80x80xf32, #tpu.memory_space<vmem>>) dst(%dma_wait3A_857 : memref<10240x80xf32, #tpu.memory_space<vmem_shared>>)
    %dma_wait3A_858 = arith.constant 1 : i32
    %dma_wait3A_859 = arith.constant 0 : i32
    %dma_wait3A_860 = arith.constant 1 : i32
    %dma_wait3A_861 = arith.constant 0 : i32
    %dma_wait3A_862 = arith.constant 0 : i32
    %dma_wait3A_863 = arith.constant 0 : i32
    %dma_wait3A_864 = tpu.memref_slice %arg9[%dma_wait3A_858, %dma_wait3A_859, %dma_wait3A_862, %dma_wait3A_863] : memref<2x5x80x80xf32, #tpu.memory_space<vmem>> -> memref<1x1x80x80xf32, #tpu.memory_space<vmem>>
    %dma_wait3A_865 = tpu.memref_squeeze %dma_wait3A_864 : memref<1x1x80x80xf32, #tpu.memory_space<vmem>> -> memref<80x80xf32, #tpu.memory_space<vmem>>
    %dma_wait3A_866 = arith.constant 0 : i32
    %dma_wait3A_867 = tpu.memref_slice %arg8[%dma_wait3A_860, %dma_wait3A_861, %dma_wait3A_866] : memref<2x5x80xi32, #tpu.memory_space<vmem>> -> memref<1x1x80xi32, #tpu.memory_space<vmem>>
    %dma_wait3A_868 = tpu.memref_squeeze %dma_wait3A_867 : memref<1x1x80xi32, #tpu.memory_space<vmem>> -> memref<80xi32, #tpu.memory_space<vmem>>
    %dma_wait3A_869 = arith.constant 0 : i32
    %dma_wait3A_870 = arith.constant 0 : i32
    %dma_wait3A_871 = tpu.memref_slice %arg13[%dma_wait3A_869, %dma_wait3A_870] : memref<10240x80xf32, #tpu.memory_space<vmem_shared>> -> memref<10240x80xf32, #tpu.memory_space<vmem_shared>>
    tpu.wait_indirect_dma semaphore(%arg22 : memref<!tpu.dma_semaphore, #tpu.memory_space<semaphore_mem>>) src(%dma_wait3A_865 : memref<80x80xf32, #tpu.memory_space<vmem>>) dst(%dma_wait3A_871 : memref<10240x80xf32, #tpu.memory_space<vmem_shared>>)
    %dma_wait3A_872 = arith.constant 1 : i32
    %dma_wait3A_873 = arith.constant 1 : i32
    %dma_wait3A_874 = arith.constant 1 : i32
    %dma_wait3A_875 = arith.constant 1 : i32
    %dma_wait3A_876 = arith.constant 0 : i32
    %dma_wait3A_877 = arith.constant 0 : i32
    %dma_wait3A_878 = tpu.memref_slice %arg9[%dma_wait3A_872, %dma_wait3A_873, %dma_wait3A_876, %dma_wait3A_877] : memref<2x5x80x80xf32, #tpu.memory_space<vmem>> -> memref<1x1x80x80xf32, #tpu.memory_space<vmem>>
    %dma_wait3A_879 = tpu.memref_squeeze %dma_wait3A_878 : memref<1x1x80x80xf32, #tpu.memory_space<vmem>> -> memref<80x80xf32, #tpu.memory_space<vmem>>
    %dma_wait3A_880 = arith.constant 0 : i32
    %dma_wait3A_881 = tpu.memref_slice %arg8[%dma_wait3A_874, %dma_wait3A_875, %dma_wait3A_880] : memref<2x5x80xi32, #tpu.memory_space<vmem>> -> memref<1x1x80xi32, #tpu.memory_space<vmem>>
    %dma_wait3A_882 = tpu.memref_squeeze %dma_wait3A_881 : memref<1x1x80xi32, #tpu.memory_space<vmem>> -> memref<80xi32, #tpu.memory_space<vmem>>
    %dma_wait3A_883 = arith.constant 0 : i32
    %dma_wait3A_884 = arith.constant 0 : i32
    %dma_wait3A_885 = tpu.memref_slice %arg13[%dma_wait3A_883, %dma_wait3A_884] : memref<10240x80xf32, #tpu.memory_space<vmem_shared>> -> memref<10240x80xf32, #tpu.memory_space<vmem_shared>>
    tpu.wait_indirect_dma semaphore(%arg22 : memref<!tpu.dma_semaphore, #tpu.memory_space<semaphore_mem>>) src(%dma_wait3A_879 : memref<80x80xf32, #tpu.memory_space<vmem>>) dst(%dma_wait3A_885 : memref<10240x80xf32, #tpu.memory_space<vmem_shared>>)
    %dma_wait3A_886 = arith.constant 1 : i32
    %dma_wait3A_887 = arith.constant 2 : i32
    %dma_wait3A_888 = arith.constant 1 : i32
    %dma_wait3A_889 = arith.constant 2 : i32
    %dma_wait3A_890 = arith.constant 0 : i32
    %dma_wait3A_891 = arith.constant 0 : i32
    %dma_wait3A_892 = tpu.memref_slice %arg9[%dma_wait3A_886, %dma_wait3A_887, %dma_wait3A_890, %dma_wait3A_891] : memref<2x5x80x80xf32, #tpu.memory_space<vmem>> -> memref<1x1x80x80xf32, #tpu.memory_space<vmem>>
    %dma_wait3A_893 = tpu.memref_squeeze %dma_wait3A_892 : memref<1x1x80x80xf32, #tpu.memory_space<vmem>> -> memref<80x80xf32, #tpu.memory_space<vmem>>
    %dma_wait3A_894 = arith.constant 0 : i32
    %dma_wait3A_895 = tpu.memref_slice %arg8[%dma_wait3A_888, %dma_wait3A_889, %dma_wait3A_894] : memref<2x5x80xi32, #tpu.memory_space<vmem>> -> memref<1x1x80xi32, #tpu.memory_space<vmem>>
    %dma_wait3A_896 = tpu.memref_squeeze %dma_wait3A_895 : memref<1x1x80xi32, #tpu.memory_space<vmem>> -> memref<80xi32, #tpu.memory_space<vmem>>
    %dma_wait3A_897 = arith.constant 0 : i32
    %dma_wait3A_898 = arith.constant 0 : i32
    %dma_wait3A_899 = tpu.memref_slice %arg13[%dma_wait3A_897, %dma_wait3A_898] : memref<10240x80xf32, #tpu.memory_space<vmem_shared>> -> memref<10240x80xf32, #tpu.memory_space<vmem_shared>>
    tpu.wait_indirect_dma semaphore(%arg22 : memref<!tpu.dma_semaphore, #tpu.memory_space<semaphore_mem>>) src(%dma_wait3A_893 : memref<80x80xf32, #tpu.memory_space<vmem>>) dst(%dma_wait3A_899 : memref<10240x80xf32, #tpu.memory_space<vmem_shared>>)
    %dma_wait3A_900 = arith.constant 1 : i32
    %dma_wait3A_901 = arith.constant 3 : i32
    %dma_wait3A_902 = arith.constant 1 : i32
    %dma_wait3A_903 = arith.constant 3 : i32
    %dma_wait3A_904 = arith.constant 0 : i32
    %dma_wait3A_905 = arith.constant 0 : i32
    %dma_wait3A_906 = tpu.memref_slice %arg9[%dma_wait3A_900, %dma_wait3A_901, %dma_wait3A_904, %dma_wait3A_905] : memref<2x5x80x80xf32, #tpu.memory_space<vmem>> -> memref<1x1x80x80xf32, #tpu.memory_space<vmem>>
    %dma_wait3A_907 = tpu.memref_squeeze %dma_wait3A_906 : memref<1x1x80x80xf32, #tpu.memory_space<vmem>> -> memref<80x80xf32, #tpu.memory_space<vmem>>
    %dma_wait3A_908 = arith.constant 0 : i32
    %dma_wait3A_909 = tpu.memref_slice %arg8[%dma_wait3A_902, %dma_wait3A_903, %dma_wait3A_908] : memref<2x5x80xi32, #tpu.memory_space<vmem>> -> memref<1x1x80xi32, #tpu.memory_space<vmem>>
    %dma_wait3A_910 = tpu.memref_squeeze %dma_wait3A_909 : memref<1x1x80xi32, #tpu.memory_space<vmem>> -> memref<80xi32, #tpu.memory_space<vmem>>
    %dma_wait3A_911 = arith.constant 0 : i32
    %dma_wait3A_912 = arith.constant 0 : i32
    %dma_wait3A_913 = tpu.memref_slice %arg13[%dma_wait3A_911, %dma_wait3A_912] : memref<10240x80xf32, #tpu.memory_space<vmem_shared>> -> memref<10240x80xf32, #tpu.memory_space<vmem_shared>>
    tpu.wait_indirect_dma semaphore(%arg22 : memref<!tpu.dma_semaphore, #tpu.memory_space<semaphore_mem>>) src(%dma_wait3A_907 : memref<80x80xf32, #tpu.memory_space<vmem>>) dst(%dma_wait3A_913 : memref<10240x80xf32, #tpu.memory_space<vmem_shared>>)
    %dma_wait3A_914 = arith.constant 1 : i32
    %dma_wait3A_915 = arith.constant 4 : i32
    %dma_wait3A_916 = arith.constant 1 : i32
    %dma_wait3A_917 = arith.constant 4 : i32
    %dma_wait3A_918 = arith.constant 0 : i32
    %dma_wait3A_919 = arith.constant 0 : i32
    %dma_wait3A_920 = tpu.memref_slice %arg9[%dma_wait3A_914, %dma_wait3A_915, %dma_wait3A_918, %dma_wait3A_919] : memref<2x5x80x80xf32, #tpu.memory_space<vmem>> -> memref<1x1x80x80xf32, #tpu.memory_space<vmem>>
    %dma_wait3A_921 = tpu.memref_squeeze %dma_wait3A_920 : memref<1x1x80x80xf32, #tpu.memory_space<vmem>> -> memref<80x80xf32, #tpu.memory_space<vmem>>
    %dma_wait3A_922 = arith.constant 0 : i32
    %dma_wait3A_923 = tpu.memref_slice %arg8[%dma_wait3A_916, %dma_wait3A_917, %dma_wait3A_922] : memref<2x5x80xi32, #tpu.memory_space<vmem>> -> memref<1x1x80xi32, #tpu.memory_space<vmem>>
    %dma_wait3A_924 = tpu.memref_squeeze %dma_wait3A_923 : memref<1x1x80xi32, #tpu.memory_space<vmem>> -> memref<80xi32, #tpu.memory_space<vmem>>
    %dma_wait3A_925 = arith.constant 0 : i32
    %dma_wait3A_926 = arith.constant 0 : i32
    %dma_wait3A_927 = tpu.memref_slice %arg13[%dma_wait3A_925, %dma_wait3A_926] : memref<10240x80xf32, #tpu.memory_space<vmem_shared>> -> memref<10240x80xf32, #tpu.memory_space<vmem_shared>>
    tpu.wait_indirect_dma semaphore(%arg22 : memref<!tpu.dma_semaphore, #tpu.memory_space<semaphore_mem>>) src(%dma_wait3A_921 : memref<80x80xf32, #tpu.memory_space<vmem>>) dst(%dma_wait3A_927 : memref<10240x80xf32, #tpu.memory_space<vmem_shared>>)
    "tpu.region"() ({
      %run_scoped3A = tpu.sem_alloc : memref<!tpu.dma_semaphore, #tpu.memory_space<semaphore_mem>>
      %dma_start3A_933 = arith.constant 0 : i32
      %dma_start3A_934 = arith.constant 0 : i32
      %dma_start3A_935 = tpu.memref_slice %arg14[%dma_start3A_933, %dma_start3A_934] : memref<640x16xf32, #tpu.memory_space<vmem_shared>> -> memref<640x16xf32, #tpu.memory_space<vmem_shared>>
      tpu.enqueue_indirect_dma source(%arg11 : memref<640x16xf32, #tpu.memory_space<vmem>>) target(%dma_start3A_935 : memref<640x16xf32, #tpu.memory_space<vmem_shared>>) offsets(%arg12 : memref<640xi32, #tpu.memory_space<vmem>>) semaphore(%run_scoped3A : memref<!tpu.dma_semaphore, #tpu.memory_space<semaphore_mem>>) {add = true}
      %dma_wait3A_936 = arith.constant 0 : i32
      %dma_wait3A_937 = arith.constant 0 : i32
      %dma_wait3A_938 = tpu.memref_slice %arg14[%dma_wait3A_936, %dma_wait3A_937] : memref<640x16xf32, #tpu.memory_space<vmem_shared>> -> memref<640x16xf32, #tpu.memory_space<vmem_shared>>
      tpu.wait_indirect_dma semaphore(%run_scoped3A : memref<!tpu.dma_semaphore, #tpu.memory_space<semaphore_mem>>) src(%arg11 : memref<640x16xf32, #tpu.memory_space<vmem>>) dst(%dma_wait3A_938 : memref<640x16xf32, #tpu.memory_space<vmem_shared>>)
      tpu.yield
    }) : () -> ()
    %barrier3A_928 = arith.constant 0 : index
    tpu.barrier barrier_id(%barrier3A_928)
    "tpu.region"() ({
      %run_scoped3A = tpu.sem_alloc : memref<!tpu.dma_semaphore, #tpu.memory_space<semaphore_mem>>
      %dma_start3A_933 = arith.constant 0 : i32
      %dma_start3A_934 = tpu.memref_slice %arg5[%arg0, %mul3A_487, %dma_start3A_933] : memref<2x10240x80xf32, #tpu.memory_space<hbm>> -> memref<1x640x80xf32, #tpu.memory_space<hbm>>
      %dma_start3A_935 = tpu.memref_squeeze %dma_start3A_934 : memref<1x640x80xf32, #tpu.memory_space<hbm>> -> memref<640x80xf32, #tpu.memory_space<hbm>>
      %dma_start3A_936 = arith.constant 0 : i32
      %dma_start3A_937 = tpu.memref_slice %arg13[%mul3A_487, %dma_start3A_936] : memref<10240x80xf32, #tpu.memory_space<vmem_shared>> -> memref<640x80xf32, #tpu.memory_space<vmem_shared>>
      tpu.enqueue_dma source(%dma_start3A_937 : memref<640x80xf32, #tpu.memory_space<vmem_shared>>) target(%dma_start3A_935 : memref<640x80xf32, #tpu.memory_space<hbm>>) target_semaphore(%run_scoped3A : memref<!tpu.dma_semaphore, #tpu.memory_space<semaphore_mem>>)
      %dma_wait3A_938 = arith.constant 0 : i32
      %dma_wait3A_939 = tpu.memref_slice %arg5[%arg0, %mul3A_487, %dma_wait3A_938] : memref<2x10240x80xf32, #tpu.memory_space<hbm>> -> memref<1x640x80xf32, #tpu.memory_space<hbm>>
      %dma_wait3A_940 = tpu.memref_squeeze %dma_wait3A_939 : memref<1x640x80xf32, #tpu.memory_space<hbm>> -> memref<640x80xf32, #tpu.memory_space<hbm>>
      %dma_wait3A_941 = arith.constant 0 : i32
      %dma_wait3A_942 = tpu.memref_slice %arg13[%mul3A_487, %dma_wait3A_941] : memref<10240x80xf32, #tpu.memory_space<vmem_shared>> -> memref<640x80xf32, #tpu.memory_space<vmem_shared>>
      tpu.wait_dma2 semaphore(%run_scoped3A : memref<!tpu.dma_semaphore, #tpu.memory_space<semaphore_mem>>) src(%dma_wait3A_942 : memref<640x80xf32, #tpu.memory_space<vmem_shared>>) dst(%dma_wait3A_940 : memref<640x80xf32, #tpu.memory_space<hbm>>)
      tpu.yield
    }) : () -> ()
    %mul3A_929 = arith.constant 40 : i32
    %mul3A_930 = arith.muli %arg1, %mul3A_929 : i32
    %mul3A_931 = arith.constant 40 : i32
    %mul3A_932 = arith.muli %arg1, %mul3A_931 : i32
    "tpu.region"() ({
      %run_scoped3A = tpu.sem_alloc : memref<!tpu.dma_semaphore, #tpu.memory_space<semaphore_mem>>
      %dma_start3A_933 = arith.constant 0 : i32
      %dma_start3A_934 = tpu.memref_slice %arg6[%arg0, %mul3A_932, %dma_start3A_933] : memref<2x640x16xf32, #tpu.memory_space<hbm>> -> memref<1x40x16xf32, #tpu.memory_space<hbm>>
      %dma_start3A_935 = tpu.memref_squeeze %dma_start3A_934 : memref<1x40x16xf32, #tpu.memory_space<hbm>> -> memref<40x16xf32, #tpu.memory_space<hbm>>
      %dma_start3A_936 = arith.constant 0 : i32
      %dma_start3A_937 = tpu.memref_slice %arg14[%mul3A_930, %dma_start3A_936] : memref<640x16xf32, #tpu.memory_space<vmem_shared>> -> memref<40x16xf32, #tpu.memory_space<vmem_shared>>
      tpu.enqueue_dma source(%dma_start3A_937 : memref<40x16xf32, #tpu.memory_space<vmem_shared>>) target(%dma_start3A_935 : memref<40x16xf32, #tpu.memory_space<hbm>>) target_semaphore(%run_scoped3A : memref<!tpu.dma_semaphore, #tpu.memory_space<semaphore_mem>>)
      %dma_wait3A_938 = arith.constant 0 : i32
      %dma_wait3A_939 = tpu.memref_slice %arg6[%arg0, %mul3A_932, %dma_wait3A_938] : memref<2x640x16xf32, #tpu.memory_space<hbm>> -> memref<1x40x16xf32, #tpu.memory_space<hbm>>
      %dma_wait3A_940 = tpu.memref_squeeze %dma_wait3A_939 : memref<1x40x16xf32, #tpu.memory_space<hbm>> -> memref<40x16xf32, #tpu.memory_space<hbm>>
      %dma_wait3A_941 = arith.constant 0 : i32
      %dma_wait3A_942 = tpu.memref_slice %arg14[%mul3A_930, %dma_wait3A_941] : memref<640x16xf32, #tpu.memory_space<vmem_shared>> -> memref<40x16xf32, #tpu.memory_space<vmem_shared>>
      tpu.wait_dma2 semaphore(%run_scoped3A : memref<!tpu.dma_semaphore, #tpu.memory_space<semaphore_mem>>) src(%dma_wait3A_942 : memref<40x16xf32, #tpu.memory_space<vmem_shared>>) dst(%dma_wait3A_940 : memref<40x16xf32, #tpu.memory_space<hbm>>)
      tpu.yield
    }) : () -> ()
    return
  }
}

module attributes {stable_mosaic.version = 14 : i64} {
  func.func @body(%arg0: i32, %arg1: memref<2x2000x80xf32, #tpu.memory_space<vmem>>, %arg2: memref<2000x1xf32, #tpu.memory_space<vmem>>, %arg3: memref<2000x128xf32, #tpu.memory_space<vmem>>, %arg4: memref<2000x32xf32, #tpu.memory_space<vmem>>, %arg5: memref<2000x32xf32, #tpu.memory_space<vmem>>, %arg6: memref<320x128xf32, #tpu.memory_space<vmem>>, %arg7: memref<1x128xf32, #tpu.memory_space<vmem>>, %arg8: memref<32x12xf32, #tpu.memory_space<vmem>>, %arg9: memref<1x12xf32, #tpu.memory_space<vmem>>, %arg10: memref<2000x12xf32, #tpu.memory_space<vmem>>, %arg11: memref<2000x32xf32, #tpu.memory_space<vmem>>, %arg12: memref<2000x32xf32, #tpu.memory_space<vmem>>) attributes {dimension_semantics = [#tpu.dimension_semantics<arbitrary>], iteration_bounds = array<i64: 5>, scalar_prefetch = 0 : i64, scratch_operands = 0 : i64, tpu.core_type = #tpu.core_type<tc>, window_params = [{transform_indices = @transform_0, window_bounds = array<i64: 2, 2000, 80>}, {transform_indices = @transform_1, window_bounds = array<i64: 2000, 1>}, {transform_indices = @transform_2, window_bounds = array<i64: 2000, 128>}, {transform_indices = @transform_3, window_bounds = array<i64: 2000, 32>}, {transform_indices = @transform_4, window_bounds = array<i64: 2000, 32>}, {pipeline_mode = #tpu.pipeline_mode<synchronous>, transform_indices = @transform_5, window_bounds = array<i64: 320, 128>}, {pipeline_mode = #tpu.pipeline_mode<synchronous>, transform_indices = @transform_6, window_bounds = array<i64: 1, 128>}, {pipeline_mode = #tpu.pipeline_mode<synchronous>, transform_indices = @transform_7, window_bounds = array<i64: 32, 12>}, {pipeline_mode = #tpu.pipeline_mode<synchronous>, transform_indices = @transform_8, window_bounds = array<i64: 1, 12>}, {transform_indices = @transform_9, window_bounds = array<i64: 2000, 12>}, {transform_indices = @transform_10, window_bounds = array<i64: 2000, 32>}, {transform_indices = @transform_11, window_bounds = array<i64: 2000, 32>}]} {
    %get3A = arith.constant 0 : index
    %get3A_0 = arith.constant 0 : index
    %get3A_1 = arith.constant 0 : index
    %get3A_2 = vector.load %arg1[%get3A, %get3A_0, %get3A_1] : memref<2x2000x80xf32, #tpu.memory_space<vmem>>, vector<1x2000x80xf32>
    %get3A_3 = vector.shape_cast %get3A_2 : vector<1x2000x80xf32> to vector<2000x80xf32>
    %get3A_4 = arith.constant 1 : index
    %get3A_5 = arith.constant 0 : index
    %get3A_6 = arith.constant 0 : index
    %get3A_7 = vector.load %arg1[%get3A_4, %get3A_5, %get3A_6] : memref<2x2000x80xf32, #tpu.memory_space<vmem>>, vector<1x2000x80xf32>
    %get3A_8 = vector.shape_cast %get3A_7 : vector<1x2000x80xf32> to vector<2000x80xf32>
    %concatenate3A = tpu.concatenate %get3A_3, %get3A_8 in 1 : vector<2000x80xf32>, vector<2000x80xf32> -> vector<2000x160xf32>
    %get3A_9 = arith.constant 0 : index
    %get3A_10 = arith.constant 0 : index
    %get3A_11 = vector.load %arg2[%get3A_9, %get3A_10] : memref<2000x1xf32, #tpu.memory_space<vmem>>, vector<2000x1xf32>
    %max3A = arith.constant 1.000000e+00 : f32
    %max3A_12 = vector.broadcast %max3A : f32 to vector<2000x1xf32>
    %max3A_13 = arith.maximumf %get3A_11, %max3A_12 : vector<2000x1xf32>
    %div3A = arith.constant 1.000000e+00 : f32
    %div3A_14 = vector.broadcast %div3A : f32 to vector<2000x1xf32>
    %div3A_15 = arith.divf %div3A_14, %max3A_13 : vector<2000x1xf32>
    %slice3A = vector.extract_strided_slice %concatenate3A {offsets = [0, 0], sizes = [2000, 128], strides = [1, 1]} : vector<2000x160xf32> to vector<2000x128xf32>
    %mul3A = vector.broadcast %div3A_15 : vector<2000x1xf32> to vector<2000x128xf32>
    %mul3A_16 = arith.mulf %slice3A, %mul3A : vector<2000x128xf32>
    %slice3A_17 = vector.extract_strided_slice %concatenate3A {offsets = [0, 128], sizes = [2000, 32], strides = [1, 1]} : vector<2000x160xf32> to vector<2000x32xf32>
    %mul3A_18 = vector.broadcast %div3A_15 : vector<2000x1xf32> to vector<2000x32xf32>
    %mul3A_19 = arith.mulf %slice3A_17, %mul3A_18 : vector<2000x32xf32>
    %get3A_20 = arith.constant 0 : index
    %get3A_21 = arith.constant 0 : index
    %get3A_22 = vector.load %arg6[%get3A_20, %get3A_21] : memref<320x128xf32, #tpu.memory_space<vmem>>, vector<128x128xf32>
    %dot_general3A = arith.constant dense<0.000000e+00> : vector<2000x128xf32>
    %dot_general3A_23 = tpu.matmul %mul3A_16, %get3A_22, %dot_general3A {dimension_numbers = #tpu.dot_dimension_numbers<[1], [0], [0], [1], [0, 0, 1, 1], [], []>, transpose_lhs_hint = false} : vector<2000x128xf32>, vector<128x128xf32>, vector<2000x128xf32> -> vector<2000x128xf32>
    %get3A_24 = arith.constant 0 : index
    %get3A_25 = arith.constant 0 : index
    %get3A_26 = vector.load %arg3[%get3A_24, %get3A_25] : memref<2000x128xf32, #tpu.memory_space<vmem>>, vector<2000x128xf32>
    %get3A_27 = arith.constant 128 : index
    %get3A_28 = arith.constant 0 : index
    %get3A_29 = vector.load %arg6[%get3A_27, %get3A_28] : memref<320x128xf32, #tpu.memory_space<vmem>>, vector<128x128xf32>
    %dot_general3A_30 = arith.constant dense<0.000000e+00> : vector<2000x128xf32>
    %dot_general3A_31 = tpu.matmul %get3A_26, %get3A_29, %dot_general3A_30 {dimension_numbers = #tpu.dot_dimension_numbers<[1], [0], [0], [1], [0, 0, 1, 1], [], []>, transpose_lhs_hint = false} : vector<2000x128xf32>, vector<128x128xf32>, vector<2000x128xf32> -> vector<2000x128xf32>
    %add3A = arith.addf %dot_general3A_23, %dot_general3A_31 : vector<2000x128xf32>
    %get3A_32 = arith.constant 256 : index
    %get3A_33 = arith.constant 0 : index
    %get3A_34 = vector.load %arg6[%get3A_32, %get3A_33] : memref<320x128xf32, #tpu.memory_space<vmem>>, vector<32x128xf32>
    %dot_general3A_35 = arith.constant dense<0.000000e+00> : vector<2000x128xf32>
    %dot_general3A_36 = tpu.matmul %mul3A_19, %get3A_34, %dot_general3A_35 {dimension_numbers = #tpu.dot_dimension_numbers<[1], [0], [0], [1], [0, 0, 1, 1], [], []>, transpose_lhs_hint = false} : vector<2000x32xf32>, vector<32x128xf32>, vector<2000x128xf32> -> vector<2000x128xf32>
    %add3A_37 = arith.addf %add3A, %dot_general3A_36 : vector<2000x128xf32>
    %get3A_38 = arith.constant 0 : index
    %get3A_39 = arith.constant 0 : index
    %get3A_40 = vector.load %arg4[%get3A_38, %get3A_39] : memref<2000x32xf32, #tpu.memory_space<vmem>>, vector<2000x32xf32>
    %get3A_41 = arith.constant 288 : index
    %get3A_42 = arith.constant 0 : index
    %get3A_43 = vector.load %arg6[%get3A_41, %get3A_42] : memref<320x128xf32, #tpu.memory_space<vmem>>, vector<32x128xf32>
    %dot_general3A_44 = arith.constant dense<0.000000e+00> : vector<2000x128xf32>
    %dot_general3A_45 = tpu.matmul %get3A_40, %get3A_43, %dot_general3A_44 {dimension_numbers = #tpu.dot_dimension_numbers<[1], [0], [0], [1], [0, 0, 1, 1], [], []>, transpose_lhs_hint = false} : vector<2000x32xf32>, vector<32x128xf32>, vector<2000x128xf32> -> vector<2000x128xf32>
    %add3A_46 = arith.addf %add3A_37, %dot_general3A_45 : vector<2000x128xf32>
    %get3A_47 = arith.constant 0 : index
    %get3A_48 = arith.constant 0 : index
    %get3A_49 = vector.load %arg7[%get3A_47, %get3A_48] : memref<1x128xf32, #tpu.memory_space<vmem>>, vector<1x128xf32>
    %add3A_50 = vector.broadcast %get3A_49 : vector<1x128xf32> to vector<2000x128xf32>
    %add3A_51 = arith.addf %add3A_46, %add3A_50 : vector<2000x128xf32>
    %slice3A_52 = vector.extract_strided_slice %add3A_51 {offsets = [0, 0], sizes = [2000, 32], strides = [1, 1]} : vector<2000x128xf32> to vector<2000x32xf32>
    %logistic3A = arith.negf %slice3A_52 : vector<2000x32xf32>
    %logistic3A_53 = math.exp %logistic3A : vector<2000x32xf32>
    %logistic3A_54 = arith.constant 1.000000e+00 : f32
    %logistic3A_55 = vector.broadcast %logistic3A_54 : f32 to vector<2000x32xf32>
    %logistic3A_56 = arith.addf %logistic3A_55, %logistic3A_53 : vector<2000x32xf32>
    %logistic3A_57 = arith.divf %logistic3A_55, %logistic3A_56 : vector<2000x32xf32>
    %slice3A_58 = vector.extract_strided_slice %add3A_51 {offsets = [0, 32], sizes = [2000, 32], strides = [1, 1]} : vector<2000x128xf32> to vector<2000x32xf32>
    %logistic3A_59 = arith.negf %slice3A_58 : vector<2000x32xf32>
    %logistic3A_60 = math.exp %logistic3A_59 : vector<2000x32xf32>
    %logistic3A_61 = arith.constant 1.000000e+00 : f32
    %logistic3A_62 = vector.broadcast %logistic3A_61 : f32 to vector<2000x32xf32>
    %logistic3A_63 = arith.addf %logistic3A_62, %logistic3A_60 : vector<2000x32xf32>
    %logistic3A_64 = arith.divf %logistic3A_62, %logistic3A_63 : vector<2000x32xf32>
    %slice3A_65 = vector.extract_strided_slice %add3A_51 {offsets = [0, 64], sizes = [2000, 32], strides = [1, 1]} : vector<2000x128xf32> to vector<2000x32xf32>
    %tanh3A = math.tanh %slice3A_65 : vector<2000x32xf32>
    %slice3A_66 = vector.extract_strided_slice %add3A_51 {offsets = [0, 96], sizes = [2000, 32], strides = [1, 1]} : vector<2000x128xf32> to vector<2000x32xf32>
    %logistic3A_67 = arith.negf %slice3A_66 : vector<2000x32xf32>
    %logistic3A_68 = math.exp %logistic3A_67 : vector<2000x32xf32>
    %logistic3A_69 = arith.constant 1.000000e+00 : f32
    %logistic3A_70 = vector.broadcast %logistic3A_69 : f32 to vector<2000x32xf32>
    %logistic3A_71 = arith.addf %logistic3A_70, %logistic3A_68 : vector<2000x32xf32>
    %logistic3A_72 = arith.divf %logistic3A_70, %logistic3A_71 : vector<2000x32xf32>
    %get3A_73 = arith.constant 0 : index
    %get3A_74 = arith.constant 0 : index
    %get3A_75 = vector.load %arg5[%get3A_73, %get3A_74] : memref<2000x32xf32, #tpu.memory_space<vmem>>, vector<2000x32xf32>
    %mul3A_76 = arith.mulf %logistic3A_64, %get3A_75 : vector<2000x32xf32>
    %mul3A_77 = arith.mulf %logistic3A_57, %tanh3A : vector<2000x32xf32>
    %add3A_78 = arith.addf %mul3A_76, %mul3A_77 : vector<2000x32xf32>
    %tanh3A_79 = math.tanh %add3A_78 : vector<2000x32xf32>
    %mul3A_80 = arith.mulf %logistic3A_72, %tanh3A_79 : vector<2000x32xf32>
    %max3A_81 = arith.constant 0.000000e+00 : f32
    %max3A_82 = vector.broadcast %max3A_81 : f32 to vector<2000x32xf32>
    %max3A_83 = arith.maximumf %mul3A_80, %max3A_82 : vector<2000x32xf32>
    %get3A_84 = arith.constant 0 : index
    %get3A_85 = arith.constant 0 : index
    %get3A_86 = vector.load %arg8[%get3A_84, %get3A_85] : memref<32x12xf32, #tpu.memory_space<vmem>>, vector<32x12xf32>
    %dot_general3A_87 = arith.constant dense<0.000000e+00> : vector<2000x12xf32>
    %dot_general3A_88 = tpu.matmul %max3A_83, %get3A_86, %dot_general3A_87 {dimension_numbers = #tpu.dot_dimension_numbers<[1], [0], [0], [1], [0, 0, 1, 1], [], []>, transpose_lhs_hint = false} : vector<2000x32xf32>, vector<32x12xf32>, vector<2000x12xf32> -> vector<2000x12xf32>
    %get3A_89 = arith.constant 0 : index
    %get3A_90 = arith.constant 0 : index
    %get3A_91 = vector.load %arg9[%get3A_89, %get3A_90] : memref<1x12xf32, #tpu.memory_space<vmem>>, vector<1x12xf32>
    %add3A_92 = vector.broadcast %get3A_91 : vector<1x12xf32> to vector<2000x12xf32>
    %add3A_93 = arith.addf %dot_general3A_88, %add3A_92 : vector<2000x12xf32>
    %swap3A = arith.constant 0 : index
    %swap3A_94 = arith.constant 0 : index
    %swap3A_95 = vector.load %arg10[%swap3A, %swap3A_94] : memref<2000x12xf32, #tpu.memory_space<vmem>>, vector<2000x12xf32>
    tpu.vector_store %arg10[%swap3A, %swap3A_94], %add3A_93 {strides = array<i32>} : memref<2000x12xf32, #tpu.memory_space<vmem>>, vector<2000x12xf32>,
    %swap3A_96 = arith.constant 0 : index
    %swap3A_97 = arith.constant 0 : index
    %swap3A_98 = vector.load %arg11[%swap3A_96, %swap3A_97] : memref<2000x32xf32, #tpu.memory_space<vmem>>, vector<2000x32xf32>
    tpu.vector_store %arg11[%swap3A_96, %swap3A_97], %mul3A_80 {strides = array<i32>} : memref<2000x32xf32, #tpu.memory_space<vmem>>, vector<2000x32xf32>,
    %swap3A_99 = arith.constant 0 : index
    %swap3A_100 = arith.constant 0 : index
    %swap3A_101 = vector.load %arg12[%swap3A_99, %swap3A_100] : memref<2000x32xf32, #tpu.memory_space<vmem>>, vector<2000x32xf32>
    tpu.vector_store %arg12[%swap3A_99, %swap3A_100], %add3A_78 {strides = array<i32>} : memref<2000x32xf32, #tpu.memory_space<vmem>>, vector<2000x32xf32>,
    return
  }
  func.func @transform_0(%arg0: i32) -> (i32, i32, i32) {
    %c0_i32 = arith.constant 0 : i32
    %c0_i32_0 = arith.constant 0 : i32
    %c0_i32_1 = arith.constant 0 : i32
    return %c0_i32, %arg0, %c0_i32_0 : i32, i32, i32
  }
  func.func @transform_1(%arg0: i32) -> (i32, i32) {
    %c0_i32 = arith.constant 0 : i32
    %c0_i32_0 = arith.constant 0 : i32
    return %arg0, %c0_i32 : i32, i32
  }
  func.func @transform_2(%arg0: i32) -> (i32, i32) {
    %c0_i32 = arith.constant 0 : i32
    %c0_i32_0 = arith.constant 0 : i32
    return %arg0, %c0_i32 : i32, i32
  }
  func.func @transform_3(%arg0: i32) -> (i32, i32) {
    %c0_i32 = arith.constant 0 : i32
    %c0_i32_0 = arith.constant 0 : i32
    return %arg0, %c0_i32 : i32, i32
  }
  func.func @transform_4(%arg0: i32) -> (i32, i32) {
    %c0_i32 = arith.constant 0 : i32
    %c0_i32_0 = arith.constant 0 : i32
    return %arg0, %c0_i32 : i32, i32
  }
  func.func @transform_5(%arg0: i32) -> (i32, i32) {
    %c0_i32 = arith.constant 0 : i32
    %c0_i32_0 = arith.constant 0 : i32
    %c0_i32_1 = arith.constant 0 : i32
    return %c0_i32, %c0_i32_0 : i32, i32
  }
  func.func @transform_6(%arg0: i32) -> (i32, i32) {
    %c0_i32 = arith.constant 0 : i32
    %c0_i32_0 = arith.constant 0 : i32
    %c0_i32_1 = arith.constant 0 : i32
    return %c0_i32, %c0_i32_0 : i32, i32
  }
  func.func @transform_7(%arg0: i32) -> (i32, i32) {
    %c0_i32 = arith.constant 0 : i32
    %c0_i32_0 = arith.constant 0 : i32
    %c0_i32_1 = arith.constant 0 : i32
    return %c0_i32, %c0_i32_0 : i32, i32
  }
  func.func @transform_8(%arg0: i32) -> (i32, i32) {
    %c0_i32 = arith.constant 0 : i32
    %c0_i32_0 = arith.constant 0 : i32
    %c0_i32_1 = arith.constant 0 : i32
    return %c0_i32, %c0_i32_0 : i32, i32
  }
  func.func @transform_9(%arg0: i32) -> (i32, i32) {
    %c0_i32 = arith.constant 0 : i32
    %c0_i32_0 = arith.constant 0 : i32
    return %arg0, %c0_i32 : i32, i32
  }
  func.func @transform_10(%arg0: i32) -> (i32, i32) {
    %c0_i32 = arith.constant 0 : i32
    %c0_i32_0 = arith.constant 0 : i32
    return %arg0, %c0_i32 : i32, i32
  }
  func.func @transform_11(%arg0: i32) -> (i32, i32) {
    %c0_i32 = arith.constant 0 : i32
    %c0_i32_0 = arith.constant 0 : i32
    return %arg0, %c0_i32 : i32, i32
  }
}

</mosaic_0001>

<sc_bundles>
// kernel: kernel.4.cloned.1.call-start
scs
__scs_entry_jumppad:
0x0: {  	(pc) =	sbr.rel $0x88, $3  }
0x1: {  	(tag) =	ssettag $0x0;
	lr =	simm.s32 $0x1  }
0x2: {  	[smem:$0x3F83] =	sst lr;
	_ =	strace $0xD0000000  }
0x3: {  	_ = 	snop  }
0x4: {  	_ = 	snop  }
0x5: {  	_ = 	snop  }
0x6: {  	_ = 	snop  }
0x7: {  	_ = 	snop  }
__scs_overlays_trampoline_lowered:
0x8: {  	[smem:$0x3F92] =	sst s0  }
0x9: {  	[smem:$0x3F93] =	sst s1  }
0xa: {  	[smem:$0x3F94] =	sst s2  }
0xb: {  	[smem:$0x3F95] =	sst s3  }
0xc: {  	[smem:$0x3F96] =	sst s4  }
0xd: {  	[smem:$0x3F97] =	sst s5  }
0xe: {  	[smem:$0x3F98] =	sst s6  }
0xf: {  	[smem:$0x3F99] =	sst s7  }
0x10: {  	[smem:$0x3F9A] =	sst s8  }
0x11: {  	[smem:$0x3F9B] =	sst s9;
	s0 =	simm.s32 @!p0 $0x0  }
0x12: {  	s1 =	sld [smem:$0x3F81];
	s0 =	simm.s32 @p0 $0x1  }
0x13: {  	[smem:$0x3F9C] =	sst s0;
	s0 =	simm.s32 @!p1 $0x0  }
0x14: {  	s2 =	sld [smem:$0x3F80];
	s0 =	simm.s32 @p1 $0x1  }
0x15: {  	[smem:$0x3F9D] =	sst s0;
	s0 =	simm.s32 @!p2 $0x0  }
0x16: {  	s3 =	sld [smem:$0x3FDB];
	s0 =	simm.s32 @p2 $0x1  }
0x17: {  	s4 =	simm.s32 $0x1BF5;
	[smem:$0x3F9F] =	sst s0  }
0x18: {  	s0 =	sld [smem:$0x3F82];
	_ =	swait.ge [sflag:s4], $0x0  }
0x19: {  	s7 =	sld [smem:$0x3F83]  }
0x1a: {  	s8 =	sadd.s32 $0xFFFFE003, lr  }
0x1b: {  	s9 =	sadd.s32 $0xFFFFFEF7, lr;
	s5 =	simm.s32 $0xFFFFFFFF;
	p2 =	slt.u32 s8, $0xFFFFF086  }
0x1c: {  	p1 =	slt.u32 s9, $0xF7A;
	s5 =	simm.s32 @!p2 $0x0  }
0x1d: {  	s5 =	simm.s32 @p1 $0x1;
	p0 =	seq.s32 s7, s2  }
0x1e: {  	s7 =	smul.u32 @!p0 $0xF7A, s2;
	p2 =	seq.s32 @!p0 s5, $0x0  }
0x1f: {  	s9 =	smul.u32 $0xF7A, s1;
	s8 =	simm.s32 @!p0 $0x1BF5;
	p2 =	por !p2, p0  }
0x20: {  	[sflag:s8] =	ssyncset.s32 @!p0 $0xFFFFF086;
	s6 =	sadd.s32 @!p0 s3, s7;
	s7 =	simm.s32 @!p0 $0x108  }
0x21: {  	s3 =	sadd.s32 s3, s9;
	s6 =	sadd.s32 @!p0 $0x88, s6;
	s7 =	simm.s32 @p2 $0x1082  }
0x22: {  	[simem:s7], [sflag:s8] =	dma.local @!p0 [hbm:s6], $0xF7A  }
0x23: {  	s9 =	sor.u32 $0xD0000000, s2;
	s6 =	simm.s32 $0x108;
	_ =	swait.ge @!p0 [sflag:s8], $0x0  }
0x24: {  	s3 =	sadd.s32 $0x88, s3;
	s6 =	simm.s32 @!p1 $0x1082;
	[sflag:s4] =	ssyncset.s32 $0xFFFFF086  }
0x25: {  	[simem:s6], [sflag:s4] =	dma.local [hbm:s3], $0xF7A  }
0x26: {  	[smem:$0x3F83] =	sst s1;
	(tag) =	ssettag s2;
	_ =	strace s9  }
0x27: {  	s1 =	sld [smem:$0x3F93]  }
0x28: {  	s2 =	sld [smem:$0x3F94]  }
0x29: {  	s4 =	sld [smem:$0x3F96]  }
0x2a: {  	p0 =	seq.s32 s5, $0x0;
	s5 =	sld [smem:$0x3F97]  }
0x2b: {  	s6 =	sld [smem:$0x3F98]  }
0x2c: {  	s7 =	sld [smem:$0x3F99]  }
0x2d: {  	s3 =	simm.s32 $0x108;
	s8 =	sld [smem:$0x3F9A]  }
0x2e: {  	s3 =	simm.s32 @!p0 $0x1082;
	s9 =	sld [smem:$0x3F9B]  }
0x2f: {  	lr =	sadd.s32 s0, s3;
	s0 =	sld [smem:$0x3F92]  }
0x30: {  	s3 =	sld [smem:$0x3F95]  }
0x31: {  	[smem:$0x3F9E] =	sst s10  }
0x32: {  	s10 =	sld [smem:$0x3F9C];
	_ =	sdelay $0x3  }
0x33: {  	p0 =	seq.s32 s10, $0x1;
	s10 =	sld [smem:$0x3F9E];
	_ =	sdelay $0x3  }
0x34: {  	[smem:$0x3F9E] =	sst s10  }
0x35: {  	s10 =	sld [smem:$0x3F9D];
	_ =	sdelay $0x3  }
0x36: {  	p1 =	seq.s32 s10, $0x1;
	s10 =	sld [smem:$0x3F9E];
	_ =	sdelay $0x3  }
0x37: {  	[smem:$0x3F9E] =	sst s10  }
0x38: {  	s10 =	sld [smem:$0x3F9F]  }
0x39: {  	_ = 	snop;
	(pc) =	sbr.ind lr, $3  }
0x3a: {  	_ = 	snop  }
0x3b: {  	_ = 	snop  }
0x3c: {  	p2 =	seq.s32 s10, $0x1;
	s10 =	sld [smem:$0x3F9E]  }
0x3d: {  	_ =	shalt  }
0x3e: {  	_ =	shalt  }
0x3f: {  	_ =	shalt  }
0x40: {  	_ =	shalt  }
0x41: {  	_ =	shalt  }
0x42: {  	_ =	shalt  }
0x43: {  	_ =	shalt  }
0x44: {  	_ =	shalt  }
0x45: {  	_ =	shalt  }
0x46: {  	_ =	shalt  }
0x47: {  	_ =	shalt  }
0x48: {  	_ =	shalt  }
0x49: {  	_ =	shalt  }
0x4a: {  	_ =	shalt  }
0x4b: {  	_ =	shalt  }
0x4c: {  	_ =	shalt  }
0x4d: {  	_ =	shalt  }
0x4e: {  	_ =	shalt  }
0x4f: {  	_ =	shalt  }
0x50: {  	_ =	shalt  }
0x51: {  	_ =	shalt  }
0x52: {  	_ =	shalt  }
0x53: {  	_ =	shalt  }
0x54: {  	_ =	shalt  }
0x55: {  	_ =	shalt  }
0x56: {  	_ =	shalt  }
0x57: {  	_ =	shalt  }
0x58: {  	_ =	shalt  }
0x59: {  	_ =	shalt  }
0x5a: {  	_ =	shalt  }
0x5b: {  	_ =	shalt  }
0x5c: {  	_ =	shalt  }
0x5d: {  	_ =	shalt  }
0x5e: {  	_ =	shalt  }
0x5f: {  	_ =	shalt  }
0x60: {  	_ =	shalt  }
0x61: {  	_ =	shalt  }
0x62: {  	_ =	shalt  }
0x63: {  	_ =	shalt  }
0x64: {  	_ =	shalt  }
0x65: {  	_ =	shalt  }
0x66: {  	_ =	shalt  }
0x67: {  	_ =	shalt  }
0x68: {  	_ =	shalt  }
0x69: {  	_ =	shalt  }
0x6a: {  	_ =	shalt  }
0x6b: {  	_ =	shalt  }
0x6c: {  	_ =	shalt  }
0x6d: {  	_ =	shalt  }
0x6e: {  	_ =	shalt  }
0x6f: {  	_ =	shalt  }
0x70: {  	_ =	shalt  }
0x71: {  	_ =	shalt  }
0x72: {  	_ =	shalt  }
0x73: {  	_ =	shalt  }
0x74: {  	_ =	shalt  }
0x75: {  	_ =	shalt  }
0x76: {  	_ =	shalt  }
0x77: {  	_ =	shalt  }
0x78: {  	_ =	shalt  }
0x79: {  	_ =	shalt  }
0x7a: {  	_ =	shalt  }
0x7b: {  	_ =	shalt  }
0x7c: {  	_ =	shalt  }
0x7d: {  	_ =	shalt  }
0x7e: {  	_ =	shalt  }
0x7f: {  	_ =	shalt  }
0x80: {  	_ =	shalt  }
0x81: {  	_ =	shalt  }
0x82: {  	_ =	shalt  }
0x83: {  	_ =	shalt  }
0x84: {  	_ =	shalt  }
0x85: {  	_ =	shalt  }
0x86: {  	_ =	shalt  }
0x87: {  	_ =	shalt  }
.Lfunc_end0:
.L_simem_size_0:
called_computation_lowered:
.L_overlay_start_0:
0x88: {  	s2 =	sld [smem:$0x3FD9]  }
0x89: {  	s3 =	sld [smem:$0x3FFE];
	_ =	sdelay $0x1  }
0x8a: {  	s1 =	srdreg.scid  }
0x8b: {  	s0 =	sand.u32 $0x1, s1  }
0x8c: {  	s14 =	sshll.u32 s0, $0xA;
	s2 =	sadd.s32 s3, s2  }
0x8d: {  	s2 =	sadd.s32 s2, s14  }
0x8e: {  	[smem:$0x3FAA] =	sst s2  }
0x8f: {  	_ = 	snop  }
0x90: {  	s2 =	sld [smem:$0x3FD0];
	_ =	sdelay $0x2  }
0x91: {  	s15 =	simm.s32 $0xA;
	s4 =	simm.s32 $0x10  }
0x92: {  	[smem:s4], [sflag:s15] =	dma.local [hbm:s2], $0x1  }
0x93: {  	_ =	swait.eq [sflag:s15], $0x1  }
0x94: {  	s16 =	sld [smem:$0x10];
	[sflag:s15] =	ssyncset.done $0x0  }
0x95: {  	s17 =	sld [smem:$0x11];
	[sflag:s15] =	ssyncadd.s32 $0xFFFFFFFF  }
0x96: {  	s18 =	sld [smem:$0x12];
	(tm) =	ssettm $0x1  }
0x97: {  	s5 =	sld [smem:$0x3FFB];
	_ =	sdelay $0x3  }
0x98: {  	_ =	strace s5  }
0x99: {  	s5 =	sld [smem:$0x3FFC];
	_ =	sdelay $0x3  }
0x9a: {  	_ =	strace s5  }
0x9b: {  	s5 =	sld [smem:$0x3FFD];
	_ =	sdelay $0x3  }
0x9c: {  	_ =	strace s5  }
0x9d: {  	_ =	strace $0x8FFFFFFF  }
0x9e: {  	s19 =	sld [smem:$0x3FDB];
	_ =	sdelay $0x1  }
0x9f: {  	s6 =	simm.s32 $_scs_section_size  }
0xa0: {  	s7 =	simm.s32 $_size__tile_overlayer_lowered;
	s8 =	simm.s32 $_tile_overlayer_lowered  }
0xa1: {  	s22 =	simm.s32 $0x1BFF;
	s21 =	sshll.u32 s8, $0x1;
	s5 =	sadd.s32 s6, s19  }
0xa2: {  	s9 =	simm.s32 $0x0;
	s20 =	sshll.u32 s7, $0x1;
	s7 =	sadd.s32 s21, s5  }
0xa3: {  	[timem:s9], [sflag:s22] =	dma.local [hbm:s7], s20  }
0xa4: {  	_ =	swait.ge [sflag:s22], s20  }
0xa5: {  	s6 =	ssub.s32 $0x0, s20;
	[sflag:s22] =	ssyncset.done $0x0  }
0xa6: {  	[sflag:s22] =	ssyncadd.s32 s6;
	_ =	sdelay $0x1  }
0xa7: {  	s23 =	simm.s32 $0x1B8B  }
0xa8: {  	_ =	swait.ge [sflag:s23], $0x1  }
0xa9: {  	[sflag:s23] =	ssyncset.done $0x0  }
0xaa: {  	s25 =	simm.s32 $0x1B8E;
	s24 =	sld [smem:$0x3FFE];
	[sflag:s23] =	ssyncadd.s32 $0xFFFFFFFF  }
0xab: {  	s26 =	simm.s32 $execute0_lowered;
	[smem:$0x3FD2] =	sst s25  }
0xac: {  	s7 =	sshll.u32 s26, $0x1;
	_ =	strace $0x80000046;
	[dreg:$0x1] =	wrdreg $0xFFFFFFFF  }
0xad: {  	s28 =	simm.s32 $_size_execute0_lowered;
	s5 =	sadd.s32 s5, s7;
	[dreg:$0x0] =	wrdreg $0x0  }
0xae: {  	s7 =	sshll.u32 s28, $0x1;
	[dreg:$0x2] =	wrdreg s5  }
0xaf: {  	[dreg:$0x3] =	wrdreg s7  }
0xb0: {  	[dreg:$0x4] =	wrdreg $0xC0  }
0xb1: {  	_ =	task [dreg:s9], $0x5FFFF  }
0xb2: {  	[dreg:$0x1] =	wrdreg $0xFFFFFFFF  }
0xb3: {  	[dreg:$0x0] =	wrdreg $0x60  }
0xb4: {  	[dreg:$0x2] =	wrdreg s24  }
0xb5: {  	[dreg:$0x3] =	wrdreg s17  }
0xb6: {  	[dreg:$0x4] =	wrdreg s18  }
0xb7: {  	[dreg:$0x5] =	wrdreg s16  }
0xb8: {  	[dreg:$0x6] =	wrdreg $0x12FC00  }
0xb9: {  	[dreg:$0x7] =	wrdreg $0x1F7C00  }
0xba: {  	[dreg:$0x8] =	wrdreg $0x9  }
0xbb: {  	_ =	task.clear_ibuf [dreg:s9], $0x9FFFF;
	_ =	strace $0x90000046  }
0xbc: {  	s29 =	simm.s32 $0x9;
	_ =	strace $0x80000048  }
0xbd: {  	_ =	swait.ge [sflag:s29], $0x1  }
0xbe: {  	[sflag:s29] =	ssyncadd.s32 $0xFFFFFFFF  }
0xbf: {  	_ =	strace $0x90000048  }
0xc0: {  	_ =	sfence  }
0xc1: {  	s30 =	sld [smem:$0x0];
	_ =	sdelay $0x2  }
0xc2: {  	s31 =	sshll.u32 s1, $0xD;
	s1 =	sshrl.u32 s1, $0x2  }
0xc3: {  	s3 =	sand.u32 $0x4000, s31;
	s1 =	sadd.s32 s1, s30  }
0xc4: {  	s0 =	sor.u32 s3, s0;
	s1 =	sshll.u32 s1, $0x11  }
0xc5: {  	s0 =	sor.u32 s1, s0  }
0xc6: {  	s0 =	sadd.s32 $0x8F2B, s0  }
0xc7: {  	[sflag:s0] =	ssyncadd.remote.s32 $0x1  }
0xc8: {  	_ =	sfence.sel $0xFFFF  }
0xc9: {  	[dreg:$0x0] =	wrdreg $0xFFFFFFFF;
	(pc) =	sbr.abs _section_cstart, $3  }
0xca: {  	[dreg:$0x1] =	wrdreg $0xFFFFFFFF  }
0xcb: {  	_ =	task.clear_ibuf [dreg:s9], $0x2FFFF;
	_ =	strace $0x9FFFFFFF  }
0xcc: {  	(tm) =	ssettm $0x7FFFFFFF  }
0xcd: {  	_ =	shalt  }
tec
execute0_lowered:
.L_overlay_start_1:
0x0: {  	(tag) =	ssettag $0x1  }
0x1: {  	s0 =	rddreg [dreg:$0x0]  }
0x2: {  	s1 =	rddreg [dreg:$0x1]  }
0x3: {  	s3 =	rddreg [dreg:$0x2]  }
0x4: {  	s5 =	rddreg [dreg:$0x3]  }
0x5: {  	s2 =	rddreg [dreg:$0x4];
	s14 =	stileid.u32  }
0x6: {  	s4 =	srdreg.scid;
	s8 =	smul.u32 $0xC800, s14  }
0x7: {  	s15 =	rddreg [dreg:$0x5];
	s10 =	smul.u32 $0x4E20, s14  }
0x8: {  	s30 =	simm.s32 $0x2;
	s29 =	simm.s32 $0x460;
	s13 =	smul.u32 $0x280, s14  }
0x9: {  	s31 =	simm.s32 $0x640;
	s6 =	sand.u32 $0x1, s4;
	s21 =	smul.u32 $0x9C4, s14  }
0xa: {  	s4 =	simm.s32 $0x0;
	s22 =	smul.u32 $0x32000, s14;
	s14 =	simm.s32 $0xF0  }
0xb: {  	[smem:$0x7FF] =	sst s4;
	s11 =	ssub.s32 $0x2, s6;
	s10 =	sshrl.u32 s10, $0x3  }
0xc: {  	_ =	strace $0x80000047;
	s12 =	sshrl.u32 s11, $0x1;
	s10 =	sadd.s32 s1, s10  }
0xd: {  	s24 =	ssub.s32 s11, s12;
	s12 =	sadd.s32 s13, s15;
	[dreg:$0x9] =	wrdreg s10  }
0xe: {  	s7 =	smul.u32 $0xC8000, s6;
	s25 =	sadd.s32 $0xA, s10;
	[dreg:$0xa] =	wrdreg s12  }
0xf: {  	s9 =	smul.u32 $0x186A0, s6;
	s26 =	sadd.s32 $0x14, s10;
	[dreg:$0xb] =	wrdreg s25  }
0x10: {  	s6 =	smul.u32 $0x2800, s6;
	s28 =	sadd.s32 $0x1E, s10;
	[dreg:$0xc] =	wrdreg s26  }
0x11: {  	s7 =	sadd.s32 s8, s7;
	s15 =	sadd.s32 $0x28, s10;
	[dreg:$0xd] =	wrdreg s28  }
0x12: {  	s9 =	sadd.s32 s9, s0;
	s16 =	sadd.s32 $0x32, s10;
	[dreg:$0xe] =	wrdreg s15  }
0x13: {  	s20 =	sadd.s32 s13, s6;
	s17 =	sadd.s32 $0x3C, s10;
	[dreg:$0xf] =	wrdreg s16  }
0x14: {  	s8 =	sadd.s32 s8, s2;
	s18 =	sadd.s32 $0x46, s10;
	[dreg:$0x10] =	wrdreg s17  }
0x15: {  	s6 =	simm.s32 $0x1E0;
	s19 =	sadd.s32 $0x50, s10;
	[dreg:$0x11] =	wrdreg s18  }
0x16: {  	s13 =	simm.s32 $0x1;
	s10 =	sadd.s32 $0x5A, s10;
	[dreg:$0x12] =	wrdreg s19  }
0x17: {  	s7 =	sshrl.u32 s7, $0x3;
	s23 =	smax.u32 s24, $0x1;
	[dreg:$0x13] =	wrdreg s10  }
0x18: {  	s24 =	sadd.s32 s21, s1;
	s0 =	sadd.s32 s7, s0;
	[dreg:$0x16] =	wrdreg s23  }
0x19: {  	s16 =	sadd.s32 $0x2B200, s9;
	s25 =	sshrl.u32 s22, $0x2;
	[dreg:$0x7] =	wrdreg s24  }
0x1a: {  	s26 =	sadd.s32 s21, s3;
	s21 =	simm.s32 $0x10040;
	s22 =	simm.s32 $0x10540  }
0x1b: {  	s15 =	simm.s32 $0x9;
	s24 =	simm.s32 $0x5;
	s28 =	sshrl.u32 s8, $0x3  }
0x1c: {  	s17 =	simm.s32 $0xA0;
	s18 =	simm.s32 $0x140;
	s19 =	simm.s32 $0x230  }
0x1d: {  	s23 =	simm.s32 $0x280;
	s8 =	simm.s32 $0x6;
	[dreg:$0x8] =	wrdreg s26  }
0x1e: {  	s9 =	simm.s32 $0x4;
	s0 =	sadd.s32 $0x5C000, s0;
	[dreg:$0x17] =	wrdreg s28  }
0x1f: {  	s26 =	simm.s32 $0x50;
	[dreg:$0x14] =	wrdreg s0;
	s0 =	sshrl.u32 s20, $0x3  }
0x20: {  	s20 =	sadd.s32 s25, s2;
	s25 =	simm.s32 $0x3;
	s0 =	sadd.s32 s5, s0  }
0x21: {  	v0 =	vimm.f32 $0.0e+00;
	v1 =	vlaneseq.u32;
	v2 =	vimm.f32 $1.000000000e+00;
	s5 =	simm.s32 $0x190;
	[dreg:$0x15] =	wrdreg s0;
	s0 =	simm.s32 $0x0  }
.LBB2_1:
0x22: {  	[tilespmem:$0x10040] =	vst v0  }
0x23: {  	[tilespmem:$0x10050] =	vst v0  }
0x24: {  	[tilespmem:$0x10060] =	vst v0  }
0x25: {  	[tilespmem:$0x10070] =	vst v0  }
0x26: {  	[tilespmem:$0x10080] =	vst v0  }
0x27: {  	[tilespmem:$0x10090] =	vst v0  }
0x28: {  	[tilespmem:$0x100A0] =	vst v0  }
0x29: {  	[tilespmem:$0x100B0] =	vst v0  }
0x2a: {  	[tilespmem:$0x100C0] =	vst v0  }
0x2b: {  	[tilespmem:$0x100D0] =	vst v0  }
0x2c: {  	[tilespmem:$0x100E0] =	vst v0  }
0x2d: {  	[tilespmem:$0x100F0] =	vst v0  }
0x2e: {  	[tilespmem:$0x10100] =	vst v0  }
0x2f: {  	[tilespmem:$0x10110] =	vst v0  }
0x30: {  	[tilespmem:$0x10120] =	vst v0  }
0x31: {  	[tilespmem:$0x10130] =	vst v0  }
0x32: {  	[tilespmem:$0x10140] =	vst v0  }
0x33: {  	[tilespmem:$0x10150] =	vst v0  }
0x34: {  	[tilespmem:$0x10160] =	vst v0  }
0x35: {  	[tilespmem:$0x10170] =	vst v0  }
0x36: {  	[tilespmem:$0x10180] =	vst v0  }
0x37: {  	[tilespmem:$0x10190] =	vst v0  }
0x38: {  	[tilespmem:$0x101A0] =	vst v0  }
0x39: {  	[tilespmem:$0x101B0] =	vst v0  }
0x3a: {  	[tilespmem:$0x101C0] =	vst v0  }
0x3b: {  	[tilespmem:$0x101D0] =	vst v0  }
0x3c: {  	[tilespmem:$0x101E0] =	vst v0  }
0x3d: {  	[tilespmem:$0x101F0] =	vst v0  }
0x3e: {  	[tilespmem:$0x10200] =	vst v0  }
0x3f: {  	[tilespmem:$0x10210] =	vst v0  }
0x40: {  	[tilespmem:$0x10220] =	vst v0  }
0x41: {  	[tilespmem:$0x10230] =	vst v0  }
0x42: {  	[tilespmem:$0x10240] =	vst v0  }
0x43: {  	[tilespmem:$0x10250] =	vst v0  }
0x44: {  	[tilespmem:$0x10260] =	vst v0  }
0x45: {  	[tilespmem:$0x10270] =	vst v0  }
0x46: {  	[tilespmem:$0x10280] =	vst v0  }
0x47: {  	[tilespmem:$0x10290] =	vst v0  }
0x48: {  	[tilespmem:$0x102A0] =	vst v0  }
0x49: {  	[tilespmem:$0x102B0] =	vst v0  }
0x4a: {  	[tilespmem:$0x102C0] =	vst v0  }
0x4b: {  	[tilespmem:$0x102D0] =	vst v0  }
0x4c: {  	[tilespmem:$0x102E0] =	vst v0  }
0x4d: {  	[tilespmem:$0x102F0] =	vst v0  }
0x4e: {  	[tilespmem:$0x10300] =	vst v0  }
0x4f: {  	[tilespmem:$0x10310] =	vst v0  }
0x50: {  	[tilespmem:$0x10320] =	vst v0  }
0x51: {  	[tilespmem:$0x10330] =	vst v0  }
0x52: {  	[tilespmem:$0x10340] =	vst v0  }
0x53: {  	[tilespmem:$0x10350] =	vst v0  }
0x54: {  	[tilespmem:$0x10360] =	vst v0  }
0x55: {  	[tilespmem:$0x10370] =	vst v0  }
0x56: {  	[tilespmem:$0x10380] =	vst v0  }
0x57: {  	[tilespmem:$0x10390] =	vst v0  }
0x58: {  	[tilespmem:$0x103A0] =	vst v0  }
0x59: {  	[tilespmem:$0x103B0] =	vst v0  }
0x5a: {  	[tilespmem:$0x103C0] =	vst v0  }
0x5b: {  	[tilespmem:$0x103D0] =	vst v0  }
0x5c: {  	[tilespmem:$0x103E0] =	vst v0  }
0x5d: {  	[tilespmem:$0x103F0] =	vst v0  }
0x5e: {  	[tilespmem:$0x10400] =	vst v0  }
0x5f: {  	[tilespmem:$0x10410] =	vst v0  }
0x60: {  	[tilespmem:$0x10420] =	vst v0  }
0x61: {  	[tilespmem:$0x10430] =	vst v0  }
0x62: {  	[tilespmem:$0x10440] =	vst v0  }
0x63: {  	[tilespmem:$0x10450] =	vst v0  }
0x64: {  	[tilespmem:$0x10460] =	vst v0  }
0x65: {  	[tilespmem:$0x10470] =	vst v0  }
0x66: {  	[tilespmem:$0x10480] =	vst v0  }
0x67: {  	[tilespmem:$0x10490] =	vst v0  }
0x68: {  	[tilespmem:$0x104A0] =	vst v0  }
0x69: {  	[tilespmem:$0x104B0] =	vst v0  }
0x6a: {  	[tilespmem:$0x104C0] =	vst v0  }
0x6b: {  	[tilespmem:$0x104D0] =	vst v0  }
0x6c: {  	[tilespmem:$0x104E0] =	vst v0  }
0x6d: {  	[tilespmem:$0x104F0] =	vst v0  }
0x6e: {  	[tilespmem:$0x10500] =	vst v0  }
0x6f: {  	[tilespmem:$0x10510] =	vst v0  }
0x70: {  	[tilespmem:$0x10520] =	vst v0  }
0x71: {  	[tilespmem:$0x10530] =	vst v0;
	s10 =	simm.s32 $0x0  }
.LBB2_2:
0x72: {  	p0 =	sne.s32 s10, $0x9FC0  }
.Ltmp0:
0x73: {  	_ = 	snop;
	(pc) =	sbr.rel @p0 .LBB2_2-.Ltmp0, $3  }
0x74: {  	_ =	sdelay $0x1  }
0x75: {  	s11 =	sshra.s32 s10, $0x2  }
0x76: {  	s10 =	sadd.s32 $0x40, s10;
	[tilespmem:s11+$0x10540] =	vst v0  }
0x77: {  	s11 =	simm.s32 $0x0  }
0x78: {  	s10 =	simm.s32 $0x12D40;
	v3 =	vor.u32 s11, v1  }
0x79: {  	s11 =	simm.s32 $0x10;
	[tilespmem:s10+$0x0] =	vst v3  }
.LBB2_4:
0x7a: {  	p0 =	sne.s32 s11, $0x270  }
.Ltmp1:
0x7b: {  	_ = 	snop;
	(pc) =	sbr.rel @p0 .LBB2_4-.Ltmp1, $3  }
0x7c: {  	_ =	sdelay $0x1  }
0x7d: {  	v3 =	vor.u32 s11, v1;
	s11 =	sadd.s32 $0x10, s11;
	s10 =	sadd.s32 $0x10, s10  }
0x7e: {  	[tilespmem:s10+$0x0] =	vst v3  }
0x7f: {  	[dreg:$0x18] =	wrdreg s0;
	s10 =	simm.s32 $0x1400;
	s11 =	sadd.s32 $0x0, s20  }
.LBB2_6:
0x80: {  	[spmem:s11] =	stream.linear.scatter [tilespmem:s21], [sflag:$0x5], $0x500, $0x38;
	[tilespmem:$0x1FA40] =	vst v63  }
0x81: {  	s11 =	smov.u32 s10;
	p0 =	sne.s32 s10, $0x30C00  }
.Ltmp2:
0x82: {  	s10 =	sadd.s32 $0x1400, s10;
	(pc) =	sbr.rel @p0 .LBB2_6-.Ltmp2, $3  }
0x83: {  	_ =	sdelay $0x1  }
0x84: {  	s11 =	sshra.s32 s11, $0x2  }
0x85: {  	s11 =	sadd.s32 s11, s20  }
0x86: {  	[spmem:s11] =	stream.linear.scatter [tilespmem:s21], [sflag:$0x5], $0x500, $0x38;
	[tilespmem:$0x1FA40] =	vst v63  }
0x87: {  	_ = 	snop  }
0x88: {  	[spmem:s12] =	stream.linear.scatter [tilespmem:s22], [sflag:$0x9], $0x280, $0x38;
	[tilespmem:$0x1FA40] =	vst v63  }
0x89: {  	_ =	swait.ge [sflag:s15], $0x280  }
0x8a: {  	[sflag:s15] =	ssyncset.done $0x0  }
0x8b: {  	[sflag:s15] =	ssyncadd.s32 $0xFFFFFD80  }
0x8c: {  	_ =	swait.ge [sflag:s24], $0x500  }
0x8d: {  	[sflag:s24] =	ssyncset.done $0x0  }
0x8e: {  	[sflag:s24] =	ssyncadd.s32 $0xFFFFFB00  }
0x8f: {  	_ =	swait.ge [sflag:s24], $0x500  }
0x90: {  	[sflag:s24] =	ssyncset.done $0x0  }
0x91: {  	[sflag:s24] =	ssyncadd.s32 $0xFFFFFB00  }
0x92: {  	_ =	swait.ge [sflag:s24], $0x500  }
0x93: {  	[sflag:s24] =	ssyncset.done $0x0  }
0x94: {  	[sflag:s24] =	ssyncadd.s32 $0xFFFFFB00  }
0x95: {  	_ =	swait.ge [sflag:s24], $0x500  }
0x96: {  	[sflag:s24] =	ssyncset.done $0x0  }
0x97: {  	[sflag:s24] =	ssyncadd.s32 $0xFFFFFB00  }
0x98: {  	_ =	swait.ge [sflag:s24], $0x500  }
0x99: {  	[sflag:s24] =	ssyncset.done $0x0  }
0x9a: {  	[sflag:s24] =	ssyncadd.s32 $0xFFFFFB00  }
0x9b: {  	_ =	swait.ge [sflag:s24], $0x500  }
0x9c: {  	[sflag:s24] =	ssyncset.done $0x0  }
0x9d: {  	[sflag:s24] =	ssyncadd.s32 $0xFFFFFB00  }
0x9e: {  	_ =	swait.ge [sflag:s24], $0x500  }
0x9f: {  	[sflag:s24] =	ssyncset.done $0x0  }
0xa0: {  	[sflag:s24] =	ssyncadd.s32 $0xFFFFFB00  }
0xa1: {  	_ =	swait.ge [sflag:s24], $0x500  }
0xa2: {  	[sflag:s24] =	ssyncset.done $0x0  }
0xa3: {  	[sflag:s24] =	ssyncadd.s32 $0xFFFFFB00  }
0xa4: {  	_ =	swait.ge [sflag:s24], $0x500  }
0xa5: {  	[sflag:s24] =	ssyncset.done $0x0  }
0xa6: {  	[sflag:s24] =	ssyncadd.s32 $0xFFFFFB00  }
0xa7: {  	_ =	swait.ge [sflag:s24], $0x500  }
0xa8: {  	[sflag:s24] =	ssyncset.done $0x0  }
0xa9: {  	[sflag:s24] =	ssyncadd.s32 $0xFFFFFB00  }
0xaa: {  	_ =	swait.ge [sflag:s24], $0x500  }
0xab: {  	[sflag:s24] =	ssyncset.done $0x0  }
0xac: {  	[sflag:s24] =	ssyncadd.s32 $0xFFFFFB00  }
0xad: {  	_ =	swait.ge [sflag:s24], $0x500  }
0xae: {  	[sflag:s24] =	ssyncset.done $0x0  }
0xaf: {  	[sflag:s24] =	ssyncadd.s32 $0xFFFFFB00  }
0xb0: {  	_ =	swait.ge [sflag:s24], $0x500  }
0xb1: {  	[sflag:s24] =	ssyncset.done $0x0  }
0xb2: {  	[sflag:s24] =	ssyncadd.s32 $0xFFFFFB00  }
0xb3: {  	_ =	swait.ge [sflag:s24], $0x500  }
0xb4: {  	[sflag:s24] =	ssyncset.done $0x0  }
0xb5: {  	[sflag:s24] =	ssyncadd.s32 $0xFFFFFB00  }
0xb6: {  	_ =	swait.ge [sflag:s24], $0x500  }
0xb7: {  	[sflag:s24] =	ssyncset.done $0x0  }
0xb8: {  	[sflag:s24] =	ssyncadd.s32 $0xFFFFFB00  }
0xb9: {  	_ =	swait.ge [sflag:s24], $0x500  }
0xba: {  	[sflag:s24] =	ssyncset.done $0x0  }
0xbb: {  	[sflag:s24] =	ssyncadd.s32 $0xFFFFFB00  }
0xbc: {  	_ =	swait.ge [sflag:s24], $0x500  }
0xbd: {  	[sflag:s24] =	ssyncset.done $0x0  }
0xbe: {  	[sflag:s24] =	ssyncadd.s32 $0xFFFFFB00  }
0xbf: {  	_ =	swait.ge [sflag:s24], $0x500  }
0xc0: {  	[sflag:s24] =	ssyncset.done $0x0  }
0xc1: {  	[sflag:s24] =	ssyncadd.s32 $0xFFFFFB00  }
0xc2: {  	_ =	swait.ge [sflag:s24], $0x500  }
0xc3: {  	[sflag:s24] =	ssyncset.done $0x0  }
0xc4: {  	[sflag:s24] =	ssyncadd.s32 $0xFFFFFB00  }
0xc5: {  	_ =	swait.ge [sflag:s24], $0x500  }
0xc6: {  	[sflag:s24] =	ssyncset.done $0x0  }
0xc7: {  	[sflag:s24] =	ssyncadd.s32 $0xFFFFFB00  }
0xc8: {  	_ =	swait.ge [sflag:s24], $0x500  }
0xc9: {  	[sflag:s24] =	ssyncset.done $0x0  }
0xca: {  	[sflag:s24] =	ssyncadd.s32 $0xFFFFFB00  }
0xcb: {  	_ =	swait.ge [sflag:s24], $0x500  }
0xcc: {  	[sflag:s24] =	ssyncset.done $0x0  }
0xcd: {  	[sflag:s24] =	ssyncadd.s32 $0xFFFFFB00  }
0xce: {  	_ =	swait.ge [sflag:s24], $0x500  }
0xcf: {  	[sflag:s24] =	ssyncset.done $0x0  }
0xd0: {  	[sflag:s24] =	ssyncadd.s32 $0xFFFFFB00  }
0xd1: {  	_ =	swait.ge [sflag:s24], $0x500  }
0xd2: {  	[sflag:s24] =	ssyncset.done $0x0  }
0xd3: {  	[sflag:s24] =	ssyncadd.s32 $0xFFFFFB00  }
0xd4: {  	_ =	swait.ge [sflag:s24], $0x500  }
0xd5: {  	[sflag:s24] =	ssyncset.done $0x0  }
0xd6: {  	[sflag:s24] =	ssyncadd.s32 $0xFFFFFB00  }
0xd7: {  	_ =	swait.ge [sflag:s24], $0x500  }
0xd8: {  	[sflag:s24] =	ssyncset.done $0x0  }
0xd9: {  	[sflag:s24] =	ssyncadd.s32 $0xFFFFFB00  }
0xda: {  	_ =	swait.ge [sflag:s24], $0x500  }
0xdb: {  	[sflag:s24] =	ssyncset.done $0x0  }
0xdc: {  	[sflag:s24] =	ssyncadd.s32 $0xFFFFFB00  }
0xdd: {  	_ =	swait.ge [sflag:s24], $0x500  }
0xde: {  	[sflag:s24] =	ssyncset.done $0x0  }
0xdf: {  	[sflag:s24] =	ssyncadd.s32 $0xFFFFFB00  }
0xe0: {  	_ =	swait.ge [sflag:s24], $0x500  }
0xe1: {  	[sflag:s24] =	ssyncset.done $0x0  }
0xe2: {  	[sflag:s24] =	ssyncadd.s32 $0xFFFFFB00  }
0xe3: {  	_ =	swait.ge [sflag:s24], $0x500  }
0xe4: {  	[sflag:s24] =	ssyncset.done $0x0  }
0xe5: {  	[sflag:s24] =	ssyncadd.s32 $0xFFFFFB00  }
0xe6: {  	_ =	swait.ge [sflag:s24], $0x500  }
0xe7: {  	[sflag:s24] =	ssyncset.done $0x0  }
0xe8: {  	[sflag:s24] =	ssyncadd.s32 $0xFFFFFB00  }
0xe9: {  	_ =	swait.ge [sflag:s24], $0x500  }
0xea: {  	[sflag:s24] =	ssyncset.done $0x0  }
0xeb: {  	[sflag:s24] =	ssyncadd.s32 $0xFFFFFB00  }
0xec: {  	_ =	swait.ge [sflag:s24], $0x500  }
0xed: {  	[sflag:s24] =	ssyncset.done $0x0  }
0xee: {  	[sflag:s24] =	ssyncadd.s32 $0xFFFFFB00  }
0xef: {  	_ =	swait.ge [sflag:s24], $0x500  }
0xf0: {  	[sflag:s24] =	ssyncset.done $0x0  }
0xf1: {  	[sflag:s24] =	ssyncadd.s32 $0xFFFFFB00  }
0xf2: {  	_ =	swait.ge [sflag:s24], $0x500  }
0xf3: {  	[sflag:s24] =	ssyncset.done $0x0  }
0xf4: {  	[sflag:s24] =	ssyncadd.s32 $0xFFFFFB00  }
0xf5: {  	_ =	swait.ge [sflag:s24], $0x500  }
0xf6: {  	[sflag:s24] =	ssyncset.done $0x0  }
0xf7: {  	[sflag:s24] =	ssyncadd.s32 $0xFFFFFB00  }
0xf8: {  	_ =	swait.ge [sflag:s24], $0x500  }
0xf9: {  	[sflag:s24] =	ssyncset.done $0x0  }
0xfa: {  	[sflag:s24] =	ssyncadd.s32 $0xFFFFFB00  }
0xfb: {  	_ =	swait.ge [sflag:s24], $0x500  }
0xfc: {  	[sflag:s24] =	ssyncset.done $0x0  }
0xfd: {  	[sflag:s24] =	ssyncadd.s32 $0xFFFFFB00  }
0xfe: {  	_ =	swait.ge [sflag:s24], $0x500  }
0xff: {  	[sflag:s24] =	ssyncset.done $0x0  }
0x100: {  	[sflag:s24] =	ssyncadd.s32 $0xFFFFFB00  }
0x101: {  	_ =	swait.ge [sflag:s24], $0x500  }
0x102: {  	[sflag:s24] =	ssyncset.done $0x0  }
0x103: {  	[sflag:s24] =	ssyncadd.s32 $0xFFFFFB00  }
0x104: {  	[bflag:$0x0] =	sbarrier.arrive $0xFFFF  }
0x105: {  	s0 =	rddreg [dreg:$0x9]  }
0x106: {  	s10 =	simm.s32 $0x0;
	s1 =	rddreg [dreg:$0xb]  }
0x107: {  	[tilespmem:s10], [sflag:$0x1] =	stream.linear.gather [hbm4b:s0+s10], $0x50, $0x38;
	[tilespmem:$0x1FA40] =	vst v63  }
0x108: {  	s3 =	rddreg [dreg:$0xc]  }
0x109: {  	[tilespmem:s26], [sflag:$0x1] =	stream.linear.gather [hbm4b:s1+s10], $0x50, $0x38;
	[tilespmem:$0x1FA40] =	vst v63  }
0x10a: {  	s7 =	rddreg [dreg:$0xd]  }
0x10b: {  	[tilespmem:s17], [sflag:$0x1] =	stream.linear.gather [hbm4b:s3+s10], $0x50, $0x38;
	[tilespmem:$0x1FA40] =	vst v63  }
0x10c: {  	s12 =	rddreg [dreg:$0xe]  }
0x10d: {  	[tilespmem:s14], [sflag:$0x1] =	stream.linear.gather [hbm4b:s7+s10], $0x50, $0x38;
	[tilespmem:$0x1FA40] =	vst v63  }
0x10e: {  	s15 =	rddreg [dreg:$0x10]  }
0x10f: {  	[tilespmem:s18], [sflag:$0x1] =	stream.linear.gather [hbm4b:s12+s10], $0x50, $0x38;
	[tilespmem:$0x1FA40] =	vst v63  }
0x110: {  	s14 =	rddreg [dreg:$0xf]  }
0x111: {  	[tilespmem:s5], [sflag:$0x2] =	stream.linear.gather [hbm4b:s14+s10], $0x50, $0x38;
	[tilespmem:$0x1FA40] =	vst v63  }
0x112: {  	s28 =	rddreg [dreg:$0x13]  }
0x113: {  	[tilespmem:s6], [sflag:$0x2] =	stream.linear.gather [hbm4b:s15+s10], $0x50, $0x38;
	[tilespmem:$0x1FA40] =	vst v63  }
0x114: {  	s18 =	rddreg [dreg:$0x11]  }
0x115: {  	[tilespmem:s19], [sflag:$0x2] =	stream.linear.gather [hbm4b:s18+s10], $0x50, $0x38;
	[tilespmem:$0x1FA40] =	vst v63  }
0x116: {  	s19 =	rddreg [dreg:$0x12]  }
0x117: {  	[tilespmem:s23], [sflag:$0x2] =	stream.linear.gather [hbm4b:s19+s10], $0x50, $0x38;
	[tilespmem:$0x1FA40] =	vst v63  }
0x118: {  	s0 =	simm.s32 $0x2D0;
	s5 =	simm.s32 $0xE740;
	s19 =	simm.s32 $0xCE40  }
0x119: {  	[tilespmem:s0], [sflag:$0x2] =	stream.linear.gather [hbm4b:s28+s10], $0x50, $0x38;
	[tilespmem:$0x1FA40] =	vst v63  }
.LBB2_8:
0x11a: {  	p0 =	seq.s32 s10, $0x0  }
0x11b: {  	s11 =	simm.s32 @!p0 $0x7  }
0x11c: {  	_ =	swait.ge @!p0 [sflag:s11], $0x1900  }
0x11d: {  	[sflag:s11] =	ssyncset.done @!p0 $0x0  }
0x11e: {  	[sflag:s11] =	ssyncadd.s32 @!p0 $0xFFFFE700  }
0x11f: {  	_ =	swait.ge @!p0 [sflag:s11], $0x1900  }
0x120: {  	[sflag:s11] =	ssyncset.done @!p0 $0x0  }
0x121: {  	[sflag:s11] =	ssyncadd.s32 @!p0 $0xFFFFE700  }
0x122: {  	_ =	swait.ge @!p0 [sflag:s11], $0x1900  }
0x123: {  	[sflag:s11] =	ssyncset.done @!p0 $0x0  }
0x124: {  	[sflag:s11] =	ssyncadd.s32 @!p0 $0xFFFFE700  }
0x125: {  	_ =	swait.ge @!p0 [sflag:s11], $0x1900  }
0x126: {  	[sflag:s11] =	ssyncset.done @!p0 $0x0  }
0x127: {  	[sflag:s11] =	ssyncadd.s32 @!p0 $0xFFFFE700  }
0x128: {  	_ =	swait.ge @!p0 [sflag:s11], $0x1900  }
0x129: {  	s12 =	rddreg [dreg:$0x8];
	[sflag:s11] =	ssyncset.done @!p0 $0x0  }
0x12a: {  	s18 =	simm.s32 $0x320;
	[sflag:s11] =	ssyncadd.s32 @!p0 $0xFFFFE700;
	s14 =	sadd.s32 s10, s12  }
0x12b: {  	[tilespmem:s18], [sflag:$0x3] =	stream.linear.gather [hbm4b:s14+s4], $0x50, $0x38;
	[tilespmem:$0x1FA40] =	vst v63  }
0x12c: {  	s6 =	simm.s32 $0x370;
	s1 =	sadd.s32 $0xA, s14  }
0x12d: {  	[tilespmem:s6], [sflag:$0x3] =	stream.linear.gather [hbm4b:s1+s4], $0x50, $0x38;
	[tilespmem:$0x1FA40] =	vst v63  }
0x12e: {  	s23 =	simm.s32 $0x3C0;
	s3 =	sadd.s32 $0x14, s14  }
0x12f: {  	[tilespmem:s23], [sflag:$0x3] =	stream.linear.gather [hbm4b:s3+s4], $0x50, $0x38;
	[tilespmem:$0x1FA40] =	vst v63  }
0x130: {  	s28 =	simm.s32 $0x410;
	s7 =	sadd.s32 $0x1E, s14  }
0x131: {  	[tilespmem:s28], [sflag:$0x3] =	stream.linear.gather [hbm4b:s7+s4], $0x50, $0x38;
	[tilespmem:$0x1FA40] =	vst v63  }
0x132: {  	s12 =	sadd.s32 $0x28, s14  }
0x133: {  	[tilespmem:s29], [sflag:$0x3] =	stream.linear.gather [hbm4b:s12+s4], $0x50, $0x38;
	[tilespmem:$0x1FA40] =	vst v63  }
0x134: {  	_ =	swait.ge [sflag:s13], $0x50  }
0x135: {  	[sflag:s13] =	ssyncset.done $0x0  }
0x136: {  	[sflag:s13] =	ssyncadd.s32 $0xFFFFFFB0  }
0x137: {  	_ =	swait.ge [sflag:s13], $0x50  }
0x138: {  	[sflag:s13] =	ssyncset.done $0x0  }
0x139: {  	[sflag:s13] =	ssyncadd.s32 $0xFFFFFFB0  }
0x13a: {  	_ =	swait.ge [sflag:s13], $0x50  }
0x13b: {  	[sflag:s13] =	ssyncset.done $0x0  }
0x13c: {  	[sflag:s13] =	ssyncadd.s32 $0xFFFFFFB0  }
0x13d: {  	_ =	swait.ge [sflag:s13], $0x50  }
0x13e: {  	[sflag:s13] =	ssyncset.done $0x0  }
0x13f: {  	[sflag:s13] =	ssyncadd.s32 $0xFFFFFFB0  }
0x140: {  	_ =	swait.ge [sflag:s13], $0x50  }
0x141: {  	[sflag:s13] =	ssyncset.done $0x0  }
0x142: {  	[sflag:s13] =	ssyncadd.s32 $0xFFFFFFB0  }
0x143: {  	[tilespmem:s31], [sflag:$0x5] =	stream.indirect.gather [hbm4b:s16+s26], $0x50, s4, s26, $0xb8;
	[tilespmem:$0x1FA40] =	vst v63  }
0x144: {  	s0 =	simm.s32 $0x1F40  }
0x145: {  	[tilespmem:s0], [sflag:$0x5] =	stream.indirect.gather [hbm4b:s16+s26], $0x50, s26, s26, $0xb8;
	[tilespmem:$0x1FA40] =	vst v63  }
0x146: {  	s3 =	simm.s32 $0x3840  }
0x147: {  	[tilespmem:s3], [sflag:$0x5] =	stream.indirect.gather [hbm4b:s16+s26], $0x50, s17, s26, $0xb8;
	[tilespmem:$0x1FA40] =	vst v63  }
0x148: {  	s15 =	simm.s32 $0xF0;
	s7 =	simm.s32 $0x5140  }
0x149: {  	[tilespmem:s7], [sflag:$0x5] =	stream.indirect.gather [hbm4b:s16+s26], $0x50, s15, s26, $0xb8;
	[tilespmem:$0x1FA40] =	vst v63  }
0x14a: {  	s1 =	simm.s32 $0x6A40;
	s17 =	simm.s32 $0x140  }
0x14b: {  	[tilespmem:s1], [sflag:$0x5] =	stream.indirect.gather [hbm4b:s16+s26], $0x50, s17, s26, $0xb8;
	[tilespmem:$0x1FA40] =	vst v63  }
0x14c: {  	_ =	swait.ge [sflag:s24], $0x1900  }
0x14d: {  	[sflag:s24] =	ssyncset.done $0x0  }
0x14e: {  	[sflag:s24] =	ssyncadd.s32 $0xFFFFE700  }
0x14f: {  	_ =	swait.ge [sflag:s24], $0x1900  }
0x150: {  	[sflag:s24] =	ssyncset.done $0x0  }
0x151: {  	[sflag:s24] =	ssyncadd.s32 $0xFFFFE700  }
0x152: {  	_ =	swait.ge [sflag:s24], $0x1900  }
0x153: {  	[sflag:s24] =	ssyncset.done $0x0  }
0x154: {  	[sflag:s24] =	ssyncadd.s32 $0xFFFFE700  }
0x155: {  	_ =	swait.ge [sflag:s24], $0x1900  }
0x156: {  	[sflag:s24] =	ssyncset.done $0x0  }
0x157: {  	[sflag:s24] =	ssyncadd.s32 $0xFFFFE700  }
0x158: {  	_ =	swait.ge [sflag:s24], $0x1900  }
0x159: {  	p1 =	seq.s32 s10, $0x960;
	s11 =	rddreg [dreg:$0x7]  }
0x15a: {  	[sflag:s24] =	ssyncset.done $0x0;
	s11 =	sadd.s32 @!p1 s10, s11  }
0x15b: {  	s12 =	simm.s32 @!p1 $0x0;
	[sflag:s24] =	ssyncadd.s32 $0xFFFFE700;
	s15 =	sadd.s32 @!p1 $0x64, s11  }
0x15c: {  	[tilespmem:s12], [sflag:$0x1] =	stream.linear.gather @!p1 [hbm4b:s15+s12], $0x50, $0x38;
	[tilespmem:$0x1FA40] =	vst v63  }
0x15d: {  	s17 =	simm.s32 @!p1 $0x50;
	s15 =	sadd.s32 @!p1 $0x6E, s11  }
0x15e: {  	[tilespmem:s17], [sflag:$0x1] =	stream.linear.gather @!p1 [hbm4b:s15+s12], $0x50, $0x38;
	[tilespmem:$0x1FA40] =	vst v63  }
0x15f: {  	s15 =	sadd.s32 @!p1 $0x78, s11;
	s17 =	simm.s32 @!p1 $0xA0  }
0x160: {  	[tilespmem:s17], [sflag:$0x1] =	stream.linear.gather @!p1 [hbm4b:s15+s12], $0x50, $0x38;
	[tilespmem:$0x1FA40] =	vst v63  }
0x161: {  	s15 =	sadd.s32 @!p1 $0x82, s11;
	s17 =	simm.s32 @!p1 $0xF0  }
0x162: {  	[tilespmem:s17], [sflag:$0x1] =	stream.linear.gather @!p1 [hbm4b:s15+s12], $0x50, $0x38;
	[tilespmem:$0x1FA40] =	vst v63  }
0x163: {  	s15 =	sadd.s32 @!p1 $0x8C, s11;
	s17 =	simm.s32 @!p1 $0x140  }
0x164: {  	[tilespmem:s17], [sflag:$0x1] =	stream.linear.gather @!p1 [hbm4b:s15+s12], $0x50, $0x38;
	[tilespmem:$0x1FA40] =	vst v63  }
0x165: {  	_ =	swait.ge [sflag:s25], $0x50  }
0x166: {  	[sflag:s25] =	ssyncset.done $0x0  }
0x167: {  	[sflag:s25] =	ssyncadd.s32 $0xFFFFFFB0  }
0x168: {  	_ =	swait.ge [sflag:s25], $0x50  }
0x169: {  	[sflag:s25] =	ssyncset.done $0x0  }
0x16a: {  	[sflag:s25] =	ssyncadd.s32 $0xFFFFFFB0  }
0x16b: {  	_ =	swait.ge [sflag:s25], $0x50  }
0x16c: {  	[sflag:s25] =	ssyncset.done $0x0  }
0x16d: {  	[sflag:s25] =	ssyncadd.s32 $0xFFFFFFB0  }
0x16e: {  	_ =	swait.ge [sflag:s25], $0x50  }
0x16f: {  	[sflag:s25] =	ssyncset.done $0x0  }
0x170: {  	[sflag:s25] =	ssyncadd.s32 $0xFFFFFFB0  }
0x171: {  	_ =	swait.ge [sflag:s25], $0x50  }
0x172: {  	[sflag:s25] =	ssyncset.done $0x0  }
0x173: {  	[sflag:s25] =	ssyncadd.s32 $0xFFFFFFB0  }
0x174: {  	[spmem:s2] =	stream.indirect.scatter.add.f32 [tilespmem:s31], [sflag:$0x7], $0x50, s18, s26, $0xb8;
	[tilespmem:$0x1FA40] =	vst v63  }
0x175: {  	_ = 	snop  }
0x176: {  	[spmem:s2] =	stream.indirect.scatter.add.f32 [tilespmem:s0], [sflag:$0x7], $0x50, s6, s26, $0xb8;
	[tilespmem:$0x1FA40] =	vst v63  }
0x177: {  	_ = 	snop  }
0x178: {  	[spmem:s2] =	stream.indirect.scatter.add.f32 [tilespmem:s3], [sflag:$0x7], $0x50, s23, s26, $0xb8;
	[tilespmem:$0x1FA40] =	vst v63  }
0x179: {  	_ = 	snop  }
0x17a: {  	[spmem:s2] =	stream.indirect.scatter.add.f32 [tilespmem:s7], [sflag:$0x7], $0x50, s28, s26, $0xb8;
	[tilespmem:$0x1FA40] =	vst v63  }
0x17b: {  	_ = 	snop  }
0x17c: {  	[spmem:s2] =	stream.indirect.scatter.add.f32 [tilespmem:s1], [sflag:$0x7], $0x50, s29, s26, $0xb8;
	[tilespmem:$0x1FA40] =	vst v63  }
0x17d: {  	v3 =	vld [tilespmem:$0x320];
	_ =	sdelay $0x7  }
0x17e: {  	[tilespmem:v3+s22+$0x0] =	vst.idx.add.f32.msk $0xffff, v2  }
0x17f: {  	v3 =	vld [tilespmem:$0x330];
	_ =	sdelay $0x7  }
0x180: {  	[tilespmem:v3+s22+$0x0] =	vst.idx.add.f32.msk $0xffff, v2  }
0x181: {  	v3 =	vld [tilespmem:$0x340];
	_ =	sdelay $0x7  }
0x182: {  	[tilespmem:v3+s22+$0x0] =	vst.idx.add.f32.msk $0xffff, v2  }
0x183: {  	v3 =	vld [tilespmem:$0x350];
	_ =	sdelay $0x7  }
0x184: {  	[tilespmem:v3+s22+$0x0] =	vst.idx.add.f32.msk $0xffff, v2  }
0x185: {  	v3 =	vld [tilespmem:$0x360];
	_ =	sdelay $0x7  }
0x186: {  	[tilespmem:v3+s22+$0x0] =	vst.idx.add.f32.msk $0xffff, v2  }
0x187: {  	v3 =	vld [tilespmem:$0x370];
	_ =	sdelay $0x7  }
0x188: {  	[tilespmem:v3+s22+$0x0] =	vst.idx.add.f32.msk $0xffff, v2  }
0x189: {  	v3 =	vld [tilespmem:$0x380];
	_ =	sdelay $0x7  }
0x18a: {  	[tilespmem:v3+s22+$0x0] =	vst.idx.add.f32.msk $0xffff, v2  }
0x18b: {  	v3 =	vld [tilespmem:$0x390];
	_ =	sdelay $0x7  }
0x18c: {  	[tilespmem:v3+s22+$0x0] =	vst.idx.add.f32.msk $0xffff, v2  }
0x18d: {  	v3 =	vld [tilespmem:$0x3A0];
	_ =	sdelay $0x7  }
0x18e: {  	[tilespmem:v3+s22+$0x0] =	vst.idx.add.f32.msk $0xffff, v2  }
0x18f: {  	v3 =	vld [tilespmem:$0x3B0];
	_ =	sdelay $0x7  }
0x190: {  	[tilespmem:v3+s22+$0x0] =	vst.idx.add.f32.msk $0xffff, v2  }
0x191: {  	v3 =	vld [tilespmem:$0x3C0];
	_ =	sdelay $0x7  }
0x192: {  	[tilespmem:v3+s22+$0x0] =	vst.idx.add.f32.msk $0xffff, v2  }
0x193: {  	v3 =	vld [tilespmem:$0x3D0];
	_ =	sdelay $0x7  }
0x194: {  	[tilespmem:v3+s22+$0x0] =	vst.idx.add.f32.msk $0xffff, v2  }
0x195: {  	v3 =	vld [tilespmem:$0x3E0];
	_ =	sdelay $0x7  }
0x196: {  	[tilespmem:v3+s22+$0x0] =	vst.idx.add.f32.msk $0xffff, v2  }
0x197: {  	v3 =	vld [tilespmem:$0x3F0];
	_ =	sdelay $0x7  }
0x198: {  	[tilespmem:v3+s22+$0x0] =	vst.idx.add.f32.msk $0xffff, v2  }
0x199: {  	v3 =	vld [tilespmem:$0x400];
	_ =	sdelay $0x7  }
0x19a: {  	[tilespmem:v3+s22+$0x0] =	vst.idx.add.f32.msk $0xffff, v2  }
0x19b: {  	v3 =	vld [tilespmem:$0x410];
	_ =	sdelay $0x7  }
0x19c: {  	[tilespmem:v3+s22+$0x0] =	vst.idx.add.f32.msk $0xffff, v2  }
0x19d: {  	v3 =	vld [tilespmem:$0x420];
	_ =	sdelay $0x7  }
0x19e: {  	[tilespmem:v3+s22+$0x0] =	vst.idx.add.f32.msk $0xffff, v2  }
0x19f: {  	v3 =	vld [tilespmem:$0x430];
	_ =	sdelay $0x7  }
0x1a0: {  	[tilespmem:v3+s22+$0x0] =	vst.idx.add.f32.msk $0xffff, v2  }
0x1a1: {  	v3 =	vld [tilespmem:$0x440];
	_ =	sdelay $0x7  }
0x1a2: {  	[tilespmem:v3+s22+$0x0] =	vst.idx.add.f32.msk $0xffff, v2  }
0x1a3: {  	v3 =	vld [tilespmem:$0x450];
	_ =	sdelay $0x7  }
0x1a4: {  	[tilespmem:v3+s22+$0x0] =	vst.idx.add.f32.msk $0xffff, v2  }
0x1a5: {  	v3 =	vld [tilespmem:$0x460];
	_ =	sdelay $0x7  }
0x1a6: {  	[tilespmem:v3+s22+$0x0] =	vst.idx.add.f32.msk $0xffff, v2  }
0x1a7: {  	v3 =	vld [tilespmem:$0x470];
	_ =	sdelay $0x7  }
0x1a8: {  	[tilespmem:v3+s22+$0x0] =	vst.idx.add.f32.msk $0xffff, v2  }
0x1a9: {  	v3 =	vld [tilespmem:$0x480];
	_ =	sdelay $0x7  }
0x1aa: {  	[tilespmem:v3+s22+$0x0] =	vst.idx.add.f32.msk $0xffff, v2  }
0x1ab: {  	v3 =	vld [tilespmem:$0x490];
	_ =	sdelay $0x7  }
0x1ac: {  	[tilespmem:v3+s22+$0x0] =	vst.idx.add.f32.msk $0xffff, v2  }
0x1ad: {  	v3 =	vld [tilespmem:$0x4A0];
	_ =	sdelay $0x7  }
0x1ae: {  	s15 =	simm.s32 @!p0 $0x8;
	[tilespmem:v3+s22+$0x0] =	vst.idx.add.f32.msk $0xffff, v2  }
0x1af: {  	_ =	swait.ge @!p0 [sflag:s15], $0x1900  }
0x1b0: {  	[sflag:s15] =	ssyncset.done @!p0 $0x0  }
0x1b1: {  	[sflag:s15] =	ssyncadd.s32 @!p0 $0xFFFFE700  }
0x1b2: {  	_ =	swait.ge @!p0 [sflag:s15], $0x1900  }
0x1b3: {  	[sflag:s15] =	ssyncset.done @!p0 $0x0  }
0x1b4: {  	[sflag:s15] =	ssyncadd.s32 @!p0 $0xFFFFE700  }
0x1b5: {  	_ =	swait.ge @!p0 [sflag:s15], $0x1900  }
0x1b6: {  	[sflag:s15] =	ssyncset.done @!p0 $0x0  }
0x1b7: {  	[sflag:s15] =	ssyncadd.s32 @!p0 $0xFFFFE700  }
0x1b8: {  	_ =	swait.ge @!p0 [sflag:s15], $0x1900  }
0x1b9: {  	[sflag:s15] =	ssyncset.done @!p0 $0x0  }
0x1ba: {  	[sflag:s15] =	ssyncadd.s32 @!p0 $0xFFFFE700  }
0x1bb: {  	_ =	swait.ge @!p0 [sflag:s15], $0x1900  }
0x1bc: {  	[sflag:s15] =	ssyncset.done @!p0 $0x0  }
0x1bd: {  	s0 =	simm.s32 $0x4B0;
	s3 =	sadd.s32 $0x32, s14;
	[sflag:s15] =	ssyncadd.s32 @!p0 $0xFFFFE700  }
0x1be: {  	[tilespmem:s0], [sflag:$0x4] =	stream.linear.gather [hbm4b:s3+s4], $0x50, $0x38;
	[tilespmem:$0x1FA40] =	vst v63  }
0x1bf: {  	s6 =	sadd.s32 $0x3C, s14;
	s1 =	simm.s32 $0x500  }
0x1c0: {  	[tilespmem:s1], [sflag:$0x4] =	stream.linear.gather [hbm4b:s6+s4], $0x50, $0x38;
	[tilespmem:$0x1FA40] =	vst v63  }
0x1c1: {  	s7 =	sadd.s32 $0x46, s14;
	s3 =	simm.s32 $0x550  }
0x1c2: {  	[tilespmem:s3], [sflag:$0x4] =	stream.linear.gather [hbm4b:s7+s4], $0x50, $0x38;
	[tilespmem:$0x1FA40] =	vst v63  }
0x1c3: {  	s18 =	sadd.s32 $0x50, s14;
	s6 =	simm.s32 $0x5A0  }
0x1c4: {  	[tilespmem:s6], [sflag:$0x4] =	stream.linear.gather [hbm4b:s18+s4], $0x50, $0x38;
	[tilespmem:$0x1FA40] =	vst v63  }
0x1c5: {  	s14 =	sadd.s32 $0x5A, s14;
	s7 =	simm.s32 $0x5F0  }
0x1c6: {  	[tilespmem:s7], [sflag:$0x4] =	stream.linear.gather [hbm4b:s14+s4], $0x50, $0x38;
	[tilespmem:$0x1FA40] =	vst v63  }
0x1c7: {  	_ =	swait.ge [sflag:s30], $0x50  }
0x1c8: {  	[sflag:s30] =	ssyncset.done $0x0  }
0x1c9: {  	[sflag:s30] =	ssyncadd.s32 $0xFFFFFFB0  }
0x1ca: {  	_ =	swait.ge [sflag:s30], $0x50  }
0x1cb: {  	[sflag:s30] =	ssyncset.done $0x0  }
0x1cc: {  	[sflag:s30] =	ssyncadd.s32 $0xFFFFFFB0  }
0x1cd: {  	_ =	swait.ge [sflag:s30], $0x50  }
0x1ce: {  	[sflag:s30] =	ssyncset.done $0x0  }
0x1cf: {  	[sflag:s30] =	ssyncadd.s32 $0xFFFFFFB0  }
0x1d0: {  	_ =	swait.ge [sflag:s30], $0x50  }
0x1d1: {  	[sflag:s30] =	ssyncset.done $0x0  }
0x1d2: {  	[sflag:s30] =	ssyncadd.s32 $0xFFFFFFB0  }
0x1d3: {  	_ =	swait.ge [sflag:s30], $0x50  }
0x1d4: {  	[sflag:s30] =	ssyncset.done $0x0  }
0x1d5: {  	s23 =	simm.s32 $0x190;
	s18 =	simm.s32 $0x8340;
	[sflag:s30] =	ssyncadd.s32 $0xFFFFFFB0  }
0x1d6: {  	[tilespmem:s18], [sflag:$0x6] =	stream.indirect.gather [hbm4b:s16+s26], $0x50, s23, s26, $0xb8;
	[tilespmem:$0x1FA40] =	vst v63  }
0x1d7: {  	s28 =	simm.s32 $0x1E0;
	s23 =	simm.s32 $0x9C40  }
0x1d8: {  	[tilespmem:s23], [sflag:$0x6] =	stream.indirect.gather [hbm4b:s16+s26], $0x50, s28, s26, $0xb8;
	[tilespmem:$0x1FA40] =	vst v63  }
0x1d9: {  	s15 =	simm.s32 $0x230;
	s28 =	simm.s32 $0xB540  }
0x1da: {  	[tilespmem:s28], [sflag:$0x6] =	stream.indirect.gather [hbm4b:s16+s26], $0x50, s15, s26, $0xb8;
	[tilespmem:$0x1FA40] =	vst v63  }
0x1db: {  	s15 =	simm.s32 $0x280  }
0x1dc: {  	[tilespmem:s19], [sflag:$0x6] =	stream.indirect.gather [hbm4b:s16+s26], $0x50, s15, s26, $0xb8;
	[tilespmem:$0x1FA40] =	vst v63  }
0x1dd: {  	s15 =	simm.s32 $0x2D0  }
0x1de: {  	[tilespmem:s5], [sflag:$0x6] =	stream.indirect.gather [hbm4b:s16+s26], $0x50, s15, s26, $0xb8;
	[tilespmem:$0x1FA40] =	vst v63  }
0x1df: {  	_ =	swait.ge [sflag:s8], $0x1900  }
0x1e0: {  	[sflag:s8] =	ssyncset.done $0x0  }
0x1e1: {  	[sflag:s8] =	ssyncadd.s32 $0xFFFFE700  }
0x1e2: {  	_ =	swait.ge [sflag:s8], $0x1900  }
0x1e3: {  	[sflag:s8] =	ssyncset.done $0x0  }
0x1e4: {  	[sflag:s8] =	ssyncadd.s32 $0xFFFFE700  }
0x1e5: {  	_ =	swait.ge [sflag:s8], $0x1900  }
0x1e6: {  	[sflag:s8] =	ssyncset.done $0x0  }
0x1e7: {  	[sflag:s8] =	ssyncadd.s32 $0xFFFFE700  }
0x1e8: {  	_ =	swait.ge [sflag:s8], $0x1900  }
0x1e9: {  	[sflag:s8] =	ssyncset.done $0x0  }
0x1ea: {  	[sflag:s8] =	ssyncadd.s32 $0xFFFFE700  }
0x1eb: {  	_ =	swait.ge [sflag:s8], $0x1900  }
0x1ec: {  	[sflag:s8] =	ssyncset.done $0x0  }
0x1ed: {  	s14 =	sadd.s32 @!p1 $0x96, s11;
	s15 =	simm.s32 @!p1 $0x190;
	[sflag:s8] =	ssyncadd.s32 $0xFFFFE700  }
0x1ee: {  	[tilespmem:s15], [sflag:$0x2] =	stream.linear.gather @!p1 [hbm4b:s14+s12], $0x50, $0x38;
	[tilespmem:$0x1FA40] =	vst v63  }
0x1ef: {  	s14 =	sadd.s32 @!p1 $0xA0, s11;
	s15 =	simm.s32 @!p1 $0x1E0  }
0x1f0: {  	[tilespmem:s15], [sflag:$0x2] =	stream.linear.gather @!p1 [hbm4b:s14+s12], $0x50, $0x38;
	[tilespmem:$0x1FA40] =	vst v63  }
0x1f1: {  	s14 =	sadd.s32 @!p1 $0xAA, s11;
	s15 =	simm.s32 @!p1 $0x230  }
0x1f2: {  	[tilespmem:s15], [sflag:$0x2] =	stream.linear.gather @!p1 [hbm4b:s14+s12], $0x50, $0x38;
	[tilespmem:$0x1FA40] =	vst v63  }
0x1f3: {  	s14 =	sadd.s32 @!p1 $0xB4, s11;
	s15 =	simm.s32 @!p1 $0x280  }
0x1f4: {  	[tilespmem:s15], [sflag:$0x2] =	stream.linear.gather @!p1 [hbm4b:s14+s12], $0x50, $0x38;
	[tilespmem:$0x1FA40] =	vst v63  }
0x1f5: {  	s11 =	sadd.s32 @!p1 $0xBE, s11;
	s14 =	simm.s32 @!p1 $0x2D0  }
0x1f6: {  	[tilespmem:s14], [sflag:$0x2] =	stream.linear.gather @!p1 [hbm4b:s11+s12], $0x50, $0x38;
	[tilespmem:$0x1FA40] =	vst v63  }
0x1f7: {  	_ =	swait.ge [sflag:s9], $0x50  }
0x1f8: {  	[sflag:s9] =	ssyncset.done $0x0  }
0x1f9: {  	[sflag:s9] =	ssyncadd.s32 $0xFFFFFFB0  }
0x1fa: {  	_ =	swait.ge [sflag:s9], $0x50  }
0x1fb: {  	[sflag:s9] =	ssyncset.done $0x0  }
0x1fc: {  	[sflag:s9] =	ssyncadd.s32 $0xFFFFFFB0  }
0x1fd: {  	_ =	swait.ge [sflag:s9], $0x50  }
0x1fe: {  	[sflag:s9] =	ssyncset.done $0x0  }
0x1ff: {  	[sflag:s9] =	ssyncadd.s32 $0xFFFFFFB0  }
0x200: {  	_ =	swait.ge [sflag:s9], $0x50  }
0x201: {  	[sflag:s9] =	ssyncset.done $0x0  }
0x202: {  	[sflag:s9] =	ssyncadd.s32 $0xFFFFFFB0  }
0x203: {  	_ =	swait.ge [sflag:s9], $0x50  }
0x204: {  	[sflag:s9] =	ssyncset.done $0x0  }
0x205: {  	[sflag:s9] =	ssyncadd.s32 $0xFFFFFFB0  }
0x206: {  	[spmem:s2] =	stream.indirect.scatter.add.f32 [tilespmem:s18], [sflag:$0x8], $0x50, s0, s26, $0xb8;
	[tilespmem:$0x1FA40] =	vst v63  }
0x207: {  	_ = 	snop  }
0x208: {  	[spmem:s2] =	stream.indirect.scatter.add.f32 [tilespmem:s23], [sflag:$0x8], $0x50, s1, s26, $0xb8;
	[tilespmem:$0x1FA40] =	vst v63  }
0x209: {  	_ = 	snop  }
0x20a: {  	[spmem:s2] =	stream.indirect.scatter.add.f32 [tilespmem:s28], [sflag:$0x8], $0x50, s3, s26, $0xb8;
	[tilespmem:$0x1FA40] =	vst v63  }
0x20b: {  	_ = 	snop  }
0x20c: {  	[spmem:s2] =	stream.indirect.scatter.add.f32 [tilespmem:s19], [sflag:$0x8], $0x50, s6, s26, $0xb8;
	[tilespmem:$0x1FA40] =	vst v63  }
0x20d: {  	_ = 	snop  }
0x20e: {  	[spmem:s2] =	stream.indirect.scatter.add.f32 [tilespmem:s5], [sflag:$0x8], $0x50, s7, s26, $0xb8;
	[tilespmem:$0x1FA40] =	vst v63  }
0x20f: {  	v3 =	vld [tilespmem:$0x4B0];
	_ =	sdelay $0x7  }
0x210: {  	[tilespmem:v3+s22+$0x0] =	vst.idx.add.f32.msk $0xffff, v2  }
0x211: {  	v3 =	vld [tilespmem:$0x4C0];
	_ =	sdelay $0x7  }
0x212: {  	[tilespmem:v3+s22+$0x0] =	vst.idx.add.f32.msk $0xffff, v2  }
0x213: {  	v3 =	vld [tilespmem:$0x4D0];
	_ =	sdelay $0x7  }
0x214: {  	[tilespmem:v3+s22+$0x0] =	vst.idx.add.f32.msk $0xffff, v2  }
0x215: {  	v3 =	vld [tilespmem:$0x4E0];
	_ =	sdelay $0x7  }
0x216: {  	[tilespmem:v3+s22+$0x0] =	vst.idx.add.f32.msk $0xffff, v2  }
0x217: {  	v3 =	vld [tilespmem:$0x4F0];
	_ =	sdelay $0x7  }
0x218: {  	[tilespmem:v3+s22+$0x0] =	vst.idx.add.f32.msk $0xffff, v2  }
0x219: {  	v3 =	vld [tilespmem:$0x500];
	_ =	sdelay $0x7  }
0x21a: {  	[tilespmem:v3+s22+$0x0] =	vst.idx.add.f32.msk $0xffff, v2  }
0x21b: {  	v3 =	vld [tilespmem:$0x510];
	_ =	sdelay $0x7  }
0x21c: {  	[tilespmem:v3+s22+$0x0] =	vst.idx.add.f32.msk $0xffff, v2  }
0x21d: {  	v3 =	vld [tilespmem:$0x520];
	_ =	sdelay $0x7  }
0x21e: {  	[tilespmem:v3+s22+$0x0] =	vst.idx.add.f32.msk $0xffff, v2  }
0x21f: {  	v3 =	vld [tilespmem:$0x530];
	_ =	sdelay $0x7  }
0x220: {  	[tilespmem:v3+s22+$0x0] =	vst.idx.add.f32.msk $0xffff, v2  }
0x221: {  	v3 =	vld [tilespmem:$0x540];
	_ =	sdelay $0x7  }
0x222: {  	[tilespmem:v3+s22+$0x0] =	vst.idx.add.f32.msk $0xffff, v2  }
0x223: {  	v3 =	vld [tilespmem:$0x550];
	_ =	sdelay $0x7  }
0x224: {  	[tilespmem:v3+s22+$0x0] =	vst.idx.add.f32.msk $0xffff, v2  }
0x225: {  	v3 =	vld [tilespmem:$0x560];
	_ =	sdelay $0x7  }
0x226: {  	[tilespmem:v3+s22+$0x0] =	vst.idx.add.f32.msk $0xffff, v2  }
0x227: {  	v3 =	vld [tilespmem:$0x570];
	_ =	sdelay $0x7  }
0x228: {  	[tilespmem:v3+s22+$0x0] =	vst.idx.add.f32.msk $0xffff, v2  }
0x229: {  	v3 =	vld [tilespmem:$0x580];
	_ =	sdelay $0x7  }
0x22a: {  	[tilespmem:v3+s22+$0x0] =	vst.idx.add.f32.msk $0xffff, v2  }
0x22b: {  	v3 =	vld [tilespmem:$0x590];
	_ =	sdelay $0x7  }
0x22c: {  	[tilespmem:v3+s22+$0x0] =	vst.idx.add.f32.msk $0xffff, v2  }
0x22d: {  	v3 =	vld [tilespmem:$0x5A0];
	_ =	sdelay $0x7  }
0x22e: {  	[tilespmem:v3+s22+$0x0] =	vst.idx.add.f32.msk $0xffff, v2  }
0x22f: {  	v3 =	vld [tilespmem:$0x5B0];
	_ =	sdelay $0x7  }
0x230: {  	[tilespmem:v3+s22+$0x0] =	vst.idx.add.f32.msk $0xffff, v2  }
0x231: {  	v3 =	vld [tilespmem:$0x5C0];
	_ =	sdelay $0x7  }
0x232: {  	[tilespmem:v3+s22+$0x0] =	vst.idx.add.f32.msk $0xffff, v2  }
0x233: {  	v3 =	vld [tilespmem:$0x5D0];
	_ =	sdelay $0x7  }
0x234: {  	[tilespmem:v3+s22+$0x0] =	vst.idx.add.f32.msk $0xffff, v2  }
0x235: {  	v3 =	vld [tilespmem:$0x5E0];
	_ =	sdelay $0x7  }
0x236: {  	[tilespmem:v3+s22+$0x0] =	vst.idx.add.f32.msk $0xffff, v2  }
0x237: {  	v3 =	vld [tilespmem:$0x5F0];
	_ =	sdelay $0x7  }
0x238: {  	[tilespmem:v3+s22+$0x0] =	vst.idx.add.f32.msk $0xffff, v2  }
0x239: {  	v3 =	vld [tilespmem:$0x600];
	_ =	sdelay $0x7  }
0x23a: {  	[tilespmem:v3+s22+$0x0] =	vst.idx.add.f32.msk $0xffff, v2  }
0x23b: {  	v3 =	vld [tilespmem:$0x610];
	_ =	sdelay $0x7  }
0x23c: {  	[tilespmem:v3+s22+$0x0] =	vst.idx.add.f32.msk $0xffff, v2  }
0x23d: {  	v3 =	vld [tilespmem:$0x620];
	_ =	sdelay $0x7  }
0x23e: {  	[tilespmem:v3+s22+$0x0] =	vst.idx.add.f32.msk $0xffff, v2  }
0x23f: {  	v3 =	vld [tilespmem:$0x630];
	_ =	sdelay $0x1  }
0x240: {  	s10 =	sadd.s32 $0x64, s10  }
0x241: {  	p0 =	sne.s32 s10, $0x9C4  }
.Ltmp3:
0x242: {  	_ = 	snop;
	(pc) =	sbr.rel @p0 .LBB2_8-.Ltmp3, $2  }
0x243: {  	_ =	sdelay $0x2  }
0x244: {  	s17 =	simm.s32 $0xA0;
	[tilespmem:v3+s22+$0x0] =	vst.idx.add.f32.msk $0xffff, v2  }
0x245: {  	s0 =	simm.s32 $0x7  }
0x246: {  	_ =	swait.ge [sflag:s0], $0x1900  }
0x247: {  	[sflag:s0] =	ssyncset.done $0x0  }
0x248: {  	[sflag:s0] =	ssyncadd.s32 $0xFFFFE700  }
0x249: {  	_ =	swait.ge [sflag:s0], $0x1900  }
0x24a: {  	[sflag:s0] =	ssyncset.done $0x0  }
0x24b: {  	[sflag:s0] =	ssyncadd.s32 $0xFFFFE700  }
0x24c: {  	_ =	swait.ge [sflag:s0], $0x1900  }
0x24d: {  	[sflag:s0] =	ssyncset.done $0x0  }
0x24e: {  	[sflag:s0] =	ssyncadd.s32 $0xFFFFE700  }
0x24f: {  	_ =	swait.ge [sflag:s0], $0x1900  }
0x250: {  	[sflag:s0] =	ssyncset.done $0x0  }
0x251: {  	[sflag:s0] =	ssyncadd.s32 $0xFFFFE700  }
0x252: {  	_ =	swait.ge [sflag:s0], $0x1900  }
0x253: {  	[sflag:s0] =	ssyncset.done $0x0  }
0x254: {  	s14 =	simm.s32 $0x8;
	[sflag:s0] =	ssyncadd.s32 $0xFFFFE700  }
0x255: {  	_ =	swait.ge [sflag:s14], $0x1900  }
0x256: {  	[sflag:s14] =	ssyncset.done $0x0  }
0x257: {  	[sflag:s14] =	ssyncadd.s32 $0xFFFFE700  }
0x258: {  	_ =	swait.ge [sflag:s14], $0x1900  }
0x259: {  	[sflag:s14] =	ssyncset.done $0x0  }
0x25a: {  	[sflag:s14] =	ssyncadd.s32 $0xFFFFE700  }
0x25b: {  	_ =	swait.ge [sflag:s14], $0x1900  }
0x25c: {  	[sflag:s14] =	ssyncset.done $0x0  }
0x25d: {  	[sflag:s14] =	ssyncadd.s32 $0xFFFFE700  }
0x25e: {  	_ =	swait.ge [sflag:s14], $0x1900  }
0x25f: {  	[sflag:s14] =	ssyncset.done $0x0  }
0x260: {  	[sflag:s14] =	ssyncadd.s32 $0xFFFFE700  }
0x261: {  	_ =	swait.ge [sflag:s14], $0x1900  }
0x262: {  	[sflag:s14] =	ssyncset.done $0x0  }
0x263: {  	[sflag:s14] =	ssyncadd.s32 $0xFFFFE700  }
0x264: {  	s15 =	simm.s32 $0x12D40;
	s1 =	simm.s32 $0x280;
	s10 =	rddreg [dreg:$0x5]  }
0x265: {  	[spmem:s10] =	stream.indirect.scatter.add.f32 [tilespmem:s22], [sflag:$0x9], $0x10, s15, s1, $0xb8;
	[tilespmem:$0x1FA40] =	vst v63  }
0x266: {  	s15 =	simm.s32 $0x9  }
0x267: {  	_ =	swait.ge [sflag:s15], $0x2800  }
0x268: {  	[sflag:s15] =	ssyncset.done $0x0  }
0x269: {  	[sflag:s15] =	ssyncadd.s32 $0xFFFFD800  }
0x26a: {  	s18 =	stileid.u32;
	[bflag:$0x0] =	sbarrier.arrive $0xFFFF  }
0x26b: {  	s10 =	sshll.u32 s18, $0x6;
	s11 =	rddreg [dreg:$0x14]  }
0x26c: {  	s10 =	sor.u32 $0x1C09, s10;
	s12 =	rddreg [dreg:$0x17]  }
0x26d: {  	[hbm:s11], [sflag:s10] =	dma.local [spmem:s12], $0x1900  }
0x26e: {  	_ =	swait.ge [sflag:s15], $0x1900  }
0x26f: {  	[sflag:s15] =	ssyncset.done $0x0;
	s12 =	rddreg [dreg:$0xa]  }
0x270: {  	s14 =	rddreg [dreg:$0x15];
	[sflag:s15] =	ssyncadd.s32 $0xFFFFE700;
	s19 =	sshrl.u32 s12, $0x3  }
0x271: {  	[hbm:s14], [sflag:s10] =	dma.local [spmem:s19], $0x50  }
0x272: {  	_ =	swait.ge [sflag:s15], $0x50  }
0x273: {  	s23 =	rddreg [dreg:$0x18]  }
0x274: {  	s28 =	rddreg [dreg:$0x16];
	s0 =	sadd.s32 $0x1, s23  }
0x275: {  	p0 =	sne.s32 s0, s28  }
.Ltmp4:
0x276: {  	_ = 	snop;
	(pc) =	sbr.rel @p0 .LBB2_1-.Ltmp4, $4  }
0x277: {  	_ = 	snop  }
0x278: {  	s5 =	simm.s32 $0x190;
	s6 =	simm.s32 $0x1E0  }
0x279: {  	s18 =	simm.s32 $0x140;
	s14 =	simm.s32 $0xF0;
	[sflag:s15] =	ssyncset.done $0x0  }
0x27a: {  	s19 =	simm.s32 $0x230;
	[sflag:s15] =	ssyncadd.s32 $0xFFFFFFB0;
	s23 =	simm.s32 $0x280  }
0x27b: {  	_ =	sfence.sel $0x180000  }
0x27c: {  	[bflag:$0x0] =	sbarrier.arrive $0xFFFF  }
0x27d: {  	_ =	strace $0x90000047  }
0x27e: {  	s0 =	stileid.u32;
	[bflag:$0x2] =	sbarrier.arrive $0xFFFF  }
0x27f: {  	p0 =	sne.s32 s0, $0x0;
	s0 =	rddreg [dreg:$0x6]  }
0x280: {  	s0 =	sadd.s32 @!p0 $0x100000, s0  }
0x281: {  	[sflag:s0] =	ssyncadd.tile.s32 @!p0 $0x1;
	_ =	shalt  }
.Lfunc_end2:
_tile_overlayer_lowered:
.L_overlay_start_2:
0x282: {  	(tag) =	ssettag $0x2  }
0x283: {  	s0 =	rddreg [dreg:$0x0];
	s2 =	stileid.u32  }
0x284: {  	s1 =	rddreg [dreg:$0x1];
	p0 =	sne.s32 s2, $0x0  }
0x285: {  	s3 =	rddreg [dreg:$0x2];
	[bflag:$0x3] =	sbarrier.arrive $0xFFFF;
	s2 =	simm.s32 @!p0 $0x1C09  }
0x286: {  	[timem:s3], [sflag:s2] =	dma.local @!p0 [hbm:s0], s1  }
0x287: {  	s0 =	simm.s32 @!p0 $0x9  }
0x288: {  	_ =	swait.ge @!p0 [sflag:s0], s1  }
0x289: {  	s1 =	ssub.s32 @!p0 $0x0, s1;
	[sflag:s0] =	ssyncset.done @!p0 $0x0  }
0x28a: {  	[sflag:s0] =	ssyncadd.s32 @!p0 s1  }
0x28b: {  	[bflag:$0x3] =	sbarrier.arrive $0xFFFF  }
0x28c: {  	_ =	shalt  }

</sc_bundles>
